<compile_context>
chip_gen: v7x
topology: tpu7x:2x2x1
jax: 0.10.2.dev20260603
libtpu: 0.0.44.dev20260713+nightly
codegen_flags: <defaults>
</compile_context>

<pallas_src>
import jax
import jax.numpy as jnp
from jax import lax
from jax.experimental import pallas as pl
from jax.experimental.pallas import tpu as pltpu, tpu_sc as plsc

_INFO = plsc.get_sparse_core_info()
_NC, _NS = _INFO.num_cores, _INFO.num_subcores
_NW = _NC * _NS

_B, _L, _V, _D, _O = 16384, 200, 10, 8, 4
_LT, _BT = _L // 8, _B // 128
_BT_PER_W = _BT // _NW
_LT_CHUNK = 5
_NCHUNK = _LT // _LT_CHUNK
_STEPS = _BT_PER_W * _NCHUNK
_ROWS = _LT_CHUNK * 8
_PARAMS = 176


def _sc_body(q_hbm, params_hbm, p_hbm,
             params_v, t2_v, idx_a, idx_b, out_a, out_b,
             in_sem_a, in_sem_b, out_sem_a, out_sem_b):
    wid = lax.axis_index("s") * _NC + lax.axis_index("c")
    bt0 = wid * _BT_PER_W
    pltpu.sync_copy(params_hbm, params_v)

    iota = lax.iota(jnp.int32, 16)
    oi = [o * 16 + iota for o in range(_O)]

    ecols = [params_v[pl.ds(d * 16, 16)] for d in range(_D)]
    w_lo = params_v[pl.ds(128, 16)]
    w_hi = params_v[pl.ds(144, 16)]
    bvec = params_v[pl.ds(160, 16)]
    for o in range(_O):
        wrow = w_lo if o < 2 else w_hi
        c_o = jnp.zeros((16,), jnp.float32) + bvec[o]
        for d in range(_D):
            c_o = c_o + ecols[d] * wrow[(o % 2) * _D + d]
        for i in range(_V):
            t2_v[pl.ds(i * 64 + o * 16, 16)] = jnp.zeros((16,), jnp.float32) + c_o[i]

    def compute(idx_v, out_v):
        @plsc.parallel_loop(0, _ROWS, unroll=2)
        def row(r):
            for g in range(8):
                idx16 = idx_v[r, pl.ds(g * 16, 16)]
                gg = idx16 * 64
                for o in range(_O):
                    out_v[r, o, pl.ds(g * 16, 16)] = \
                        plsc.load_gather(t2_v, [gg + oi[o]])

    bufs = ((idx_a, out_a, in_sem_a, out_sem_a),
            (idx_b, out_b, in_sem_b, out_sem_b))

    def in_copies(step, bu):
        bt = bt0 + step // _NCHUNK
        lt0 = (step % _NCHUNK) * _LT_CHUNK
        return [
            pltpu.make_async_copy(
                q_hbm.at[lt0 + i, bt], bu[0].at[pl.ds(i * 8, 8)], bu[2])
            for i in range(_LT_CHUNK)
        ]

    def out_copy(step, bu):
        bt = bt0 + step // _NCHUNK
        l0 = (step % _NCHUNK) * _ROWS
        return pltpu.make_async_copy(
            bu[1], p_hbm.at[pl.ds(l0, _ROWS), bt], bu[3])

    for cp in in_copies(0, bufs[0]):
        cp.start()
    for cp in in_copies(1, bufs[1]):
        cp.start()

    @pl.loop(0, _STEPS, step=2)
    def chunk_pair(s):
        for b in range(2):
            bu = bufs[b]
            step = s + b
            for cp in in_copies(step, bu):
                cp.wait()

            @pl.when(step >= 2)
            def _():
                out_copy(step - 2, bu).wait()

            compute(bu[0], bu[1])
            out_copy(step, bu).start()

            @pl.when(step + 2 < _STEPS)
            def _():
                for cp in in_copies(step + 2, bu):
                    cp.start()

    out_copy(_STEPS - 2, bufs[0]).wait()
    out_copy(_STEPS - 1, bufs[1]).wait()


@jax.jit
def _sc_lookup(q, params):
    mesh = plsc.VectorSubcoreMesh(core_axis_name="c", subcore_axis_name="s")
    return pl.kernel(
        _sc_body,
        out_type=jax.ShapeDtypeStruct((_L, _BT, _O, 128), jnp.float32),
        mesh=mesh,
        scratch_types=[
            pltpu.VMEM((_PARAMS,), jnp.float32),
            pltpu.VMEM((_V * 64,), jnp.float32),
            pltpu.VMEM((_ROWS, 128), jnp.int32),
            pltpu.VMEM((_ROWS, 128), jnp.int32),
            pltpu.VMEM((_ROWS, _O, 128), jnp.float32),
            pltpu.VMEM((_ROWS, _O, 128), jnp.float32),
            pltpu.SemaphoreType.DMA,
            pltpu.SemaphoreType.DMA,
            pltpu.SemaphoreType.DMA,
            pltpu.SemaphoreType.DMA,
        ],
        compiler_params=pltpu.CompilerParams(needs_layout_passes=False),
    )(q, params)


def kernel(tensor, embedding_weight, fc_weight, fc_bias):
    q = (
        tensor.astype(jnp.int32)
        .reshape(_BT, 128, _LT, 8)
        .transpose(2, 0, 3, 1)
    )
    embT = jnp.zeros((_D, 16), jnp.float32).at[:, :_V].set(
        embedding_weight.astype(jnp.float32).T
    )
    params = jnp.concatenate(
        [
            embT.reshape(-1),
            fc_weight.astype(jnp.float32).reshape(-1),
            fc_bias.astype(jnp.float32),
            jnp.zeros((12,), jnp.float32),
        ]
    )
    p = _sc_lookup(q, params)
    return p.transpose(1, 3, 0, 2).reshape(_B, _L, _O)

# --- scband reference (transcript-rebuilt; emitter-appended) ---
"""Pipeline reference for scband-my-module-38053410243093 (READ-ONLY COPY).

The authoritative reference and input builder live on the scoring server;
editing this copy changes nothing except your own understanding.
"""

import jax, jax.numpy as jnp
import numpy as np


def setup_inputs(seed: int = 0) -> dict:
    key = jax.random.key(seed)
    k1, k2, k3, k4 = jax.random.split(key, 4)
    tensor = jax.random.randint(k1, (16384, 200), 0, 10)
    embedding_weight = jax.random.normal(k2, (10, 8), dtype=jnp.float32)
    fc_weight = jax.random.normal(k3, (4, 8), dtype=jnp.float32) * (1.0 / np.sqrt(8.0))
    fc_bias = jax.random.uniform(k4, (4,), dtype=jnp.float32, minval=-1.0 / np.sqrt(8.0), maxval=1.0 / np.sqrt(8.0))
    return {"tensor": tensor, "embedding_weight": embedding_weight, "fc_weight": fc_weight, "fc_bias": fc_bias}


def reference(tensor, embedding_weight, fc_weight, fc_bias):
    # nn.Embedding lookup (frozen table)
    x = jnp.take(embedding_weight, tensor, axis=0)  # [B, L, 8]
    # nn.Linear(8, 4): x @ W.T + b
    out = jnp.einsum('bld,od->blo', x, fc_weight) + fc_bias
    return out

if __name__ == "__main__":
    import jax
    _d = setup_inputs()
    print(jax.jit(kernel)(*tuple(_d.values())))

</pallas_src>

<mosaic_0001>
#map = affine_map<(d0, d1) -> (0, 0, 0, 0)>
#map1 = affine_map<(d0, d1) -> (0)>
module attributes {stable_mosaic.version = 14 : i64} {
  func.func @_sc_body(%arg0: i32, %arg1: i32, %arg2: memref<25x128x8x128xi32, #tpu.memory_space<hbm>>, %arg3: memref<176xf32, #tpu.memory_space<hbm>>, %arg4: memref<200x128x4x128xf32, #tpu.memory_space<hbm>>, %arg5: memref<176xf32, #tpu.memory_space<vmem>>, %arg6: memref<640xf32, #tpu.memory_space<vmem>>, %arg7: memref<40x128xi32, #tpu.memory_space<vmem>>, %arg8: memref<40x128xi32, #tpu.memory_space<vmem>>, %arg9: memref<40x4x128xf32, #tpu.memory_space<vmem>>, %arg10: memref<40x4x128xf32, #tpu.memory_space<vmem>>, %arg11: memref<!tpu.dma_semaphore, #tpu.memory_space<semaphore_mem>>, %arg12: memref<!tpu.dma_semaphore, #tpu.memory_space<semaphore_mem>>, %arg13: memref<!tpu.dma_semaphore, #tpu.memory_space<semaphore_mem>>, %arg14: memref<!tpu.dma_semaphore, #tpu.memory_space<semaphore_mem>>) attributes {dimension_semantics = [#tpu.dimension_semantics<core_parallel>, #tpu.dimension_semantics<subcore_parallel>], iteration_bounds = array<i64: 2, 16>, scalar_prefetch = 0 : i64, scratch_operands = 10 : i64, tpu.core_type = #tpu.core_type<sc_vector_subcore>, window_params = [{transform_indices = #map}, {transform_indices = #map1}, {transform_indices = #map}]} {
    %mul3A = arith.constant 2 : i32
    %mul3A_0 = arith.muli %arg1, %mul3A : i32
    %add3A = arith.addi %mul3A_0, %arg0 : i32
    %mul3A_1 = arith.constant 4 : i32
    %mul3A_2 = arith.muli %add3A, %mul3A_1 : i32
    "tpu.region"() ({
      %run_scoped3A = tpu.sem_alloc : memref<!tpu.dma_semaphore, #tpu.memory_space<semaphore_mem>>
      tpu.enqueue_dma source(%arg3 : memref<176xf32, #tpu.memory_space<hbm>>) target(%arg5 : memref<176xf32, #tpu.memory_space<vmem>>) target_semaphore(%run_scoped3A : memref<!tpu.dma_semaphore, #tpu.memory_space<semaphore_mem>>)
      tpu.wait_dma2 semaphore(%run_scoped3A : memref<!tpu.dma_semaphore, #tpu.memory_space<semaphore_mem>>) src(%arg3 : memref<176xf32, #tpu.memory_space<hbm>>) dst(%arg5 : memref<176xf32, #tpu.memory_space<vmem>>)
      tpu.yield
    }) : () -> ()
    %iota3A = tpu.iota {dimensions = array<i32: 0>} : vector<16xi32>
    %add3A_3 = arith.constant 0 : i32
    %add3A_4 = vector.broadcast %add3A_3 : i32 to vector<16xi32>
    %add3A_5 = arith.addi %add3A_4, %iota3A : vector<16xi32>
    %add3A_6 = arith.constant 16 : i32
    %add3A_7 = vector.broadcast %add3A_6 : i32 to vector<16xi32>
    %add3A_8 = arith.addi %add3A_7, %iota3A : vector<16xi32>
    %add3A_9 = arith.constant 32 : i32
    %add3A_10 = vector.broadcast %add3A_9 : i32 to vector<16xi32>
    %add3A_11 = arith.addi %add3A_10, %iota3A : vector<16xi32>
    %add3A_12 = arith.constant 48 : i32
    %add3A_13 = vector.broadcast %add3A_12 : i32 to vector<16xi32>
    %add3A_14 = arith.addi %add3A_13, %iota3A : vector<16xi32>
    %get3A = arith.constant 0 : index
    %get3A_15 = tpu.vector_load %arg5[%get3A] {strides = array<i32>} : memref<176xf32, #tpu.memory_space<vmem>>, vector<16xf32>,
    %get3A_16 = arith.constant 16 : index
    %get3A_17 = tpu.vector_load %arg5[%get3A_16] {strides = array<i32>} : memref<176xf32, #tpu.memory_space<vmem>>, vector<16xf32>,
    %get3A_18 = arith.constant 32 : index
    %get3A_19 = tpu.vector_load %arg5[%get3A_18] {strides = array<i32>} : memref<176xf32, #tpu.memory_space<vmem>>, vector<16xf32>,
    %get3A_20 = arith.constant 48 : index
    %get3A_21 = tpu.vector_load %arg5[%get3A_20] {strides = array<i32>} : memref<176xf32, #tpu.memory_space<vmem>>, vector<16xf32>,
    %get3A_22 = arith.constant 64 : index
    %get3A_23 = tpu.vector_load %arg5[%get3A_22] {strides = array<i32>} : memref<176xf32, #tpu.memory_space<vmem>>, vector<16xf32>,
    %get3A_24 = arith.constant 80 : index
    %get3A_25 = tpu.vector_load %arg5[%get3A_24] {strides = array<i32>} : memref<176xf32, #tpu.memory_space<vmem>>, vector<16xf32>,
    %get3A_26 = arith.constant 96 : index
    %get3A_27 = tpu.vector_load %arg5[%get3A_26] {strides = array<i32>} : memref<176xf32, #tpu.memory_space<vmem>>, vector<16xf32>,
    %get3A_28 = arith.constant 112 : index
    %get3A_29 = tpu.vector_load %arg5[%get3A_28] {strides = array<i32>} : memref<176xf32, #tpu.memory_space<vmem>>, vector<16xf32>,
    %get3A_30 = arith.constant 128 : index
    %get3A_31 = tpu.vector_load %arg5[%get3A_30] {strides = array<i32>} : memref<176xf32, #tpu.memory_space<vmem>>, vector<16xf32>,
    %get3A_32 = arith.constant 144 : index
    %get3A_33 = tpu.vector_load %arg5[%get3A_32] {strides = array<i32>} : memref<176xf32, #tpu.memory_space<vmem>>, vector<16xf32>,
    %get3A_34 = arith.constant 160 : index
    %get3A_35 = tpu.vector_load %arg5[%get3A_34] {strides = array<i32>} : memref<176xf32, #tpu.memory_space<vmem>>, vector<16xf32>,
    %broadcast_in_dim3A = arith.constant 0.000000e+00 : f32
    %broadcast_in_dim3A_36 = vector.broadcast %broadcast_in_dim3A : f32 to vector<16xf32>
    %slice3A = vector.extract_strided_slice %get3A_35 {offsets = [0], sizes = [1], strides = [1]} : vector<16xf32> to vector<1xf32>
    %squeeze3A = vector.extract %slice3A[0] : f32 from vector<1xf32>
    %add3A_37 = vector.broadcast %squeeze3A : f32 to vector<16xf32>
    %add3A_38 = arith.addf %broadcast_in_dim3A_36, %add3A_37 : vector<16xf32>
    %slice3A_39 = vector.extract_strided_slice %get3A_31 {offsets = [0], sizes = [1], strides = [1]} : vector<16xf32> to vector<1xf32>
    %squeeze3A_40 = vector.extract %slice3A_39[0] : f32 from vector<1xf32>
    %mul3A_41 = vector.broadcast %squeeze3A_40 : f32 to vector<16xf32>
    %mul3A_42 = arith.mulf %get3A_15, %mul3A_41 : vector<16xf32>
    %add3A_43 = arith.addf %add3A_38, %mul3A_42 : vector<16xf32>
    %slice3A_44 = vector.extract_strided_slice %get3A_31 {offsets = [1], sizes = [1], strides = [1]} : vector<16xf32> to vector<1xf32>
    %squeeze3A_45 = vector.extract %slice3A_44[0] : f32 from vector<1xf32>
    %mul3A_46 = vector.broadcast %squeeze3A_45 : f32 to vector<16xf32>
    %mul3A_47 = arith.mulf %get3A_17, %mul3A_46 : vector<16xf32>
    %add3A_48 = arith.addf %add3A_43, %mul3A_47 : vector<16xf32>
    %slice3A_49 = vector.extract_strided_slice %get3A_31 {offsets = [2], sizes = [1], strides = [1]} : vector<16xf32> to vector<1xf32>
    %squeeze3A_50 = vector.extract %slice3A_49[0] : f32 from vector<1xf32>
    %mul3A_51 = vector.broadcast %squeeze3A_50 : f32 to vector<16xf32>
    %mul3A_52 = arith.mulf %get3A_19, %mul3A_51 : vector<16xf32>
    %add3A_53 = arith.addf %add3A_48, %mul3A_52 : vector<16xf32>
    %slice3A_54 = vector.extract_strided_slice %get3A_31 {offsets = [3], sizes = [1], strides = [1]} : vector<16xf32> to vector<1xf32>
    %squeeze3A_55 = vector.extract %slice3A_54[0] : f32 from vector<1xf32>
    %mul3A_56 = vector.broadcast %squeeze3A_55 : f32 to vector<16xf32>
    %mul3A_57 = arith.mulf %get3A_21, %mul3A_56 : vector<16xf32>
    %add3A_58 = arith.addf %add3A_53, %mul3A_57 : vector<16xf32>
    %slice3A_59 = vector.extract_strided_slice %get3A_31 {offsets = [4], sizes = [1], strides = [1]} : vector<16xf32> to vector<1xf32>
    %squeeze3A_60 = vector.extract %slice3A_59[0] : f32 from vector<1xf32>
    %mul3A_61 = vector.broadcast %squeeze3A_60 : f32 to vector<16xf32>
    %mul3A_62 = arith.mulf %get3A_23, %mul3A_61 : vector<16xf32>
    %add3A_63 = arith.addf %add3A_58, %mul3A_62 : vector<16xf32>
    %slice3A_64 = vector.extract_strided_slice %get3A_31 {offsets = [5], sizes = [1], strides = [1]} : vector<16xf32> to vector<1xf32>
    %squeeze3A_65 = vector.extract %slice3A_64[0] : f32 from vector<1xf32>
    %mul3A_66 = vector.broadcast %squeeze3A_65 : f32 to vector<16xf32>
    %mul3A_67 = arith.mulf %get3A_25, %mul3A_66 : vector<16xf32>
    %add3A_68 = arith.addf %add3A_63, %mul3A_67 : vector<16xf32>
    %slice3A_69 = vector.extract_strided_slice %get3A_31 {offsets = [6], sizes = [1], strides = [1]} : vector<16xf32> to vector<1xf32>
    %squeeze3A_70 = vector.extract %slice3A_69[0] : f32 from vector<1xf32>
    %mul3A_71 = vector.broadcast %squeeze3A_70 : f32 to vector<16xf32>
    %mul3A_72 = arith.mulf %get3A_27, %mul3A_71 : vector<16xf32>
    %add3A_73 = arith.addf %add3A_68, %mul3A_72 : vector<16xf32>
    %slice3A_74 = vector.extract_strided_slice %get3A_31 {offsets = [7], sizes = [1], strides = [1]} : vector<16xf32> to vector<1xf32>
    %squeeze3A_75 = vector.extract %slice3A_74[0] : f32 from vector<1xf32>
    %mul3A_76 = vector.broadcast %squeeze3A_75 : f32 to vector<16xf32>
    %mul3A_77 = arith.mulf %get3A_29, %mul3A_76 : vector<16xf32>
    %add3A_78 = arith.addf %add3A_73, %mul3A_77 : vector<16xf32>
    %broadcast_in_dim3A_79 = arith.constant 0.000000e+00 : f32
    %broadcast_in_dim3A_80 = vector.broadcast %broadcast_in_dim3A_79 : f32 to vector<16xf32>
    %slice3A_81 = vector.extract_strided_slice %add3A_78 {offsets = [0], sizes = [1], strides = [1]} : vector<16xf32> to vector<1xf32>
    %squeeze3A_82 = vector.extract %slice3A_81[0] : f32 from vector<1xf32>
    %add3A_83 = vector.broadcast %squeeze3A_82 : f32 to vector<16xf32>
    %add3A_84 = arith.addf %broadcast_in_dim3A_80, %add3A_83 : vector<16xf32>
    %swap3A = arith.constant 0 : index
    %swap3A_85 = tpu.vector_load %arg6[%swap3A] {strides = array<i32>} : memref<640xf32, #tpu.memory_space<vmem>>, vector<16xf32>,
    tpu.vector_store %arg6[%swap3A], %add3A_84 {strides = array<i32>} : memref<640xf32, #tpu.memory_space<vmem>>, vector<16xf32>,
    %broadcast_in_dim3A_86 = arith.constant 0.000000e+00 : f32
    %broadcast_in_dim3A_87 = vector.broadcast %broadcast_in_dim3A_86 : f32 to vector<16xf32>
    %slice3A_88 = vector.extract_strided_slice %add3A_78 {offsets = [1], sizes = [1], strides = [1]} : vector<16xf32> to vector<1xf32>
    %squeeze3A_89 = vector.extract %slice3A_88[0] : f32 from vector<1xf32>
    %add3A_90 = vector.broadcast %squeeze3A_89 : f32 to vector<16xf32>
    %add3A_91 = arith.addf %broadcast_in_dim3A_87, %add3A_90 : vector<16xf32>
    %swap3A_92 = arith.constant 64 : index
    %swap3A_93 = tpu.vector_load %arg6[%swap3A_92] {strides = array<i32>} : memref<640xf32, #tpu.memory_space<vmem>>, vector<16xf32>,
    tpu.vector_store %arg6[%swap3A_92], %add3A_91 {strides = array<i32>} : memref<640xf32, #tpu.memory_space<vmem>>, vector<16xf32>,
    %broadcast_in_dim3A_94 = arith.constant 0.000000e+00 : f32
    %broadcast_in_dim3A_95 = vector.broadcast %broadcast_in_dim3A_94 : f32 to vector<16xf32>
    %slice3A_96 = vector.extract_strided_slice %add3A_78 {offsets = [2], sizes = [1], strides = [1]} : vector<16xf32> to vector<1xf32>
    %squeeze3A_97 = vector.extract %slice3A_96[0] : f32 from vector<1xf32>
    %add3A_98 = vector.broadcast %squeeze3A_97 : f32 to vector<16xf32>
    %add3A_99 = arith.addf %broadcast_in_dim3A_95, %add3A_98 : vector<16xf32>
    %swap3A_100 = arith.constant 128 : index
    %swap3A_101 = tpu.vector_load %arg6[%swap3A_100] {strides = array<i32>} : memref<640xf32, #tpu.memory_space<vmem>>, vector<16xf32>,
    tpu.vector_store %arg6[%swap3A_100], %add3A_99 {strides = array<i32>} : memref<640xf32, #tpu.memory_space<vmem>>, vector<16xf32>,
    %broadcast_in_dim3A_102 = arith.constant 0.000000e+00 : f32
    %broadcast_in_dim3A_103 = vector.broadcast %broadcast_in_dim3A_102 : f32 to vector<16xf32>
    %slice3A_104 = vector.extract_strided_slice %add3A_78 {offsets = [3], sizes = [1], strides = [1]} : vector<16xf32> to vector<1xf32>
    %squeeze3A_105 = vector.extract %slice3A_104[0] : f32 from vector<1xf32>
    %add3A_106 = vector.broadcast %squeeze3A_105 : f32 to vector<16xf32>
    %add3A_107 = arith.addf %broadcast_in_dim3A_103, %add3A_106 : vector<16xf32>
    %swap3A_108 = arith.constant 192 : index
    %swap3A_109 = tpu.vector_load %arg6[%swap3A_108] {strides = array<i32>} : memref<640xf32, #tpu.memory_space<vmem>>, vector<16xf32>,
    tpu.vector_store %arg6[%swap3A_108], %add3A_107 {strides = array<i32>} : memref<640xf32, #tpu.memory_space<vmem>>, vector<16xf32>,
    %broadcast_in_dim3A_110 = arith.constant 0.000000e+00 : f32
    %broadcast_in_dim3A_111 = vector.broadcast %broadcast_in_dim3A_110 : f32 to vector<16xf32>
    %slice3A_112 = vector.extract_strided_slice %add3A_78 {offsets = [4], sizes = [1], strides = [1]} : vector<16xf32> to vector<1xf32>
    %squeeze3A_113 = vector.extract %slice3A_112[0] : f32 from vector<1xf32>
    %add3A_114 = vector.broadcast %squeeze3A_113 : f32 to vector<16xf32>
    %add3A_115 = arith.addf %broadcast_in_dim3A_111, %add3A_114 : vector<16xf32>
    %swap3A_116 = arith.constant 256 : index
    %swap3A_117 = tpu.vector_load %arg6[%swap3A_116] {strides = array<i32>} : memref<640xf32, #tpu.memory_space<vmem>>, vector<16xf32>,
    tpu.vector_store %arg6[%swap3A_116], %add3A_115 {strides = array<i32>} : memref<640xf32, #tpu.memory_space<vmem>>, vector<16xf32>,
    %broadcast_in_dim3A_118 = arith.constant 0.000000e+00 : f32
    %broadcast_in_dim3A_119 = vector.broadcast %broadcast_in_dim3A_118 : f32 to vector<16xf32>
    %slice3A_120 = vector.extract_strided_slice %add3A_78 {offsets = [5], sizes = [1], strides = [1]} : vector<16xf32> to vector<1xf32>
    %squeeze3A_121 = vector.extract %slice3A_120[0] : f32 from vector<1xf32>
    %add3A_122 = vector.broadcast %squeeze3A_121 : f32 to vector<16xf32>
    %add3A_123 = arith.addf %broadcast_in_dim3A_119, %add3A_122 : vector<16xf32>
    %swap3A_124 = arith.constant 320 : index
    %swap3A_125 = tpu.vector_load %arg6[%swap3A_124] {strides = array<i32>} : memref<640xf32, #tpu.memory_space<vmem>>, vector<16xf32>,
    tpu.vector_store %arg6[%swap3A_124], %add3A_123 {strides = array<i32>} : memref<640xf32, #tpu.memory_space<vmem>>, vector<16xf32>,
    %broadcast_in_dim3A_126 = arith.constant 0.000000e+00 : f32
    %broadcast_in_dim3A_127 = vector.broadcast %broadcast_in_dim3A_126 : f32 to vector<16xf32>
    %slice3A_128 = vector.extract_strided_slice %add3A_78 {offsets = [6], sizes = [1], strides = [1]} : vector<16xf32> to vector<1xf32>
    %squeeze3A_129 = vector.extract %slice3A_128[0] : f32 from vector<1xf32>
    %add3A_130 = vector.broadcast %squeeze3A_129 : f32 to vector<16xf32>
    %add3A_131 = arith.addf %broadcast_in_dim3A_127, %add3A_130 : vector<16xf32>
    %swap3A_132 = arith.constant 384 : index
    %swap3A_133 = tpu.vector_load %arg6[%swap3A_132] {strides = array<i32>} : memref<640xf32, #tpu.memory_space<vmem>>, vector<16xf32>,
    tpu.vector_store %arg6[%swap3A_132], %add3A_131 {strides = array<i32>} : memref<640xf32, #tpu.memory_space<vmem>>, vector<16xf32>,
    %broadcast_in_dim3A_134 = arith.constant 0.000000e+00 : f32
    %broadcast_in_dim3A_135 = vector.broadcast %broadcast_in_dim3A_134 : f32 to vector<16xf32>
    %slice3A_136 = vector.extract_strided_slice %add3A_78 {offsets = [7], sizes = [1], strides = [1]} : vector<16xf32> to vector<1xf32>
    %squeeze3A_137 = vector.extract %slice3A_136[0] : f32 from vector<1xf32>
    %add3A_138 = vector.broadcast %squeeze3A_137 : f32 to vector<16xf32>
    %add3A_139 = arith.addf %broadcast_in_dim3A_135, %add3A_138 : vector<16xf32>
    %swap3A_140 = arith.constant 448 : index
    %swap3A_141 = tpu.vector_load %arg6[%swap3A_140] {strides = array<i32>} : memref<640xf32, #tpu.memory_space<vmem>>, vector<16xf32>,
    tpu.vector_store %arg6[%swap3A_140], %add3A_139 {strides = array<i32>} : memref<640xf32, #tpu.memory_space<vmem>>, vector<16xf32>,
    %broadcast_in_dim3A_142 = arith.constant 0.000000e+00 : f32
    %broadcast_in_dim3A_143 = vector.broadcast %broadcast_in_dim3A_142 : f32 to vector<16xf32>
    %slice3A_144 = vector.extract_strided_slice %add3A_78 {offsets = [8], sizes = [1], strides = [1]} : vector<16xf32> to vector<1xf32>
    %squeeze3A_145 = vector.extract %slice3A_144[0] : f32 from vector<1xf32>
    %add3A_146 = vector.broadcast %squeeze3A_145 : f32 to vector<16xf32>
    %add3A_147 = arith.addf %broadcast_in_dim3A_143, %add3A_146 : vector<16xf32>
    %swap3A_148 = arith.constant 512 : index
    %swap3A_149 = tpu.vector_load %arg6[%swap3A_148] {strides = array<i32>} : memref<640xf32, #tpu.memory_space<vmem>>, vector<16xf32>,
    tpu.vector_store %arg6[%swap3A_148], %add3A_147 {strides = array<i32>} : memref<640xf32, #tpu.memory_space<vmem>>, vector<16xf32>,
    %broadcast_in_dim3A_150 = arith.constant 0.000000e+00 : f32
    %broadcast_in_dim3A_151 = vector.broadcast %broadcast_in_dim3A_150 : f32 to vector<16xf32>
    %slice3A_152 = vector.extract_strided_slice %add3A_78 {offsets = [9], sizes = [1], strides = [1]} : vector<16xf32> to vector<1xf32>
    %squeeze3A_153 = vector.extract %slice3A_152[0] : f32 from vector<1xf32>
    %add3A_154 = vector.broadcast %squeeze3A_153 : f32 to vector<16xf32>
    %add3A_155 = arith.addf %broadcast_in_dim3A_151, %add3A_154 : vector<16xf32>
    %swap3A_156 = arith.constant 576 : index
    %swap3A_157 = tpu.vector_load %arg6[%swap3A_156] {strides = array<i32>} : memref<640xf32, #tpu.memory_space<vmem>>, vector<16xf32>,
    tpu.vector_store %arg6[%swap3A_156], %add3A_155 {strides = array<i32>} : memref<640xf32, #tpu.memory_space<vmem>>, vector<16xf32>,
    %broadcast_in_dim3A_158 = arith.constant 0.000000e+00 : f32
    %broadcast_in_dim3A_159 = vector.broadcast %broadcast_in_dim3A_158 : f32 to vector<16xf32>
    %slice3A_160 = vector.extract_strided_slice %get3A_35 {offsets = [1], sizes = [1], strides = [1]} : vector<16xf32> to vector<1xf32>
    %squeeze3A_161 = vector.extract %slice3A_160[0] : f32 from vector<1xf32>
    %add3A_162 = vector.broadcast %squeeze3A_161 : f32 to vector<16xf32>
    %add3A_163 = arith.addf %broadcast_in_dim3A_159, %add3A_162 : vector<16xf32>
    %slice3A_164 = vector.extract_strided_slice %get3A_31 {offsets = [8], sizes = [1], strides = [1]} : vector<16xf32> to vector<1xf32>
    %squeeze3A_165 = vector.extract %slice3A_164[0] : f32 from vector<1xf32>
    %mul3A_166 = vector.broadcast %squeeze3A_165 : f32 to vector<16xf32>
    %mul3A_167 = arith.mulf %get3A_15, %mul3A_166 : vector<16xf32>
    %add3A_168 = arith.addf %add3A_163, %mul3A_167 : vector<16xf32>
    %slice3A_169 = vector.extract_strided_slice %get3A_31 {offsets = [9], sizes = [1], strides = [1]} : vector<16xf32> to vector<1xf32>
    %squeeze3A_170 = vector.extract %slice3A_169[0] : f32 from vector<1xf32>
    %mul3A_171 = vector.broadcast %squeeze3A_170 : f32 to vector<16xf32>
    %mul3A_172 = arith.mulf %get3A_17, %mul3A_171 : vector<16xf32>
    %add3A_173 = arith.addf %add3A_168, %mul3A_172 : vector<16xf32>
    %slice3A_174 = vector.extract_strided_slice %get3A_31 {offsets = [10], sizes = [1], strides = [1]} : vector<16xf32> to vector<1xf32>
    %squeeze3A_175 = vector.extract %slice3A_174[0] : f32 from vector<1xf32>
    %mul3A_176 = vector.broadcast %squeeze3A_175 : f32 to vector<16xf32>
    %mul3A_177 = arith.mulf %get3A_19, %mul3A_176 : vector<16xf32>
    %add3A_178 = arith.addf %add3A_173, %mul3A_177 : vector<16xf32>
    %slice3A_179 = vector.extract_strided_slice %get3A_31 {offsets = [11], sizes = [1], strides = [1]} : vector<16xf32> to vector<1xf32>
    %squeeze3A_180 = vector.extract %slice3A_179[0] : f32 from vector<1xf32>
    %mul3A_181 = vector.broadcast %squeeze3A_180 : f32 to vector<16xf32>
    %mul3A_182 = arith.mulf %get3A_21, %mul3A_181 : vector<16xf32>
    %add3A_183 = arith.addf %add3A_178, %mul3A_182 : vector<16xf32>
    %slice3A_184 = vector.extract_strided_slice %get3A_31 {offsets = [12], sizes = [1], strides = [1]} : vector<16xf32> to vector<1xf32>
    %squeeze3A_185 = vector.extract %slice3A_184[0] : f32 from vector<1xf32>
    %mul3A_186 = vector.broadcast %squeeze3A_185 : f32 to vector<16xf32>
    %mul3A_187 = arith.mulf %get3A_23, %mul3A_186 : vector<16xf32>
    %add3A_188 = arith.addf %add3A_183, %mul3A_187 : vector<16xf32>
    %slice3A_189 = vector.extract_strided_slice %get3A_31 {offsets = [13], sizes = [1], strides = [1]} : vector<16xf32> to vector<1xf32>
    %squeeze3A_190 = vector.extract %slice3A_189[0] : f32 from vector<1xf32>
    %mul3A_191 = vector.broadcast %squeeze3A_190 : f32 to vector<16xf32>
    %mul3A_192 = arith.mulf %get3A_25, %mul3A_191 : vector<16xf32>
    %add3A_193 = arith.addf %add3A_188, %mul3A_192 : vector<16xf32>
    %slice3A_194 = vector.extract_strided_slice %get3A_31 {offsets = [14], sizes = [1], strides = [1]} : vector<16xf32> to vector<1xf32>
    %squeeze3A_195 = vector.extract %slice3A_194[0] : f32 from vector<1xf32>
    %mul3A_196 = vector.broadcast %squeeze3A_195 : f32 to vector<16xf32>
    %mul3A_197 = arith.mulf %get3A_27, %mul3A_196 : vector<16xf32>
    %add3A_198 = arith.addf %add3A_193, %mul3A_197 : vector<16xf32>
    %slice3A_199 = vector.extract_strided_slice %get3A_31 {offsets = [15], sizes = [1], strides = [1]} : vector<16xf32> to vector<1xf32>
    %squeeze3A_200 = vector.extract %slice3A_199[0] : f32 from vector<1xf32>
    %mul3A_201 = vector.broadcast %squeeze3A_200 : f32 to vector<16xf32>
    %mul3A_202 = arith.mulf %get3A_29, %mul3A_201 : vector<16xf32>
    %add3A_203 = arith.addf %add3A_198, %mul3A_202 : vector<16xf32>
    %broadcast_in_dim3A_204 = arith.constant 0.000000e+00 : f32
    %broadcast_in_dim3A_205 = vector.broadcast %broadcast_in_dim3A_204 : f32 to vector<16xf32>
    %slice3A_206 = vector.extract_strided_slice %add3A_203 {offsets = [0], sizes = [1], strides = [1]} : vector<16xf32> to vector<1xf32>
    %squeeze3A_207 = vector.extract %slice3A_206[0] : f32 from vector<1xf32>
    %add3A_208 = vector.broadcast %squeeze3A_207 : f32 to vector<16xf32>
    %add3A_209 = arith.addf %broadcast_in_dim3A_205, %add3A_208 : vector<16xf32>
    %swap3A_210 = arith.constant 16 : index
    %swap3A_211 = tpu.vector_load %arg6[%swap3A_210] {strides = array<i32>} : memref<640xf32, #tpu.memory_space<vmem>>, vector<16xf32>,
    tpu.vector_store %arg6[%swap3A_210], %add3A_209 {strides = array<i32>} : memref<640xf32, #tpu.memory_space<vmem>>, vector<16xf32>,
    %broadcast_in_dim3A_212 = arith.constant 0.000000e+00 : f32
    %broadcast_in_dim3A_213 = vector.broadcast %broadcast_in_dim3A_212 : f32 to vector<16xf32>
    %slice3A_214 = vector.extract_strided_slice %add3A_203 {offsets = [1], sizes = [1], strides = [1]} : vector<16xf32> to vector<1xf32>
    %squeeze3A_215 = vector.extract %slice3A_214[0] : f32 from vector<1xf32>
    %add3A_216 = vector.broadcast %squeeze3A_215 : f32 to vector<16xf32>
    %add3A_217 = arith.addf %broadcast_in_dim3A_213, %add3A_216 : vector<16xf32>
    %swap3A_218 = arith.constant 80 : index
    %swap3A_219 = tpu.vector_load %arg6[%swap3A_218] {strides = array<i32>} : memref<640xf32, #tpu.memory_space<vmem>>, vector<16xf32>,
    tpu.vector_store %arg6[%swap3A_218], %add3A_217 {strides = array<i32>} : memref<640xf32, #tpu.memory_space<vmem>>, vector<16xf32>,
    %broadcast_in_dim3A_220 = arith.constant 0.000000e+00 : f32
    %broadcast_in_dim3A_221 = vector.broadcast %broadcast_in_dim3A_220 : f32 to vector<16xf32>
    %slice3A_222 = vector.extract_strided_slice %add3A_203 {offsets = [2], sizes = [1], strides = [1]} : vector<16xf32> to vector<1xf32>
    %squeeze3A_223 = vector.extract %slice3A_222[0] : f32 from vector<1xf32>
    %add3A_224 = vector.broadcast %squeeze3A_223 : f32 to vector<16xf32>
    %add3A_225 = arith.addf %broadcast_in_dim3A_221, %add3A_224 : vector<16xf32>
    %swap3A_226 = arith.constant 144 : index
    %swap3A_227 = tpu.vector_load %arg6[%swap3A_226] {strides = array<i32>} : memref<640xf32, #tpu.memory_space<vmem>>, vector<16xf32>,
    tpu.vector_store %arg6[%swap3A_226], %add3A_225 {strides = array<i32>} : memref<640xf32, #tpu.memory_space<vmem>>, vector<16xf32>,
    %broadcast_in_dim3A_228 = arith.constant 0.000000e+00 : f32
    %broadcast_in_dim3A_229 = vector.broadcast %broadcast_in_dim3A_228 : f32 to vector<16xf32>
    %slice3A_230 = vector.extract_strided_slice %add3A_203 {offsets = [3], sizes = [1], strides = [1]} : vector<16xf32> to vector<1xf32>
    %squeeze3A_231 = vector.extract %slice3A_230[0] : f32 from vector<1xf32>
    %add3A_232 = vector.broadcast %squeeze3A_231 : f32 to vector<16xf32>
    %add3A_233 = arith.addf %broadcast_in_dim3A_229, %add3A_232 : vector<16xf32>
    %swap3A_234 = arith.constant 208 : index
    %swap3A_235 = tpu.vector_load %arg6[%swap3A_234] {strides = array<i32>} : memref<640xf32, #tpu.memory_space<vmem>>, vector<16xf32>,
    tpu.vector_store %arg6[%swap3A_234], %add3A_233 {strides = array<i32>} : memref<640xf32, #tpu.memory_space<vmem>>, vector<16xf32>,
    %broadcast_in_dim3A_236 = arith.constant 0.000000e+00 : f32
    %broadcast_in_dim3A_237 = vector.broadcast %broadcast_in_dim3A_236 : f32 to vector<16xf32>
    %slice3A_238 = vector.extract_strided_slice %add3A_203 {offsets = [4], sizes = [1], strides = [1]} : vector<16xf32> to vector<1xf32>
    %squeeze3A_239 = vector.extract %slice3A_238[0] : f32 from vector<1xf32>
    %add3A_240 = vector.broadcast %squeeze3A_239 : f32 to vector<16xf32>
    %add3A_241 = arith.addf %broadcast_in_dim3A_237, %add3A_240 : vector<16xf32>
    %swap3A_242 = arith.constant 272 : index
    %swap3A_243 = tpu.vector_load %arg6[%swap3A_242] {strides = array<i32>} : memref<640xf32, #tpu.memory_space<vmem>>, vector<16xf32>,
    tpu.vector_store %arg6[%swap3A_242], %add3A_241 {strides = array<i32>} : memref<640xf32, #tpu.memory_space<vmem>>, vector<16xf32>,
    %broadcast_in_dim3A_244 = arith.constant 0.000000e+00 : f32
    %broadcast_in_dim3A_245 = vector.broadcast %broadcast_in_dim3A_244 : f32 to vector<16xf32>
    %slice3A_246 = vector.extract_strided_slice %add3A_203 {offsets = [5], sizes = [1], strides = [1]} : vector<16xf32> to vector<1xf32>
    %squeeze3A_247 = vector.extract %slice3A_246[0] : f32 from vector<1xf32>
    %add3A_248 = vector.broadcast %squeeze3A_247 : f32 to vector<16xf32>
    %add3A_249 = arith.addf %broadcast_in_dim3A_245, %add3A_248 : vector<16xf32>
    %swap3A_250 = arith.constant 336 : index
    %swap3A_251 = tpu.vector_load %arg6[%swap3A_250] {strides = array<i32>} : memref<640xf32, #tpu.memory_space<vmem>>, vector<16xf32>,
    tpu.vector_store %arg6[%swap3A_250], %add3A_249 {strides = array<i32>} : memref<640xf32, #tpu.memory_space<vmem>>, vector<16xf32>,
    %broadcast_in_dim3A_252 = arith.constant 0.000000e+00 : f32
    %broadcast_in_dim3A_253 = vector.broadcast %broadcast_in_dim3A_252 : f32 to vector<16xf32>
    %slice3A_254 = vector.extract_strided_slice %add3A_203 {offsets = [6], sizes = [1], strides = [1]} : vector<16xf32> to vector<1xf32>
    %squeeze3A_255 = vector.extract %slice3A_254[0] : f32 from vector<1xf32>
    %add3A_256 = vector.broadcast %squeeze3A_255 : f32 to vector<16xf32>
    %add3A_257 = arith.addf %broadcast_in_dim3A_253, %add3A_256 : vector<16xf32>
    %swap3A_258 = arith.constant 400 : index
    %swap3A_259 = tpu.vector_load %arg6[%swap3A_258] {strides = array<i32>} : memref<640xf32, #tpu.memory_space<vmem>>, vector<16xf32>,
    tpu.vector_store %arg6[%swap3A_258], %add3A_257 {strides = array<i32>} : memref<640xf32, #tpu.memory_space<vmem>>, vector<16xf32>,
    %broadcast_in_dim3A_260 = arith.constant 0.000000e+00 : f32
    %broadcast_in_dim3A_261 = vector.broadcast %broadcast_in_dim3A_260 : f32 to vector<16xf32>
    %slice3A_262 = vector.extract_strided_slice %add3A_203 {offsets = [7], sizes = [1], strides = [1]} : vector<16xf32> to vector<1xf32>
    %squeeze3A_263 = vector.extract %slice3A_262[0] : f32 from vector<1xf32>
    %add3A_264 = vector.broadcast %squeeze3A_263 : f32 to vector<16xf32>
    %add3A_265 = arith.addf %broadcast_in_dim3A_261, %add3A_264 : vector<16xf32>
    %swap3A_266 = arith.constant 464 : index
    %swap3A_267 = tpu.vector_load %arg6[%swap3A_266] {strides = array<i32>} : memref<640xf32, #tpu.memory_space<vmem>>, vector<16xf32>,
    tpu.vector_store %arg6[%swap3A_266], %add3A_265 {strides = array<i32>} : memref<640xf32, #tpu.memory_space<vmem>>, vector<16xf32>,
    %broadcast_in_dim3A_268 = arith.constant 0.000000e+00 : f32
    %broadcast_in_dim3A_269 = vector.broadcast %broadcast_in_dim3A_268 : f32 to vector<16xf32>
    %slice3A_270 = vector.extract_strided_slice %add3A_203 {offsets = [8], sizes = [1], strides = [1]} : vector<16xf32> to vector<1xf32>
    %squeeze3A_271 = vector.extract %slice3A_270[0] : f32 from vector<1xf32>
    %add3A_272 = vector.broadcast %squeeze3A_271 : f32 to vector<16xf32>
    %add3A_273 = arith.addf %broadcast_in_dim3A_269, %add3A_272 : vector<16xf32>
    %swap3A_274 = arith.constant 528 : index
    %swap3A_275 = tpu.vector_load %arg6[%swap3A_274] {strides = array<i32>} : memref<640xf32, #tpu.memory_space<vmem>>, vector<16xf32>,
    tpu.vector_store %arg6[%swap3A_274], %add3A_273 {strides = array<i32>} : memref<640xf32, #tpu.memory_space<vmem>>, vector<16xf32>,
    %broadcast_in_dim3A_276 = arith.constant 0.000000e+00 : f32
    %broadcast_in_dim3A_277 = vector.broadcast %broadcast_in_dim3A_276 : f32 to vector<16xf32>
    %slice3A_278 = vector.extract_strided_slice %add3A_203 {offsets = [9], sizes = [1], strides = [1]} : vector<16xf32> to vector<1xf32>
    %squeeze3A_279 = vector.extract %slice3A_278[0] : f32 from vector<1xf32>
    %add3A_280 = vector.broadcast %squeeze3A_279 : f32 to vector<16xf32>
    %add3A_281 = arith.addf %broadcast_in_dim3A_277, %add3A_280 : vector<16xf32>
    %swap3A_282 = arith.constant 592 : index
    %swap3A_283 = tpu.vector_load %arg6[%swap3A_282] {strides = array<i32>} : memref<640xf32, #tpu.memory_space<vmem>>, vector<16xf32>,
    tpu.vector_store %arg6[%swap3A_282], %add3A_281 {strides = array<i32>} : memref<640xf32, #tpu.memory_space<vmem>>, vector<16xf32>,
    %broadcast_in_dim3A_284 = arith.constant 0.000000e+00 : f32
    %broadcast_in_dim3A_285 = vector.broadcast %broadcast_in_dim3A_284 : f32 to vector<16xf32>
    %slice3A_286 = vector.extract_strided_slice %get3A_35 {offsets = [2], sizes = [1], strides = [1]} : vector<16xf32> to vector<1xf32>
    %squeeze3A_287 = vector.extract %slice3A_286[0] : f32 from vector<1xf32>
    %add3A_288 = vector.broadcast %squeeze3A_287 : f32 to vector<16xf32>
    %add3A_289 = arith.addf %broadcast_in_dim3A_285, %add3A_288 : vector<16xf32>
    %slice3A_290 = vector.extract_strided_slice %get3A_33 {offsets = [0], sizes = [1], strides = [1]} : vector<16xf32> to vector<1xf32>
    %squeeze3A_291 = vector.extract %slice3A_290[0] : f32 from vector<1xf32>
    %mul3A_292 = vector.broadcast %squeeze3A_291 : f32 to vector<16xf32>
    %mul3A_293 = arith.mulf %get3A_15, %mul3A_292 : vector<16xf32>
    %add3A_294 = arith.addf %add3A_289, %mul3A_293 : vector<16xf32>
    %slice3A_295 = vector.extract_strided_slice %get3A_33 {offsets = [1], sizes = [1], strides = [1]} : vector<16xf32> to vector<1xf32>
    %squeeze3A_296 = vector.extract %slice3A_295[0] : f32 from vector<1xf32>
    %mul3A_297 = vector.broadcast %squeeze3A_296 : f32 to vector<16xf32>
    %mul3A_298 = arith.mulf %get3A_17, %mul3A_297 : vector<16xf32>
    %add3A_299 = arith.addf %add3A_294, %mul3A_298 : vector<16xf32>
    %slice3A_300 = vector.extract_strided_slice %get3A_33 {offsets = [2], sizes = [1], strides = [1]} : vector<16xf32> to vector<1xf32>
    %squeeze3A_301 = vector.extract %slice3A_300[0] : f32 from vector<1xf32>
    %mul3A_302 = vector.broadcast %squeeze3A_301 : f32 to vector<16xf32>
    %mul3A_303 = arith.mulf %get3A_19, %mul3A_302 : vector<16xf32>
    %add3A_304 = arith.addf %add3A_299, %mul3A_303 : vector<16xf32>
    %slice3A_305 = vector.extract_strided_slice %get3A_33 {offsets = [3], sizes = [1], strides = [1]} : vector<16xf32> to vector<1xf32>
    %squeeze3A_306 = vector.extract %slice3A_305[0] : f32 from vector<1xf32>
    %mul3A_307 = vector.broadcast %squeeze3A_306 : f32 to vector<16xf32>
    %mul3A_308 = arith.mulf %get3A_21, %mul3A_307 : vector<16xf32>
    %add3A_309 = arith.addf %add3A_304, %mul3A_308 : vector<16xf32>
    %slice3A_310 = vector.extract_strided_slice %get3A_33 {offsets = [4], sizes = [1], strides = [1]} : vector<16xf32> to vector<1xf32>
    %squeeze3A_311 = vector.extract %slice3A_310[0] : f32 from vector<1xf32>
    %mul3A_312 = vector.broadcast %squeeze3A_311 : f32 to vector<16xf32>
    %mul3A_313 = arith.mulf %get3A_23, %mul3A_312 : vector<16xf32>
    %add3A_314 = arith.addf %add3A_309, %mul3A_313 : vector<16xf32>
    %slice3A_315 = vector.extract_strided_slice %get3A_33 {offsets = [5], sizes = [1], strides = [1]} : vector<16xf32> to vector<1xf32>
    %squeeze3A_316 = vector.extract %slice3A_315[0] : f32 from vector<1xf32>
    %mul3A_317 = vector.broadcast %squeeze3A_316 : f32 to vector<16xf32>
    %mul3A_318 = arith.mulf %get3A_25, %mul3A_317 : vector<16xf32>
    %add3A_319 = arith.addf %add3A_314, %mul3A_318 : vector<16xf32>
    %slice3A_320 = vector.extract_strided_slice %get3A_33 {offsets = [6], sizes = [1], strides = [1]} : vector<16xf32> to vector<1xf32>
    %squeeze3A_321 = vector.extract %slice3A_320[0] : f32 from vector<1xf32>
    %mul3A_322 = vector.broadcast %squeeze3A_321 : f32 to vector<16xf32>
    %mul3A_323 = arith.mulf %get3A_27, %mul3A_322 : vector<16xf32>
    %add3A_324 = arith.addf %add3A_319, %mul3A_323 : vector<16xf32>
    %slice3A_325 = vector.extract_strided_slice %get3A_33 {offsets = [7], sizes = [1], strides = [1]} : vector<16xf32> to vector<1xf32>
    %squeeze3A_326 = vector.extract %slice3A_325[0] : f32 from vector<1xf32>
    %mul3A_327 = vector.broadcast %squeeze3A_326 : f32 to vector<16xf32>
    %mul3A_328 = arith.mulf %get3A_29, %mul3A_327 : vector<16xf32>
    %add3A_329 = arith.addf %add3A_324, %mul3A_328 : vector<16xf32>
    %broadcast_in_dim3A_330 = arith.constant 0.000000e+00 : f32
    %broadcast_in_dim3A_331 = vector.broadcast %broadcast_in_dim3A_330 : f32 to vector<16xf32>
    %slice3A_332 = vector.extract_strided_slice %add3A_329 {offsets = [0], sizes = [1], strides = [1]} : vector<16xf32> to vector<1xf32>
    %squeeze3A_333 = vector.extract %slice3A_332[0] : f32 from vector<1xf32>
    %add3A_334 = vector.broadcast %squeeze3A_333 : f32 to vector<16xf32>
    %add3A_335 = arith.addf %broadcast_in_dim3A_331, %add3A_334 : vector<16xf32>
    %swap3A_336 = arith.constant 32 : index
    %swap3A_337 = tpu.vector_load %arg6[%swap3A_336] {strides = array<i32>} : memref<640xf32, #tpu.memory_space<vmem>>, vector<16xf32>,
    tpu.vector_store %arg6[%swap3A_336], %add3A_335 {strides = array<i32>} : memref<640xf32, #tpu.memory_space<vmem>>, vector<16xf32>,
    %broadcast_in_dim3A_338 = arith.constant 0.000000e+00 : f32
    %broadcast_in_dim3A_339 = vector.broadcast %broadcast_in_dim3A_338 : f32 to vector<16xf32>
    %slice3A_340 = vector.extract_strided_slice %add3A_329 {offsets = [1], sizes = [1], strides = [1]} : vector<16xf32> to vector<1xf32>
    %squeeze3A_341 = vector.extract %slice3A_340[0] : f32 from vector<1xf32>
    %add3A_342 = vector.broadcast %squeeze3A_341 : f32 to vector<16xf32>
    %add3A_343 = arith.addf %broadcast_in_dim3A_339, %add3A_342 : vector<16xf32>
    %swap3A_344 = arith.constant 96 : index
    %swap3A_345 = tpu.vector_load %arg6[%swap3A_344] {strides = array<i32>} : memref<640xf32, #tpu.memory_space<vmem>>, vector<16xf32>,
    tpu.vector_store %arg6[%swap3A_344], %add3A_343 {strides = array<i32>} : memref<640xf32, #tpu.memory_space<vmem>>, vector<16xf32>,
    %broadcast_in_dim3A_346 = arith.constant 0.000000e+00 : f32
    %broadcast_in_dim3A_347 = vector.broadcast %broadcast_in_dim3A_346 : f32 to vector<16xf32>
    %slice3A_348 = vector.extract_strided_slice %add3A_329 {offsets = [2], sizes = [1], strides = [1]} : vector<16xf32> to vector<1xf32>
    %squeeze3A_349 = vector.extract %slice3A_348[0] : f32 from vector<1xf32>
    %add3A_350 = vector.broadcast %squeeze3A_349 : f32 to vector<16xf32>
    %add3A_351 = arith.addf %broadcast_in_dim3A_347, %add3A_350 : vector<16xf32>
    %swap3A_352 = arith.constant 160 : index
    %swap3A_353 = tpu.vector_load %arg6[%swap3A_352] {strides = array<i32>} : memref<640xf32, #tpu.memory_space<vmem>>, vector<16xf32>,
    tpu.vector_store %arg6[%swap3A_352], %add3A_351 {strides = array<i32>} : memref<640xf32, #tpu.memory_space<vmem>>, vector<16xf32>,
    %broadcast_in_dim3A_354 = arith.constant 0.000000e+00 : f32
    %broadcast_in_dim3A_355 = vector.broadcast %broadcast_in_dim3A_354 : f32 to vector<16xf32>
    %slice3A_356 = vector.extract_strided_slice %add3A_329 {offsets = [3], sizes = [1], strides = [1]} : vector<16xf32> to vector<1xf32>
    %squeeze3A_357 = vector.extract %slice3A_356[0] : f32 from vector<1xf32>
    %add3A_358 = vector.broadcast %squeeze3A_357 : f32 to vector<16xf32>
    %add3A_359 = arith.addf %broadcast_in_dim3A_355, %add3A_358 : vector<16xf32>
    %swap3A_360 = arith.constant 224 : index
    %swap3A_361 = tpu.vector_load %arg6[%swap3A_360] {strides = array<i32>} : memref<640xf32, #tpu.memory_space<vmem>>, vector<16xf32>,
    tpu.vector_store %arg6[%swap3A_360], %add3A_359 {strides = array<i32>} : memref<640xf32, #tpu.memory_space<vmem>>, vector<16xf32>,
    %broadcast_in_dim3A_362 = arith.constant 0.000000e+00 : f32
    %broadcast_in_dim3A_363 = vector.broadcast %broadcast_in_dim3A_362 : f32 to vector<16xf32>
    %slice3A_364 = vector.extract_strided_slice %add3A_329 {offsets = [4], sizes = [1], strides = [1]} : vector<16xf32> to vector<1xf32>
    %squeeze3A_365 = vector.extract %slice3A_364[0] : f32 from vector<1xf32>
    %add3A_366 = vector.broadcast %squeeze3A_365 : f32 to vector<16xf32>
    %add3A_367 = arith.addf %broadcast_in_dim3A_363, %add3A_366 : vector<16xf32>
    %swap3A_368 = arith.constant 288 : index
    %swap3A_369 = tpu.vector_load %arg6[%swap3A_368] {strides = array<i32>} : memref<640xf32, #tpu.memory_space<vmem>>, vector<16xf32>,
    tpu.vector_store %arg6[%swap3A_368], %add3A_367 {strides = array<i32>} : memref<640xf32, #tpu.memory_space<vmem>>, vector<16xf32>,
    %broadcast_in_dim3A_370 = arith.constant 0.000000e+00 : f32
    %broadcast_in_dim3A_371 = vector.broadcast %broadcast_in_dim3A_370 : f32 to vector<16xf32>
    %slice3A_372 = vector.extract_strided_slice %add3A_329 {offsets = [5], sizes = [1], strides = [1]} : vector<16xf32> to vector<1xf32>
    %squeeze3A_373 = vector.extract %slice3A_372[0] : f32 from vector<1xf32>
    %add3A_374 = vector.broadcast %squeeze3A_373 : f32 to vector<16xf32>
    %add3A_375 = arith.addf %broadcast_in_dim3A_371, %add3A_374 : vector<16xf32>
    %swap3A_376 = arith.constant 352 : index
    %swap3A_377 = tpu.vector_load %arg6[%swap3A_376] {strides = array<i32>} : memref<640xf32, #tpu.memory_space<vmem>>, vector<16xf32>,
    tpu.vector_store %arg6[%swap3A_376], %add3A_375 {strides = array<i32>} : memref<640xf32, #tpu.memory_space<vmem>>, vector<16xf32>,
    %broadcast_in_dim3A_378 = arith.constant 0.000000e+00 : f32
    %broadcast_in_dim3A_379 = vector.broadcast %broadcast_in_dim3A_378 : f32 to vector<16xf32>
    %slice3A_380 = vector.extract_strided_slice %add3A_329 {offsets = [6], sizes = [1], strides = [1]} : vector<16xf32> to vector<1xf32>
    %squeeze3A_381 = vector.extract %slice3A_380[0] : f32 from vector<1xf32>
    %add3A_382 = vector.broadcast %squeeze3A_381 : f32 to vector<16xf32>
    %add3A_383 = arith.addf %broadcast_in_dim3A_379, %add3A_382 : vector<16xf32>
    %swap3A_384 = arith.constant 416 : index
    %swap3A_385 = tpu.vector_load %arg6[%swap3A_384] {strides = array<i32>} : memref<640xf32, #tpu.memory_space<vmem>>, vector<16xf32>,
    tpu.vector_store %arg6[%swap3A_384], %add3A_383 {strides = array<i32>} : memref<640xf32, #tpu.memory_space<vmem>>, vector<16xf32>,
    %broadcast_in_dim3A_386 = arith.constant 0.000000e+00 : f32
    %broadcast_in_dim3A_387 = vector.broadcast %broadcast_in_dim3A_386 : f32 to vector<16xf32>
    %slice3A_388 = vector.extract_strided_slice %add3A_329 {offsets = [7], sizes = [1], strides = [1]} : vector<16xf32> to vector<1xf32>
    %squeeze3A_389 = vector.extract %slice3A_388[0] : f32 from vector<1xf32>
    %add3A_390 = vector.broadcast %squeeze3A_389 : f32 to vector<16xf32>
    %add3A_391 = arith.addf %broadcast_in_dim3A_387, %add3A_390 : vector<16xf32>
    %swap3A_392 = arith.constant 480 : index
    %swap3A_393 = tpu.vector_load %arg6[%swap3A_392] {strides = array<i32>} : memref<640xf32, #tpu.memory_space<vmem>>, vector<16xf32>,
    tpu.vector_store %arg6[%swap3A_392], %add3A_391 {strides = array<i32>} : memref<640xf32, #tpu.memory_space<vmem>>, vector<16xf32>,
    %broadcast_in_dim3A_394 = arith.constant 0.000000e+00 : f32
    %broadcast_in_dim3A_395 = vector.broadcast %broadcast_in_dim3A_394 : f32 to vector<16xf32>
    %slice3A_396 = vector.extract_strided_slice %add3A_329 {offsets = [8], sizes = [1], strides = [1]} : vector<16xf32> to vector<1xf32>
    %squeeze3A_397 = vector.extract %slice3A_396[0] : f32 from vector<1xf32>
    %add3A_398 = vector.broadcast %squeeze3A_397 : f32 to vector<16xf32>
    %add3A_399 = arith.addf %broadcast_in_dim3A_395, %add3A_398 : vector<16xf32>
    %swap3A_400 = arith.constant 544 : index
    %swap3A_401 = tpu.vector_load %arg6[%swap3A_400] {strides = array<i32>} : memref<640xf32, #tpu.memory_space<vmem>>, vector<16xf32>,
    tpu.vector_store %arg6[%swap3A_400], %add3A_399 {strides = array<i32>} : memref<640xf32, #tpu.memory_space<vmem>>, vector<16xf32>,
    %broadcast_in_dim3A_402 = arith.constant 0.000000e+00 : f32
    %broadcast_in_dim3A_403 = vector.broadcast %broadcast_in_dim3A_402 : f32 to vector<16xf32>
    %slice3A_404 = vector.extract_strided_slice %add3A_329 {offsets = [9], sizes = [1], strides = [1]} : vector<16xf32> to vector<1xf32>
    %squeeze3A_405 = vector.extract %slice3A_404[0] : f32 from vector<1xf32>
    %add3A_406 = vector.broadcast %squeeze3A_405 : f32 to vector<16xf32>
    %add3A_407 = arith.addf %broadcast_in_dim3A_403, %add3A_406 : vector<16xf32>
    %swap3A_408 = arith.constant 608 : index
    %swap3A_409 = tpu.vector_load %arg6[%swap3A_408] {strides = array<i32>} : memref<640xf32, #tpu.memory_space<vmem>>, vector<16xf32>,
    tpu.vector_store %arg6[%swap3A_408], %add3A_407 {strides = array<i32>} : memref<640xf32, #tpu.memory_space<vmem>>, vector<16xf32>,
    %broadcast_in_dim3A_410 = arith.constant 0.000000e+00 : f32
    %broadcast_in_dim3A_411 = vector.broadcast %broadcast_in_dim3A_410 : f32 to vector<16xf32>
    %slice3A_412 = vector.extract_strided_slice %get3A_35 {offsets = [3], sizes = [1], strides = [1]} : vector<16xf32> to vector<1xf32>
    %squeeze3A_413 = vector.extract %slice3A_412[0] : f32 from vector<1xf32>
    %add3A_414 = vector.broadcast %squeeze3A_413 : f32 to vector<16xf32>
    %add3A_415 = arith.addf %broadcast_in_dim3A_411, %add3A_414 : vector<16xf32>
    %slice3A_416 = vector.extract_strided_slice %get3A_33 {offsets = [8], sizes = [1], strides = [1]} : vector<16xf32> to vector<1xf32>
    %squeeze3A_417 = vector.extract %slice3A_416[0] : f32 from vector<1xf32>
    %mul3A_418 = vector.broadcast %squeeze3A_417 : f32 to vector<16xf32>
    %mul3A_419 = arith.mulf %get3A_15, %mul3A_418 : vector<16xf32>
    %add3A_420 = arith.addf %add3A_415, %mul3A_419 : vector<16xf32>
    %slice3A_421 = vector.extract_strided_slice %get3A_33 {offsets = [9], sizes = [1], strides = [1]} : vector<16xf32> to vector<1xf32>
    %squeeze3A_422 = vector.extract %slice3A_421[0] : f32 from vector<1xf32>
    %mul3A_423 = vector.broadcast %squeeze3A_422 : f32 to vector<16xf32>
    %mul3A_424 = arith.mulf %get3A_17, %mul3A_423 : vector<16xf32>
    %add3A_425 = arith.addf %add3A_420, %mul3A_424 : vector<16xf32>
    %slice3A_426 = vector.extract_strided_slice %get3A_33 {offsets = [10], sizes = [1], strides = [1]} : vector<16xf32> to vector<1xf32>
    %squeeze3A_427 = vector.extract %slice3A_426[0] : f32 from vector<1xf32>
    %mul3A_428 = vector.broadcast %squeeze3A_427 : f32 to vector<16xf32>
    %mul3A_429 = arith.mulf %get3A_19, %mul3A_428 : vector<16xf32>
    %add3A_430 = arith.addf %add3A_425, %mul3A_429 : vector<16xf32>
    %slice3A_431 = vector.extract_strided_slice %get3A_33 {offsets = [11], sizes = [1], strides = [1]} : vector<16xf32> to vector<1xf32>
    %squeeze3A_432 = vector.extract %slice3A_431[0] : f32 from vector<1xf32>
    %mul3A_433 = vector.broadcast %squeeze3A_432 : f32 to vector<16xf32>
    %mul3A_434 = arith.mulf %get3A_21, %mul3A_433 : vector<16xf32>
    %add3A_435 = arith.addf %add3A_430, %mul3A_434 : vector<16xf32>
    %slice3A_436 = vector.extract_strided_slice %get3A_33 {offsets = [12], sizes = [1], strides = [1]} : vector<16xf32> to vector<1xf32>
    %squeeze3A_437 = vector.extract %slice3A_436[0] : f32 from vector<1xf32>
    %mul3A_438 = vector.broadcast %squeeze3A_437 : f32 to vector<16xf32>
    %mul3A_439 = arith.mulf %get3A_23, %mul3A_438 : vector<16xf32>
    %add3A_440 = arith.addf %add3A_435, %mul3A_439 : vector<16xf32>
    %slice3A_441 = vector.extract_strided_slice %get3A_33 {offsets = [13], sizes = [1], strides = [1]} : vector<16xf32> to vector<1xf32>
    %squeeze3A_442 = vector.extract %slice3A_441[0] : f32 from vector<1xf32>
    %mul3A_443 = vector.broadcast %squeeze3A_442 : f32 to vector<16xf32>
    %mul3A_444 = arith.mulf %get3A_25, %mul3A_443 : vector<16xf32>
    %add3A_445 = arith.addf %add3A_440, %mul3A_444 : vector<16xf32>
    %slice3A_446 = vector.extract_strided_slice %get3A_33 {offsets = [14], sizes = [1], strides = [1]} : vector<16xf32> to vector<1xf32>
    %squeeze3A_447 = vector.extract %slice3A_446[0] : f32 from vector<1xf32>
    %mul3A_448 = vector.broadcast %squeeze3A_447 : f32 to vector<16xf32>
    %mul3A_449 = arith.mulf %get3A_27, %mul3A_448 : vector<16xf32>
    %add3A_450 = arith.addf %add3A_445, %mul3A_449 : vector<16xf32>
    %slice3A_451 = vector.extract_strided_slice %get3A_33 {offsets = [15], sizes = [1], strides = [1]} : vector<16xf32> to vector<1xf32>
    %squeeze3A_452 = vector.extract %slice3A_451[0] : f32 from vector<1xf32>
    %mul3A_453 = vector.broadcast %squeeze3A_452 : f32 to vector<16xf32>
    %mul3A_454 = arith.mulf %get3A_29, %mul3A_453 : vector<16xf32>
    %add3A_455 = arith.addf %add3A_450, %mul3A_454 : vector<16xf32>
    %broadcast_in_dim3A_456 = arith.constant 0.000000e+00 : f32
    %broadcast_in_dim3A_457 = vector.broadcast %broadcast_in_dim3A_456 : f32 to vector<16xf32>
    %slice3A_458 = vector.extract_strided_slice %add3A_455 {offsets = [0], sizes = [1], strides = [1]} : vector<16xf32> to vector<1xf32>
    %squeeze3A_459 = vector.extract %slice3A_458[0] : f32 from vector<1xf32>
    %add3A_460 = vector.broadcast %squeeze3A_459 : f32 to vector<16xf32>
    %add3A_461 = arith.addf %broadcast_in_dim3A_457, %add3A_460 : vector<16xf32>
    %swap3A_462 = arith.constant 48 : index
    %swap3A_463 = tpu.vector_load %arg6[%swap3A_462] {strides = array<i32>} : memref<640xf32, #tpu.memory_space<vmem>>, vector<16xf32>,
    tpu.vector_store %arg6[%swap3A_462], %add3A_461 {strides = array<i32>} : memref<640xf32, #tpu.memory_space<vmem>>, vector<16xf32>,
    %broadcast_in_dim3A_464 = arith.constant 0.000000e+00 : f32
    %broadcast_in_dim3A_465 = vector.broadcast %broadcast_in_dim3A_464 : f32 to vector<16xf32>
    %slice3A_466 = vector.extract_strided_slice %add3A_455 {offsets = [1], sizes = [1], strides = [1]} : vector<16xf32> to vector<1xf32>
    %squeeze3A_467 = vector.extract %slice3A_466[0] : f32 from vector<1xf32>
    %add3A_468 = vector.broadcast %squeeze3A_467 : f32 to vector<16xf32>
    %add3A_469 = arith.addf %broadcast_in_dim3A_465, %add3A_468 : vector<16xf32>
    %swap3A_470 = arith.constant 112 : index
    %swap3A_471 = tpu.vector_load %arg6[%swap3A_470] {strides = array<i32>} : memref<640xf32, #tpu.memory_space<vmem>>, vector<16xf32>,
    tpu.vector_store %arg6[%swap3A_470], %add3A_469 {strides = array<i32>} : memref<640xf32, #tpu.memory_space<vmem>>, vector<16xf32>,
    %broadcast_in_dim3A_472 = arith.constant 0.000000e+00 : f32
    %broadcast_in_dim3A_473 = vector.broadcast %broadcast_in_dim3A_472 : f32 to vector<16xf32>
    %slice3A_474 = vector.extract_strided_slice %add3A_455 {offsets = [2], sizes = [1], strides = [1]} : vector<16xf32> to vector<1xf32>
    %squeeze3A_475 = vector.extract %slice3A_474[0] : f32 from vector<1xf32>
    %add3A_476 = vector.broadcast %squeeze3A_475 : f32 to vector<16xf32>
    %add3A_477 = arith.addf %broadcast_in_dim3A_473, %add3A_476 : vector<16xf32>
    %swap3A_478 = arith.constant 176 : index
    %swap3A_479 = tpu.vector_load %arg6[%swap3A_478] {strides = array<i32>} : memref<640xf32, #tpu.memory_space<vmem>>, vector<16xf32>,
    tpu.vector_store %arg6[%swap3A_478], %add3A_477 {strides = array<i32>} : memref<640xf32, #tpu.memory_space<vmem>>, vector<16xf32>,
    %broadcast_in_dim3A_480 = arith.constant 0.000000e+00 : f32
    %broadcast_in_dim3A_481 = vector.broadcast %broadcast_in_dim3A_480 : f32 to vector<16xf32>
    %slice3A_482 = vector.extract_strided_slice %add3A_455 {offsets = [3], sizes = [1], strides = [1]} : vector<16xf32> to vector<1xf32>
    %squeeze3A_483 = vector.extract %slice3A_482[0] : f32 from vector<1xf32>
    %add3A_484 = vector.broadcast %squeeze3A_483 : f32 to vector<16xf32>
    %add3A_485 = arith.addf %broadcast_in_dim3A_481, %add3A_484 : vector<16xf32>
    %swap3A_486 = arith.constant 240 : index
    %swap3A_487 = tpu.vector_load %arg6[%swap3A_486] {strides = array<i32>} : memref<640xf32, #tpu.memory_space<vmem>>, vector<16xf32>,
    tpu.vector_store %arg6[%swap3A_486], %add3A_485 {strides = array<i32>} : memref<640xf32, #tpu.memory_space<vmem>>, vector<16xf32>,
    %broadcast_in_dim3A_488 = arith.constant 0.000000e+00 : f32
    %broadcast_in_dim3A_489 = vector.broadcast %broadcast_in_dim3A_488 : f32 to vector<16xf32>
    %slice3A_490 = vector.extract_strided_slice %add3A_455 {offsets = [4], sizes = [1], strides = [1]} : vector<16xf32> to vector<1xf32>
    %squeeze3A_491 = vector.extract %slice3A_490[0] : f32 from vector<1xf32>
    %add3A_492 = vector.broadcast %squeeze3A_491 : f32 to vector<16xf32>
    %add3A_493 = arith.addf %broadcast_in_dim3A_489, %add3A_492 : vector<16xf32>
    %swap3A_494 = arith.constant 304 : index
    %swap3A_495 = tpu.vector_load %arg6[%swap3A_494] {strides = array<i32>} : memref<640xf32, #tpu.memory_space<vmem>>, vector<16xf32>,
    tpu.vector_store %arg6[%swap3A_494], %add3A_493 {strides = array<i32>} : memref<640xf32, #tpu.memory_space<vmem>>, vector<16xf32>,
    %broadcast_in_dim3A_496 = arith.constant 0.000000e+00 : f32
    %broadcast_in_dim3A_497 = vector.broadcast %broadcast_in_dim3A_496 : f32 to vector<16xf32>
    %slice3A_498 = vector.extract_strided_slice %add3A_455 {offsets = [5], sizes = [1], strides = [1]} : vector<16xf32> to vector<1xf32>
    %squeeze3A_499 = vector.extract %slice3A_498[0] : f32 from vector<1xf32>
    %add3A_500 = vector.broadcast %squeeze3A_499 : f32 to vector<16xf32>
    %add3A_501 = arith.addf %broadcast_in_dim3A_497, %add3A_500 : vector<16xf32>
    %swap3A_502 = arith.constant 368 : index
    %swap3A_503 = tpu.vector_load %arg6[%swap3A_502] {strides = array<i32>} : memref<640xf32, #tpu.memory_space<vmem>>, vector<16xf32>,
    tpu.vector_store %arg6[%swap3A_502], %add3A_501 {strides = array<i32>} : memref<640xf32, #tpu.memory_space<vmem>>, vector<16xf32>,
    %broadcast_in_dim3A_504 = arith.constant 0.000000e+00 : f32
    %broadcast_in_dim3A_505 = vector.broadcast %broadcast_in_dim3A_504 : f32 to vector<16xf32>
    %slice3A_506 = vector.extract_strided_slice %add3A_455 {offsets = [6], sizes = [1], strides = [1]} : vector<16xf32> to vector<1xf32>
    %squeeze3A_507 = vector.extract %slice3A_506[0] : f32 from vector<1xf32>
    %add3A_508 = vector.broadcast %squeeze3A_507 : f32 to vector<16xf32>
    %add3A_509 = arith.addf %broadcast_in_dim3A_505, %add3A_508 : vector<16xf32>
    %swap3A_510 = arith.constant 432 : index
    %swap3A_511 = tpu.vector_load %arg6[%swap3A_510] {strides = array<i32>} : memref<640xf32, #tpu.memory_space<vmem>>, vector<16xf32>,
    tpu.vector_store %arg6[%swap3A_510], %add3A_509 {strides = array<i32>} : memref<640xf32, #tpu.memory_space<vmem>>, vector<16xf32>,
    %broadcast_in_dim3A_512 = arith.constant 0.000000e+00 : f32
    %broadcast_in_dim3A_513 = vector.broadcast %broadcast_in_dim3A_512 : f32 to vector<16xf32>
    %slice3A_514 = vector.extract_strided_slice %add3A_455 {offsets = [7], sizes = [1], strides = [1]} : vector<16xf32> to vector<1xf32>
    %squeeze3A_515 = vector.extract %slice3A_514[0] : f32 from vector<1xf32>
    %add3A_516 = vector.broadcast %squeeze3A_515 : f32 to vector<16xf32>
    %add3A_517 = arith.addf %broadcast_in_dim3A_513, %add3A_516 : vector<16xf32>
    %swap3A_518 = arith.constant 496 : index
    %swap3A_519 = tpu.vector_load %arg6[%swap3A_518] {strides = array<i32>} : memref<640xf32, #tpu.memory_space<vmem>>, vector<16xf32>,
    tpu.vector_store %arg6[%swap3A_518], %add3A_517 {strides = array<i32>} : memref<640xf32, #tpu.memory_space<vmem>>, vector<16xf32>,
    %broadcast_in_dim3A_520 = arith.constant 0.000000e+00 : f32
    %broadcast_in_dim3A_521 = vector.broadcast %broadcast_in_dim3A_520 : f32 to vector<16xf32>
    %slice3A_522 = vector.extract_strided_slice %add3A_455 {offsets = [8], sizes = [1], strides = [1]} : vector<16xf32> to vector<1xf32>
    %squeeze3A_523 = vector.extract %slice3A_522[0] : f32 from vector<1xf32>
    %add3A_524 = vector.broadcast %squeeze3A_523 : f32 to vector<16xf32>
    %add3A_525 = arith.addf %broadcast_in_dim3A_521, %add3A_524 : vector<16xf32>
    %swap3A_526 = arith.constant 560 : index
    %swap3A_527 = tpu.vector_load %arg6[%swap3A_526] {strides = array<i32>} : memref<640xf32, #tpu.memory_space<vmem>>, vector<16xf32>,
    tpu.vector_store %arg6[%swap3A_526], %add3A_525 {strides = array<i32>} : memref<640xf32, #tpu.memory_space<vmem>>, vector<16xf32>,
    %broadcast_in_dim3A_528 = arith.constant 0.000000e+00 : f32
    %broadcast_in_dim3A_529 = vector.broadcast %broadcast_in_dim3A_528 : f32 to vector<16xf32>
    %slice3A_530 = vector.extract_strided_slice %add3A_455 {offsets = [9], sizes = [1], strides = [1]} : vector<16xf32> to vector<1xf32>
    %squeeze3A_531 = vector.extract %slice3A_530[0] : f32 from vector<1xf32>
    %add3A_532 = vector.broadcast %squeeze3A_531 : f32 to vector<16xf32>
    %add3A_533 = arith.addf %broadcast_in_dim3A_529, %add3A_532 : vector<16xf32>
    %swap3A_534 = arith.constant 624 : index
    %swap3A_535 = tpu.vector_load %arg6[%swap3A_534] {strides = array<i32>} : memref<640xf32, #tpu.memory_space<vmem>>, vector<16xf32>,
    tpu.vector_store %arg6[%swap3A_534], %add3A_533 {strides = array<i32>} : memref<640xf32, #tpu.memory_space<vmem>>, vector<16xf32>,
    %add3A_536 = arith.constant 0 : i32
    %add3A_537 = arith.addi %mul3A_2, %add3A_536 : i32
    %dma_start3A = arith.constant 0 : i32
    %dma_start3A_538 = arith.constant 0 : i32
    %dma_start3A_539 = arith.constant 0 : i32
    %dma_start3A_540 = tpu.memref_slice %arg7[%dma_start3A_538, %dma_start3A_539] : memref<40x128xi32, #tpu.memory_space<vmem>> -> memref<8x128xi32, #tpu.memory_space<vmem>>
    %dma_start3A_541 = arith.constant 0 : i32
    %dma_start3A_542 = arith.constant 0 : i32
    %dma_start3A_543 = tpu.memref_slice %arg2[%dma_start3A, %add3A_537, %dma_start3A_541, %dma_start3A_542] : memref<25x128x8x128xi32, #tpu.memory_space<hbm>> -> memref<1x1x8x128xi32, #tpu.memory_space<hbm>>
    %dma_start3A_544 = tpu.memref_squeeze %dma_start3A_543 : memref<1x1x8x128xi32, #tpu.memory_space<hbm>> -> memref<8x128xi32, #tpu.memory_space<hbm>>
    %dma_start3A_545 = arith.constant 0 : i32
    %dma_start3A_546 = arith.constant 0 : i32
    %dma_start3A_547 = tpu.memref_slice %arg7[%dma_start3A_545, %dma_start3A_546] : memref<40x128xi32, #tpu.memory_space<vmem>> -> memref<8x128xi32, #tpu.memory_space<vmem>>
    %dma_start3A_548 = arith.constant 0 : i32
    %dma_start3A_549 = arith.constant 0 : i32
    %dma_start3A_550 = tpu.memref_slice %arg2[%dma_start3A, %add3A_537, %dma_start3A_548, %dma_start3A_549] : memref<25x128x8x128xi32, #tpu.memory_space<hbm>> -> memref<1x1x8x128xi32, #tpu.memory_space<hbm>>
    %dma_start3A_551 = tpu.memref_squeeze %dma_start3A_550 : memref<1x1x8x128xi32, #tpu.memory_space<hbm>> -> memref<8x128xi32, #tpu.memory_space<hbm>>
    tpu.enqueue_dma source(%dma_start3A_551 : memref<8x128xi32, #tpu.memory_space<hbm>>) target(%dma_start3A_547 : memref<8x128xi32, #tpu.memory_space<vmem>>) target_semaphore(%arg11 : memref<!tpu.dma_semaphore, #tpu.memory_space<semaphore_mem>>)
    %dma_start3A_552 = arith.constant 1 : i32
    %dma_start3A_553 = arith.constant 8 : i32
    %dma_start3A_554 = arith.constant 0 : i32
    %dma_start3A_555 = tpu.memref_slice %arg7[%dma_start3A_553, %dma_start3A_554] : memref<40x128xi32, #tpu.memory_space<vmem>> -> memref<8x128xi32, #tpu.memory_space<vmem>>
    %dma_start3A_556 = arith.constant 0 : i32
    %dma_start3A_557 = arith.constant 0 : i32
    %dma_start3A_558 = tpu.memref_slice %arg2[%dma_start3A_552, %add3A_537, %dma_start3A_556, %dma_start3A_557] : memref<25x128x8x128xi32, #tpu.memory_space<hbm>> -> memref<1x1x8x128xi32, #tpu.memory_space<hbm>>
    %dma_start3A_559 = tpu.memref_squeeze %dma_start3A_558 : memref<1x1x8x128xi32, #tpu.memory_space<hbm>> -> memref<8x128xi32, #tpu.memory_space<hbm>>
    %dma_start3A_560 = arith.constant 8 : i32
    %dma_start3A_561 = arith.constant 0 : i32
    %dma_start3A_562 = tpu.memref_slice %arg7[%dma_start3A_560, %dma_start3A_561] : memref<40x128xi32, #tpu.memory_space<vmem>> -> memref<8x128xi32, #tpu.memory_space<vmem>>
    %dma_start3A_563 = arith.constant 0 : i32
    %dma_start3A_564 = arith.constant 0 : i32
    %dma_start3A_565 = tpu.memref_slice %arg2[%dma_start3A_552, %add3A_537, %dma_start3A_563, %dma_start3A_564] : memref<25x128x8x128xi32, #tpu.memory_space<hbm>> -> memref<1x1x8x128xi32, #tpu.memory_space<hbm>>
    %dma_start3A_566 = tpu.memref_squeeze %dma_start3A_565 : memref<1x1x8x128xi32, #tpu.memory_space<hbm>> -> memref<8x128xi32, #tpu.memory_space<hbm>>
    tpu.enqueue_dma source(%dma_start3A_566 : memref<8x128xi32, #tpu.memory_space<hbm>>) target(%dma_start3A_562 : memref<8x128xi32, #tpu.memory_space<vmem>>) target_semaphore(%arg11 : memref<!tpu.dma_semaphore, #tpu.memory_space<semaphore_mem>>)
    %dma_start3A_567 = arith.constant 2 : i32
    %dma_start3A_568 = arith.constant 16 : i32
    %dma_start3A_569 = arith.constant 0 : i32
    %dma_start3A_570 = tpu.memref_slice %arg7[%dma_start3A_568, %dma_start3A_569] : memref<40x128xi32, #tpu.memory_space<vmem>> -> memref<8x128xi32, #tpu.memory_space<vmem>>
    %dma_start3A_571 = arith.constant 0 : i32
    %dma_start3A_572 = arith.constant 0 : i32
    %dma_start3A_573 = tpu.memref_slice %arg2[%dma_start3A_567, %add3A_537, %dma_start3A_571, %dma_start3A_572] : memref<25x128x8x128xi32, #tpu.memory_space<hbm>> -> memref<1x1x8x128xi32, #tpu.memory_space<hbm>>
    %dma_start3A_574 = tpu.memref_squeeze %dma_start3A_573 : memref<1x1x8x128xi32, #tpu.memory_space<hbm>> -> memref<8x128xi32, #tpu.memory_space<hbm>>
    %dma_start3A_575 = arith.constant 16 : i32
    %dma_start3A_576 = arith.constant 0 : i32
    %dma_start3A_577 = tpu.memref_slice %arg7[%dma_start3A_575, %dma_start3A_576] : memref<40x128xi32, #tpu.memory_space<vmem>> -> memref<8x128xi32, #tpu.memory_space<vmem>>
    %dma_start3A_578 = arith.constant 0 : i32
    %dma_start3A_579 = arith.constant 0 : i32
    %dma_start3A_580 = tpu.memref_slice %arg2[%dma_start3A_567, %add3A_537, %dma_start3A_578, %dma_start3A_579] : memref<25x128x8x128xi32, #tpu.memory_space<hbm>> -> memref<1x1x8x128xi32, #tpu.memory_space<hbm>>
    %dma_start3A_581 = tpu.memref_squeeze %dma_start3A_580 : memref<1x1x8x128xi32, #tpu.memory_space<hbm>> -> memref<8x128xi32, #tpu.memory_space<hbm>>
    tpu.enqueue_dma source(%dma_start3A_581 : memref<8x128xi32, #tpu.memory_space<hbm>>) target(%dma_start3A_577 : memref<8x128xi32, #tpu.memory_space<vmem>>) target_semaphore(%arg11 : memref<!tpu.dma_semaphore, #tpu.memory_space<semaphore_mem>>)
    %dma_start3A_582 = arith.constant 3 : i32
    %dma_start3A_583 = arith.constant 24 : i32
    %dma_start3A_584 = arith.constant 0 : i32
    %dma_start3A_585 = tpu.memref_slice %arg7[%dma_start3A_583, %dma_start3A_584] : memref<40x128xi32, #tpu.memory_space<vmem>> -> memref<8x128xi32, #tpu.memory_space<vmem>>
    %dma_start3A_586 = arith.constant 0 : i32
    %dma_start3A_587 = arith.constant 0 : i32
    %dma_start3A_588 = tpu.memref_slice %arg2[%dma_start3A_582, %add3A_537, %dma_start3A_586, %dma_start3A_587] : memref<25x128x8x128xi32, #tpu.memory_space<hbm>> -> memref<1x1x8x128xi32, #tpu.memory_space<hbm>>
    %dma_start3A_589 = tpu.memref_squeeze %dma_start3A_588 : memref<1x1x8x128xi32, #tpu.memory_space<hbm>> -> memref<8x128xi32, #tpu.memory_space<hbm>>
    %dma_start3A_590 = arith.constant 24 : i32
    %dma_start3A_591 = arith.constant 0 : i32
    %dma_start3A_592 = tpu.memref_slice %arg7[%dma_start3A_590, %dma_start3A_591] : memref<40x128xi32, #tpu.memory_space<vmem>> -> memref<8x128xi32, #tpu.memory_space<vmem>>
    %dma_start3A_593 = arith.constant 0 : i32
    %dma_start3A_594 = arith.constant 0 : i32
    %dma_start3A_595 = tpu.memref_slice %arg2[%dma_start3A_582, %add3A_537, %dma_start3A_593, %dma_start3A_594] : memref<25x128x8x128xi32, #tpu.memory_space<hbm>> -> memref<1x1x8x128xi32, #tpu.memory_space<hbm>>
    %dma_start3A_596 = tpu.memref_squeeze %dma_start3A_595 : memref<1x1x8x128xi32, #tpu.memory_space<hbm>> -> memref<8x128xi32, #tpu.memory_space<hbm>>
    tpu.enqueue_dma source(%dma_start3A_596 : memref<8x128xi32, #tpu.memory_space<hbm>>) target(%dma_start3A_592 : memref<8x128xi32, #tpu.memory_space<vmem>>) target_semaphore(%arg11 : memref<!tpu.dma_semaphore, #tpu.memory_space<semaphore_mem>>)
    %dma_start3A_597 = arith.constant 4 : i32
    %dma_start3A_598 = arith.constant 32 : i32
    %dma_start3A_599 = arith.constant 0 : i32
    %dma_start3A_600 = tpu.memref_slice %arg7[%dma_start3A_598, %dma_start3A_599] : memref<40x128xi32, #tpu.memory_space<vmem>> -> memref<8x128xi32, #tpu.memory_space<vmem>>
    %dma_start3A_601 = arith.constant 0 : i32
    %dma_start3A_602 = arith.constant 0 : i32
    %dma_start3A_603 = tpu.memref_slice %arg2[%dma_start3A_597, %add3A_537, %dma_start3A_601, %dma_start3A_602] : memref<25x128x8x128xi32, #tpu.memory_space<hbm>> -> memref<1x1x8x128xi32, #tpu.memory_space<hbm>>
    %dma_start3A_604 = tpu.memref_squeeze %dma_start3A_603 : memref<1x1x8x128xi32, #tpu.memory_space<hbm>> -> memref<8x128xi32, #tpu.memory_space<hbm>>
    %dma_start3A_605 = arith.constant 32 : i32
    %dma_start3A_606 = arith.constant 0 : i32
    %dma_start3A_607 = tpu.memref_slice %arg7[%dma_start3A_605, %dma_start3A_606] : memref<40x128xi32, #tpu.memory_space<vmem>> -> memref<8x128xi32, #tpu.memory_space<vmem>>
    %dma_start3A_608 = arith.constant 0 : i32
    %dma_start3A_609 = arith.constant 0 : i32
    %dma_start3A_610 = tpu.memref_slice %arg2[%dma_start3A_597, %add3A_537, %dma_start3A_608, %dma_start3A_609] : memref<25x128x8x128xi32, #tpu.memory_space<hbm>> -> memref<1x1x8x128xi32, #tpu.memory_space<hbm>>
    %dma_start3A_611 = tpu.memref_squeeze %dma_start3A_610 : memref<1x1x8x128xi32, #tpu.memory_space<hbm>> -> memref<8x128xi32, #tpu.memory_space<hbm>>
    tpu.enqueue_dma source(%dma_start3A_611 : memref<8x128xi32, #tpu.memory_space<hbm>>) target(%dma_start3A_607 : memref<8x128xi32, #tpu.memory_space<vmem>>) target_semaphore(%arg11 : memref<!tpu.dma_semaphore, #tpu.memory_space<semaphore_mem>>)
    %add3A_612 = arith.constant 0 : i32
    %add3A_613 = arith.addi %mul3A_2, %add3A_612 : i32
    %dma_start3A_614 = arith.constant 5 : i32
    %dma_start3A_615 = arith.constant 0 : i32
    %dma_start3A_616 = arith.constant 0 : i32
    %dma_start3A_617 = tpu.memref_slice %arg8[%dma_start3A_615, %dma_start3A_616] : memref<40x128xi32, #tpu.memory_space<vmem>> -> memref<8x128xi32, #tpu.memory_space<vmem>>
    %dma_start3A_618 = arith.constant 0 : i32
    %dma_start3A_619 = arith.constant 0 : i32
    %dma_start3A_620 = tpu.memref_slice %arg2[%dma_start3A_614, %add3A_613, %dma_start3A_618, %dma_start3A_619] : memref<25x128x8x128xi32, #tpu.memory_space<hbm>> -> memref<1x1x8x128xi32, #tpu.memory_space<hbm>>
    %dma_start3A_621 = tpu.memref_squeeze %dma_start3A_620 : memref<1x1x8x128xi32, #tpu.memory_space<hbm>> -> memref<8x128xi32, #tpu.memory_space<hbm>>
    %dma_start3A_622 = arith.constant 0 : i32
    %dma_start3A_623 = arith.constant 0 : i32
    %dma_start3A_624 = tpu.memref_slice %arg8[%dma_start3A_622, %dma_start3A_623] : memref<40x128xi32, #tpu.memory_space<vmem>> -> memref<8x128xi32, #tpu.memory_space<vmem>>
    %dma_start3A_625 = arith.constant 0 : i32
    %dma_start3A_626 = arith.constant 0 : i32
    %dma_start3A_627 = tpu.memref_slice %arg2[%dma_start3A_614, %add3A_613, %dma_start3A_625, %dma_start3A_626] : memref<25x128x8x128xi32, #tpu.memory_space<hbm>> -> memref<1x1x8x128xi32, #tpu.memory_space<hbm>>
    %dma_start3A_628 = tpu.memref_squeeze %dma_start3A_627 : memref<1x1x8x128xi32, #tpu.memory_space<hbm>> -> memref<8x128xi32, #tpu.memory_space<hbm>>
    tpu.enqueue_dma source(%dma_start3A_628 : memref<8x128xi32, #tpu.memory_space<hbm>>) target(%dma_start3A_624 : memref<8x128xi32, #tpu.memory_space<vmem>>) target_semaphore(%arg12 : memref<!tpu.dma_semaphore, #tpu.memory_space<semaphore_mem>>)
    %dma_start3A_629 = arith.constant 6 : i32
    %dma_start3A_630 = arith.constant 8 : i32
    %dma_start3A_631 = arith.constant 0 : i32
    %dma_start3A_632 = tpu.memref_slice %arg8[%dma_start3A_630, %dma_start3A_631] : memref<40x128xi32, #tpu.memory_space<vmem>> -> memref<8x128xi32, #tpu.memory_space<vmem>>
    %dma_start3A_633 = arith.constant 0 : i32
    %dma_start3A_634 = arith.constant 0 : i32
    %dma_start3A_635 = tpu.memref_slice %arg2[%dma_start3A_629, %add3A_613, %dma_start3A_633, %dma_start3A_634] : memref<25x128x8x128xi32, #tpu.memory_space<hbm>> -> memref<1x1x8x128xi32, #tpu.memory_space<hbm>>
    %dma_start3A_636 = tpu.memref_squeeze %dma_start3A_635 : memref<1x1x8x128xi32, #tpu.memory_space<hbm>> -> memref<8x128xi32, #tpu.memory_space<hbm>>
    %dma_start3A_637 = arith.constant 8 : i32
    %dma_start3A_638 = arith.constant 0 : i32
    %dma_start3A_639 = tpu.memref_slice %arg8[%dma_start3A_637, %dma_start3A_638] : memref<40x128xi32, #tpu.memory_space<vmem>> -> memref<8x128xi32, #tpu.memory_space<vmem>>
    %dma_start3A_640 = arith.constant 0 : i32
    %dma_start3A_641 = arith.constant 0 : i32
    %dma_start3A_642 = tpu.memref_slice %arg2[%dma_start3A_629, %add3A_613, %dma_start3A_640, %dma_start3A_641] : memref<25x128x8x128xi32, #tpu.memory_space<hbm>> -> memref<1x1x8x128xi32, #tpu.memory_space<hbm>>
    %dma_start3A_643 = tpu.memref_squeeze %dma_start3A_642 : memref<1x1x8x128xi32, #tpu.memory_space<hbm>> -> memref<8x128xi32, #tpu.memory_space<hbm>>
    tpu.enqueue_dma source(%dma_start3A_643 : memref<8x128xi32, #tpu.memory_space<hbm>>) target(%dma_start3A_639 : memref<8x128xi32, #tpu.memory_space<vmem>>) target_semaphore(%arg12 : memref<!tpu.dma_semaphore, #tpu.memory_space<semaphore_mem>>)
    %dma_start3A_644 = arith.constant 7 : i32
    %dma_start3A_645 = arith.constant 16 : i32
    %dma_start3A_646 = arith.constant 0 : i32
    %dma_start3A_647 = tpu.memref_slice %arg8[%dma_start3A_645, %dma_start3A_646] : memref<40x128xi32, #tpu.memory_space<vmem>> -> memref<8x128xi32, #tpu.memory_space<vmem>>
    %dma_start3A_648 = arith.constant 0 : i32
    %dma_start3A_649 = arith.constant 0 : i32
    %dma_start3A_650 = tpu.memref_slice %arg2[%dma_start3A_644, %add3A_613, %dma_start3A_648, %dma_start3A_649] : memref<25x128x8x128xi32, #tpu.memory_space<hbm>> -> memref<1x1x8x128xi32, #tpu.memory_space<hbm>>
    %dma_start3A_651 = tpu.memref_squeeze %dma_start3A_650 : memref<1x1x8x128xi32, #tpu.memory_space<hbm>> -> memref<8x128xi32, #tpu.memory_space<hbm>>
    %dma_start3A_652 = arith.constant 16 : i32
    %dma_start3A_653 = arith.constant 0 : i32
    %dma_start3A_654 = tpu.memref_slice %arg8[%dma_start3A_652, %dma_start3A_653] : memref<40x128xi32, #tpu.memory_space<vmem>> -> memref<8x128xi32, #tpu.memory_space<vmem>>
    %dma_start3A_655 = arith.constant 0 : i32
    %dma_start3A_656 = arith.constant 0 : i32
    %dma_start3A_657 = tpu.memref_slice %arg2[%dma_start3A_644, %add3A_613, %dma_start3A_655, %dma_start3A_656] : memref<25x128x8x128xi32, #tpu.memory_space<hbm>> -> memref<1x1x8x128xi32, #tpu.memory_space<hbm>>
    %dma_start3A_658 = tpu.memref_squeeze %dma_start3A_657 : memref<1x1x8x128xi32, #tpu.memory_space<hbm>> -> memref<8x128xi32, #tpu.memory_space<hbm>>
    tpu.enqueue_dma source(%dma_start3A_658 : memref<8x128xi32, #tpu.memory_space<hbm>>) target(%dma_start3A_654 : memref<8x128xi32, #tpu.memory_space<vmem>>) target_semaphore(%arg12 : memref<!tpu.dma_semaphore, #tpu.memory_space<semaphore_mem>>)
    %dma_start3A_659 = arith.constant 8 : i32
    %dma_start3A_660 = arith.constant 24 : i32
    %dma_start3A_661 = arith.constant 0 : i32
    %dma_start3A_662 = tpu.memref_slice %arg8[%dma_start3A_660, %dma_start3A_661] : memref<40x128xi32, #tpu.memory_space<vmem>> -> memref<8x128xi32, #tpu.memory_space<vmem>>
    %dma_start3A_663 = arith.constant 0 : i32
    %dma_start3A_664 = arith.constant 0 : i32
    %dma_start3A_665 = tpu.memref_slice %arg2[%dma_start3A_659, %add3A_613, %dma_start3A_663, %dma_start3A_664] : memref<25x128x8x128xi32, #tpu.memory_space<hbm>> -> memref<1x1x8x128xi32, #tpu.memory_space<hbm>>
    %dma_start3A_666 = tpu.memref_squeeze %dma_start3A_665 : memref<1x1x8x128xi32, #tpu.memory_space<hbm>> -> memref<8x128xi32, #tpu.memory_space<hbm>>
    %dma_start3A_667 = arith.constant 24 : i32
    %dma_start3A_668 = arith.constant 0 : i32
    %dma_start3A_669 = tpu.memref_slice %arg8[%dma_start3A_667, %dma_start3A_668] : memref<40x128xi32, #tpu.memory_space<vmem>> -> memref<8x128xi32, #tpu.memory_space<vmem>>
    %dma_start3A_670 = arith.constant 0 : i32
    %dma_start3A_671 = arith.constant 0 : i32
    %dma_start3A_672 = tpu.memref_slice %arg2[%dma_start3A_659, %add3A_613, %dma_start3A_670, %dma_start3A_671] : memref<25x128x8x128xi32, #tpu.memory_space<hbm>> -> memref<1x1x8x128xi32, #tpu.memory_space<hbm>>
    %dma_start3A_673 = tpu.memref_squeeze %dma_start3A_672 : memref<1x1x8x128xi32, #tpu.memory_space<hbm>> -> memref<8x128xi32, #tpu.memory_space<hbm>>
    tpu.enqueue_dma source(%dma_start3A_673 : memref<8x128xi32, #tpu.memory_space<hbm>>) target(%dma_start3A_669 : memref<8x128xi32, #tpu.memory_space<vmem>>) target_semaphore(%arg12 : memref<!tpu.dma_semaphore, #tpu.memory_space<semaphore_mem>>)
    %dma_start3A_674 = arith.constant 9 : i32
    %dma_start3A_675 = arith.constant 32 : i32
    %dma_start3A_676 = arith.constant 0 : i32
    %dma_start3A_677 = tpu.memref_slice %arg8[%dma_start3A_675, %dma_start3A_676] : memref<40x128xi32, #tpu.memory_space<vmem>> -> memref<8x128xi32, #tpu.memory_space<vmem>>
    %dma_start3A_678 = arith.constant 0 : i32
    %dma_start3A_679 = arith.constant 0 : i32
    %dma_start3A_680 = tpu.memref_slice %arg2[%dma_start3A_674, %add3A_613, %dma_start3A_678, %dma_start3A_679] : memref<25x128x8x128xi32, #tpu.memory_space<hbm>> -> memref<1x1x8x128xi32, #tpu.memory_space<hbm>>
    %dma_start3A_681 = tpu.memref_squeeze %dma_start3A_680 : memref<1x1x8x128xi32, #tpu.memory_space<hbm>> -> memref<8x128xi32, #tpu.memory_space<hbm>>
    %dma_start3A_682 = arith.constant 32 : i32
    %dma_start3A_683 = arith.constant 0 : i32
    %dma_start3A_684 = tpu.memref_slice %arg8[%dma_start3A_682, %dma_start3A_683] : memref<40x128xi32, #tpu.memory_space<vmem>> -> memref<8x128xi32, #tpu.memory_space<vmem>>
    %dma_start3A_685 = arith.constant 0 : i32
    %dma_start3A_686 = arith.constant 0 : i32
    %dma_start3A_687 = tpu.memref_slice %arg2[%dma_start3A_674, %add3A_613, %dma_start3A_685, %dma_start3A_686] : memref<25x128x8x128xi32, #tpu.memory_space<hbm>> -> memref<1x1x8x128xi32, #tpu.memory_space<hbm>>
    %dma_start3A_688 = tpu.memref_squeeze %dma_start3A_687 : memref<1x1x8x128xi32, #tpu.memory_space<hbm>> -> memref<8x128xi32, #tpu.memory_space<hbm>>
    tpu.enqueue_dma source(%dma_start3A_688 : memref<8x128xi32, #tpu.memory_space<hbm>>) target(%dma_start3A_684 : memref<8x128xi32, #tpu.memory_space<vmem>>) target_semaphore(%arg12 : memref<!tpu.dma_semaphore, #tpu.memory_space<semaphore_mem>>)
    %scan3A = arith.constant 0 : i32
    %scan3A_689 = arith.constant 10 : i32
    %scan3A_690 = arith.addi %scan3A, %scan3A_689 : i32
    %scan3A_691 = arith.constant 1 : i32
    scf.for %scan3A_716 = %scan3A to %scan3A_690 step %scan3A_691  : i32 {
      %mul3A_717 = arith.constant 2 : i32
      %mul3A_718 = arith.muli %scan3A_716, %mul3A_717 : i32
      %add3A_719 = arith.constant 0 : i32
      %add3A_720 = arith.addi %add3A_719, %mul3A_718 : i32
      %add3A_721 = arith.constant 0 : i32
      %add3A_722 = arith.addi %add3A_720, %add3A_721 : i32
      %jit3A = arith.constant 5 : i32
      %div3A = arith.divsi %add3A_722, %jit3A : i32
      %sign3A = arith.constant 0 : i32
      %sign3A_723 = arith.cmpi sgt, %add3A_722, %sign3A : i32
      %sign3A_724 = arith.extui %sign3A_723 : i1 to i32
      %sign3A_725 = arith.constant 0 : i32
      %sign3A_726 = arith.cmpi slt, %add3A_722, %sign3A_725 : i32
      %sign3A_727 = arith.extui %sign3A_726 : i1 to i32
      %sign3A_728 = arith.subi %sign3A_724, %sign3A_727 : i32
      %sign3A_729 = arith.constant 0 : i32
      %sign3A_730 = arith.cmpi sgt, %jit3A, %sign3A_729 : i32
      %sign3A_731 = arith.extui %sign3A_730 : i1 to i32
      %sign3A_732 = arith.constant 0 : i32
      %sign3A_733 = arith.cmpi slt, %jit3A, %sign3A_732 : i32
      %sign3A_734 = arith.extui %sign3A_733 : i1 to i32
      %sign3A_735 = arith.subi %sign3A_731, %sign3A_734 : i32
      %ne3A = arith.cmpi ne, %sign3A_728, %sign3A_735 : i32
      %rem3A = arith.remsi %add3A_722, %jit3A : i32
      %ne3A_736 = arith.constant 0 : i32
      %ne3A_737 = arith.cmpi ne, %rem3A, %ne3A_736 : i32
      %and3A = arith.andi %ne3A, %ne3A_737 : i1
      %sub3A = arith.constant 1 : i32
      %sub3A_738 = arith.subi %div3A, %sub3A : i32
      %select_n3A = arith.select %and3A, %sub3A_738, %div3A : i32
      %add3A_739 = arith.addi %mul3A_2, %select_n3A : i32
      %jit3A_740 = arith.constant 5 : i32
      %eq3A = arith.constant 0 : i32
      %eq3A_741 = arith.cmpi eq, %jit3A_740, %eq3A : i32
      %jit3A_742 = arith.constant 1 : i32
      %select_n3A_743 = arith.select %eq3A_741, %jit3A_742, %jit3A_740 : i32
      %rem3A_744 = arith.remsi %add3A_722, %select_n3A_743 : i32
      %ne3A_745 = arith.constant 0 : i32
      %ne3A_746 = arith.cmpi ne, %rem3A_744, %ne3A_745 : i32
      %lt3A = arith.constant 0 : i32
      %lt3A_747 = arith.cmpi slt, %rem3A_744, %lt3A : i32
      %lt3A_748 = arith.constant 0 : i32
      %lt3A_749 = arith.cmpi slt, %select_n3A_743, %lt3A_748 : i32
      %ne3A_750 = arith.xori %lt3A_747, %lt3A_749 : i1
      %and3A_751 = arith.andi %ne3A_750, %ne3A_746 : i1
      %add3A_752 = arith.addi %rem3A_744, %select_n3A_743 : i32
      %select_n3A_753 = arith.select %and3A_751, %add3A_752, %rem3A_744 : i32
      %mul3A_754 = arith.constant 5 : i32
      %mul3A_755 = arith.muli %select_n3A_753, %mul3A_754 : i32
      %add3A_756 = arith.constant 0 : i32
      %add3A_757 = arith.addi %mul3A_755, %add3A_756 : i32
      %add3A_758 = arith.constant 1 : i32
      %add3A_759 = arith.addi %mul3A_755, %add3A_758 : i32
      %add3A_760 = arith.constant 2 : i32
      %add3A_761 = arith.addi %mul3A_755, %add3A_760 : i32
      %add3A_762 = arith.constant 3 : i32
      %add3A_763 = arith.addi %mul3A_755, %add3A_762 : i32
      %add3A_764 = arith.constant 4 : i32
      %add3A_765 = arith.addi %mul3A_755, %add3A_764 : i32
      %dma_wait3A_766 = arith.constant 0 : i32
      %dma_wait3A_767 = arith.constant 0 : i32
      %dma_wait3A_768 = tpu.memref_slice %arg7[%dma_wait3A_766, %dma_wait3A_767] : memref<40x128xi32, #tpu.memory_space<vmem>> -> memref<8x128xi32, #tpu.memory_space<vmem>>
      %dma_wait3A_769 = arith.constant 0 : i32
      %dma_wait3A_770 = arith.constant 0 : i32
      %dma_wait3A_771 = tpu.memref_slice %arg2[%add3A_757, %add3A_739, %dma_wait3A_769, %dma_wait3A_770] : memref<25x128x8x128xi32, #tpu.memory_space<hbm>> -> memref<1x1x8x128xi32, #tpu.memory_space<hbm>>
      %dma_wait3A_772 = tpu.memref_squeeze %dma_wait3A_771 : memref<1x1x8x128xi32, #tpu.memory_space<hbm>> -> memref<8x128xi32, #tpu.memory_space<hbm>>
      %dma_wait3A_773 = arith.constant 0 : i32
      %dma_wait3A_774 = arith.constant 0 : i32
      %dma_wait3A_775 = tpu.memref_slice %arg7[%dma_wait3A_773, %dma_wait3A_774] : memref<40x128xi32, #tpu.memory_space<vmem>> -> memref<8x128xi32, #tpu.memory_space<vmem>>
      %dma_wait3A_776 = arith.constant 0 : i32
      %dma_wait3A_777 = arith.constant 0 : i32
      %dma_wait3A_778 = tpu.memref_slice %arg2[%add3A_757, %add3A_739, %dma_wait3A_776, %dma_wait3A_777] : memref<25x128x8x128xi32, #tpu.memory_space<hbm>> -> memref<1x1x8x128xi32, #tpu.memory_space<hbm>>
      %dma_wait3A_779 = tpu.memref_squeeze %dma_wait3A_778 : memref<1x1x8x128xi32, #tpu.memory_space<hbm>> -> memref<8x128xi32, #tpu.memory_space<hbm>>
      tpu.wait_dma2 semaphore(%arg11 : memref<!tpu.dma_semaphore, #tpu.memory_space<semaphore_mem>>) src(%dma_wait3A_779 : memref<8x128xi32, #tpu.memory_space<hbm>>) dst(%dma_wait3A_775 : memref<8x128xi32, #tpu.memory_space<vmem>>)
      %dma_wait3A_780 = arith.constant 8 : i32
      %dma_wait3A_781 = arith.constant 0 : i32
      %dma_wait3A_782 = tpu.memref_slice %arg7[%dma_wait3A_780, %dma_wait3A_781] : memref<40x128xi32, #tpu.memory_space<vmem>> -> memref<8x128xi32, #tpu.memory_space<vmem>>
      %dma_wait3A_783 = arith.constant 0 : i32
      %dma_wait3A_784 = arith.constant 0 : i32
      %dma_wait3A_785 = tpu.memref_slice %arg2[%add3A_759, %add3A_739, %dma_wait3A_783, %dma_wait3A_784] : memref<25x128x8x128xi32, #tpu.memory_space<hbm>> -> memref<1x1x8x128xi32, #tpu.memory_space<hbm>>
      %dma_wait3A_786 = tpu.memref_squeeze %dma_wait3A_785 : memref<1x1x8x128xi32, #tpu.memory_space<hbm>> -> memref<8x128xi32, #tpu.memory_space<hbm>>
      %dma_wait3A_787 = arith.constant 8 : i32
      %dma_wait3A_788 = arith.constant 0 : i32
      %dma_wait3A_789 = tpu.memref_slice %arg7[%dma_wait3A_787, %dma_wait3A_788] : memref<40x128xi32, #tpu.memory_space<vmem>> -> memref<8x128xi32, #tpu.memory_space<vmem>>
      %dma_wait3A_790 = arith.constant 0 : i32
      %dma_wait3A_791 = arith.constant 0 : i32
      %dma_wait3A_792 = tpu.memref_slice %arg2[%add3A_759, %add3A_739, %dma_wait3A_790, %dma_wait3A_791] : memref<25x128x8x128xi32, #tpu.memory_space<hbm>> -> memref<1x1x8x128xi32, #tpu.memory_space<hbm>>
      %dma_wait3A_793 = tpu.memref_squeeze %dma_wait3A_792 : memref<1x1x8x128xi32, #tpu.memory_space<hbm>> -> memref<8x128xi32, #tpu.memory_space<hbm>>
      tpu.wait_dma2 semaphore(%arg11 : memref<!tpu.dma_semaphore, #tpu.memory_space<semaphore_mem>>) src(%dma_wait3A_793 : memref<8x128xi32, #tpu.memory_space<hbm>>) dst(%dma_wait3A_789 : memref<8x128xi32, #tpu.memory_space<vmem>>)
      %dma_wait3A_794 = arith.constant 16 : i32
      %dma_wait3A_795 = arith.constant 0 : i32
      %dma_wait3A_796 = tpu.memref_slice %arg7[%dma_wait3A_794, %dma_wait3A_795] : memref<40x128xi32, #tpu.memory_space<vmem>> -> memref<8x128xi32, #tpu.memory_space<vmem>>
      %dma_wait3A_797 = arith.constant 0 : i32
      %dma_wait3A_798 = arith.constant 0 : i32
      %dma_wait3A_799 = tpu.memref_slice %arg2[%add3A_761, %add3A_739, %dma_wait3A_797, %dma_wait3A_798] : memref<25x128x8x128xi32, #tpu.memory_space<hbm>> -> memref<1x1x8x128xi32, #tpu.memory_space<hbm>>
      %dma_wait3A_800 = tpu.memref_squeeze %dma_wait3A_799 : memref<1x1x8x128xi32, #tpu.memory_space<hbm>> -> memref<8x128xi32, #tpu.memory_space<hbm>>
      %dma_wait3A_801 = arith.constant 16 : i32
      %dma_wait3A_802 = arith.constant 0 : i32
      %dma_wait3A_803 = tpu.memref_slice %arg7[%dma_wait3A_801, %dma_wait3A_802] : memref<40x128xi32, #tpu.memory_space<vmem>> -> memref<8x128xi32, #tpu.memory_space<vmem>>
      %dma_wait3A_804 = arith.constant 0 : i32
      %dma_wait3A_805 = arith.constant 0 : i32
      %dma_wait3A_806 = tpu.memref_slice %arg2[%add3A_761, %add3A_739, %dma_wait3A_804, %dma_wait3A_805] : memref<25x128x8x128xi32, #tpu.memory_space<hbm>> -> memref<1x1x8x128xi32, #tpu.memory_space<hbm>>
      %dma_wait3A_807 = tpu.memref_squeeze %dma_wait3A_806 : memref<1x1x8x128xi32, #tpu.memory_space<hbm>> -> memref<8x128xi32, #tpu.memory_space<hbm>>
      tpu.wait_dma2 semaphore(%arg11 : memref<!tpu.dma_semaphore, #tpu.memory_space<semaphore_mem>>) src(%dma_wait3A_807 : memref<8x128xi32, #tpu.memory_space<hbm>>) dst(%dma_wait3A_803 : memref<8x128xi32, #tpu.memory_space<vmem>>)
      %dma_wait3A_808 = arith.constant 24 : i32
      %dma_wait3A_809 = arith.constant 0 : i32
      %dma_wait3A_810 = tpu.memref_slice %arg7[%dma_wait3A_808, %dma_wait3A_809] : memref<40x128xi32, #tpu.memory_space<vmem>> -> memref<8x128xi32, #tpu.memory_space<vmem>>
      %dma_wait3A_811 = arith.constant 0 : i32
      %dma_wait3A_812 = arith.constant 0 : i32
      %dma_wait3A_813 = tpu.memref_slice %arg2[%add3A_763, %add3A_739, %dma_wait3A_811, %dma_wait3A_812] : memref<25x128x8x128xi32, #tpu.memory_space<hbm>> -> memref<1x1x8x128xi32, #tpu.memory_space<hbm>>
      %dma_wait3A_814 = tpu.memref_squeeze %dma_wait3A_813 : memref<1x1x8x128xi32, #tpu.memory_space<hbm>> -> memref<8x128xi32, #tpu.memory_space<hbm>>
      %dma_wait3A_815 = arith.constant 24 : i32
      %dma_wait3A_816 = arith.constant 0 : i32
      %dma_wait3A_817 = tpu.memref_slice %arg7[%dma_wait3A_815, %dma_wait3A_816] : memref<40x128xi32, #tpu.memory_space<vmem>> -> memref<8x128xi32, #tpu.memory_space<vmem>>
      %dma_wait3A_818 = arith.constant 0 : i32
      %dma_wait3A_819 = arith.constant 0 : i32
      %dma_wait3A_820 = tpu.memref_slice %arg2[%add3A_763, %add3A_739, %dma_wait3A_818, %dma_wait3A_819] : memref<25x128x8x128xi32, #tpu.memory_space<hbm>> -> memref<1x1x8x128xi32, #tpu.memory_space<hbm>>
      %dma_wait3A_821 = tpu.memref_squeeze %dma_wait3A_820 : memref<1x1x8x128xi32, #tpu.memory_space<hbm>> -> memref<8x128xi32, #tpu.memory_space<hbm>>
      tpu.wait_dma2 semaphore(%arg11 : memref<!tpu.dma_semaphore, #tpu.memory_space<semaphore_mem>>) src(%dma_wait3A_821 : memref<8x128xi32, #tpu.memory_space<hbm>>) dst(%dma_wait3A_817 : memref<8x128xi32, #tpu.memory_space<vmem>>)
      %dma_wait3A_822 = arith.constant 32 : i32
      %dma_wait3A_823 = arith.constant 0 : i32
      %dma_wait3A_824 = tpu.memref_slice %arg7[%dma_wait3A_822, %dma_wait3A_823] : memref<40x128xi32, #tpu.memory_space<vmem>> -> memref<8x128xi32, #tpu.memory_space<vmem>>
      %dma_wait3A_825 = arith.constant 0 : i32
      %dma_wait3A_826 = arith.constant 0 : i32
      %dma_wait3A_827 = tpu.memref_slice %arg2[%add3A_765, %add3A_739, %dma_wait3A_825, %dma_wait3A_826] : memref<25x128x8x128xi32, #tpu.memory_space<hbm>> -> memref<1x1x8x128xi32, #tpu.memory_space<hbm>>
      %dma_wait3A_828 = tpu.memref_squeeze %dma_wait3A_827 : memref<1x1x8x128xi32, #tpu.memory_space<hbm>> -> memref<8x128xi32, #tpu.memory_space<hbm>>
      %dma_wait3A_829 = arith.constant 32 : i32
      %dma_wait3A_830 = arith.constant 0 : i32
      %dma_wait3A_831 = tpu.memref_slice %arg7[%dma_wait3A_829, %dma_wait3A_830] : memref<40x128xi32, #tpu.memory_space<vmem>> -> memref<8x128xi32, #tpu.memory_space<vmem>>
      %dma_wait3A_832 = arith.constant 0 : i32
      %dma_wait3A_833 = arith.constant 0 : i32
      %dma_wait3A_834 = tpu.memref_slice %arg2[%add3A_765, %add3A_739, %dma_wait3A_832, %dma_wait3A_833] : memref<25x128x8x128xi32, #tpu.memory_space<hbm>> -> memref<1x1x8x128xi32, #tpu.memory_space<hbm>>
      %dma_wait3A_835 = tpu.memref_squeeze %dma_wait3A_834 : memref<1x1x8x128xi32, #tpu.memory_space<hbm>> -> memref<8x128xi32, #tpu.memory_space<hbm>>
      tpu.wait_dma2 semaphore(%arg11 : memref<!tpu.dma_semaphore, #tpu.memory_space<semaphore_mem>>) src(%dma_wait3A_835 : memref<8x128xi32, #tpu.memory_space<hbm>>) dst(%dma_wait3A_831 : memref<8x128xi32, #tpu.memory_space<vmem>>)
      %ge3A = arith.constant 2 : i32
      %ge3A_836 = arith.cmpi sge, %add3A_722, %ge3A : i32
      %convert_element_type3A = arith.extui %ge3A_836 : i1 to i32
      %cond3A = arith.constant 0 : i32
      %cond3A_837 = arith.cmpi ne, %convert_element_type3A, %cond3A : i32
      scf.if %cond3A_837 {
        %sub3A_1089 = arith.constant 2 : i32
        %sub3A_1090 = arith.subi %add3A_722, %sub3A_1089 : i32
        %jit3A_1091 = arith.constant 5 : i32
        %div3A_1092 = arith.divsi %sub3A_1090, %jit3A_1091 : i32
        %sign3A_1093 = arith.constant 0 : i32
        %sign3A_1094 = arith.cmpi sgt, %sub3A_1090, %sign3A_1093 : i32
        %sign3A_1095 = arith.extui %sign3A_1094 : i1 to i32
        %sign3A_1096 = arith.constant 0 : i32
        %sign3A_1097 = arith.cmpi slt, %sub3A_1090, %sign3A_1096 : i32
        %sign3A_1098 = arith.extui %sign3A_1097 : i1 to i32
        %sign3A_1099 = arith.subi %sign3A_1095, %sign3A_1098 : i32
        %sign3A_1100 = arith.constant 0 : i32
        %sign3A_1101 = arith.cmpi sgt, %jit3A_1091, %sign3A_1100 : i32
        %sign3A_1102 = arith.extui %sign3A_1101 : i1 to i32
        %sign3A_1103 = arith.constant 0 : i32
        %sign3A_1104 = arith.cmpi slt, %jit3A_1091, %sign3A_1103 : i32
        %sign3A_1105 = arith.extui %sign3A_1104 : i1 to i32
        %sign3A_1106 = arith.subi %sign3A_1102, %sign3A_1105 : i32
        %ne3A_1107 = arith.cmpi ne, %sign3A_1099, %sign3A_1106 : i32
        %rem3A_1108 = arith.remsi %sub3A_1090, %jit3A_1091 : i32
        %ne3A_1109 = arith.constant 0 : i32
        %ne3A_1110 = arith.cmpi ne, %rem3A_1108, %ne3A_1109 : i32
        %and3A_1111 = arith.andi %ne3A_1107, %ne3A_1110 : i1
        %sub3A_1112 = arith.constant 1 : i32
        %sub3A_1113 = arith.subi %div3A_1092, %sub3A_1112 : i32
        %select_n3A_1114 = arith.select %and3A_1111, %sub3A_1113, %div3A_1092 : i32
        %add3A_1115 = arith.addi %mul3A_2, %select_n3A_1114 : i32
        %jit3A_1116 = arith.constant 5 : i32
        %eq3A_1117 = arith.constant 0 : i32
        %eq3A_1118 = arith.cmpi eq, %jit3A_1116, %eq3A_1117 : i32
        %jit3A_1119 = arith.constant 1 : i32
        %select_n3A_1120 = arith.select %eq3A_1118, %jit3A_1119, %jit3A_1116 : i32
        %rem3A_1121 = arith.remsi %sub3A_1090, %select_n3A_1120 : i32
        %ne3A_1122 = arith.constant 0 : i32
        %ne3A_1123 = arith.cmpi ne, %rem3A_1121, %ne3A_1122 : i32
        %lt3A_1124 = arith.constant 0 : i32
        %lt3A_1125 = arith.cmpi slt, %rem3A_1121, %lt3A_1124 : i32
        %lt3A_1126 = arith.constant 0 : i32
        %lt3A_1127 = arith.cmpi slt, %select_n3A_1120, %lt3A_1126 : i32
        %ne3A_1128 = arith.xori %lt3A_1125, %lt3A_1127 : i1
        %and3A_1129 = arith.andi %ne3A_1128, %ne3A_1123 : i1
        %add3A_1130 = arith.addi %rem3A_1121, %select_n3A_1120 : i32
        %select_n3A_1131 = arith.select %and3A_1129, %add3A_1130, %rem3A_1121 : i32
        %mul3A_1132 = arith.constant 40 : i32
        %mul3A_1133 = arith.muli %select_n3A_1131, %mul3A_1132 : i32
        %dma_wait3A_1134 = arith.constant 0 : i32
        %dma_wait3A_1135 = arith.constant 0 : i32
        %dma_wait3A_1136 = tpu.memref_slice %arg4[%mul3A_1133, %add3A_1115, %dma_wait3A_1134, %dma_wait3A_1135] : memref<200x128x4x128xf32, #tpu.memory_space<hbm>> -> memref<40x1x4x128xf32, #tpu.memory_space<hbm>>
        %dma_wait3A_1137 = tpu.memref_squeeze %dma_wait3A_1136 : memref<40x1x4x128xf32, #tpu.memory_space<hbm>> -> memref<40x4x128xf32, #tpu.memory_space<hbm>>
        %dma_wait3A_1138 = arith.constant 0 : i32
        %dma_wait3A_1139 = arith.constant 0 : i32
        %dma_wait3A_1140 = tpu.memref_slice %arg4[%mul3A_1133, %add3A_1115, %dma_wait3A_1138, %dma_wait3A_1139] : memref<200x128x4x128xf32, #tpu.memory_space<hbm>> -> memref<40x1x4x128xf32, #tpu.memory_space<hbm>>
        %dma_wait3A_1141 = tpu.memref_squeeze %dma_wait3A_1140 : memref<40x1x4x128xf32, #tpu.memory_space<hbm>> -> memref<40x4x128xf32, #tpu.memory_space<hbm>>
        tpu.wait_dma2 semaphore(%arg13 : memref<!tpu.dma_semaphore, #tpu.memory_space<semaphore_mem>>) src(%arg9 : memref<40x4x128xf32, #tpu.memory_space<vmem>>) dst(%dma_wait3A_1141 : memref<40x4x128xf32, #tpu.memory_space<hbm>>)
      } else {
      }
      %parallel_loop3A = arith.constant 0 : i32
      %parallel_loop3A_838 = arith.constant 40 : i32
      %parallel_loop3A_839 = arith.constant 1 : i32
      scf.for %parallel_loop3A_1089 = %parallel_loop3A to %parallel_loop3A_838 step %parallel_loop3A_839  : i32 {
        %parallel_loop3A_1090 = arith.index_cast %parallel_loop3A_1089 : i32 to index
        %parallel_loop3A_1091 = arith.constant 0 : index
        %parallel_loop3A_1092 = tpu.vector_load %arg7[%parallel_loop3A_1090, %parallel_loop3A_1091] {strides = array<i32>} : memref<40x128xi32, #tpu.memory_space<vmem>>, vector<16xi32>,
        %parallel_loop3A_1093 = arith.constant 64 : i32
        %parallel_loop3A_1094 = vector.broadcast %parallel_loop3A_1093 : i32 to vector<16xi32>
        %parallel_loop3A_1095 = arith.muli %parallel_loop3A_1092, %parallel_loop3A_1094 : vector<16xi32>
        %parallel_loop3A_1096 = arith.addi %parallel_loop3A_1095, %add3A_5 : vector<16xi32>
        %parallel_loop3A_1097 = tpu.vector_load_idx %arg6[%parallel_loop3A_1096] : memref<640xf32, #tpu.memory_space<vmem>>[vector<16xi32>], vector<16xf32>,
        %parallel_loop3A_1098 = arith.constant 0 : i32
        %parallel_loop3A_1099 = arith.index_cast %parallel_loop3A_1089 : i32 to index
        %parallel_loop3A_1100 = arith.index_cast %parallel_loop3A_1098 : i32 to index
        %parallel_loop3A_1101 = arith.constant 0 : index
        %parallel_loop3A_1102 = tpu.vector_load %arg9[%parallel_loop3A_1099, %parallel_loop3A_1100, %parallel_loop3A_1101] {strides = array<i32>} : memref<40x4x128xf32, #tpu.memory_space<vmem>>, vector<16xf32>,
        tpu.vector_store %arg9[%parallel_loop3A_1099, %parallel_loop3A_1100, %parallel_loop3A_1101], %parallel_loop3A_1097 {strides = array<i32>} : memref<40x4x128xf32, #tpu.memory_space<vmem>>, vector<16xf32>,
        %parallel_loop3A_1103 = arith.addi %parallel_loop3A_1095, %add3A_8 : vector<16xi32>
        %parallel_loop3A_1104 = tpu.vector_load_idx %arg6[%parallel_loop3A_1103] : memref<640xf32, #tpu.memory_space<vmem>>[vector<16xi32>], vector<16xf32>,
        %parallel_loop3A_1105 = arith.constant 1 : i32
        %parallel_loop3A_1106 = arith.index_cast %parallel_loop3A_1089 : i32 to index
        %parallel_loop3A_1107 = arith.index_cast %parallel_loop3A_1105 : i32 to index
        %parallel_loop3A_1108 = arith.constant 0 : index
        %parallel_loop3A_1109 = tpu.vector_load %arg9[%parallel_loop3A_1106, %parallel_loop3A_1107, %parallel_loop3A_1108] {strides = array<i32>} : memref<40x4x128xf32, #tpu.memory_space<vmem>>, vector<16xf32>,
        tpu.vector_store %arg9[%parallel_loop3A_1106, %parallel_loop3A_1107, %parallel_loop3A_1108], %parallel_loop3A_1104 {strides = array<i32>} : memref<40x4x128xf32, #tpu.memory_space<vmem>>, vector<16xf32>,
        %parallel_loop3A_1110 = arith.addi %parallel_loop3A_1095, %add3A_11 : vector<16xi32>
        %parallel_loop3A_1111 = tpu.vector_load_idx %arg6[%parallel_loop3A_1110] : memref<640xf32, #tpu.memory_space<vmem>>[vector<16xi32>], vector<16xf32>,
        %parallel_loop3A_1112 = arith.constant 2 : i32
        %parallel_loop3A_1113 = arith.index_cast %parallel_loop3A_1089 : i32 to index
        %parallel_loop3A_1114 = arith.index_cast %parallel_loop3A_1112 : i32 to index
        %parallel_loop3A_1115 = arith.constant 0 : index
        %parallel_loop3A_1116 = tpu.vector_load %arg9[%parallel_loop3A_1113, %parallel_loop3A_1114, %parallel_loop3A_1115] {strides = array<i32>} : memref<40x4x128xf32, #tpu.memory_space<vmem>>, vector<16xf32>,
        tpu.vector_store %arg9[%parallel_loop3A_1113, %parallel_loop3A_1114, %parallel_loop3A_1115], %parallel_loop3A_1111 {strides = array<i32>} : memref<40x4x128xf32, #tpu.memory_space<vmem>>, vector<16xf32>,
        %parallel_loop3A_1117 = arith.addi %parallel_loop3A_1095, %add3A_14 : vector<16xi32>
        %parallel_loop3A_1118 = tpu.vector_load_idx %arg6[%parallel_loop3A_1117] : memref<640xf32, #tpu.memory_space<vmem>>[vector<16xi32>], vector<16xf32>,
        %parallel_loop3A_1119 = arith.constant 3 : i32
        %parallel_loop3A_1120 = arith.index_cast %parallel_loop3A_1089 : i32 to index
        %parallel_loop3A_1121 = arith.index_cast %parallel_loop3A_1119 : i32 to index
        %parallel_loop3A_1122 = arith.constant 0 : index
        %parallel_loop3A_1123 = tpu.vector_load %arg9[%parallel_loop3A_1120, %parallel_loop3A_1121, %parallel_loop3A_1122] {strides = array<i32>} : memref<40x4x128xf32, #tpu.memory_space<vmem>>, vector<16xf32>,
        tpu.vector_store %arg9[%parallel_loop3A_1120, %parallel_loop3A_1121, %parallel_loop3A_1122], %parallel_loop3A_1118 {strides = array<i32>} : memref<40x4x128xf32, #tpu.memory_space<vmem>>, vector<16xf32>,
        %parallel_loop3A_1124 = arith.index_cast %parallel_loop3A_1089 : i32 to index
        %parallel_loop3A_1125 = arith.constant 16 : index
        %parallel_loop3A_1126 = tpu.vector_load %arg7[%parallel_loop3A_1124, %parallel_loop3A_1125] {strides = array<i32>} : memref<40x128xi32, #tpu.memory_space<vmem>>, vector<16xi32>,
        %parallel_loop3A_1127 = arith.constant 64 : i32
        %parallel_loop3A_1128 = vector.broadcast %parallel_loop3A_1127 : i32 to vector<16xi32>
        %parallel_loop3A_1129 = arith.muli %parallel_loop3A_1126, %parallel_loop3A_1128 : vector<16xi32>
        %parallel_loop3A_1130 = arith.addi %parallel_loop3A_1129, %add3A_5 : vector<16xi32>
        %parallel_loop3A_1131 = tpu.vector_load_idx %arg6[%parallel_loop3A_1130] : memref<640xf32, #tpu.memory_space<vmem>>[vector<16xi32>], vector<16xf32>,
        %parallel_loop3A_1132 = arith.constant 0 : i32
        %parallel_loop3A_1133 = arith.index_cast %parallel_loop3A_1089 : i32 to index
        %parallel_loop3A_1134 = arith.index_cast %parallel_loop3A_1132 : i32 to index
        %parallel_loop3A_1135 = arith.constant 16 : index
        %parallel_loop3A_1136 = tpu.vector_load %arg9[%parallel_loop3A_1133, %parallel_loop3A_1134, %parallel_loop3A_1135] {strides = array<i32>} : memref<40x4x128xf32, #tpu.memory_space<vmem>>, vector<16xf32>,
        tpu.vector_store %arg9[%parallel_loop3A_1133, %parallel_loop3A_1134, %parallel_loop3A_1135], %parallel_loop3A_1131 {strides = array<i32>} : memref<40x4x128xf32, #tpu.memory_space<vmem>>, vector<16xf32>,
        %parallel_loop3A_1137 = arith.addi %parallel_loop3A_1129, %add3A_8 : vector<16xi32>
        %parallel_loop3A_1138 = tpu.vector_load_idx %arg6[%parallel_loop3A_1137] : memref<640xf32, #tpu.memory_space<vmem>>[vector<16xi32>], vector<16xf32>,
        %parallel_loop3A_1139 = arith.constant 1 : i32
        %parallel_loop3A_1140 = arith.index_cast %parallel_loop3A_1089 : i32 to index
        %parallel_loop3A_1141 = arith.index_cast %parallel_loop3A_1139 : i32 to index
        %parallel_loop3A_1142 = arith.constant 16 : index
        %parallel_loop3A_1143 = tpu.vector_load %arg9[%parallel_loop3A_1140, %parallel_loop3A_1141, %parallel_loop3A_1142] {strides = array<i32>} : memref<40x4x128xf32, #tpu.memory_space<vmem>>, vector<16xf32>,
        tpu.vector_store %arg9[%parallel_loop3A_1140, %parallel_loop3A_1141, %parallel_loop3A_1142], %parallel_loop3A_1138 {strides = array<i32>} : memref<40x4x128xf32, #tpu.memory_space<vmem>>, vector<16xf32>,
        %parallel_loop3A_1144 = arith.addi %parallel_loop3A_1129, %add3A_11 : vector<16xi32>
        %parallel_loop3A_1145 = tpu.vector_load_idx %arg6[%parallel_loop3A_1144] : memref<640xf32, #tpu.memory_space<vmem>>[vector<16xi32>], vector<16xf32>,
        %parallel_loop3A_1146 = arith.constant 2 : i32
        %parallel_loop3A_1147 = arith.index_cast %parallel_loop3A_1089 : i32 to index
        %parallel_loop3A_1148 = arith.index_cast %parallel_loop3A_1146 : i32 to index
        %parallel_loop3A_1149 = arith.constant 16 : index
        %parallel_loop3A_1150 = tpu.vector_load %arg9[%parallel_loop3A_1147, %parallel_loop3A_1148, %parallel_loop3A_1149] {strides = array<i32>} : memref<40x4x128xf32, #tpu.memory_space<vmem>>, vector<16xf32>,
        tpu.vector_store %arg9[%parallel_loop3A_1147, %parallel_loop3A_1148, %parallel_loop3A_1149], %parallel_loop3A_1145 {strides = array<i32>} : memref<40x4x128xf32, #tpu.memory_space<vmem>>, vector<16xf32>,
        %parallel_loop3A_1151 = arith.addi %parallel_loop3A_1129, %add3A_14 : vector<16xi32>
        %parallel_loop3A_1152 = tpu.vector_load_idx %arg6[%parallel_loop3A_1151] : memref<640xf32, #tpu.memory_space<vmem>>[vector<16xi32>], vector<16xf32>,
        %parallel_loop3A_1153 = arith.constant 3 : i32
        %parallel_loop3A_1154 = arith.index_cast %parallel_loop3A_1089 : i32 to index
        %parallel_loop3A_1155 = arith.index_cast %parallel_loop3A_1153 : i32 to index
        %parallel_loop3A_1156 = arith.constant 16 : index
        %parallel_loop3A_1157 = tpu.vector_load %arg9[%parallel_loop3A_1154, %parallel_loop3A_1155, %parallel_loop3A_1156] {strides = array<i32>} : memref<40x4x128xf32, #tpu.memory_space<vmem>>, vector<16xf32>,
        tpu.vector_store %arg9[%parallel_loop3A_1154, %parallel_loop3A_1155, %parallel_loop3A_1156], %parallel_loop3A_1152 {strides = array<i32>} : memref<40x4x128xf32, #tpu.memory_space<vmem>>, vector<16xf32>,
        %parallel_loop3A_1158 = arith.index_cast %parallel_loop3A_1089 : i32 to index
        %parallel_loop3A_1159 = arith.constant 32 : index
        %parallel_loop3A_1160 = tpu.vector_load %arg7[%parallel_loop3A_1158, %parallel_loop3A_1159] {strides = array<i32>} : memref<40x128xi32, #tpu.memory_space<vmem>>, vector<16xi32>,
        %parallel_loop3A_1161 = arith.constant 64 : i32
        %parallel_loop3A_1162 = vector.broadcast %parallel_loop3A_1161 : i32 to vector<16xi32>
        %parallel_loop3A_1163 = arith.muli %parallel_loop3A_1160, %parallel_loop3A_1162 : vector<16xi32>
        %parallel_loop3A_1164 = arith.addi %parallel_loop3A_1163, %add3A_5 : vector<16xi32>
        %parallel_loop3A_1165 = tpu.vector_load_idx %arg6[%parallel_loop3A_1164] : memref<640xf32, #tpu.memory_space<vmem>>[vector<16xi32>], vector<16xf32>,
        %parallel_loop3A_1166 = arith.constant 0 : i32
        %parallel_loop3A_1167 = arith.index_cast %parallel_loop3A_1089 : i32 to index
        %parallel_loop3A_1168 = arith.index_cast %parallel_loop3A_1166 : i32 to index
        %parallel_loop3A_1169 = arith.constant 32 : index
        %parallel_loop3A_1170 = tpu.vector_load %arg9[%parallel_loop3A_1167, %parallel_loop3A_1168, %parallel_loop3A_1169] {strides = array<i32>} : memref<40x4x128xf32, #tpu.memory_space<vmem>>, vector<16xf32>,
        tpu.vector_store %arg9[%parallel_loop3A_1167, %parallel_loop3A_1168, %parallel_loop3A_1169], %parallel_loop3A_1165 {strides = array<i32>} : memref<40x4x128xf32, #tpu.memory_space<vmem>>, vector<16xf32>,
        %parallel_loop3A_1171 = arith.addi %parallel_loop3A_1163, %add3A_8 : vector<16xi32>
        %parallel_loop3A_1172 = tpu.vector_load_idx %arg6[%parallel_loop3A_1171] : memref<640xf32, #tpu.memory_space<vmem>>[vector<16xi32>], vector<16xf32>,
        %parallel_loop3A_1173 = arith.constant 1 : i32
        %parallel_loop3A_1174 = arith.index_cast %parallel_loop3A_1089 : i32 to index
        %parallel_loop3A_1175 = arith.index_cast %parallel_loop3A_1173 : i32 to index
        %parallel_loop3A_1176 = arith.constant 32 : index
        %parallel_loop3A_1177 = tpu.vector_load %arg9[%parallel_loop3A_1174, %parallel_loop3A_1175, %parallel_loop3A_1176] {strides = array<i32>} : memref<40x4x128xf32, #tpu.memory_space<vmem>>, vector<16xf32>,
        tpu.vector_store %arg9[%parallel_loop3A_1174, %parallel_loop3A_1175, %parallel_loop3A_1176], %parallel_loop3A_1172 {strides = array<i32>} : memref<40x4x128xf32, #tpu.memory_space<vmem>>, vector<16xf32>,
        %parallel_loop3A_1178 = arith.addi %parallel_loop3A_1163, %add3A_11 : vector<16xi32>
        %parallel_loop3A_1179 = tpu.vector_load_idx %arg6[%parallel_loop3A_1178] : memref<640xf32, #tpu.memory_space<vmem>>[vector<16xi32>], vector<16xf32>,
        %parallel_loop3A_1180 = arith.constant 2 : i32
        %parallel_loop3A_1181 = arith.index_cast %parallel_loop3A_1089 : i32 to index
        %parallel_loop3A_1182 = arith.index_cast %parallel_loop3A_1180 : i32 to index
        %parallel_loop3A_1183 = arith.constant 32 : index
        %parallel_loop3A_1184 = tpu.vector_load %arg9[%parallel_loop3A_1181, %parallel_loop3A_1182, %parallel_loop3A_1183] {strides = array<i32>} : memref<40x4x128xf32, #tpu.memory_space<vmem>>, vector<16xf32>,
        tpu.vector_store %arg9[%parallel_loop3A_1181, %parallel_loop3A_1182, %parallel_loop3A_1183], %parallel_loop3A_1179 {strides = array<i32>} : memref<40x4x128xf32, #tpu.memory_space<vmem>>, vector<16xf32>,
        %parallel_loop3A_1185 = arith.addi %parallel_loop3A_1163, %add3A_14 : vector<16xi32>
        %parallel_loop3A_1186 = tpu.vector_load_idx %arg6[%parallel_loop3A_1185] : memref<640xf32, #tpu.memory_space<vmem>>[vector<16xi32>], vector<16xf32>,
        %parallel_loop3A_1187 = arith.constant 3 : i32
        %parallel_loop3A_1188 = arith.index_cast %parallel_loop3A_1089 : i32 to index
        %parallel_loop3A_1189 = arith.index_cast %parallel_loop3A_1187 : i32 to index
        %parallel_loop3A_1190 = arith.constant 32 : index
        %parallel_loop3A_1191 = tpu.vector_load %arg9[%parallel_loop3A_1188, %parallel_loop3A_1189, %parallel_loop3A_1190] {strides = array<i32>} : memref<40x4x128xf32, #tpu.memory_space<vmem>>, vector<16xf32>,
        tpu.vector_store %arg9[%parallel_loop3A_1188, %parallel_loop3A_1189, %parallel_loop3A_1190], %parallel_loop3A_1186 {strides = array<i32>} : memref<40x4x128xf32, #tpu.memory_space<vmem>>, vector<16xf32>,
        %parallel_loop3A_1192 = arith.index_cast %parallel_loop3A_1089 : i32 to index
        %parallel_loop3A_1193 = arith.constant 48 : index
        %parallel_loop3A_1194 = tpu.vector_load %arg7[%parallel_loop3A_1192, %parallel_loop3A_1193] {strides = array<i32>} : memref<40x128xi32, #tpu.memory_space<vmem>>, vector<16xi32>,
        %parallel_loop3A_1195 = arith.constant 64 : i32
        %parallel_loop3A_1196 = vector.broadcast %parallel_loop3A_1195 : i32 to vector<16xi32>
        %parallel_loop3A_1197 = arith.muli %parallel_loop3A_1194, %parallel_loop3A_1196 : vector<16xi32>
        %parallel_loop3A_1198 = arith.addi %parallel_loop3A_1197, %add3A_5 : vector<16xi32>
        %parallel_loop3A_1199 = tpu.vector_load_idx %arg6[%parallel_loop3A_1198] : memref<640xf32, #tpu.memory_space<vmem>>[vector<16xi32>], vector<16xf32>,
        %parallel_loop3A_1200 = arith.constant 0 : i32
        %parallel_loop3A_1201 = arith.index_cast %parallel_loop3A_1089 : i32 to index
        %parallel_loop3A_1202 = arith.index_cast %parallel_loop3A_1200 : i32 to index
        %parallel_loop3A_1203 = arith.constant 48 : index
        %parallel_loop3A_1204 = tpu.vector_load %arg9[%parallel_loop3A_1201, %parallel_loop3A_1202, %parallel_loop3A_1203] {strides = array<i32>} : memref<40x4x128xf32, #tpu.memory_space<vmem>>, vector<16xf32>,
        tpu.vector_store %arg9[%parallel_loop3A_1201, %parallel_loop3A_1202, %parallel_loop3A_1203], %parallel_loop3A_1199 {strides = array<i32>} : memref<40x4x128xf32, #tpu.memory_space<vmem>>, vector<16xf32>,
        %parallel_loop3A_1205 = arith.addi %parallel_loop3A_1197, %add3A_8 : vector<16xi32>
        %parallel_loop3A_1206 = tpu.vector_load_idx %arg6[%parallel_loop3A_1205] : memref<640xf32, #tpu.memory_space<vmem>>[vector<16xi32>], vector<16xf32>,
        %parallel_loop3A_1207 = arith.constant 1 : i32
        %parallel_loop3A_1208 = arith.index_cast %parallel_loop3A_1089 : i32 to index
        %parallel_loop3A_1209 = arith.index_cast %parallel_loop3A_1207 : i32 to index
        %parallel_loop3A_1210 = arith.constant 48 : index
        %parallel_loop3A_1211 = tpu.vector_load %arg9[%parallel_loop3A_1208, %parallel_loop3A_1209, %parallel_loop3A_1210] {strides = array<i32>} : memref<40x4x128xf32, #tpu.memory_space<vmem>>, vector<16xf32>,
        tpu.vector_store %arg9[%parallel_loop3A_1208, %parallel_loop3A_1209, %parallel_loop3A_1210], %parallel_loop3A_1206 {strides = array<i32>} : memref<40x4x128xf32, #tpu.memory_space<vmem>>, vector<16xf32>,
        %parallel_loop3A_1212 = arith.addi %parallel_loop3A_1197, %add3A_11 : vector<16xi32>
        %parallel_loop3A_1213 = tpu.vector_load_idx %arg6[%parallel_loop3A_1212] : memref<640xf32, #tpu.memory_space<vmem>>[vector<16xi32>], vector<16xf32>,
        %parallel_loop3A_1214 = arith.constant 2 : i32
        %parallel_loop3A_1215 = arith.index_cast %parallel_loop3A_1089 : i32 to index
        %parallel_loop3A_1216 = arith.index_cast %parallel_loop3A_1214 : i32 to index
        %parallel_loop3A_1217 = arith.constant 48 : index
        %parallel_loop3A_1218 = tpu.vector_load %arg9[%parallel_loop3A_1215, %parallel_loop3A_1216, %parallel_loop3A_1217] {strides = array<i32>} : memref<40x4x128xf32, #tpu.memory_space<vmem>>, vector<16xf32>,
        tpu.vector_store %arg9[%parallel_loop3A_1215, %parallel_loop3A_1216, %parallel_loop3A_1217], %parallel_loop3A_1213 {strides = array<i32>} : memref<40x4x128xf32, #tpu.memory_space<vmem>>, vector<16xf32>,
        %parallel_loop3A_1219 = arith.addi %parallel_loop3A_1197, %add3A_14 : vector<16xi32>
        %parallel_loop3A_1220 = tpu.vector_load_idx %arg6[%parallel_loop3A_1219] : memref<640xf32, #tpu.memory_space<vmem>>[vector<16xi32>], vector<16xf32>,
        %parallel_loop3A_1221 = arith.constant 3 : i32
        %parallel_loop3A_1222 = arith.index_cast %parallel_loop3A_1089 : i32 to index
        %parallel_loop3A_1223 = arith.index_cast %parallel_loop3A_1221 : i32 to index
        %parallel_loop3A_1224 = arith.constant 48 : index
        %parallel_loop3A_1225 = tpu.vector_load %arg9[%parallel_loop3A_1222, %parallel_loop3A_1223, %parallel_loop3A_1224] {strides = array<i32>} : memref<40x4x128xf32, #tpu.memory_space<vmem>>, vector<16xf32>,
        tpu.vector_store %arg9[%parallel_loop3A_1222, %parallel_loop3A_1223, %parallel_loop3A_1224], %parallel_loop3A_1220 {strides = array<i32>} : memref<40x4x128xf32, #tpu.memory_space<vmem>>, vector<16xf32>,
        %parallel_loop3A_1226 = arith.index_cast %parallel_loop3A_1089 : i32 to index
        %parallel_loop3A_1227 = arith.constant 64 : index
        %parallel_loop3A_1228 = tpu.vector_load %arg7[%parallel_loop3A_1226, %parallel_loop3A_1227] {strides = array<i32>} : memref<40x128xi32, #tpu.memory_space<vmem>>, vector<16xi32>,
        %parallel_loop3A_1229 = arith.constant 64 : i32
        %parallel_loop3A_1230 = vector.broadcast %parallel_loop3A_1229 : i32 to vector<16xi32>
        %parallel_loop3A_1231 = arith.muli %parallel_loop3A_1228, %parallel_loop3A_1230 : vector<16xi32>
        %parallel_loop3A_1232 = arith.addi %parallel_loop3A_1231, %add3A_5 : vector<16xi32>
        %parallel_loop3A_1233 = tpu.vector_load_idx %arg6[%parallel_loop3A_1232] : memref<640xf32, #tpu.memory_space<vmem>>[vector<16xi32>], vector<16xf32>,
        %parallel_loop3A_1234 = arith.constant 0 : i32
        %parallel_loop3A_1235 = arith.index_cast %parallel_loop3A_1089 : i32 to index
        %parallel_loop3A_1236 = arith.index_cast %parallel_loop3A_1234 : i32 to index
        %parallel_loop3A_1237 = arith.constant 64 : index
        %parallel_loop3A_1238 = tpu.vector_load %arg9[%parallel_loop3A_1235, %parallel_loop3A_1236, %parallel_loop3A_1237] {strides = array<i32>} : memref<40x4x128xf32, #tpu.memory_space<vmem>>, vector<16xf32>,
        tpu.vector_store %arg9[%parallel_loop3A_1235, %parallel_loop3A_1236, %parallel_loop3A_1237], %parallel_loop3A_1233 {strides = array<i32>} : memref<40x4x128xf32, #tpu.memory_space<vmem>>, vector<16xf32>,
        %parallel_loop3A_1239 = arith.addi %parallel_loop3A_1231, %add3A_8 : vector<16xi32>
        %parallel_loop3A_1240 = tpu.vector_load_idx %arg6[%parallel_loop3A_1239] : memref<640xf32, #tpu.memory_space<vmem>>[vector<16xi32>], vector<16xf32>,
        %parallel_loop3A_1241 = arith.constant 1 : i32
        %parallel_loop3A_1242 = arith.index_cast %parallel_loop3A_1089 : i32 to index
        %parallel_loop3A_1243 = arith.index_cast %parallel_loop3A_1241 : i32 to index
        %parallel_loop3A_1244 = arith.constant 64 : index
        %parallel_loop3A_1245 = tpu.vector_load %arg9[%parallel_loop3A_1242, %parallel_loop3A_1243, %parallel_loop3A_1244] {strides = array<i32>} : memref<40x4x128xf32, #tpu.memory_space<vmem>>, vector<16xf32>,
        tpu.vector_store %arg9[%parallel_loop3A_1242, %parallel_loop3A_1243, %parallel_loop3A_1244], %parallel_loop3A_1240 {strides = array<i32>} : memref<40x4x128xf32, #tpu.memory_space<vmem>>, vector<16xf32>,
        %parallel_loop3A_1246 = arith.addi %parallel_loop3A_1231, %add3A_11 : vector<16xi32>
        %parallel_loop3A_1247 = tpu.vector_load_idx %arg6[%parallel_loop3A_1246] : memref<640xf32, #tpu.memory_space<vmem>>[vector<16xi32>], vector<16xf32>,
        %parallel_loop3A_1248 = arith.constant 2 : i32
        %parallel_loop3A_1249 = arith.index_cast %parallel_loop3A_1089 : i32 to index
        %parallel_loop3A_1250 = arith.index_cast %parallel_loop3A_1248 : i32 to index
        %parallel_loop3A_1251 = arith.constant 64 : index
        %parallel_loop3A_1252 = tpu.vector_load %arg9[%parallel_loop3A_1249, %parallel_loop3A_1250, %parallel_loop3A_1251] {strides = array<i32>} : memref<40x4x128xf32, #tpu.memory_space<vmem>>, vector<16xf32>,
        tpu.vector_store %arg9[%parallel_loop3A_1249, %parallel_loop3A_1250, %parallel_loop3A_1251], %parallel_loop3A_1247 {strides = array<i32>} : memref<40x4x128xf32, #tpu.memory_space<vmem>>, vector<16xf32>,
        %parallel_loop3A_1253 = arith.addi %parallel_loop3A_1231, %add3A_14 : vector<16xi32>
        %parallel_loop3A_1254 = tpu.vector_load_idx %arg6[%parallel_loop3A_1253] : memref<640xf32, #tpu.memory_space<vmem>>[vector<16xi32>], vector<16xf32>,
        %parallel_loop3A_1255 = arith.constant 3 : i32
        %parallel_loop3A_1256 = arith.index_cast %parallel_loop3A_1089 : i32 to index
        %parallel_loop3A_1257 = arith.index_cast %parallel_loop3A_1255 : i32 to index
        %parallel_loop3A_1258 = arith.constant 64 : index
        %parallel_loop3A_1259 = tpu.vector_load %arg9[%parallel_loop3A_1256, %parallel_loop3A_1257, %parallel_loop3A_1258] {strides = array<i32>} : memref<40x4x128xf32, #tpu.memory_space<vmem>>, vector<16xf32>,
        tpu.vector_store %arg9[%parallel_loop3A_1256, %parallel_loop3A_1257, %parallel_loop3A_1258], %parallel_loop3A_1254 {strides = array<i32>} : memref<40x4x128xf32, #tpu.memory_space<vmem>>, vector<16xf32>,
        %parallel_loop3A_1260 = arith.index_cast %parallel_loop3A_1089 : i32 to index
        %parallel_loop3A_1261 = arith.constant 80 : index
        %parallel_loop3A_1262 = tpu.vector_load %arg7[%parallel_loop3A_1260, %parallel_loop3A_1261] {strides = array<i32>} : memref<40x128xi32, #tpu.memory_space<vmem>>, vector<16xi32>,
        %parallel_loop3A_1263 = arith.constant 64 : i32
        %parallel_loop3A_1264 = vector.broadcast %parallel_loop3A_1263 : i32 to vector<16xi32>
        %parallel_loop3A_1265 = arith.muli %parallel_loop3A_1262, %parallel_loop3A_1264 : vector<16xi32>
        %parallel_loop3A_1266 = arith.addi %parallel_loop3A_1265, %add3A_5 : vector<16xi32>
        %parallel_loop3A_1267 = tpu.vector_load_idx %arg6[%parallel_loop3A_1266] : memref<640xf32, #tpu.memory_space<vmem>>[vector<16xi32>], vector<16xf32>,
        %parallel_loop3A_1268 = arith.constant 0 : i32
        %parallel_loop3A_1269 = arith.index_cast %parallel_loop3A_1089 : i32 to index
        %parallel_loop3A_1270 = arith.index_cast %parallel_loop3A_1268 : i32 to index
        %parallel_loop3A_1271 = arith.constant 80 : index
        %parallel_loop3A_1272 = tpu.vector_load %arg9[%parallel_loop3A_1269, %parallel_loop3A_1270, %parallel_loop3A_1271] {strides = array<i32>} : memref<40x4x128xf32, #tpu.memory_space<vmem>>, vector<16xf32>,
        tpu.vector_store %arg9[%parallel_loop3A_1269, %parallel_loop3A_1270, %parallel_loop3A_1271], %parallel_loop3A_1267 {strides = array<i32>} : memref<40x4x128xf32, #tpu.memory_space<vmem>>, vector<16xf32>,
        %parallel_loop3A_1273 = arith.addi %parallel_loop3A_1265, %add3A_8 : vector<16xi32>
        %parallel_loop3A_1274 = tpu.vector_load_idx %arg6[%parallel_loop3A_1273] : memref<640xf32, #tpu.memory_space<vmem>>[vector<16xi32>], vector<16xf32>,
        %parallel_loop3A_1275 = arith.constant 1 : i32
        %parallel_loop3A_1276 = arith.index_cast %parallel_loop3A_1089 : i32 to index
        %parallel_loop3A_1277 = arith.index_cast %parallel_loop3A_1275 : i32 to index
        %parallel_loop3A_1278 = arith.constant 80 : index
        %parallel_loop3A_1279 = tpu.vector_load %arg9[%parallel_loop3A_1276, %parallel_loop3A_1277, %parallel_loop3A_1278] {strides = array<i32>} : memref<40x4x128xf32, #tpu.memory_space<vmem>>, vector<16xf32>,
        tpu.vector_store %arg9[%parallel_loop3A_1276, %parallel_loop3A_1277, %parallel_loop3A_1278], %parallel_loop3A_1274 {strides = array<i32>} : memref<40x4x128xf32, #tpu.memory_space<vmem>>, vector<16xf32>,
        %parallel_loop3A_1280 = arith.addi %parallel_loop3A_1265, %add3A_11 : vector<16xi32>
        %parallel_loop3A_1281 = tpu.vector_load_idx %arg6[%parallel_loop3A_1280] : memref<640xf32, #tpu.memory_space<vmem>>[vector<16xi32>], vector<16xf32>,
        %parallel_loop3A_1282 = arith.constant 2 : i32
        %parallel_loop3A_1283 = arith.index_cast %parallel_loop3A_1089 : i32 to index
        %parallel_loop3A_1284 = arith.index_cast %parallel_loop3A_1282 : i32 to index
        %parallel_loop3A_1285 = arith.constant 80 : index
        %parallel_loop3A_1286 = tpu.vector_load %arg9[%parallel_loop3A_1283, %parallel_loop3A_1284, %parallel_loop3A_1285] {strides = array<i32>} : memref<40x4x128xf32, #tpu.memory_space<vmem>>, vector<16xf32>,
        tpu.vector_store %arg9[%parallel_loop3A_1283, %parallel_loop3A_1284, %parallel_loop3A_1285], %parallel_loop3A_1281 {strides = array<i32>} : memref<40x4x128xf32, #tpu.memory_space<vmem>>, vector<16xf32>,
        %parallel_loop3A_1287 = arith.addi %parallel_loop3A_1265, %add3A_14 : vector<16xi32>
        %parallel_loop3A_1288 = tpu.vector_load_idx %arg6[%parallel_loop3A_1287] : memref<640xf32, #tpu.memory_space<vmem>>[vector<16xi32>], vector<16xf32>,
        %parallel_loop3A_1289 = arith.constant 3 : i32
        %parallel_loop3A_1290 = arith.index_cast %parallel_loop3A_1089 : i32 to index
        %parallel_loop3A_1291 = arith.index_cast %parallel_loop3A_1289 : i32 to index
        %parallel_loop3A_1292 = arith.constant 80 : index
        %parallel_loop3A_1293 = tpu.vector_load %arg9[%parallel_loop3A_1290, %parallel_loop3A_1291, %parallel_loop3A_1292] {strides = array<i32>} : memref<40x4x128xf32, #tpu.memory_space<vmem>>, vector<16xf32>,
        tpu.vector_store %arg9[%parallel_loop3A_1290, %parallel_loop3A_1291, %parallel_loop3A_1292], %parallel_loop3A_1288 {strides = array<i32>} : memref<40x4x128xf32, #tpu.memory_space<vmem>>, vector<16xf32>,
        %parallel_loop3A_1294 = arith.index_cast %parallel_loop3A_1089 : i32 to index
        %parallel_loop3A_1295 = arith.constant 96 : index
        %parallel_loop3A_1296 = tpu.vector_load %arg7[%parallel_loop3A_1294, %parallel_loop3A_1295] {strides = array<i32>} : memref<40x128xi32, #tpu.memory_space<vmem>>, vector<16xi32>,
        %parallel_loop3A_1297 = arith.constant 64 : i32
        %parallel_loop3A_1298 = vector.broadcast %parallel_loop3A_1297 : i32 to vector<16xi32>
        %parallel_loop3A_1299 = arith.muli %parallel_loop3A_1296, %parallel_loop3A_1298 : vector<16xi32>
        %parallel_loop3A_1300 = arith.addi %parallel_loop3A_1299, %add3A_5 : vector<16xi32>
        %parallel_loop3A_1301 = tpu.vector_load_idx %arg6[%parallel_loop3A_1300] : memref<640xf32, #tpu.memory_space<vmem>>[vector<16xi32>], vector<16xf32>,
        %parallel_loop3A_1302 = arith.constant 0 : i32
        %parallel_loop3A_1303 = arith.index_cast %parallel_loop3A_1089 : i32 to index
        %parallel_loop3A_1304 = arith.index_cast %parallel_loop3A_1302 : i32 to index
        %parallel_loop3A_1305 = arith.constant 96 : index
        %parallel_loop3A_1306 = tpu.vector_load %arg9[%parallel_loop3A_1303, %parallel_loop3A_1304, %parallel_loop3A_1305] {strides = array<i32>} : memref<40x4x128xf32, #tpu.memory_space<vmem>>, vector<16xf32>,
        tpu.vector_store %arg9[%parallel_loop3A_1303, %parallel_loop3A_1304, %parallel_loop3A_1305], %parallel_loop3A_1301 {strides = array<i32>} : memref<40x4x128xf32, #tpu.memory_space<vmem>>, vector<16xf32>,
        %parallel_loop3A_1307 = arith.addi %parallel_loop3A_1299, %add3A_8 : vector<16xi32>
        %parallel_loop3A_1308 = tpu.vector_load_idx %arg6[%parallel_loop3A_1307] : memref<640xf32, #tpu.memory_space<vmem>>[vector<16xi32>], vector<16xf32>,
        %parallel_loop3A_1309 = arith.constant 1 : i32
        %parallel_loop3A_1310 = arith.index_cast %parallel_loop3A_1089 : i32 to index
        %parallel_loop3A_1311 = arith.index_cast %parallel_loop3A_1309 : i32 to index
        %parallel_loop3A_1312 = arith.constant 96 : index
        %parallel_loop3A_1313 = tpu.vector_load %arg9[%parallel_loop3A_1310, %parallel_loop3A_1311, %parallel_loop3A_1312] {strides = array<i32>} : memref<40x4x128xf32, #tpu.memory_space<vmem>>, vector<16xf32>,
        tpu.vector_store %arg9[%parallel_loop3A_1310, %parallel_loop3A_1311, %parallel_loop3A_1312], %parallel_loop3A_1308 {strides = array<i32>} : memref<40x4x128xf32, #tpu.memory_space<vmem>>, vector<16xf32>,
        %parallel_loop3A_1314 = arith.addi %parallel_loop3A_1299, %add3A_11 : vector<16xi32>
        %parallel_loop3A_1315 = tpu.vector_load_idx %arg6[%parallel_loop3A_1314] : memref<640xf32, #tpu.memory_space<vmem>>[vector<16xi32>], vector<16xf32>,
        %parallel_loop3A_1316 = arith.constant 2 : i32
        %parallel_loop3A_1317 = arith.index_cast %parallel_loop3A_1089 : i32 to index
        %parallel_loop3A_1318 = arith.index_cast %parallel_loop3A_1316 : i32 to index
        %parallel_loop3A_1319 = arith.constant 96 : index
        %parallel_loop3A_1320 = tpu.vector_load %arg9[%parallel_loop3A_1317, %parallel_loop3A_1318, %parallel_loop3A_1319] {strides = array<i32>} : memref<40x4x128xf32, #tpu.memory_space<vmem>>, vector<16xf32>,
        tpu.vector_store %arg9[%parallel_loop3A_1317, %parallel_loop3A_1318, %parallel_loop3A_1319], %parallel_loop3A_1315 {strides = array<i32>} : memref<40x4x128xf32, #tpu.memory_space<vmem>>, vector<16xf32>,
        %parallel_loop3A_1321 = arith.addi %parallel_loop3A_1299, %add3A_14 : vector<16xi32>
        %parallel_loop3A_1322 = tpu.vector_load_idx %arg6[%parallel_loop3A_1321] : memref<640xf32, #tpu.memory_space<vmem>>[vector<16xi32>], vector<16xf32>,
        %parallel_loop3A_1323 = arith.constant 3 : i32
        %parallel_loop3A_1324 = arith.index_cast %parallel_loop3A_1089 : i32 to index
        %parallel_loop3A_1325 = arith.index_cast %parallel_loop3A_1323 : i32 to index
        %parallel_loop3A_1326 = arith.constant 96 : index
        %parallel_loop3A_1327 = tpu.vector_load %arg9[%parallel_loop3A_1324, %parallel_loop3A_1325, %parallel_loop3A_1326] {strides = array<i32>} : memref<40x4x128xf32, #tpu.memory_space<vmem>>, vector<16xf32>,
        tpu.vector_store %arg9[%parallel_loop3A_1324, %parallel_loop3A_1325, %parallel_loop3A_1326], %parallel_loop3A_1322 {strides = array<i32>} : memref<40x4x128xf32, #tpu.memory_space<vmem>>, vector<16xf32>,
        %parallel_loop3A_1328 = arith.index_cast %parallel_loop3A_1089 : i32 to index
        %parallel_loop3A_1329 = arith.constant 112 : index
        %parallel_loop3A_1330 = tpu.vector_load %arg7[%parallel_loop3A_1328, %parallel_loop3A_1329] {strides = array<i32>} : memref<40x128xi32, #tpu.memory_space<vmem>>, vector<16xi32>,
        %parallel_loop3A_1331 = arith.constant 64 : i32
        %parallel_loop3A_1332 = vector.broadcast %parallel_loop3A_1331 : i32 to vector<16xi32>
        %parallel_loop3A_1333 = arith.muli %parallel_loop3A_1330, %parallel_loop3A_1332 : vector<16xi32>
        %parallel_loop3A_1334 = arith.addi %parallel_loop3A_1333, %add3A_5 : vector<16xi32>
        %parallel_loop3A_1335 = tpu.vector_load_idx %arg6[%parallel_loop3A_1334] : memref<640xf32, #tpu.memory_space<vmem>>[vector<16xi32>], vector<16xf32>,
        %parallel_loop3A_1336 = arith.constant 0 : i32
        %parallel_loop3A_1337 = arith.index_cast %parallel_loop3A_1089 : i32 to index
        %parallel_loop3A_1338 = arith.index_cast %parallel_loop3A_1336 : i32 to index
        %parallel_loop3A_1339 = arith.constant 112 : index
        %parallel_loop3A_1340 = tpu.vector_load %arg9[%parallel_loop3A_1337, %parallel_loop3A_1338, %parallel_loop3A_1339] {strides = array<i32>} : memref<40x4x128xf32, #tpu.memory_space<vmem>>, vector<16xf32>,
        tpu.vector_store %arg9[%parallel_loop3A_1337, %parallel_loop3A_1338, %parallel_loop3A_1339], %parallel_loop3A_1335 {strides = array<i32>} : memref<40x4x128xf32, #tpu.memory_space<vmem>>, vector<16xf32>,
        %parallel_loop3A_1341 = arith.addi %parallel_loop3A_1333, %add3A_8 : vector<16xi32>
        %parallel_loop3A_1342 = tpu.vector_load_idx %arg6[%parallel_loop3A_1341] : memref<640xf32, #tpu.memory_space<vmem>>[vector<16xi32>], vector<16xf32>,
        %parallel_loop3A_1343 = arith.constant 1 : i32
        %parallel_loop3A_1344 = arith.index_cast %parallel_loop3A_1089 : i32 to index
        %parallel_loop3A_1345 = arith.index_cast %parallel_loop3A_1343 : i32 to index
        %parallel_loop3A_1346 = arith.constant 112 : index
        %parallel_loop3A_1347 = tpu.vector_load %arg9[%parallel_loop3A_1344, %parallel_loop3A_1345, %parallel_loop3A_1346] {strides = array<i32>} : memref<40x4x128xf32, #tpu.memory_space<vmem>>, vector<16xf32>,
        tpu.vector_store %arg9[%parallel_loop3A_1344, %parallel_loop3A_1345, %parallel_loop3A_1346], %parallel_loop3A_1342 {strides = array<i32>} : memref<40x4x128xf32, #tpu.memory_space<vmem>>, vector<16xf32>,
        %parallel_loop3A_1348 = arith.addi %parallel_loop3A_1333, %add3A_11 : vector<16xi32>
        %parallel_loop3A_1349 = tpu.vector_load_idx %arg6[%parallel_loop3A_1348] : memref<640xf32, #tpu.memory_space<vmem>>[vector<16xi32>], vector<16xf32>,
        %parallel_loop3A_1350 = arith.constant 2 : i32
        %parallel_loop3A_1351 = arith.index_cast %parallel_loop3A_1089 : i32 to index
        %parallel_loop3A_1352 = arith.index_cast %parallel_loop3A_1350 : i32 to index
        %parallel_loop3A_1353 = arith.constant 112 : index
        %parallel_loop3A_1354 = tpu.vector_load %arg9[%parallel_loop3A_1351, %parallel_loop3A_1352, %parallel_loop3A_1353] {strides = array<i32>} : memref<40x4x128xf32, #tpu.memory_space<vmem>>, vector<16xf32>,
        tpu.vector_store %arg9[%parallel_loop3A_1351, %parallel_loop3A_1352, %parallel_loop3A_1353], %parallel_loop3A_1349 {strides = array<i32>} : memref<40x4x128xf32, #tpu.memory_space<vmem>>, vector<16xf32>,
        %parallel_loop3A_1355 = arith.addi %parallel_loop3A_1333, %add3A_14 : vector<16xi32>
        %parallel_loop3A_1356 = tpu.vector_load_idx %arg6[%parallel_loop3A_1355] : memref<640xf32, #tpu.memory_space<vmem>>[vector<16xi32>], vector<16xf32>,
        %parallel_loop3A_1357 = arith.constant 3 : i32
        %parallel_loop3A_1358 = arith.index_cast %parallel_loop3A_1089 : i32 to index
        %parallel_loop3A_1359 = arith.index_cast %parallel_loop3A_1357 : i32 to index
        %parallel_loop3A_1360 = arith.constant 112 : index
        %parallel_loop3A_1361 = tpu.vector_load %arg9[%parallel_loop3A_1358, %parallel_loop3A_1359, %parallel_loop3A_1360] {strides = array<i32>} : memref<40x4x128xf32, #tpu.memory_space<vmem>>, vector<16xf32>,
        tpu.vector_store %arg9[%parallel_loop3A_1358, %parallel_loop3A_1359, %parallel_loop3A_1360], %parallel_loop3A_1356 {strides = array<i32>} : memref<40x4x128xf32, #tpu.memory_space<vmem>>, vector<16xf32>,
      } {sc.loop_unroll_factor = 2 : i64, sc.parallel_access}
      %jit3A_840 = arith.constant 5 : i32
      %div3A_841 = arith.divsi %add3A_722, %jit3A_840 : i32
      %sign3A_842 = arith.constant 0 : i32
      %sign3A_843 = arith.cmpi sgt, %add3A_722, %sign3A_842 : i32
      %sign3A_844 = arith.extui %sign3A_843 : i1 to i32
      %sign3A_845 = arith.constant 0 : i32
      %sign3A_846 = arith.cmpi slt, %add3A_722, %sign3A_845 : i32
      %sign3A_847 = arith.extui %sign3A_846 : i1 to i32
      %sign3A_848 = arith.subi %sign3A_844, %sign3A_847 : i32
      %sign3A_849 = arith.constant 0 : i32
      %sign3A_850 = arith.cmpi sgt, %jit3A_840, %sign3A_849 : i32
      %sign3A_851 = arith.extui %sign3A_850 : i1 to i32
      %sign3A_852 = arith.constant 0 : i32
      %sign3A_853 = arith.cmpi slt, %jit3A_840, %sign3A_852 : i32
      %sign3A_854 = arith.extui %sign3A_853 : i1 to i32
      %sign3A_855 = arith.subi %sign3A_851, %sign3A_854 : i32
      %ne3A_856 = arith.cmpi ne, %sign3A_848, %sign3A_855 : i32
      %rem3A_857 = arith.remsi %add3A_722, %jit3A_840 : i32
      %ne3A_858 = arith.constant 0 : i32
      %ne3A_859 = arith.cmpi ne, %rem3A_857, %ne3A_858 : i32
      %and3A_860 = arith.andi %ne3A_856, %ne3A_859 : i1
      %sub3A_861 = arith.constant 1 : i32
      %sub3A_862 = arith.subi %div3A_841, %sub3A_861 : i32
      %select_n3A_863 = arith.select %and3A_860, %sub3A_862, %div3A_841 : i32
      %add3A_864 = arith.addi %mul3A_2, %select_n3A_863 : i32
      %jit3A_865 = arith.constant 5 : i32
      %eq3A_866 = arith.constant 0 : i32
      %eq3A_867 = arith.cmpi eq, %jit3A_865, %eq3A_866 : i32
      %jit3A_868 = arith.constant 1 : i32
      %select_n3A_869 = arith.select %eq3A_867, %jit3A_868, %jit3A_865 : i32
      %rem3A_870 = arith.remsi %add3A_722, %select_n3A_869 : i32
      %ne3A_871 = arith.constant 0 : i32
      %ne3A_872 = arith.cmpi ne, %rem3A_870, %ne3A_871 : i32
      %lt3A_873 = arith.constant 0 : i32
      %lt3A_874 = arith.cmpi slt, %rem3A_870, %lt3A_873 : i32
      %lt3A_875 = arith.constant 0 : i32
      %lt3A_876 = arith.cmpi slt, %select_n3A_869, %lt3A_875 : i32
      %ne3A_877 = arith.xori %lt3A_874, %lt3A_876 : i1
      %and3A_878 = arith.andi %ne3A_877, %ne3A_872 : i1
      %add3A_879 = arith.addi %rem3A_870, %select_n3A_869 : i32
      %select_n3A_880 = arith.select %and3A_878, %add3A_879, %rem3A_870 : i32
      %mul3A_881 = arith.constant 40 : i32
      %mul3A_882 = arith.muli %select_n3A_880, %mul3A_881 : i32
      %dma_start3A_883 = arith.constant 0 : i32
      %dma_start3A_884 = arith.constant 0 : i32
      %dma_start3A_885 = tpu.memref_slice %arg4[%mul3A_882, %add3A_864, %dma_start3A_883, %dma_start3A_884] : memref<200x128x4x128xf32, #tpu.memory_space<hbm>> -> memref<40x1x4x128xf32, #tpu.memory_space<hbm>>
      %dma_start3A_886 = tpu.memref_squeeze %dma_start3A_885 : memref<40x1x4x128xf32, #tpu.memory_space<hbm>> -> memref<40x4x128xf32, #tpu.memory_space<hbm>>
      %dma_start3A_887 = arith.constant 0 : i32
      %dma_start3A_888 = arith.constant 0 : i32
      %dma_start3A_889 = tpu.memref_slice %arg4[%mul3A_882, %add3A_864, %dma_start3A_887, %dma_start3A_888] : memref<200x128x4x128xf32, #tpu.memory_space<hbm>> -> memref<40x1x4x128xf32, #tpu.memory_space<hbm>>
      %dma_start3A_890 = tpu.memref_squeeze %dma_start3A_889 : memref<40x1x4x128xf32, #tpu.memory_space<hbm>> -> memref<40x4x128xf32, #tpu.memory_space<hbm>>
      tpu.enqueue_dma source(%arg9 : memref<40x4x128xf32, #tpu.memory_space<vmem>>) target(%dma_start3A_890 : memref<40x4x128xf32, #tpu.memory_space<hbm>>) target_semaphore(%arg13 : memref<!tpu.dma_semaphore, #tpu.memory_space<semaphore_mem>>)
      %add3A_891 = arith.constant 2 : i32
      %add3A_892 = arith.addi %add3A_722, %add3A_891 : i32
      %lt3A_893 = arith.constant 20 : i32
      %lt3A_894 = arith.cmpi slt, %add3A_892, %lt3A_893 : i32
      %convert_element_type3A_895 = arith.extui %lt3A_894 : i1 to i32
      %cond3A_896 = arith.constant 0 : i32
      %cond3A_897 = arith.cmpi ne, %convert_element_type3A_895, %cond3A_896 : i32
      scf.if %cond3A_897 {
        %add3A_1089 = arith.constant 2 : i32
        %add3A_1090 = arith.addi %add3A_722, %add3A_1089 : i32
        %jit3A_1091 = arith.constant 5 : i32
        %div3A_1092 = arith.divsi %add3A_1090, %jit3A_1091 : i32
        %sign3A_1093 = arith.constant 0 : i32
        %sign3A_1094 = arith.cmpi sgt, %add3A_1090, %sign3A_1093 : i32
        %sign3A_1095 = arith.extui %sign3A_1094 : i1 to i32
        %sign3A_1096 = arith.constant 0 : i32
        %sign3A_1097 = arith.cmpi slt, %add3A_1090, %sign3A_1096 : i32
        %sign3A_1098 = arith.extui %sign3A_1097 : i1 to i32
        %sign3A_1099 = arith.subi %sign3A_1095, %sign3A_1098 : i32
        %sign3A_1100 = arith.constant 0 : i32
        %sign3A_1101 = arith.cmpi sgt, %jit3A_1091, %sign3A_1100 : i32
        %sign3A_1102 = arith.extui %sign3A_1101 : i1 to i32
        %sign3A_1103 = arith.constant 0 : i32
        %sign3A_1104 = arith.cmpi slt, %jit3A_1091, %sign3A_1103 : i32
        %sign3A_1105 = arith.extui %sign3A_1104 : i1 to i32
        %sign3A_1106 = arith.subi %sign3A_1102, %sign3A_1105 : i32
        %ne3A_1107 = arith.cmpi ne, %sign3A_1099, %sign3A_1106 : i32
        %rem3A_1108 = arith.remsi %add3A_1090, %jit3A_1091 : i32
        %ne3A_1109 = arith.constant 0 : i32
        %ne3A_1110 = arith.cmpi ne, %rem3A_1108, %ne3A_1109 : i32
        %and3A_1111 = arith.andi %ne3A_1107, %ne3A_1110 : i1
        %sub3A_1112 = arith.constant 1 : i32
        %sub3A_1113 = arith.subi %div3A_1092, %sub3A_1112 : i32
        %select_n3A_1114 = arith.select %and3A_1111, %sub3A_1113, %div3A_1092 : i32
        %add3A_1115 = arith.addi %mul3A_2, %select_n3A_1114 : i32
        %jit3A_1116 = arith.constant 5 : i32
        %eq3A_1117 = arith.constant 0 : i32
        %eq3A_1118 = arith.cmpi eq, %jit3A_1116, %eq3A_1117 : i32
        %jit3A_1119 = arith.constant 1 : i32
        %select_n3A_1120 = arith.select %eq3A_1118, %jit3A_1119, %jit3A_1116 : i32
        %rem3A_1121 = arith.remsi %add3A_1090, %select_n3A_1120 : i32
        %ne3A_1122 = arith.constant 0 : i32
        %ne3A_1123 = arith.cmpi ne, %rem3A_1121, %ne3A_1122 : i32
        %lt3A_1124 = arith.constant 0 : i32
        %lt3A_1125 = arith.cmpi slt, %rem3A_1121, %lt3A_1124 : i32
        %lt3A_1126 = arith.constant 0 : i32
        %lt3A_1127 = arith.cmpi slt, %select_n3A_1120, %lt3A_1126 : i32
        %ne3A_1128 = arith.xori %lt3A_1125, %lt3A_1127 : i1
        %and3A_1129 = arith.andi %ne3A_1128, %ne3A_1123 : i1
        %add3A_1130 = arith.addi %rem3A_1121, %select_n3A_1120 : i32
        %select_n3A_1131 = arith.select %and3A_1129, %add3A_1130, %rem3A_1121 : i32
        %mul3A_1132 = arith.constant 5 : i32
        %mul3A_1133 = arith.muli %select_n3A_1131, %mul3A_1132 : i32
        %add3A_1134 = arith.constant 0 : i32
        %add3A_1135 = arith.addi %mul3A_1133, %add3A_1134 : i32
        %add3A_1136 = arith.constant 1 : i32
        %add3A_1137 = arith.addi %mul3A_1133, %add3A_1136 : i32
        %add3A_1138 = arith.constant 2 : i32
        %add3A_1139 = arith.addi %mul3A_1133, %add3A_1138 : i32
        %add3A_1140 = arith.constant 3 : i32
        %add3A_1141 = arith.addi %mul3A_1133, %add3A_1140 : i32
        %add3A_1142 = arith.constant 4 : i32
        %add3A_1143 = arith.addi %mul3A_1133, %add3A_1142 : i32
        %dma_start3A_1144 = arith.constant 0 : i32
        %dma_start3A_1145 = arith.constant 0 : i32
        %dma_start3A_1146 = tpu.memref_slice %arg7[%dma_start3A_1144, %dma_start3A_1145] : memref<40x128xi32, #tpu.memory_space<vmem>> -> memref<8x128xi32, #tpu.memory_space<vmem>>
        %dma_start3A_1147 = arith.constant 0 : i32
        %dma_start3A_1148 = arith.constant 0 : i32
        %dma_start3A_1149 = tpu.memref_slice %arg2[%add3A_1135, %add3A_1115, %dma_start3A_1147, %dma_start3A_1148] : memref<25x128x8x128xi32, #tpu.memory_space<hbm>> -> memref<1x1x8x128xi32, #tpu.memory_space<hbm>>
        %dma_start3A_1150 = tpu.memref_squeeze %dma_start3A_1149 : memref<1x1x8x128xi32, #tpu.memory_space<hbm>> -> memref<8x128xi32, #tpu.memory_space<hbm>>
        %dma_start3A_1151 = arith.constant 0 : i32
        %dma_start3A_1152 = arith.constant 0 : i32
        %dma_start3A_1153 = tpu.memref_slice %arg7[%dma_start3A_1151, %dma_start3A_1152] : memref<40x128xi32, #tpu.memory_space<vmem>> -> memref<8x128xi32, #tpu.memory_space<vmem>>
        %dma_start3A_1154 = arith.constant 0 : i32
        %dma_start3A_1155 = arith.constant 0 : i32
        %dma_start3A_1156 = tpu.memref_slice %arg2[%add3A_1135, %add3A_1115, %dma_start3A_1154, %dma_start3A_1155] : memref<25x128x8x128xi32, #tpu.memory_space<hbm>> -> memref<1x1x8x128xi32, #tpu.memory_space<hbm>>
        %dma_start3A_1157 = tpu.memref_squeeze %dma_start3A_1156 : memref<1x1x8x128xi32, #tpu.memory_space<hbm>> -> memref<8x128xi32, #tpu.memory_space<hbm>>
        tpu.enqueue_dma source(%dma_start3A_1157 : memref<8x128xi32, #tpu.memory_space<hbm>>) target(%dma_start3A_1153 : memref<8x128xi32, #tpu.memory_space<vmem>>) target_semaphore(%arg11 : memref<!tpu.dma_semaphore, #tpu.memory_space<semaphore_mem>>)
        %dma_start3A_1158 = arith.constant 8 : i32
        %dma_start3A_1159 = arith.constant 0 : i32
        %dma_start3A_1160 = tpu.memref_slice %arg7[%dma_start3A_1158, %dma_start3A_1159] : memref<40x128xi32, #tpu.memory_space<vmem>> -> memref<8x128xi32, #tpu.memory_space<vmem>>
        %dma_start3A_1161 = arith.constant 0 : i32
        %dma_start3A_1162 = arith.constant 0 : i32
        %dma_start3A_1163 = tpu.memref_slice %arg2[%add3A_1137, %add3A_1115, %dma_start3A_1161, %dma_start3A_1162] : memref<25x128x8x128xi32, #tpu.memory_space<hbm>> -> memref<1x1x8x128xi32, #tpu.memory_space<hbm>>
        %dma_start3A_1164 = tpu.memref_squeeze %dma_start3A_1163 : memref<1x1x8x128xi32, #tpu.memory_space<hbm>> -> memref<8x128xi32, #tpu.memory_space<hbm>>
        %dma_start3A_1165 = arith.constant 8 : i32
        %dma_start3A_1166 = arith.constant 0 : i32
        %dma_start3A_1167 = tpu.memref_slice %arg7[%dma_start3A_1165, %dma_start3A_1166] : memref<40x128xi32, #tpu.memory_space<vmem>> -> memref<8x128xi32, #tpu.memory_space<vmem>>
        %dma_start3A_1168 = arith.constant 0 : i32
        %dma_start3A_1169 = arith.constant 0 : i32
        %dma_start3A_1170 = tpu.memref_slice %arg2[%add3A_1137, %add3A_1115, %dma_start3A_1168, %dma_start3A_1169] : memref<25x128x8x128xi32, #tpu.memory_space<hbm>> -> memref<1x1x8x128xi32, #tpu.memory_space<hbm>>
        %dma_start3A_1171 = tpu.memref_squeeze %dma_start3A_1170 : memref<1x1x8x128xi32, #tpu.memory_space<hbm>> -> memref<8x128xi32, #tpu.memory_space<hbm>>
        tpu.enqueue_dma source(%dma_start3A_1171 : memref<8x128xi32, #tpu.memory_space<hbm>>) target(%dma_start3A_1167 : memref<8x128xi32, #tpu.memory_space<vmem>>) target_semaphore(%arg11 : memref<!tpu.dma_semaphore, #tpu.memory_space<semaphore_mem>>)
        %dma_start3A_1172 = arith.constant 16 : i32
        %dma_start3A_1173 = arith.constant 0 : i32
        %dma_start3A_1174 = tpu.memref_slice %arg7[%dma_start3A_1172, %dma_start3A_1173] : memref<40x128xi32, #tpu.memory_space<vmem>> -> memref<8x128xi32, #tpu.memory_space<vmem>>
        %dma_start3A_1175 = arith.constant 0 : i32
        %dma_start3A_1176 = arith.constant 0 : i32
        %dma_start3A_1177 = tpu.memref_slice %arg2[%add3A_1139, %add3A_1115, %dma_start3A_1175, %dma_start3A_1176] : memref<25x128x8x128xi32, #tpu.memory_space<hbm>> -> memref<1x1x8x128xi32, #tpu.memory_space<hbm>>
        %dma_start3A_1178 = tpu.memref_squeeze %dma_start3A_1177 : memref<1x1x8x128xi32, #tpu.memory_space<hbm>> -> memref<8x128xi32, #tpu.memory_space<hbm>>
        %dma_start3A_1179 = arith.constant 16 : i32
        %dma_start3A_1180 = arith.constant 0 : i32
        %dma_start3A_1181 = tpu.memref_slice %arg7[%dma_start3A_1179, %dma_start3A_1180] : memref<40x128xi32, #tpu.memory_space<vmem>> -> memref<8x128xi32, #tpu.memory_space<vmem>>
        %dma_start3A_1182 = arith.constant 0 : i32
        %dma_start3A_1183 = arith.constant 0 : i32
        %dma_start3A_1184 = tpu.memref_slice %arg2[%add3A_1139, %add3A_1115, %dma_start3A_1182, %dma_start3A_1183] : memref<25x128x8x128xi32, #tpu.memory_space<hbm>> -> memref<1x1x8x128xi32, #tpu.memory_space<hbm>>
        %dma_start3A_1185 = tpu.memref_squeeze %dma_start3A_1184 : memref<1x1x8x128xi32, #tpu.memory_space<hbm>> -> memref<8x128xi32, #tpu.memory_space<hbm>>
        tpu.enqueue_dma source(%dma_start3A_1185 : memref<8x128xi32, #tpu.memory_space<hbm>>) target(%dma_start3A_1181 : memref<8x128xi32, #tpu.memory_space<vmem>>) target_semaphore(%arg11 : memref<!tpu.dma_semaphore, #tpu.memory_space<semaphore_mem>>)
        %dma_start3A_1186 = arith.constant 24 : i32
        %dma_start3A_1187 = arith.constant 0 : i32
        %dma_start3A_1188 = tpu.memref_slice %arg7[%dma_start3A_1186, %dma_start3A_1187] : memref<40x128xi32, #tpu.memory_space<vmem>> -> memref<8x128xi32, #tpu.memory_space<vmem>>
        %dma_start3A_1189 = arith.constant 0 : i32
        %dma_start3A_1190 = arith.constant 0 : i32
        %dma_start3A_1191 = tpu.memref_slice %arg2[%add3A_1141, %add3A_1115, %dma_start3A_1189, %dma_start3A_1190] : memref<25x128x8x128xi32, #tpu.memory_space<hbm>> -> memref<1x1x8x128xi32, #tpu.memory_space<hbm>>
        %dma_start3A_1192 = tpu.memref_squeeze %dma_start3A_1191 : memref<1x1x8x128xi32, #tpu.memory_space<hbm>> -> memref<8x128xi32, #tpu.memory_space<hbm>>
        %dma_start3A_1193 = arith.constant 24 : i32
        %dma_start3A_1194 = arith.constant 0 : i32
        %dma_start3A_1195 = tpu.memref_slice %arg7[%dma_start3A_1193, %dma_start3A_1194] : memref<40x128xi32, #tpu.memory_space<vmem>> -> memref<8x128xi32, #tpu.memory_space<vmem>>
        %dma_start3A_1196 = arith.constant 0 : i32
        %dma_start3A_1197 = arith.constant 0 : i32
        %dma_start3A_1198 = tpu.memref_slice %arg2[%add3A_1141, %add3A_1115, %dma_start3A_1196, %dma_start3A_1197] : memref<25x128x8x128xi32, #tpu.memory_space<hbm>> -> memref<1x1x8x128xi32, #tpu.memory_space<hbm>>
        %dma_start3A_1199 = tpu.memref_squeeze %dma_start3A_1198 : memref<1x1x8x128xi32, #tpu.memory_space<hbm>> -> memref<8x128xi32, #tpu.memory_space<hbm>>
        tpu.enqueue_dma source(%dma_start3A_1199 : memref<8x128xi32, #tpu.memory_space<hbm>>) target(%dma_start3A_1195 : memref<8x128xi32, #tpu.memory_space<vmem>>) target_semaphore(%arg11 : memref<!tpu.dma_semaphore, #tpu.memory_space<semaphore_mem>>)
        %dma_start3A_1200 = arith.constant 32 : i32
        %dma_start3A_1201 = arith.constant 0 : i32
        %dma_start3A_1202 = tpu.memref_slice %arg7[%dma_start3A_1200, %dma_start3A_1201] : memref<40x128xi32, #tpu.memory_space<vmem>> -> memref<8x128xi32, #tpu.memory_space<vmem>>
        %dma_start3A_1203 = arith.constant 0 : i32
        %dma_start3A_1204 = arith.constant 0 : i32
        %dma_start3A_1205 = tpu.memref_slice %arg2[%add3A_1143, %add3A_1115, %dma_start3A_1203, %dma_start3A_1204] : memref<25x128x8x128xi32, #tpu.memory_space<hbm>> -> memref<1x1x8x128xi32, #tpu.memory_space<hbm>>
        %dma_start3A_1206 = tpu.memref_squeeze %dma_start3A_1205 : memref<1x1x8x128xi32, #tpu.memory_space<hbm>> -> memref<8x128xi32, #tpu.memory_space<hbm>>
        %dma_start3A_1207 = arith.constant 32 : i32
        %dma_start3A_1208 = arith.constant 0 : i32
        %dma_start3A_1209 = tpu.memref_slice %arg7[%dma_start3A_1207, %dma_start3A_1208] : memref<40x128xi32, #tpu.memory_space<vmem>> -> memref<8x128xi32, #tpu.memory_space<vmem>>
        %dma_start3A_1210 = arith.constant 0 : i32
        %dma_start3A_1211 = arith.constant 0 : i32
        %dma_start3A_1212 = tpu.memref_slice %arg2[%add3A_1143, %add3A_1115, %dma_start3A_1210, %dma_start3A_1211] : memref<25x128x8x128xi32, #tpu.memory_space<hbm>> -> memref<1x1x8x128xi32, #tpu.memory_space<hbm>>
        %dma_start3A_1213 = tpu.memref_squeeze %dma_start3A_1212 : memref<1x1x8x128xi32, #tpu.memory_space<hbm>> -> memref<8x128xi32, #tpu.memory_space<hbm>>
        tpu.enqueue_dma source(%dma_start3A_1213 : memref<8x128xi32, #tpu.memory_space<hbm>>) target(%dma_start3A_1209 : memref<8x128xi32, #tpu.memory_space<vmem>>) target_semaphore(%arg11 : memref<!tpu.dma_semaphore, #tpu.memory_space<semaphore_mem>>)
      } else {
      }
      %add3A_898 = arith.constant 1 : i32
      %add3A_899 = arith.addi %add3A_720, %add3A_898 : i32
      %jit3A_900 = arith.constant 5 : i32
      %div3A_901 = arith.divsi %add3A_899, %jit3A_900 : i32
      %sign3A_902 = arith.constant 0 : i32
      %sign3A_903 = arith.cmpi sgt, %add3A_899, %sign3A_902 : i32
      %sign3A_904 = arith.extui %sign3A_903 : i1 to i32
      %sign3A_905 = arith.constant 0 : i32
      %sign3A_906 = arith.cmpi slt, %add3A_899, %sign3A_905 : i32
      %sign3A_907 = arith.extui %sign3A_906 : i1 to i32
      %sign3A_908 = arith.subi %sign3A_904, %sign3A_907 : i32
      %sign3A_909 = arith.constant 0 : i32
      %sign3A_910 = arith.cmpi sgt, %jit3A_900, %sign3A_909 : i32
      %sign3A_911 = arith.extui %sign3A_910 : i1 to i32
      %sign3A_912 = arith.constant 0 : i32
      %sign3A_913 = arith.cmpi slt, %jit3A_900, %sign3A_912 : i32
      %sign3A_914 = arith.extui %sign3A_913 : i1 to i32
      %sign3A_915 = arith.subi %sign3A_911, %sign3A_914 : i32
      %ne3A_916 = arith.cmpi ne, %sign3A_908, %sign3A_915 : i32
      %rem3A_917 = arith.remsi %add3A_899, %jit3A_900 : i32
      %ne3A_918 = arith.constant 0 : i32
      %ne3A_919 = arith.cmpi ne, %rem3A_917, %ne3A_918 : i32
      %and3A_920 = arith.andi %ne3A_916, %ne3A_919 : i1
      %sub3A_921 = arith.constant 1 : i32
      %sub3A_922 = arith.subi %div3A_901, %sub3A_921 : i32
      %select_n3A_923 = arith.select %and3A_920, %sub3A_922, %div3A_901 : i32
      %add3A_924 = arith.addi %mul3A_2, %select_n3A_923 : i32
      %jit3A_925 = arith.constant 5 : i32
      %eq3A_926 = arith.constant 0 : i32
      %eq3A_927 = arith.cmpi eq, %jit3A_925, %eq3A_926 : i32
      %jit3A_928 = arith.constant 1 : i32
      %select_n3A_929 = arith.select %eq3A_927, %jit3A_928, %jit3A_925 : i32
      %rem3A_930 = arith.remsi %add3A_899, %select_n3A_929 : i32
      %ne3A_931 = arith.constant 0 : i32
      %ne3A_932 = arith.cmpi ne, %rem3A_930, %ne3A_931 : i32
      %lt3A_933 = arith.constant 0 : i32
      %lt3A_934 = arith.cmpi slt, %rem3A_930, %lt3A_933 : i32
      %lt3A_935 = arith.constant 0 : i32
      %lt3A_936 = arith.cmpi slt, %select_n3A_929, %lt3A_935 : i32
      %ne3A_937 = arith.xori %lt3A_934, %lt3A_936 : i1
      %and3A_938 = arith.andi %ne3A_937, %ne3A_932 : i1
      %add3A_939 = arith.addi %rem3A_930, %select_n3A_929 : i32
      %select_n3A_940 = arith.select %and3A_938, %add3A_939, %rem3A_930 : i32
      %mul3A_941 = arith.constant 5 : i32
      %mul3A_942 = arith.muli %select_n3A_940, %mul3A_941 : i32
      %add3A_943 = arith.constant 0 : i32
      %add3A_944 = arith.addi %mul3A_942, %add3A_943 : i32
      %add3A_945 = arith.constant 1 : i32
      %add3A_946 = arith.addi %mul3A_942, %add3A_945 : i32
      %add3A_947 = arith.constant 2 : i32
      %add3A_948 = arith.addi %mul3A_942, %add3A_947 : i32
      %add3A_949 = arith.constant 3 : i32
      %add3A_950 = arith.addi %mul3A_942, %add3A_949 : i32
      %add3A_951 = arith.constant 4 : i32
      %add3A_952 = arith.addi %mul3A_942, %add3A_951 : i32
      %dma_wait3A_953 = arith.constant 0 : i32
      %dma_wait3A_954 = arith.constant 0 : i32
      %dma_wait3A_955 = tpu.memref_slice %arg8[%dma_wait3A_953, %dma_wait3A_954] : memref<40x128xi32, #tpu.memory_space<vmem>> -> memref<8x128xi32, #tpu.memory_space<vmem>>
      %dma_wait3A_956 = arith.constant 0 : i32
      %dma_wait3A_957 = arith.constant 0 : i32
      %dma_wait3A_958 = tpu.memref_slice %arg2[%add3A_944, %add3A_924, %dma_wait3A_956, %dma_wait3A_957] : memref<25x128x8x128xi32, #tpu.memory_space<hbm>> -> memref<1x1x8x128xi32, #tpu.memory_space<hbm>>
      %dma_wait3A_959 = tpu.memref_squeeze %dma_wait3A_958 : memref<1x1x8x128xi32, #tpu.memory_space<hbm>> -> memref<8x128xi32, #tpu.memory_space<hbm>>
      %dma_wait3A_960 = arith.constant 0 : i32
      %dma_wait3A_961 = arith.constant 0 : i32
      %dma_wait3A_962 = tpu.memref_slice %arg8[%dma_wait3A_960, %dma_wait3A_961] : memref<40x128xi32, #tpu.memory_space<vmem>> -> memref<8x128xi32, #tpu.memory_space<vmem>>
      %dma_wait3A_963 = arith.constant 0 : i32
      %dma_wait3A_964 = arith.constant 0 : i32
      %dma_wait3A_965 = tpu.memref_slice %arg2[%add3A_944, %add3A_924, %dma_wait3A_963, %dma_wait3A_964] : memref<25x128x8x128xi32, #tpu.memory_space<hbm>> -> memref<1x1x8x128xi32, #tpu.memory_space<hbm>>
      %dma_wait3A_966 = tpu.memref_squeeze %dma_wait3A_965 : memref<1x1x8x128xi32, #tpu.memory_space<hbm>> -> memref<8x128xi32, #tpu.memory_space<hbm>>
      tpu.wait_dma2 semaphore(%arg12 : memref<!tpu.dma_semaphore, #tpu.memory_space<semaphore_mem>>) src(%dma_wait3A_966 : memref<8x128xi32, #tpu.memory_space<hbm>>) dst(%dma_wait3A_962 : memref<8x128xi32, #tpu.memory_space<vmem>>)
      %dma_wait3A_967 = arith.constant 8 : i32
      %dma_wait3A_968 = arith.constant 0 : i32
      %dma_wait3A_969 = tpu.memref_slice %arg8[%dma_wait3A_967, %dma_wait3A_968] : memref<40x128xi32, #tpu.memory_space<vmem>> -> memref<8x128xi32, #tpu.memory_space<vmem>>
      %dma_wait3A_970 = arith.constant 0 : i32
      %dma_wait3A_971 = arith.constant 0 : i32
      %dma_wait3A_972 = tpu.memref_slice %arg2[%add3A_946, %add3A_924, %dma_wait3A_970, %dma_wait3A_971] : memref<25x128x8x128xi32, #tpu.memory_space<hbm>> -> memref<1x1x8x128xi32, #tpu.memory_space<hbm>>
      %dma_wait3A_973 = tpu.memref_squeeze %dma_wait3A_972 : memref<1x1x8x128xi32, #tpu.memory_space<hbm>> -> memref<8x128xi32, #tpu.memory_space<hbm>>
      %dma_wait3A_974 = arith.constant 8 : i32
      %dma_wait3A_975 = arith.constant 0 : i32
      %dma_wait3A_976 = tpu.memref_slice %arg8[%dma_wait3A_974, %dma_wait3A_975] : memref<40x128xi32, #tpu.memory_space<vmem>> -> memref<8x128xi32, #tpu.memory_space<vmem>>
      %dma_wait3A_977 = arith.constant 0 : i32
      %dma_wait3A_978 = arith.constant 0 : i32
      %dma_wait3A_979 = tpu.memref_slice %arg2[%add3A_946, %add3A_924, %dma_wait3A_977, %dma_wait3A_978] : memref<25x128x8x128xi32, #tpu.memory_space<hbm>> -> memref<1x1x8x128xi32, #tpu.memory_space<hbm>>
      %dma_wait3A_980 = tpu.memref_squeeze %dma_wait3A_979 : memref<1x1x8x128xi32, #tpu.memory_space<hbm>> -> memref<8x128xi32, #tpu.memory_space<hbm>>
      tpu.wait_dma2 semaphore(%arg12 : memref<!tpu.dma_semaphore, #tpu.memory_space<semaphore_mem>>) src(%dma_wait3A_980 : memref<8x128xi32, #tpu.memory_space<hbm>>) dst(%dma_wait3A_976 : memref<8x128xi32, #tpu.memory_space<vmem>>)
      %dma_wait3A_981 = arith.constant 16 : i32
      %dma_wait3A_982 = arith.constant 0 : i32
      %dma_wait3A_983 = tpu.memref_slice %arg8[%dma_wait3A_981, %dma_wait3A_982] : memref<40x128xi32, #tpu.memory_space<vmem>> -> memref<8x128xi32, #tpu.memory_space<vmem>>
      %dma_wait3A_984 = arith.constant 0 : i32
      %dma_wait3A_985 = arith.constant 0 : i32
      %dma_wait3A_986 = tpu.memref_slice %arg2[%add3A_948, %add3A_924, %dma_wait3A_984, %dma_wait3A_985] : memref<25x128x8x128xi32, #tpu.memory_space<hbm>> -> memref<1x1x8x128xi32, #tpu.memory_space<hbm>>
      %dma_wait3A_987 = tpu.memref_squeeze %dma_wait3A_986 : memref<1x1x8x128xi32, #tpu.memory_space<hbm>> -> memref<8x128xi32, #tpu.memory_space<hbm>>
      %dma_wait3A_988 = arith.constant 16 : i32
      %dma_wait3A_989 = arith.constant 0 : i32
      %dma_wait3A_990 = tpu.memref_slice %arg8[%dma_wait3A_988, %dma_wait3A_989] : memref<40x128xi32, #tpu.memory_space<vmem>> -> memref<8x128xi32, #tpu.memory_space<vmem>>
      %dma_wait3A_991 = arith.constant 0 : i32
      %dma_wait3A_992 = arith.constant 0 : i32
      %dma_wait3A_993 = tpu.memref_slice %arg2[%add3A_948, %add3A_924, %dma_wait3A_991, %dma_wait3A_992] : memref<25x128x8x128xi32, #tpu.memory_space<hbm>> -> memref<1x1x8x128xi32, #tpu.memory_space<hbm>>
      %dma_wait3A_994 = tpu.memref_squeeze %dma_wait3A_993 : memref<1x1x8x128xi32, #tpu.memory_space<hbm>> -> memref<8x128xi32, #tpu.memory_space<hbm>>
      tpu.wait_dma2 semaphore(%arg12 : memref<!tpu.dma_semaphore, #tpu.memory_space<semaphore_mem>>) src(%dma_wait3A_994 : memref<8x128xi32, #tpu.memory_space<hbm>>) dst(%dma_wait3A_990 : memref<8x128xi32, #tpu.memory_space<vmem>>)
      %dma_wait3A_995 = arith.constant 24 : i32
      %dma_wait3A_996 = arith.constant 0 : i32
      %dma_wait3A_997 = tpu.memref_slice %arg8[%dma_wait3A_995, %dma_wait3A_996] : memref<40x128xi32, #tpu.memory_space<vmem>> -> memref<8x128xi32, #tpu.memory_space<vmem>>
      %dma_wait3A_998 = arith.constant 0 : i32
      %dma_wait3A_999 = arith.constant 0 : i32
      %dma_wait3A_1000 = tpu.memref_slice %arg2[%add3A_950, %add3A_924, %dma_wait3A_998, %dma_wait3A_999] : memref<25x128x8x128xi32, #tpu.memory_space<hbm>> -> memref<1x1x8x128xi32, #tpu.memory_space<hbm>>
      %dma_wait3A_1001 = tpu.memref_squeeze %dma_wait3A_1000 : memref<1x1x8x128xi32, #tpu.memory_space<hbm>> -> memref<8x128xi32, #tpu.memory_space<hbm>>
      %dma_wait3A_1002 = arith.constant 24 : i32
      %dma_wait3A_1003 = arith.constant 0 : i32
      %dma_wait3A_1004 = tpu.memref_slice %arg8[%dma_wait3A_1002, %dma_wait3A_1003] : memref<40x128xi32, #tpu.memory_space<vmem>> -> memref<8x128xi32, #tpu.memory_space<vmem>>
      %dma_wait3A_1005 = arith.constant 0 : i32
      %dma_wait3A_1006 = arith.constant 0 : i32
      %dma_wait3A_1007 = tpu.memref_slice %arg2[%add3A_950, %add3A_924, %dma_wait3A_1005, %dma_wait3A_1006] : memref<25x128x8x128xi32, #tpu.memory_space<hbm>> -> memref<1x1x8x128xi32, #tpu.memory_space<hbm>>
      %dma_wait3A_1008 = tpu.memref_squeeze %dma_wait3A_1007 : memref<1x1x8x128xi32, #tpu.memory_space<hbm>> -> memref<8x128xi32, #tpu.memory_space<hbm>>
      tpu.wait_dma2 semaphore(%arg12 : memref<!tpu.dma_semaphore, #tpu.memory_space<semaphore_mem>>) src(%dma_wait3A_1008 : memref<8x128xi32, #tpu.memory_space<hbm>>) dst(%dma_wait3A_1004 : memref<8x128xi32, #tpu.memory_space<vmem>>)
      %dma_wait3A_1009 = arith.constant 32 : i32
      %dma_wait3A_1010 = arith.constant 0 : i32
      %dma_wait3A_1011 = tpu.memref_slice %arg8[%dma_wait3A_1009, %dma_wait3A_1010] : memref<40x128xi32, #tpu.memory_space<vmem>> -> memref<8x128xi32, #tpu.memory_space<vmem>>
      %dma_wait3A_1012 = arith.constant 0 : i32
      %dma_wait3A_1013 = arith.constant 0 : i32
      %dma_wait3A_1014 = tpu.memref_slice %arg2[%add3A_952, %add3A_924, %dma_wait3A_1012, %dma_wait3A_1013] : memref<25x128x8x128xi32, #tpu.memory_space<hbm>> -> memref<1x1x8x128xi32, #tpu.memory_space<hbm>>
      %dma_wait3A_1015 = tpu.memref_squeeze %dma_wait3A_1014 : memref<1x1x8x128xi32, #tpu.memory_space<hbm>> -> memref<8x128xi32, #tpu.memory_space<hbm>>
      %dma_wait3A_1016 = arith.constant 32 : i32
      %dma_wait3A_1017 = arith.constant 0 : i32
      %dma_wait3A_1018 = tpu.memref_slice %arg8[%dma_wait3A_1016, %dma_wait3A_1017] : memref<40x128xi32, #tpu.memory_space<vmem>> -> memref<8x128xi32, #tpu.memory_space<vmem>>
      %dma_wait3A_1019 = arith.constant 0 : i32
      %dma_wait3A_1020 = arith.constant 0 : i32
      %dma_wait3A_1021 = tpu.memref_slice %arg2[%add3A_952, %add3A_924, %dma_wait3A_1019, %dma_wait3A_1020] : memref<25x128x8x128xi32, #tpu.memory_space<hbm>> -> memref<1x1x8x128xi32, #tpu.memory_space<hbm>>
      %dma_wait3A_1022 = tpu.memref_squeeze %dma_wait3A_1021 : memref<1x1x8x128xi32, #tpu.memory_space<hbm>> -> memref<8x128xi32, #tpu.memory_space<hbm>>
      tpu.wait_dma2 semaphore(%arg12 : memref<!tpu.dma_semaphore, #tpu.memory_space<semaphore_mem>>) src(%dma_wait3A_1022 : memref<8x128xi32, #tpu.memory_space<hbm>>) dst(%dma_wait3A_1018 : memref<8x128xi32, #tpu.memory_space<vmem>>)
      %ge3A_1023 = arith.constant 2 : i32
      %ge3A_1024 = arith.cmpi sge, %add3A_899, %ge3A_1023 : i32
      %convert_element_type3A_1025 = arith.extui %ge3A_1024 : i1 to i32
      %cond3A_1026 = arith.constant 0 : i32
      %cond3A_1027 = arith.cmpi ne, %convert_element_type3A_1025, %cond3A_1026 : i32
      scf.if %cond3A_1027 {
        %sub3A_1089 = arith.constant 2 : i32
        %sub3A_1090 = arith.subi %add3A_899, %sub3A_1089 : i32
        %jit3A_1091 = arith.constant 5 : i32
        %div3A_1092 = arith.divsi %sub3A_1090, %jit3A_1091 : i32
        %sign3A_1093 = arith.constant 0 : i32
        %sign3A_1094 = arith.cmpi sgt, %sub3A_1090, %sign3A_1093 : i32
        %sign3A_1095 = arith.extui %sign3A_1094 : i1 to i32
        %sign3A_1096 = arith.constant 0 : i32
        %sign3A_1097 = arith.cmpi slt, %sub3A_1090, %sign3A_1096 : i32
        %sign3A_1098 = arith.extui %sign3A_1097 : i1 to i32
        %sign3A_1099 = arith.subi %sign3A_1095, %sign3A_1098 : i32
        %sign3A_1100 = arith.constant 0 : i32
        %sign3A_1101 = arith.cmpi sgt, %jit3A_1091, %sign3A_1100 : i32
        %sign3A_1102 = arith.extui %sign3A_1101 : i1 to i32
        %sign3A_1103 = arith.constant 0 : i32
        %sign3A_1104 = arith.cmpi slt, %jit3A_1091, %sign3A_1103 : i32
        %sign3A_1105 = arith.extui %sign3A_1104 : i1 to i32
        %sign3A_1106 = arith.subi %sign3A_1102, %sign3A_1105 : i32
        %ne3A_1107 = arith.cmpi ne, %sign3A_1099, %sign3A_1106 : i32
        %rem3A_1108 = arith.remsi %sub3A_1090, %jit3A_1091 : i32
        %ne3A_1109 = arith.constant 0 : i32
        %ne3A_1110 = arith.cmpi ne, %rem3A_1108, %ne3A_1109 : i32
        %and3A_1111 = arith.andi %ne3A_1107, %ne3A_1110 : i1
        %sub3A_1112 = arith.constant 1 : i32
        %sub3A_1113 = arith.subi %div3A_1092, %sub3A_1112 : i32
        %select_n3A_1114 = arith.select %and3A_1111, %sub3A_1113, %div3A_1092 : i32
        %add3A_1115 = arith.addi %mul3A_2, %select_n3A_1114 : i32
        %jit3A_1116 = arith.constant 5 : i32
        %eq3A_1117 = arith.constant 0 : i32
        %eq3A_1118 = arith.cmpi eq, %jit3A_1116, %eq3A_1117 : i32
        %jit3A_1119 = arith.constant 1 : i32
        %select_n3A_1120 = arith.select %eq3A_1118, %jit3A_1119, %jit3A_1116 : i32
        %rem3A_1121 = arith.remsi %sub3A_1090, %select_n3A_1120 : i32
        %ne3A_1122 = arith.constant 0 : i32
        %ne3A_1123 = arith.cmpi ne, %rem3A_1121, %ne3A_1122 : i32
        %lt3A_1124 = arith.constant 0 : i32
        %lt3A_1125 = arith.cmpi slt, %rem3A_1121, %lt3A_1124 : i32
        %lt3A_1126 = arith.constant 0 : i32
        %lt3A_1127 = arith.cmpi slt, %select_n3A_1120, %lt3A_1126 : i32
        %ne3A_1128 = arith.xori %lt3A_1125, %lt3A_1127 : i1
        %and3A_1129 = arith.andi %ne3A_1128, %ne3A_1123 : i1
        %add3A_1130 = arith.addi %rem3A_1121, %select_n3A_1120 : i32
        %select_n3A_1131 = arith.select %and3A_1129, %add3A_1130, %rem3A_1121 : i32
        %mul3A_1132 = arith.constant 40 : i32
        %mul3A_1133 = arith.muli %select_n3A_1131, %mul3A_1132 : i32
        %dma_wait3A_1134 = arith.constant 0 : i32
        %dma_wait3A_1135 = arith.constant 0 : i32
        %dma_wait3A_1136 = tpu.memref_slice %arg4[%mul3A_1133, %add3A_1115, %dma_wait3A_1134, %dma_wait3A_1135] : memref<200x128x4x128xf32, #tpu.memory_space<hbm>> -> memref<40x1x4x128xf32, #tpu.memory_space<hbm>>
        %dma_wait3A_1137 = tpu.memref_squeeze %dma_wait3A_1136 : memref<40x1x4x128xf32, #tpu.memory_space<hbm>> -> memref<40x4x128xf32, #tpu.memory_space<hbm>>
        %dma_wait3A_1138 = arith.constant 0 : i32
        %dma_wait3A_1139 = arith.constant 0 : i32
        %dma_wait3A_1140 = tpu.memref_slice %arg4[%mul3A_1133, %add3A_1115, %dma_wait3A_1138, %dma_wait3A_1139] : memref<200x128x4x128xf32, #tpu.memory_space<hbm>> -> memref<40x1x4x128xf32, #tpu.memory_space<hbm>>
        %dma_wait3A_1141 = tpu.memref_squeeze %dma_wait3A_1140 : memref<40x1x4x128xf32, #tpu.memory_space<hbm>> -> memref<40x4x128xf32, #tpu.memory_space<hbm>>
        tpu.wait_dma2 semaphore(%arg14 : memref<!tpu.dma_semaphore, #tpu.memory_space<semaphore_mem>>) src(%arg10 : memref<40x4x128xf32, #tpu.memory_space<vmem>>) dst(%dma_wait3A_1141 : memref<40x4x128xf32, #tpu.memory_space<hbm>>)
      } else {
      }
      %parallel_loop3A_1028 = arith.constant 0 : i32
      %parallel_loop3A_1029 = arith.constant 40 : i32
      %parallel_loop3A_1030 = arith.constant 1 : i32
      scf.for %parallel_loop3A_1089 = %parallel_loop3A_1028 to %parallel_loop3A_1029 step %parallel_loop3A_1030  : i32 {
        %parallel_loop3A_1090 = arith.index_cast %parallel_loop3A_1089 : i32 to index
        %parallel_loop3A_1091 = arith.constant 0 : index
        %parallel_loop3A_1092 = tpu.vector_load %arg8[%parallel_loop3A_1090, %parallel_loop3A_1091] {strides = array<i32>} : memref<40x128xi32, #tpu.memory_space<vmem>>, vector<16xi32>,
        %parallel_loop3A_1093 = arith.constant 64 : i32
        %parallel_loop3A_1094 = vector.broadcast %parallel_loop3A_1093 : i32 to vector<16xi32>
        %parallel_loop3A_1095 = arith.muli %parallel_loop3A_1092, %parallel_loop3A_1094 : vector<16xi32>
        %parallel_loop3A_1096 = arith.addi %parallel_loop3A_1095, %add3A_5 : vector<16xi32>
        %parallel_loop3A_1097 = tpu.vector_load_idx %arg6[%parallel_loop3A_1096] : memref<640xf32, #tpu.memory_space<vmem>>[vector<16xi32>], vector<16xf32>,
        %parallel_loop3A_1098 = arith.constant 0 : i32
        %parallel_loop3A_1099 = arith.index_cast %parallel_loop3A_1089 : i32 to index
        %parallel_loop3A_1100 = arith.index_cast %parallel_loop3A_1098 : i32 to index
        %parallel_loop3A_1101 = arith.constant 0 : index
        %parallel_loop3A_1102 = tpu.vector_load %arg10[%parallel_loop3A_1099, %parallel_loop3A_1100, %parallel_loop3A_1101] {strides = array<i32>} : memref<40x4x128xf32, #tpu.memory_space<vmem>>, vector<16xf32>,
        tpu.vector_store %arg10[%parallel_loop3A_1099, %parallel_loop3A_1100, %parallel_loop3A_1101], %parallel_loop3A_1097 {strides = array<i32>} : memref<40x4x128xf32, #tpu.memory_space<vmem>>, vector<16xf32>,
        %parallel_loop3A_1103 = arith.addi %parallel_loop3A_1095, %add3A_8 : vector<16xi32>
        %parallel_loop3A_1104 = tpu.vector_load_idx %arg6[%parallel_loop3A_1103] : memref<640xf32, #tpu.memory_space<vmem>>[vector<16xi32>], vector<16xf32>,
        %parallel_loop3A_1105 = arith.constant 1 : i32
        %parallel_loop3A_1106 = arith.index_cast %parallel_loop3A_1089 : i32 to index
        %parallel_loop3A_1107 = arith.index_cast %parallel_loop3A_1105 : i32 to index
        %parallel_loop3A_1108 = arith.constant 0 : index
        %parallel_loop3A_1109 = tpu.vector_load %arg10[%parallel_loop3A_1106, %parallel_loop3A_1107, %parallel_loop3A_1108] {strides = array<i32>} : memref<40x4x128xf32, #tpu.memory_space<vmem>>, vector<16xf32>,
        tpu.vector_store %arg10[%parallel_loop3A_1106, %parallel_loop3A_1107, %parallel_loop3A_1108], %parallel_loop3A_1104 {strides = array<i32>} : memref<40x4x128xf32, #tpu.memory_space<vmem>>, vector<16xf32>,
        %parallel_loop3A_1110 = arith.addi %parallel_loop3A_1095, %add3A_11 : vector<16xi32>
        %parallel_loop3A_1111 = tpu.vector_load_idx %arg6[%parallel_loop3A_1110] : memref<640xf32, #tpu.memory_space<vmem>>[vector<16xi32>], vector<16xf32>,
        %parallel_loop3A_1112 = arith.constant 2 : i32
        %parallel_loop3A_1113 = arith.index_cast %parallel_loop3A_1089 : i32 to index
        %parallel_loop3A_1114 = arith.index_cast %parallel_loop3A_1112 : i32 to index
        %parallel_loop3A_1115 = arith.constant 0 : index
        %parallel_loop3A_1116 = tpu.vector_load %arg10[%parallel_loop3A_1113, %parallel_loop3A_1114, %parallel_loop3A_1115] {strides = array<i32>} : memref<40x4x128xf32, #tpu.memory_space<vmem>>, vector<16xf32>,
        tpu.vector_store %arg10[%parallel_loop3A_1113, %parallel_loop3A_1114, %parallel_loop3A_1115], %parallel_loop3A_1111 {strides = array<i32>} : memref<40x4x128xf32, #tpu.memory_space<vmem>>, vector<16xf32>,
        %parallel_loop3A_1117 = arith.addi %parallel_loop3A_1095, %add3A_14 : vector<16xi32>
        %parallel_loop3A_1118 = tpu.vector_load_idx %arg6[%parallel_loop3A_1117] : memref<640xf32, #tpu.memory_space<vmem>>[vector<16xi32>], vector<16xf32>,
        %parallel_loop3A_1119 = arith.constant 3 : i32
        %parallel_loop3A_1120 = arith.index_cast %parallel_loop3A_1089 : i32 to index
        %parallel_loop3A_1121 = arith.index_cast %parallel_loop3A_1119 : i32 to index
        %parallel_loop3A_1122 = arith.constant 0 : index
        %parallel_loop3A_1123 = tpu.vector_load %arg10[%parallel_loop3A_1120, %parallel_loop3A_1121, %parallel_loop3A_1122] {strides = array<i32>} : memref<40x4x128xf32, #tpu.memory_space<vmem>>, vector<16xf32>,
        tpu.vector_store %arg10[%parallel_loop3A_1120, %parallel_loop3A_1121, %parallel_loop3A_1122], %parallel_loop3A_1118 {strides = array<i32>} : memref<40x4x128xf32, #tpu.memory_space<vmem>>, vector<16xf32>,
        %parallel_loop3A_1124 = arith.index_cast %parallel_loop3A_1089 : i32 to index
        %parallel_loop3A_1125 = arith.constant 16 : index
        %parallel_loop3A_1126 = tpu.vector_load %arg8[%parallel_loop3A_1124, %parallel_loop3A_1125] {strides = array<i32>} : memref<40x128xi32, #tpu.memory_space<vmem>>, vector<16xi32>,
        %parallel_loop3A_1127 = arith.constant 64 : i32
        %parallel_loop3A_1128 = vector.broadcast %parallel_loop3A_1127 : i32 to vector<16xi32>
        %parallel_loop3A_1129 = arith.muli %parallel_loop3A_1126, %parallel_loop3A_1128 : vector<16xi32>
        %parallel_loop3A_1130 = arith.addi %parallel_loop3A_1129, %add3A_5 : vector<16xi32>
        %parallel_loop3A_1131 = tpu.vector_load_idx %arg6[%parallel_loop3A_1130] : memref<640xf32, #tpu.memory_space<vmem>>[vector<16xi32>], vector<16xf32>,
        %parallel_loop3A_1132 = arith.constant 0 : i32
        %parallel_loop3A_1133 = arith.index_cast %parallel_loop3A_1089 : i32 to index
        %parallel_loop3A_1134 = arith.index_cast %parallel_loop3A_1132 : i32 to index
        %parallel_loop3A_1135 = arith.constant 16 : index
        %parallel_loop3A_1136 = tpu.vector_load %arg10[%parallel_loop3A_1133, %parallel_loop3A_1134, %parallel_loop3A_1135] {strides = array<i32>} : memref<40x4x128xf32, #tpu.memory_space<vmem>>, vector<16xf32>,
        tpu.vector_store %arg10[%parallel_loop3A_1133, %parallel_loop3A_1134, %parallel_loop3A_1135], %parallel_loop3A_1131 {strides = array<i32>} : memref<40x4x128xf32, #tpu.memory_space<vmem>>, vector<16xf32>,
        %parallel_loop3A_1137 = arith.addi %parallel_loop3A_1129, %add3A_8 : vector<16xi32>
        %parallel_loop3A_1138 = tpu.vector_load_idx %arg6[%parallel_loop3A_1137] : memref<640xf32, #tpu.memory_space<vmem>>[vector<16xi32>], vector<16xf32>,
        %parallel_loop3A_1139 = arith.constant 1 : i32
        %parallel_loop3A_1140 = arith.index_cast %parallel_loop3A_1089 : i32 to index
        %parallel_loop3A_1141 = arith.index_cast %parallel_loop3A_1139 : i32 to index
        %parallel_loop3A_1142 = arith.constant 16 : index
        %parallel_loop3A_1143 = tpu.vector_load %arg10[%parallel_loop3A_1140, %parallel_loop3A_1141, %parallel_loop3A_1142] {strides = array<i32>} : memref<40x4x128xf32, #tpu.memory_space<vmem>>, vector<16xf32>,
        tpu.vector_store %arg10[%parallel_loop3A_1140, %parallel_loop3A_1141, %parallel_loop3A_1142], %parallel_loop3A_1138 {strides = array<i32>} : memref<40x4x128xf32, #tpu.memory_space<vmem>>, vector<16xf32>,
        %parallel_loop3A_1144 = arith.addi %parallel_loop3A_1129, %add3A_11 : vector<16xi32>
        %parallel_loop3A_1145 = tpu.vector_load_idx %arg6[%parallel_loop3A_1144] : memref<640xf32, #tpu.memory_space<vmem>>[vector<16xi32>], vector<16xf32>,
        %parallel_loop3A_1146 = arith.constant 2 : i32
        %parallel_loop3A_1147 = arith.index_cast %parallel_loop3A_1089 : i32 to index
        %parallel_loop3A_1148 = arith.index_cast %parallel_loop3A_1146 : i32 to index
        %parallel_loop3A_1149 = arith.constant 16 : index
        %parallel_loop3A_1150 = tpu.vector_load %arg10[%parallel_loop3A_1147, %parallel_loop3A_1148, %parallel_loop3A_1149] {strides = array<i32>} : memref<40x4x128xf32, #tpu.memory_space<vmem>>, vector<16xf32>,
        tpu.vector_store %arg10[%parallel_loop3A_1147, %parallel_loop3A_1148, %parallel_loop3A_1149], %parallel_loop3A_1145 {strides = array<i32>} : memref<40x4x128xf32, #tpu.memory_space<vmem>>, vector<16xf32>,
        %parallel_loop3A_1151 = arith.addi %parallel_loop3A_1129, %add3A_14 : vector<16xi32>
        %parallel_loop3A_1152 = tpu.vector_load_idx %arg6[%parallel_loop3A_1151] : memref<640xf32, #tpu.memory_space<vmem>>[vector<16xi32>], vector<16xf32>,
        %parallel_loop3A_1153 = arith.constant 3 : i32
        %parallel_loop3A_1154 = arith.index_cast %parallel_loop3A_1089 : i32 to index
        %parallel_loop3A_1155 = arith.index_cast %parallel_loop3A_1153 : i32 to index
        %parallel_loop3A_1156 = arith.constant 16 : index
        %parallel_loop3A_1157 = tpu.vector_load %arg10[%parallel_loop3A_1154, %parallel_loop3A_1155, %parallel_loop3A_1156] {strides = array<i32>} : memref<40x4x128xf32, #tpu.memory_space<vmem>>, vector<16xf32>,
        tpu.vector_store %arg10[%parallel_loop3A_1154, %parallel_loop3A_1155, %parallel_loop3A_1156], %parallel_loop3A_1152 {strides = array<i32>} : memref<40x4x128xf32, #tpu.memory_space<vmem>>, vector<16xf32>,
        %parallel_loop3A_1158 = arith.index_cast %parallel_loop3A_1089 : i32 to index
        %parallel_loop3A_1159 = arith.constant 32 : index
        %parallel_loop3A_1160 = tpu.vector_load %arg8[%parallel_loop3A_1158, %parallel_loop3A_1159] {strides = array<i32>} : memref<40x128xi32, #tpu.memory_space<vmem>>, vector<16xi32>,
        %parallel_loop3A_1161 = arith.constant 64 : i32
        %parallel_loop3A_1162 = vector.broadcast %parallel_loop3A_1161 : i32 to vector<16xi32>
        %parallel_loop3A_1163 = arith.muli %parallel_loop3A_1160, %parallel_loop3A_1162 : vector<16xi32>
        %parallel_loop3A_1164 = arith.addi %parallel_loop3A_1163, %add3A_5 : vector<16xi32>
        %parallel_loop3A_1165 = tpu.vector_load_idx %arg6[%parallel_loop3A_1164] : memref<640xf32, #tpu.memory_space<vmem>>[vector<16xi32>], vector<16xf32>,
        %parallel_loop3A_1166 = arith.constant 0 : i32
        %parallel_loop3A_1167 = arith.index_cast %parallel_loop3A_1089 : i32 to index
        %parallel_loop3A_1168 = arith.index_cast %parallel_loop3A_1166 : i32 to index
        %parallel_loop3A_1169 = arith.constant 32 : index
        %parallel_loop3A_1170 = tpu.vector_load %arg10[%parallel_loop3A_1167, %parallel_loop3A_1168, %parallel_loop3A_1169] {strides = array<i32>} : memref<40x4x128xf32, #tpu.memory_space<vmem>>, vector<16xf32>,
        tpu.vector_store %arg10[%parallel_loop3A_1167, %parallel_loop3A_1168, %parallel_loop3A_1169], %parallel_loop3A_1165 {strides = array<i32>} : memref<40x4x128xf32, #tpu.memory_space<vmem>>, vector<16xf32>,
        %parallel_loop3A_1171 = arith.addi %parallel_loop3A_1163, %add3A_8 : vector<16xi32>
        %parallel_loop3A_1172 = tpu.vector_load_idx %arg6[%parallel_loop3A_1171] : memref<640xf32, #tpu.memory_space<vmem>>[vector<16xi32>], vector<16xf32>,
        %parallel_loop3A_1173 = arith.constant 1 : i32
        %parallel_loop3A_1174 = arith.index_cast %parallel_loop3A_1089 : i32 to index
        %parallel_loop3A_1175 = arith.index_cast %parallel_loop3A_1173 : i32 to index
        %parallel_loop3A_1176 = arith.constant 32 : index
        %parallel_loop3A_1177 = tpu.vector_load %arg10[%parallel_loop3A_1174, %parallel_loop3A_1175, %parallel_loop3A_1176] {strides = array<i32>} : memref<40x4x128xf32, #tpu.memory_space<vmem>>, vector<16xf32>,
        tpu.vector_store %arg10[%parallel_loop3A_1174, %parallel_loop3A_1175, %parallel_loop3A_1176], %parallel_loop3A_1172 {strides = array<i32>} : memref<40x4x128xf32, #tpu.memory_space<vmem>>, vector<16xf32>,
        %parallel_loop3A_1178 = arith.addi %parallel_loop3A_1163, %add3A_11 : vector<16xi32>
        %parallel_loop3A_1179 = tpu.vector_load_idx %arg6[%parallel_loop3A_1178] : memref<640xf32, #tpu.memory_space<vmem>>[vector<16xi32>], vector<16xf32>,
        %parallel_loop3A_1180 = arith.constant 2 : i32
        %parallel_loop3A_1181 = arith.index_cast %parallel_loop3A_1089 : i32 to index
        %parallel_loop3A_1182 = arith.index_cast %parallel_loop3A_1180 : i32 to index
        %parallel_loop3A_1183 = arith.constant 32 : index
        %parallel_loop3A_1184 = tpu.vector_load %arg10[%parallel_loop3A_1181, %parallel_loop3A_1182, %parallel_loop3A_1183] {strides = array<i32>} : memref<40x4x128xf32, #tpu.memory_space<vmem>>, vector<16xf32>,
        tpu.vector_store %arg10[%parallel_loop3A_1181, %parallel_loop3A_1182, %parallel_loop3A_1183], %parallel_loop3A_1179 {strides = array<i32>} : memref<40x4x128xf32, #tpu.memory_space<vmem>>, vector<16xf32>,
        %parallel_loop3A_1185 = arith.addi %parallel_loop3A_1163, %add3A_14 : vector<16xi32>
        %parallel_loop3A_1186 = tpu.vector_load_idx %arg6[%parallel_loop3A_1185] : memref<640xf32, #tpu.memory_space<vmem>>[vector<16xi32>], vector<16xf32>,
        %parallel_loop3A_1187 = arith.constant 3 : i32
        %parallel_loop3A_1188 = arith.index_cast %parallel_loop3A_1089 : i32 to index
        %parallel_loop3A_1189 = arith.index_cast %parallel_loop3A_1187 : i32 to index
        %parallel_loop3A_1190 = arith.constant 32 : index
        %parallel_loop3A_1191 = tpu.vector_load %arg10[%parallel_loop3A_1188, %parallel_loop3A_1189, %parallel_loop3A_1190] {strides = array<i32>} : memref<40x4x128xf32, #tpu.memory_space<vmem>>, vector<16xf32>,
        tpu.vector_store %arg10[%parallel_loop3A_1188, %parallel_loop3A_1189, %parallel_loop3A_1190], %parallel_loop3A_1186 {strides = array<i32>} : memref<40x4x128xf32, #tpu.memory_space<vmem>>, vector<16xf32>,
        %parallel_loop3A_1192 = arith.index_cast %parallel_loop3A_1089 : i32 to index
        %parallel_loop3A_1193 = arith.constant 48 : index
        %parallel_loop3A_1194 = tpu.vector_load %arg8[%parallel_loop3A_1192, %parallel_loop3A_1193] {strides = array<i32>} : memref<40x128xi32, #tpu.memory_space<vmem>>, vector<16xi32>,
        %parallel_loop3A_1195 = arith.constant 64 : i32
        %parallel_loop3A_1196 = vector.broadcast %parallel_loop3A_1195 : i32 to vector<16xi32>
        %parallel_loop3A_1197 = arith.muli %parallel_loop3A_1194, %parallel_loop3A_1196 : vector<16xi32>
        %parallel_loop3A_1198 = arith.addi %parallel_loop3A_1197, %add3A_5 : vector<16xi32>
        %parallel_loop3A_1199 = tpu.vector_load_idx %arg6[%parallel_loop3A_1198] : memref<640xf32, #tpu.memory_space<vmem>>[vector<16xi32>], vector<16xf32>,
        %parallel_loop3A_1200 = arith.constant 0 : i32
        %parallel_loop3A_1201 = arith.index_cast %parallel_loop3A_1089 : i32 to index
        %parallel_loop3A_1202 = arith.index_cast %parallel_loop3A_1200 : i32 to index
        %parallel_loop3A_1203 = arith.constant 48 : index
        %parallel_loop3A_1204 = tpu.vector_load %arg10[%parallel_loop3A_1201, %parallel_loop3A_1202, %parallel_loop3A_1203] {strides = array<i32>} : memref<40x4x128xf32, #tpu.memory_space<vmem>>, vector<16xf32>,
        tpu.vector_store %arg10[%parallel_loop3A_1201, %parallel_loop3A_1202, %parallel_loop3A_1203], %parallel_loop3A_1199 {strides = array<i32>} : memref<40x4x128xf32, #tpu.memory_space<vmem>>, vector<16xf32>,
        %parallel_loop3A_1205 = arith.addi %parallel_loop3A_1197, %add3A_8 : vector<16xi32>
        %parallel_loop3A_1206 = tpu.vector_load_idx %arg6[%parallel_loop3A_1205] : memref<640xf32, #tpu.memory_space<vmem>>[vector<16xi32>], vector<16xf32>,
        %parallel_loop3A_1207 = arith.constant 1 : i32
        %parallel_loop3A_1208 = arith.index_cast %parallel_loop3A_1089 : i32 to index
        %parallel_loop3A_1209 = arith.index_cast %parallel_loop3A_1207 : i32 to index
        %parallel_loop3A_1210 = arith.constant 48 : index
        %parallel_loop3A_1211 = tpu.vector_load %arg10[%parallel_loop3A_1208, %parallel_loop3A_1209, %parallel_loop3A_1210] {strides = array<i32>} : memref<40x4x128xf32, #tpu.memory_space<vmem>>, vector<16xf32>,
        tpu.vector_store %arg10[%parallel_loop3A_1208, %parallel_loop3A_1209, %parallel_loop3A_1210], %parallel_loop3A_1206 {strides = array<i32>} : memref<40x4x128xf32, #tpu.memory_space<vmem>>, vector<16xf32>,
        %parallel_loop3A_1212 = arith.addi %parallel_loop3A_1197, %add3A_11 : vector<16xi32>
        %parallel_loop3A_1213 = tpu.vector_load_idx %arg6[%parallel_loop3A_1212] : memref<640xf32, #tpu.memory_space<vmem>>[vector<16xi32>], vector<16xf32>,
        %parallel_loop3A_1214 = arith.constant 2 : i32
        %parallel_loop3A_1215 = arith.index_cast %parallel_loop3A_1089 : i32 to index
        %parallel_loop3A_1216 = arith.index_cast %parallel_loop3A_1214 : i32 to index
        %parallel_loop3A_1217 = arith.constant 48 : index
        %parallel_loop3A_1218 = tpu.vector_load %arg10[%parallel_loop3A_1215, %parallel_loop3A_1216, %parallel_loop3A_1217] {strides = array<i32>} : memref<40x4x128xf32, #tpu.memory_space<vmem>>, vector<16xf32>,
        tpu.vector_store %arg10[%parallel_loop3A_1215, %parallel_loop3A_1216, %parallel_loop3A_1217], %parallel_loop3A_1213 {strides = array<i32>} : memref<40x4x128xf32, #tpu.memory_space<vmem>>, vector<16xf32>,
        %parallel_loop3A_1219 = arith.addi %parallel_loop3A_1197, %add3A_14 : vector<16xi32>
        %parallel_loop3A_1220 = tpu.vector_load_idx %arg6[%parallel_loop3A_1219] : memref<640xf32, #tpu.memory_space<vmem>>[vector<16xi32>], vector<16xf32>,
        %parallel_loop3A_1221 = arith.constant 3 : i32
        %parallel_loop3A_1222 = arith.index_cast %parallel_loop3A_1089 : i32 to index
        %parallel_loop3A_1223 = arith.index_cast %parallel_loop3A_1221 : i32 to index
        %parallel_loop3A_1224 = arith.constant 48 : index
        %parallel_loop3A_1225 = tpu.vector_load %arg10[%parallel_loop3A_1222, %parallel_loop3A_1223, %parallel_loop3A_1224] {strides = array<i32>} : memref<40x4x128xf32, #tpu.memory_space<vmem>>, vector<16xf32>,
        tpu.vector_store %arg10[%parallel_loop3A_1222, %parallel_loop3A_1223, %parallel_loop3A_1224], %parallel_loop3A_1220 {strides = array<i32>} : memref<40x4x128xf32, #tpu.memory_space<vmem>>, vector<16xf32>,
        %parallel_loop3A_1226 = arith.index_cast %parallel_loop3A_1089 : i32 to index
        %parallel_loop3A_1227 = arith.constant 64 : index
        %parallel_loop3A_1228 = tpu.vector_load %arg8[%parallel_loop3A_1226, %parallel_loop3A_1227] {strides = array<i32>} : memref<40x128xi32, #tpu.memory_space<vmem>>, vector<16xi32>,
        %parallel_loop3A_1229 = arith.constant 64 : i32
        %parallel_loop3A_1230 = vector.broadcast %parallel_loop3A_1229 : i32 to vector<16xi32>
        %parallel_loop3A_1231 = arith.muli %parallel_loop3A_1228, %parallel_loop3A_1230 : vector<16xi32>
        %parallel_loop3A_1232 = arith.addi %parallel_loop3A_1231, %add3A_5 : vector<16xi32>
        %parallel_loop3A_1233 = tpu.vector_load_idx %arg6[%parallel_loop3A_1232] : memref<640xf32, #tpu.memory_space<vmem>>[vector<16xi32>], vector<16xf32>,
        %parallel_loop3A_1234 = arith.constant 0 : i32
        %parallel_loop3A_1235 = arith.index_cast %parallel_loop3A_1089 : i32 to index
        %parallel_loop3A_1236 = arith.index_cast %parallel_loop3A_1234 : i32 to index
        %parallel_loop3A_1237 = arith.constant 64 : index
        %parallel_loop3A_1238 = tpu.vector_load %arg10[%parallel_loop3A_1235, %parallel_loop3A_1236, %parallel_loop3A_1237] {strides = array<i32>} : memref<40x4x128xf32, #tpu.memory_space<vmem>>, vector<16xf32>,
        tpu.vector_store %arg10[%parallel_loop3A_1235, %parallel_loop3A_1236, %parallel_loop3A_1237], %parallel_loop3A_1233 {strides = array<i32>} : memref<40x4x128xf32, #tpu.memory_space<vmem>>, vector<16xf32>,
        %parallel_loop3A_1239 = arith.addi %parallel_loop3A_1231, %add3A_8 : vector<16xi32>
        %parallel_loop3A_1240 = tpu.vector_load_idx %arg6[%parallel_loop3A_1239] : memref<640xf32, #tpu.memory_space<vmem>>[vector<16xi32>], vector<16xf32>,
        %parallel_loop3A_1241 = arith.constant 1 : i32
        %parallel_loop3A_1242 = arith.index_cast %parallel_loop3A_1089 : i32 to index
        %parallel_loop3A_1243 = arith.index_cast %parallel_loop3A_1241 : i32 to index
        %parallel_loop3A_1244 = arith.constant 64 : index
        %parallel_loop3A_1245 = tpu.vector_load %arg10[%parallel_loop3A_1242, %parallel_loop3A_1243, %parallel_loop3A_1244] {strides = array<i32>} : memref<40x4x128xf32, #tpu.memory_space<vmem>>, vector<16xf32>,
        tpu.vector_store %arg10[%parallel_loop3A_1242, %parallel_loop3A_1243, %parallel_loop3A_1244], %parallel_loop3A_1240 {strides = array<i32>} : memref<40x4x128xf32, #tpu.memory_space<vmem>>, vector<16xf32>,
        %parallel_loop3A_1246 = arith.addi %parallel_loop3A_1231, %add3A_11 : vector<16xi32>
        %parallel_loop3A_1247 = tpu.vector_load_idx %arg6[%parallel_loop3A_1246] : memref<640xf32, #tpu.memory_space<vmem>>[vector<16xi32>], vector<16xf32>,
        %parallel_loop3A_1248 = arith.constant 2 : i32
        %parallel_loop3A_1249 = arith.index_cast %parallel_loop3A_1089 : i32 to index
        %parallel_loop3A_1250 = arith.index_cast %parallel_loop3A_1248 : i32 to index
        %parallel_loop3A_1251 = arith.constant 64 : index
        %parallel_loop3A_1252 = tpu.vector_load %arg10[%parallel_loop3A_1249, %parallel_loop3A_1250, %parallel_loop3A_1251] {strides = array<i32>} : memref<40x4x128xf32, #tpu.memory_space<vmem>>, vector<16xf32>,
        tpu.vector_store %arg10[%parallel_loop3A_1249, %parallel_loop3A_1250, %parallel_loop3A_1251], %parallel_loop3A_1247 {strides = array<i32>} : memref<40x4x128xf32, #tpu.memory_space<vmem>>, vector<16xf32>,
        %parallel_loop3A_1253 = arith.addi %parallel_loop3A_1231, %add3A_14 : vector<16xi32>
        %parallel_loop3A_1254 = tpu.vector_load_idx %arg6[%parallel_loop3A_1253] : memref<640xf32, #tpu.memory_space<vmem>>[vector<16xi32>], vector<16xf32>,
        %parallel_loop3A_1255 = arith.constant 3 : i32
        %parallel_loop3A_1256 = arith.index_cast %parallel_loop3A_1089 : i32 to index
        %parallel_loop3A_1257 = arith.index_cast %parallel_loop3A_1255 : i32 to index
        %parallel_loop3A_1258 = arith.constant 64 : index
        %parallel_loop3A_1259 = tpu.vector_load %arg10[%parallel_loop3A_1256, %parallel_loop3A_1257, %parallel_loop3A_1258] {strides = array<i32>} : memref<40x4x128xf32, #tpu.memory_space<vmem>>, vector<16xf32>,
        tpu.vector_store %arg10[%parallel_loop3A_1256, %parallel_loop3A_1257, %parallel_loop3A_1258], %parallel_loop3A_1254 {strides = array<i32>} : memref<40x4x128xf32, #tpu.memory_space<vmem>>, vector<16xf32>,
        %parallel_loop3A_1260 = arith.index_cast %parallel_loop3A_1089 : i32 to index
        %parallel_loop3A_1261 = arith.constant 80 : index
        %parallel_loop3A_1262 = tpu.vector_load %arg8[%parallel_loop3A_1260, %parallel_loop3A_1261] {strides = array<i32>} : memref<40x128xi32, #tpu.memory_space<vmem>>, vector<16xi32>,
        %parallel_loop3A_1263 = arith.constant 64 : i32
        %parallel_loop3A_1264 = vector.broadcast %parallel_loop3A_1263 : i32 to vector<16xi32>
        %parallel_loop3A_1265 = arith.muli %parallel_loop3A_1262, %parallel_loop3A_1264 : vector<16xi32>
        %parallel_loop3A_1266 = arith.addi %parallel_loop3A_1265, %add3A_5 : vector<16xi32>
        %parallel_loop3A_1267 = tpu.vector_load_idx %arg6[%parallel_loop3A_1266] : memref<640xf32, #tpu.memory_space<vmem>>[vector<16xi32>], vector<16xf32>,
        %parallel_loop3A_1268 = arith.constant 0 : i32
        %parallel_loop3A_1269 = arith.index_cast %parallel_loop3A_1089 : i32 to index
        %parallel_loop3A_1270 = arith.index_cast %parallel_loop3A_1268 : i32 to index
        %parallel_loop3A_1271 = arith.constant 80 : index
        %parallel_loop3A_1272 = tpu.vector_load %arg10[%parallel_loop3A_1269, %parallel_loop3A_1270, %parallel_loop3A_1271] {strides = array<i32>} : memref<40x4x128xf32, #tpu.memory_space<vmem>>, vector<16xf32>,
        tpu.vector_store %arg10[%parallel_loop3A_1269, %parallel_loop3A_1270, %parallel_loop3A_1271], %parallel_loop3A_1267 {strides = array<i32>} : memref<40x4x128xf32, #tpu.memory_space<vmem>>, vector<16xf32>,
        %parallel_loop3A_1273 = arith.addi %parallel_loop3A_1265, %add3A_8 : vector<16xi32>
        %parallel_loop3A_1274 = tpu.vector_load_idx %arg6[%parallel_loop3A_1273] : memref<640xf32, #tpu.memory_space<vmem>>[vector<16xi32>], vector<16xf32>,
        %parallel_loop3A_1275 = arith.constant 1 : i32
        %parallel_loop3A_1276 = arith.index_cast %parallel_loop3A_1089 : i32 to index
        %parallel_loop3A_1277 = arith.index_cast %parallel_loop3A_1275 : i32 to index
        %parallel_loop3A_1278 = arith.constant 80 : index
        %parallel_loop3A_1279 = tpu.vector_load %arg10[%parallel_loop3A_1276, %parallel_loop3A_1277, %parallel_loop3A_1278] {strides = array<i32>} : memref<40x4x128xf32, #tpu.memory_space<vmem>>, vector<16xf32>,
        tpu.vector_store %arg10[%parallel_loop3A_1276, %parallel_loop3A_1277, %parallel_loop3A_1278], %parallel_loop3A_1274 {strides = array<i32>} : memref<40x4x128xf32, #tpu.memory_space<vmem>>, vector<16xf32>,
        %parallel_loop3A_1280 = arith.addi %parallel_loop3A_1265, %add3A_11 : vector<16xi32>
        %parallel_loop3A_1281 = tpu.vector_load_idx %arg6[%parallel_loop3A_1280] : memref<640xf32, #tpu.memory_space<vmem>>[vector<16xi32>], vector<16xf32>,
        %parallel_loop3A_1282 = arith.constant 2 : i32
        %parallel_loop3A_1283 = arith.index_cast %parallel_loop3A_1089 : i32 to index
        %parallel_loop3A_1284 = arith.index_cast %parallel_loop3A_1282 : i32 to index
        %parallel_loop3A_1285 = arith.constant 80 : index
        %parallel_loop3A_1286 = tpu.vector_load %arg10[%parallel_loop3A_1283, %parallel_loop3A_1284, %parallel_loop3A_1285] {strides = array<i32>} : memref<40x4x128xf32, #tpu.memory_space<vmem>>, vector<16xf32>,
        tpu.vector_store %arg10[%parallel_loop3A_1283, %parallel_loop3A_1284, %parallel_loop3A_1285], %parallel_loop3A_1281 {strides = array<i32>} : memref<40x4x128xf32, #tpu.memory_space<vmem>>, vector<16xf32>,
        %parallel_loop3A_1287 = arith.addi %parallel_loop3A_1265, %add3A_14 : vector<16xi32>
        %parallel_loop3A_1288 = tpu.vector_load_idx %arg6[%parallel_loop3A_1287] : memref<640xf32, #tpu.memory_space<vmem>>[vector<16xi32>], vector<16xf32>,
        %parallel_loop3A_1289 = arith.constant 3 : i32
        %parallel_loop3A_1290 = arith.index_cast %parallel_loop3A_1089 : i32 to index
        %parallel_loop3A_1291 = arith.index_cast %parallel_loop3A_1289 : i32 to index
        %parallel_loop3A_1292 = arith.constant 80 : index
        %parallel_loop3A_1293 = tpu.vector_load %arg10[%parallel_loop3A_1290, %parallel_loop3A_1291, %parallel_loop3A_1292] {strides = array<i32>} : memref<40x4x128xf32, #tpu.memory_space<vmem>>, vector<16xf32>,
        tpu.vector_store %arg10[%parallel_loop3A_1290, %parallel_loop3A_1291, %parallel_loop3A_1292], %parallel_loop3A_1288 {strides = array<i32>} : memref<40x4x128xf32, #tpu.memory_space<vmem>>, vector<16xf32>,
        %parallel_loop3A_1294 = arith.index_cast %parallel_loop3A_1089 : i32 to index
        %parallel_loop3A_1295 = arith.constant 96 : index
        %parallel_loop3A_1296 = tpu.vector_load %arg8[%parallel_loop3A_1294, %parallel_loop3A_1295] {strides = array<i32>} : memref<40x128xi32, #tpu.memory_space<vmem>>, vector<16xi32>,
        %parallel_loop3A_1297 = arith.constant 64 : i32
        %parallel_loop3A_1298 = vector.broadcast %parallel_loop3A_1297 : i32 to vector<16xi32>
        %parallel_loop3A_1299 = arith.muli %parallel_loop3A_1296, %parallel_loop3A_1298 : vector<16xi32>
        %parallel_loop3A_1300 = arith.addi %parallel_loop3A_1299, %add3A_5 : vector<16xi32>
        %parallel_loop3A_1301 = tpu.vector_load_idx %arg6[%parallel_loop3A_1300] : memref<640xf32, #tpu.memory_space<vmem>>[vector<16xi32>], vector<16xf32>,
        %parallel_loop3A_1302 = arith.constant 0 : i32
        %parallel_loop3A_1303 = arith.index_cast %parallel_loop3A_1089 : i32 to index
        %parallel_loop3A_1304 = arith.index_cast %parallel_loop3A_1302 : i32 to index
        %parallel_loop3A_1305 = arith.constant 96 : index
        %parallel_loop3A_1306 = tpu.vector_load %arg10[%parallel_loop3A_1303, %parallel_loop3A_1304, %parallel_loop3A_1305] {strides = array<i32>} : memref<40x4x128xf32, #tpu.memory_space<vmem>>, vector<16xf32>,
        tpu.vector_store %arg10[%parallel_loop3A_1303, %parallel_loop3A_1304, %parallel_loop3A_1305], %parallel_loop3A_1301 {strides = array<i32>} : memref<40x4x128xf32, #tpu.memory_space<vmem>>, vector<16xf32>,
        %parallel_loop3A_1307 = arith.addi %parallel_loop3A_1299, %add3A_8 : vector<16xi32>
        %parallel_loop3A_1308 = tpu.vector_load_idx %arg6[%parallel_loop3A_1307] : memref<640xf32, #tpu.memory_space<vmem>>[vector<16xi32>], vector<16xf32>,
        %parallel_loop3A_1309 = arith.constant 1 : i32
        %parallel_loop3A_1310 = arith.index_cast %parallel_loop3A_1089 : i32 to index
        %parallel_loop3A_1311 = arith.index_cast %parallel_loop3A_1309 : i32 to index
        %parallel_loop3A_1312 = arith.constant 96 : index
        %parallel_loop3A_1313 = tpu.vector_load %arg10[%parallel_loop3A_1310, %parallel_loop3A_1311, %parallel_loop3A_1312] {strides = array<i32>} : memref<40x4x128xf32, #tpu.memory_space<vmem>>, vector<16xf32>,
        tpu.vector_store %arg10[%parallel_loop3A_1310, %parallel_loop3A_1311, %parallel_loop3A_1312], %parallel_loop3A_1308 {strides = array<i32>} : memref<40x4x128xf32, #tpu.memory_space<vmem>>, vector<16xf32>,
        %parallel_loop3A_1314 = arith.addi %parallel_loop3A_1299, %add3A_11 : vector<16xi32>
        %parallel_loop3A_1315 = tpu.vector_load_idx %arg6[%parallel_loop3A_1314] : memref<640xf32, #tpu.memory_space<vmem>>[vector<16xi32>], vector<16xf32>,
        %parallel_loop3A_1316 = arith.constant 2 : i32
        %parallel_loop3A_1317 = arith.index_cast %parallel_loop3A_1089 : i32 to index
        %parallel_loop3A_1318 = arith.index_cast %parallel_loop3A_1316 : i32 to index
        %parallel_loop3A_1319 = arith.constant 96 : index
        %parallel_loop3A_1320 = tpu.vector_load %arg10[%parallel_loop3A_1317, %parallel_loop3A_1318, %parallel_loop3A_1319] {strides = array<i32>} : memref<40x4x128xf32, #tpu.memory_space<vmem>>, vector<16xf32>,
        tpu.vector_store %arg10[%parallel_loop3A_1317, %parallel_loop3A_1318, %parallel_loop3A_1319], %parallel_loop3A_1315 {strides = array<i32>} : memref<40x4x128xf32, #tpu.memory_space<vmem>>, vector<16xf32>,
        %parallel_loop3A_1321 = arith.addi %parallel_loop3A_1299, %add3A_14 : vector<16xi32>
        %parallel_loop3A_1322 = tpu.vector_load_idx %arg6[%parallel_loop3A_1321] : memref<640xf32, #tpu.memory_space<vmem>>[vector<16xi32>], vector<16xf32>,
        %parallel_loop3A_1323 = arith.constant 3 : i32
        %parallel_loop3A_1324 = arith.index_cast %parallel_loop3A_1089 : i32 to index
        %parallel_loop3A_1325 = arith.index_cast %parallel_loop3A_1323 : i32 to index
        %parallel_loop3A_1326 = arith.constant 96 : index
        %parallel_loop3A_1327 = tpu.vector_load %arg10[%parallel_loop3A_1324, %parallel_loop3A_1325, %parallel_loop3A_1326] {strides = array<i32>} : memref<40x4x128xf32, #tpu.memory_space<vmem>>, vector<16xf32>,
        tpu.vector_store %arg10[%parallel_loop3A_1324, %parallel_loop3A_1325, %parallel_loop3A_1326], %parallel_loop3A_1322 {strides = array<i32>} : memref<40x4x128xf32, #tpu.memory_space<vmem>>, vector<16xf32>,
        %parallel_loop3A_1328 = arith.index_cast %parallel_loop3A_1089 : i32 to index
        %parallel_loop3A_1329 = arith.constant 112 : index
        %parallel_loop3A_1330 = tpu.vector_load %arg8[%parallel_loop3A_1328, %parallel_loop3A_1329] {strides = array<i32>} : memref<40x128xi32, #tpu.memory_space<vmem>>, vector<16xi32>,
        %parallel_loop3A_1331 = arith.constant 64 : i32
        %parallel_loop3A_1332 = vector.broadcast %parallel_loop3A_1331 : i32 to vector<16xi32>
        %parallel_loop3A_1333 = arith.muli %parallel_loop3A_1330, %parallel_loop3A_1332 : vector<16xi32>
        %parallel_loop3A_1334 = arith.addi %parallel_loop3A_1333, %add3A_5 : vector<16xi32>
        %parallel_loop3A_1335 = tpu.vector_load_idx %arg6[%parallel_loop3A_1334] : memref<640xf32, #tpu.memory_space<vmem>>[vector<16xi32>], vector<16xf32>,
        %parallel_loop3A_1336 = arith.constant 0 : i32
        %parallel_loop3A_1337 = arith.index_cast %parallel_loop3A_1089 : i32 to index
        %parallel_loop3A_1338 = arith.index_cast %parallel_loop3A_1336 : i32 to index
        %parallel_loop3A_1339 = arith.constant 112 : index
        %parallel_loop3A_1340 = tpu.vector_load %arg10[%parallel_loop3A_1337, %parallel_loop3A_1338, %parallel_loop3A_1339] {strides = array<i32>} : memref<40x4x128xf32, #tpu.memory_space<vmem>>, vector<16xf32>,
        tpu.vector_store %arg10[%parallel_loop3A_1337, %parallel_loop3A_1338, %parallel_loop3A_1339], %parallel_loop3A_1335 {strides = array<i32>} : memref<40x4x128xf32, #tpu.memory_space<vmem>>, vector<16xf32>,
        %parallel_loop3A_1341 = arith.addi %parallel_loop3A_1333, %add3A_8 : vector<16xi32>
        %parallel_loop3A_1342 = tpu.vector_load_idx %arg6[%parallel_loop3A_1341] : memref<640xf32, #tpu.memory_space<vmem>>[vector<16xi32>], vector<16xf32>,
        %parallel_loop3A_1343 = arith.constant 1 : i32
        %parallel_loop3A_1344 = arith.index_cast %parallel_loop3A_1089 : i32 to index
        %parallel_loop3A_1345 = arith.index_cast %parallel_loop3A_1343 : i32 to index
        %parallel_loop3A_1346 = arith.constant 112 : index
        %parallel_loop3A_1347 = tpu.vector_load %arg10[%parallel_loop3A_1344, %parallel_loop3A_1345, %parallel_loop3A_1346] {strides = array<i32>} : memref<40x4x128xf32, #tpu.memory_space<vmem>>, vector<16xf32>,
        tpu.vector_store %arg10[%parallel_loop3A_1344, %parallel_loop3A_1345, %parallel_loop3A_1346], %parallel_loop3A_1342 {strides = array<i32>} : memref<40x4x128xf32, #tpu.memory_space<vmem>>, vector<16xf32>,
        %parallel_loop3A_1348 = arith.addi %parallel_loop3A_1333, %add3A_11 : vector<16xi32>
        %parallel_loop3A_1349 = tpu.vector_load_idx %arg6[%parallel_loop3A_1348] : memref<640xf32, #tpu.memory_space<vmem>>[vector<16xi32>], vector<16xf32>,
        %parallel_loop3A_1350 = arith.constant 2 : i32
        %parallel_loop3A_1351 = arith.index_cast %parallel_loop3A_1089 : i32 to index
        %parallel_loop3A_1352 = arith.index_cast %parallel_loop3A_1350 : i32 to index
        %parallel_loop3A_1353 = arith.constant 112 : index
        %parallel_loop3A_1354 = tpu.vector_load %arg10[%parallel_loop3A_1351, %parallel_loop3A_1352, %parallel_loop3A_1353] {strides = array<i32>} : memref<40x4x128xf32, #tpu.memory_space<vmem>>, vector<16xf32>,
        tpu.vector_store %arg10[%parallel_loop3A_1351, %parallel_loop3A_1352, %parallel_loop3A_1353], %parallel_loop3A_1349 {strides = array<i32>} : memref<40x4x128xf32, #tpu.memory_space<vmem>>, vector<16xf32>,
        %parallel_loop3A_1355 = arith.addi %parallel_loop3A_1333, %add3A_14 : vector<16xi32>
        %parallel_loop3A_1356 = tpu.vector_load_idx %arg6[%parallel_loop3A_1355] : memref<640xf32, #tpu.memory_space<vmem>>[vector<16xi32>], vector<16xf32>,
        %parallel_loop3A_1357 = arith.constant 3 : i32
        %parallel_loop3A_1358 = arith.index_cast %parallel_loop3A_1089 : i32 to index
        %parallel_loop3A_1359 = arith.index_cast %parallel_loop3A_1357 : i32 to index
        %parallel_loop3A_1360 = arith.constant 112 : index
        %parallel_loop3A_1361 = tpu.vector_load %arg10[%parallel_loop3A_1358, %parallel_loop3A_1359, %parallel_loop3A_1360] {strides = array<i32>} : memref<40x4x128xf32, #tpu.memory_space<vmem>>, vector<16xf32>,
        tpu.vector_store %arg10[%parallel_loop3A_1358, %parallel_loop3A_1359, %parallel_loop3A_1360], %parallel_loop3A_1356 {strides = array<i32>} : memref<40x4x128xf32, #tpu.memory_space<vmem>>, vector<16xf32>,
      } {sc.loop_unroll_factor = 2 : i64, sc.parallel_access}
      %jit3A_1031 = arith.constant 5 : i32
      %div3A_1032 = arith.divsi %add3A_899, %jit3A_1031 : i32
      %sign3A_1033 = arith.constant 0 : i32
      %sign3A_1034 = arith.cmpi sgt, %add3A_899, %sign3A_1033 : i32
      %sign3A_1035 = arith.extui %sign3A_1034 : i1 to i32
      %sign3A_1036 = arith.constant 0 : i32
      %sign3A_1037 = arith.cmpi slt, %add3A_899, %sign3A_1036 : i32
      %sign3A_1038 = arith.extui %sign3A_1037 : i1 to i32
      %sign3A_1039 = arith.subi %sign3A_1035, %sign3A_1038 : i32
      %sign3A_1040 = arith.constant 0 : i32
      %sign3A_1041 = arith.cmpi sgt, %jit3A_1031, %sign3A_1040 : i32
      %sign3A_1042 = arith.extui %sign3A_1041 : i1 to i32
      %sign3A_1043 = arith.constant 0 : i32
      %sign3A_1044 = arith.cmpi slt, %jit3A_1031, %sign3A_1043 : i32
      %sign3A_1045 = arith.extui %sign3A_1044 : i1 to i32
      %sign3A_1046 = arith.subi %sign3A_1042, %sign3A_1045 : i32
      %ne3A_1047 = arith.cmpi ne, %sign3A_1039, %sign3A_1046 : i32
      %rem3A_1048 = arith.remsi %add3A_899, %jit3A_1031 : i32
      %ne3A_1049 = arith.constant 0 : i32
      %ne3A_1050 = arith.cmpi ne, %rem3A_1048, %ne3A_1049 : i32
      %and3A_1051 = arith.andi %ne3A_1047, %ne3A_1050 : i1
      %sub3A_1052 = arith.constant 1 : i32
      %sub3A_1053 = arith.subi %div3A_1032, %sub3A_1052 : i32
      %select_n3A_1054 = arith.select %and3A_1051, %sub3A_1053, %div3A_1032 : i32
      %add3A_1055 = arith.addi %mul3A_2, %select_n3A_1054 : i32
      %jit3A_1056 = arith.constant 5 : i32
      %eq3A_1057 = arith.constant 0 : i32
      %eq3A_1058 = arith.cmpi eq, %jit3A_1056, %eq3A_1057 : i32
      %jit3A_1059 = arith.constant 1 : i32
      %select_n3A_1060 = arith.select %eq3A_1058, %jit3A_1059, %jit3A_1056 : i32
      %rem3A_1061 = arith.remsi %add3A_899, %select_n3A_1060 : i32
      %ne3A_1062 = arith.constant 0 : i32
      %ne3A_1063 = arith.cmpi ne, %rem3A_1061, %ne3A_1062 : i32
      %lt3A_1064 = arith.constant 0 : i32
      %lt3A_1065 = arith.cmpi slt, %rem3A_1061, %lt3A_1064 : i32
      %lt3A_1066 = arith.constant 0 : i32
      %lt3A_1067 = arith.cmpi slt, %select_n3A_1060, %lt3A_1066 : i32
      %ne3A_1068 = arith.xori %lt3A_1065, %lt3A_1067 : i1
      %and3A_1069 = arith.andi %ne3A_1068, %ne3A_1063 : i1
      %add3A_1070 = arith.addi %rem3A_1061, %select_n3A_1060 : i32
      %select_n3A_1071 = arith.select %and3A_1069, %add3A_1070, %rem3A_1061 : i32
      %mul3A_1072 = arith.constant 40 : i32
      %mul3A_1073 = arith.muli %select_n3A_1071, %mul3A_1072 : i32
      %dma_start3A_1074 = arith.constant 0 : i32
      %dma_start3A_1075 = arith.constant 0 : i32
      %dma_start3A_1076 = tpu.memref_slice %arg4[%mul3A_1073, %add3A_1055, %dma_start3A_1074, %dma_start3A_1075] : memref<200x128x4x128xf32, #tpu.memory_space<hbm>> -> memref<40x1x4x128xf32, #tpu.memory_space<hbm>>
      %dma_start3A_1077 = tpu.memref_squeeze %dma_start3A_1076 : memref<40x1x4x128xf32, #tpu.memory_space<hbm>> -> memref<40x4x128xf32, #tpu.memory_space<hbm>>
      %dma_start3A_1078 = arith.constant 0 : i32
      %dma_start3A_1079 = arith.constant 0 : i32
      %dma_start3A_1080 = tpu.memref_slice %arg4[%mul3A_1073, %add3A_1055, %dma_start3A_1078, %dma_start3A_1079] : memref<200x128x4x128xf32, #tpu.memory_space<hbm>> -> memref<40x1x4x128xf32, #tpu.memory_space<hbm>>
      %dma_start3A_1081 = tpu.memref_squeeze %dma_start3A_1080 : memref<40x1x4x128xf32, #tpu.memory_space<hbm>> -> memref<40x4x128xf32, #tpu.memory_space<hbm>>
      tpu.enqueue_dma source(%arg10 : memref<40x4x128xf32, #tpu.memory_space<vmem>>) target(%dma_start3A_1081 : memref<40x4x128xf32, #tpu.memory_space<hbm>>) target_semaphore(%arg14 : memref<!tpu.dma_semaphore, #tpu.memory_space<semaphore_mem>>)
      %add3A_1082 = arith.constant 2 : i32
      %add3A_1083 = arith.addi %add3A_899, %add3A_1082 : i32
      %lt3A_1084 = arith.constant 20 : i32
      %lt3A_1085 = arith.cmpi slt, %add3A_1083, %lt3A_1084 : i32
      %convert_element_type3A_1086 = arith.extui %lt3A_1085 : i1 to i32
      %cond3A_1087 = arith.constant 0 : i32
      %cond3A_1088 = arith.cmpi ne, %convert_element_type3A_1086, %cond3A_1087 : i32
      scf.if %cond3A_1088 {
        %add3A_1089 = arith.constant 2 : i32
        %add3A_1090 = arith.addi %add3A_899, %add3A_1089 : i32
        %jit3A_1091 = arith.constant 5 : i32
        %div3A_1092 = arith.divsi %add3A_1090, %jit3A_1091 : i32
        %sign3A_1093 = arith.constant 0 : i32
        %sign3A_1094 = arith.cmpi sgt, %add3A_1090, %sign3A_1093 : i32
        %sign3A_1095 = arith.extui %sign3A_1094 : i1 to i32
        %sign3A_1096 = arith.constant 0 : i32
        %sign3A_1097 = arith.cmpi slt, %add3A_1090, %sign3A_1096 : i32
        %sign3A_1098 = arith.extui %sign3A_1097 : i1 to i32
        %sign3A_1099 = arith.subi %sign3A_1095, %sign3A_1098 : i32
        %sign3A_1100 = arith.constant 0 : i32
        %sign3A_1101 = arith.cmpi sgt, %jit3A_1091, %sign3A_1100 : i32
        %sign3A_1102 = arith.extui %sign3A_1101 : i1 to i32
        %sign3A_1103 = arith.constant 0 : i32
        %sign3A_1104 = arith.cmpi slt, %jit3A_1091, %sign3A_1103 : i32
        %sign3A_1105 = arith.extui %sign3A_1104 : i1 to i32
        %sign3A_1106 = arith.subi %sign3A_1102, %sign3A_1105 : i32
        %ne3A_1107 = arith.cmpi ne, %sign3A_1099, %sign3A_1106 : i32
        %rem3A_1108 = arith.remsi %add3A_1090, %jit3A_1091 : i32
        %ne3A_1109 = arith.constant 0 : i32
        %ne3A_1110 = arith.cmpi ne, %rem3A_1108, %ne3A_1109 : i32
        %and3A_1111 = arith.andi %ne3A_1107, %ne3A_1110 : i1
        %sub3A_1112 = arith.constant 1 : i32
        %sub3A_1113 = arith.subi %div3A_1092, %sub3A_1112 : i32
        %select_n3A_1114 = arith.select %and3A_1111, %sub3A_1113, %div3A_1092 : i32
        %add3A_1115 = arith.addi %mul3A_2, %select_n3A_1114 : i32
        %jit3A_1116 = arith.constant 5 : i32
        %eq3A_1117 = arith.constant 0 : i32
        %eq3A_1118 = arith.cmpi eq, %jit3A_1116, %eq3A_1117 : i32
        %jit3A_1119 = arith.constant 1 : i32
        %select_n3A_1120 = arith.select %eq3A_1118, %jit3A_1119, %jit3A_1116 : i32
        %rem3A_1121 = arith.remsi %add3A_1090, %select_n3A_1120 : i32
        %ne3A_1122 = arith.constant 0 : i32
        %ne3A_1123 = arith.cmpi ne, %rem3A_1121, %ne3A_1122 : i32
        %lt3A_1124 = arith.constant 0 : i32
        %lt3A_1125 = arith.cmpi slt, %rem3A_1121, %lt3A_1124 : i32
        %lt3A_1126 = arith.constant 0 : i32
        %lt3A_1127 = arith.cmpi slt, %select_n3A_1120, %lt3A_1126 : i32
        %ne3A_1128 = arith.xori %lt3A_1125, %lt3A_1127 : i1
        %and3A_1129 = arith.andi %ne3A_1128, %ne3A_1123 : i1
        %add3A_1130 = arith.addi %rem3A_1121, %select_n3A_1120 : i32
        %select_n3A_1131 = arith.select %and3A_1129, %add3A_1130, %rem3A_1121 : i32
        %mul3A_1132 = arith.constant 5 : i32
        %mul3A_1133 = arith.muli %select_n3A_1131, %mul3A_1132 : i32
        %add3A_1134 = arith.constant 0 : i32
        %add3A_1135 = arith.addi %mul3A_1133, %add3A_1134 : i32
        %add3A_1136 = arith.constant 1 : i32
        %add3A_1137 = arith.addi %mul3A_1133, %add3A_1136 : i32
        %add3A_1138 = arith.constant 2 : i32
        %add3A_1139 = arith.addi %mul3A_1133, %add3A_1138 : i32
        %add3A_1140 = arith.constant 3 : i32
        %add3A_1141 = arith.addi %mul3A_1133, %add3A_1140 : i32
        %add3A_1142 = arith.constant 4 : i32
        %add3A_1143 = arith.addi %mul3A_1133, %add3A_1142 : i32
        %dma_start3A_1144 = arith.constant 0 : i32
        %dma_start3A_1145 = arith.constant 0 : i32
        %dma_start3A_1146 = tpu.memref_slice %arg8[%dma_start3A_1144, %dma_start3A_1145] : memref<40x128xi32, #tpu.memory_space<vmem>> -> memref<8x128xi32, #tpu.memory_space<vmem>>
        %dma_start3A_1147 = arith.constant 0 : i32
        %dma_start3A_1148 = arith.constant 0 : i32
        %dma_start3A_1149 = tpu.memref_slice %arg2[%add3A_1135, %add3A_1115, %dma_start3A_1147, %dma_start3A_1148] : memref<25x128x8x128xi32, #tpu.memory_space<hbm>> -> memref<1x1x8x128xi32, #tpu.memory_space<hbm>>
        %dma_start3A_1150 = tpu.memref_squeeze %dma_start3A_1149 : memref<1x1x8x128xi32, #tpu.memory_space<hbm>> -> memref<8x128xi32, #tpu.memory_space<hbm>>
        %dma_start3A_1151 = arith.constant 0 : i32
        %dma_start3A_1152 = arith.constant 0 : i32
        %dma_start3A_1153 = tpu.memref_slice %arg8[%dma_start3A_1151, %dma_start3A_1152] : memref<40x128xi32, #tpu.memory_space<vmem>> -> memref<8x128xi32, #tpu.memory_space<vmem>>
        %dma_start3A_1154 = arith.constant 0 : i32
        %dma_start3A_1155 = arith.constant 0 : i32
        %dma_start3A_1156 = tpu.memref_slice %arg2[%add3A_1135, %add3A_1115, %dma_start3A_1154, %dma_start3A_1155] : memref<25x128x8x128xi32, #tpu.memory_space<hbm>> -> memref<1x1x8x128xi32, #tpu.memory_space<hbm>>
        %dma_start3A_1157 = tpu.memref_squeeze %dma_start3A_1156 : memref<1x1x8x128xi32, #tpu.memory_space<hbm>> -> memref<8x128xi32, #tpu.memory_space<hbm>>
        tpu.enqueue_dma source(%dma_start3A_1157 : memref<8x128xi32, #tpu.memory_space<hbm>>) target(%dma_start3A_1153 : memref<8x128xi32, #tpu.memory_space<vmem>>) target_semaphore(%arg12 : memref<!tpu.dma_semaphore, #tpu.memory_space<semaphore_mem>>)
        %dma_start3A_1158 = arith.constant 8 : i32
        %dma_start3A_1159 = arith.constant 0 : i32
        %dma_start3A_1160 = tpu.memref_slice %arg8[%dma_start3A_1158, %dma_start3A_1159] : memref<40x128xi32, #tpu.memory_space<vmem>> -> memref<8x128xi32, #tpu.memory_space<vmem>>
        %dma_start3A_1161 = arith.constant 0 : i32
        %dma_start3A_1162 = arith.constant 0 : i32
        %dma_start3A_1163 = tpu.memref_slice %arg2[%add3A_1137, %add3A_1115, %dma_start3A_1161, %dma_start3A_1162] : memref<25x128x8x128xi32, #tpu.memory_space<hbm>> -> memref<1x1x8x128xi32, #tpu.memory_space<hbm>>
        %dma_start3A_1164 = tpu.memref_squeeze %dma_start3A_1163 : memref<1x1x8x128xi32, #tpu.memory_space<hbm>> -> memref<8x128xi32, #tpu.memory_space<hbm>>
        %dma_start3A_1165 = arith.constant 8 : i32
        %dma_start3A_1166 = arith.constant 0 : i32
        %dma_start3A_1167 = tpu.memref_slice %arg8[%dma_start3A_1165, %dma_start3A_1166] : memref<40x128xi32, #tpu.memory_space<vmem>> -> memref<8x128xi32, #tpu.memory_space<vmem>>
        %dma_start3A_1168 = arith.constant 0 : i32
        %dma_start3A_1169 = arith.constant 0 : i32
        %dma_start3A_1170 = tpu.memref_slice %arg2[%add3A_1137, %add3A_1115, %dma_start3A_1168, %dma_start3A_1169] : memref<25x128x8x128xi32, #tpu.memory_space<hbm>> -> memref<1x1x8x128xi32, #tpu.memory_space<hbm>>
        %dma_start3A_1171 = tpu.memref_squeeze %dma_start3A_1170 : memref<1x1x8x128xi32, #tpu.memory_space<hbm>> -> memref<8x128xi32, #tpu.memory_space<hbm>>
        tpu.enqueue_dma source(%dma_start3A_1171 : memref<8x128xi32, #tpu.memory_space<hbm>>) target(%dma_start3A_1167 : memref<8x128xi32, #tpu.memory_space<vmem>>) target_semaphore(%arg12 : memref<!tpu.dma_semaphore, #tpu.memory_space<semaphore_mem>>)
        %dma_start3A_1172 = arith.constant 16 : i32
        %dma_start3A_1173 = arith.constant 0 : i32
        %dma_start3A_1174 = tpu.memref_slice %arg8[%dma_start3A_1172, %dma_start3A_1173] : memref<40x128xi32, #tpu.memory_space<vmem>> -> memref<8x128xi32, #tpu.memory_space<vmem>>
        %dma_start3A_1175 = arith.constant 0 : i32
        %dma_start3A_1176 = arith.constant 0 : i32
        %dma_start3A_1177 = tpu.memref_slice %arg2[%add3A_1139, %add3A_1115, %dma_start3A_1175, %dma_start3A_1176] : memref<25x128x8x128xi32, #tpu.memory_space<hbm>> -> memref<1x1x8x128xi32, #tpu.memory_space<hbm>>
        %dma_start3A_1178 = tpu.memref_squeeze %dma_start3A_1177 : memref<1x1x8x128xi32, #tpu.memory_space<hbm>> -> memref<8x128xi32, #tpu.memory_space<hbm>>
        %dma_start3A_1179 = arith.constant 16 : i32
        %dma_start3A_1180 = arith.constant 0 : i32
        %dma_start3A_1181 = tpu.memref_slice %arg8[%dma_start3A_1179, %dma_start3A_1180] : memref<40x128xi32, #tpu.memory_space<vmem>> -> memref<8x128xi32, #tpu.memory_space<vmem>>
        %dma_start3A_1182 = arith.constant 0 : i32
        %dma_start3A_1183 = arith.constant 0 : i32
        %dma_start3A_1184 = tpu.memref_slice %arg2[%add3A_1139, %add3A_1115, %dma_start3A_1182, %dma_start3A_1183] : memref<25x128x8x128xi32, #tpu.memory_space<hbm>> -> memref<1x1x8x128xi32, #tpu.memory_space<hbm>>
        %dma_start3A_1185 = tpu.memref_squeeze %dma_start3A_1184 : memref<1x1x8x128xi32, #tpu.memory_space<hbm>> -> memref<8x128xi32, #tpu.memory_space<hbm>>
        tpu.enqueue_dma source(%dma_start3A_1185 : memref<8x128xi32, #tpu.memory_space<hbm>>) target(%dma_start3A_1181 : memref<8x128xi32, #tpu.memory_space<vmem>>) target_semaphore(%arg12 : memref<!tpu.dma_semaphore, #tpu.memory_space<semaphore_mem>>)
        %dma_start3A_1186 = arith.constant 24 : i32
        %dma_start3A_1187 = arith.constant 0 : i32
        %dma_start3A_1188 = tpu.memref_slice %arg8[%dma_start3A_1186, %dma_start3A_1187] : memref<40x128xi32, #tpu.memory_space<vmem>> -> memref<8x128xi32, #tpu.memory_space<vmem>>
        %dma_start3A_1189 = arith.constant 0 : i32
        %dma_start3A_1190 = arith.constant 0 : i32
        %dma_start3A_1191 = tpu.memref_slice %arg2[%add3A_1141, %add3A_1115, %dma_start3A_1189, %dma_start3A_1190] : memref<25x128x8x128xi32, #tpu.memory_space<hbm>> -> memref<1x1x8x128xi32, #tpu.memory_space<hbm>>
        %dma_start3A_1192 = tpu.memref_squeeze %dma_start3A_1191 : memref<1x1x8x128xi32, #tpu.memory_space<hbm>> -> memref<8x128xi32, #tpu.memory_space<hbm>>
        %dma_start3A_1193 = arith.constant 24 : i32
        %dma_start3A_1194 = arith.constant 0 : i32
        %dma_start3A_1195 = tpu.memref_slice %arg8[%dma_start3A_1193, %dma_start3A_1194] : memref<40x128xi32, #tpu.memory_space<vmem>> -> memref<8x128xi32, #tpu.memory_space<vmem>>
        %dma_start3A_1196 = arith.constant 0 : i32
        %dma_start3A_1197 = arith.constant 0 : i32
        %dma_start3A_1198 = tpu.memref_slice %arg2[%add3A_1141, %add3A_1115, %dma_start3A_1196, %dma_start3A_1197] : memref<25x128x8x128xi32, #tpu.memory_space<hbm>> -> memref<1x1x8x128xi32, #tpu.memory_space<hbm>>
        %dma_start3A_1199 = tpu.memref_squeeze %dma_start3A_1198 : memref<1x1x8x128xi32, #tpu.memory_space<hbm>> -> memref<8x128xi32, #tpu.memory_space<hbm>>
        tpu.enqueue_dma source(%dma_start3A_1199 : memref<8x128xi32, #tpu.memory_space<hbm>>) target(%dma_start3A_1195 : memref<8x128xi32, #tpu.memory_space<vmem>>) target_semaphore(%arg12 : memref<!tpu.dma_semaphore, #tpu.memory_space<semaphore_mem>>)
        %dma_start3A_1200 = arith.constant 32 : i32
        %dma_start3A_1201 = arith.constant 0 : i32
        %dma_start3A_1202 = tpu.memref_slice %arg8[%dma_start3A_1200, %dma_start3A_1201] : memref<40x128xi32, #tpu.memory_space<vmem>> -> memref<8x128xi32, #tpu.memory_space<vmem>>
        %dma_start3A_1203 = arith.constant 0 : i32
        %dma_start3A_1204 = arith.constant 0 : i32
        %dma_start3A_1205 = tpu.memref_slice %arg2[%add3A_1143, %add3A_1115, %dma_start3A_1203, %dma_start3A_1204] : memref<25x128x8x128xi32, #tpu.memory_space<hbm>> -> memref<1x1x8x128xi32, #tpu.memory_space<hbm>>
        %dma_start3A_1206 = tpu.memref_squeeze %dma_start3A_1205 : memref<1x1x8x128xi32, #tpu.memory_space<hbm>> -> memref<8x128xi32, #tpu.memory_space<hbm>>
        %dma_start3A_1207 = arith.constant 32 : i32
        %dma_start3A_1208 = arith.constant 0 : i32
        %dma_start3A_1209 = tpu.memref_slice %arg8[%dma_start3A_1207, %dma_start3A_1208] : memref<40x128xi32, #tpu.memory_space<vmem>> -> memref<8x128xi32, #tpu.memory_space<vmem>>
        %dma_start3A_1210 = arith.constant 0 : i32
        %dma_start3A_1211 = arith.constant 0 : i32
        %dma_start3A_1212 = tpu.memref_slice %arg2[%add3A_1143, %add3A_1115, %dma_start3A_1210, %dma_start3A_1211] : memref<25x128x8x128xi32, #tpu.memory_space<hbm>> -> memref<1x1x8x128xi32, #tpu.memory_space<hbm>>
        %dma_start3A_1213 = tpu.memref_squeeze %dma_start3A_1212 : memref<1x1x8x128xi32, #tpu.memory_space<hbm>> -> memref<8x128xi32, #tpu.memory_space<hbm>>
        tpu.enqueue_dma source(%dma_start3A_1213 : memref<8x128xi32, #tpu.memory_space<hbm>>) target(%dma_start3A_1209 : memref<8x128xi32, #tpu.memory_space<vmem>>) target_semaphore(%arg12 : memref<!tpu.dma_semaphore, #tpu.memory_space<semaphore_mem>>)
      } else {
      }
    }
    %scan3A_692 = arith.constant 10 : i32
    %add3A_693 = arith.constant 3 : i32
    %add3A_694 = arith.addi %mul3A_2, %add3A_693 : i32
    %dma_wait3A = arith.constant 120 : i32
    %dma_wait3A_695 = arith.constant 0 : i32
    %dma_wait3A_696 = arith.constant 0 : i32
    %dma_wait3A_697 = tpu.memref_slice %arg4[%dma_wait3A, %add3A_694, %dma_wait3A_695, %dma_wait3A_696] : memref<200x128x4x128xf32, #tpu.memory_space<hbm>> -> memref<40x1x4x128xf32, #tpu.memory_space<hbm>>
    %dma_wait3A_698 = tpu.memref_squeeze %dma_wait3A_697 : memref<40x1x4x128xf32, #tpu.memory_space<hbm>> -> memref<40x4x128xf32, #tpu.memory_space<hbm>>
    %dma_wait3A_699 = arith.constant 120 : i32
    %dma_wait3A_700 = arith.constant 0 : i32
    %dma_wait3A_701 = arith.constant 0 : i32
    %dma_wait3A_702 = tpu.memref_slice %arg4[%dma_wait3A_699, %add3A_694, %dma_wait3A_700, %dma_wait3A_701] : memref<200x128x4x128xf32, #tpu.memory_space<hbm>> -> memref<40x1x4x128xf32, #tpu.memory_space<hbm>>
    %dma_wait3A_703 = tpu.memref_squeeze %dma_wait3A_702 : memref<40x1x4x128xf32, #tpu.memory_space<hbm>> -> memref<40x4x128xf32, #tpu.memory_space<hbm>>
    tpu.wait_dma2 semaphore(%arg13 : memref<!tpu.dma_semaphore, #tpu.memory_space<semaphore_mem>>) src(%arg9 : memref<40x4x128xf32, #tpu.memory_space<vmem>>) dst(%dma_wait3A_703 : memref<40x4x128xf32, #tpu.memory_space<hbm>>)
    %add3A_704 = arith.constant 3 : i32
    %add3A_705 = arith.addi %mul3A_2, %add3A_704 : i32
    %dma_wait3A_706 = arith.constant 160 : i32
    %dma_wait3A_707 = arith.constant 0 : i32
    %dma_wait3A_708 = arith.constant 0 : i32
    %dma_wait3A_709 = tpu.memref_slice %arg4[%dma_wait3A_706, %add3A_705, %dma_wait3A_707, %dma_wait3A_708] : memref<200x128x4x128xf32, #tpu.memory_space<hbm>> -> memref<40x1x4x128xf32, #tpu.memory_space<hbm>>
    %dma_wait3A_710 = tpu.memref_squeeze %dma_wait3A_709 : memref<40x1x4x128xf32, #tpu.memory_space<hbm>> -> memref<40x4x128xf32, #tpu.memory_space<hbm>>
    %dma_wait3A_711 = arith.constant 160 : i32
    %dma_wait3A_712 = arith.constant 0 : i32
    %dma_wait3A_713 = arith.constant 0 : i32
    %dma_wait3A_714 = tpu.memref_slice %arg4[%dma_wait3A_711, %add3A_705, %dma_wait3A_712, %dma_wait3A_713] : memref<200x128x4x128xf32, #tpu.memory_space<hbm>> -> memref<40x1x4x128xf32, #tpu.memory_space<hbm>>
    %dma_wait3A_715 = tpu.memref_squeeze %dma_wait3A_714 : memref<40x1x4x128xf32, #tpu.memory_space<hbm>> -> memref<40x4x128xf32, #tpu.memory_space<hbm>>
    tpu.wait_dma2 semaphore(%arg14 : memref<!tpu.dma_semaphore, #tpu.memory_space<semaphore_mem>>) src(%arg10 : memref<40x4x128xf32, #tpu.memory_space<vmem>>) dst(%dma_wait3A_715 : memref<40x4x128xf32, #tpu.memory_space<hbm>>)
    return
  }
}

</mosaic_0001>

<sc_bundles>
// kernel: _sc_lookup.3.cloned.1.call-start
scs
__scs_entry_jumppad:
0x0: {  	(pc) =	sbr.rel $0x88, $3  }
0x1: {  	(tag) =	ssettag $0x0;
	lr =	simm.s32 $0x1  }
0x2: {  	[smem:$0x3F9F] =	sst lr;
	_ =	strace $0xD0000000  }
0x3: {  	_ = 	snop  }
0x4: {  	_ = 	snop  }
0x5: {  	_ = 	snop  }
0x6: {  	_ = 	snop  }
0x7: {  	_ = 	snop  }
__scs_overlays_trampoline_lowered:
0x8: {  	[smem:$0x3FAE] =	sst s0  }
0x9: {  	[smem:$0x3FAF] =	sst s1  }
0xa: {  	[smem:$0x3FB0] =	sst s2  }
0xb: {  	[smem:$0x3FB1] =	sst s3  }
0xc: {  	[smem:$0x3FB2] =	sst s4  }
0xd: {  	[smem:$0x3FB3] =	sst s5  }
0xe: {  	[smem:$0x3FB4] =	sst s6  }
0xf: {  	[smem:$0x3FB5] =	sst s7  }
0x10: {  	[smem:$0x3FB6] =	sst s8  }
0x11: {  	[smem:$0x3FB7] =	sst s9;
	s0 =	simm.s32 @!p0 $0x0  }
0x12: {  	s1 =	sld [smem:$0x3F9D];
	s0 =	simm.s32 @p0 $0x1  }
0x13: {  	[smem:$0x3FB8] =	sst s0;
	s0 =	simm.s32 @!p1 $0x0  }
0x14: {  	s2 =	sld [smem:$0x3F9C];
	s0 =	simm.s32 @p1 $0x1  }
0x15: {  	[smem:$0x3FB9] =	sst s0;
	s0 =	simm.s32 @!p2 $0x0  }
0x16: {  	s3 =	sld [smem:$0x3FDB];
	s0 =	simm.s32 @p2 $0x1  }
0x17: {  	s4 =	simm.s32 $0x1BF5;
	[smem:$0x3FBB] =	sst s0  }
0x18: {  	s0 =	sld [smem:$0x3F9E];
	_ =	swait.ge [sflag:s4], $0x0  }
0x19: {  	s7 =	sld [smem:$0x3F9F]  }
0x1a: {  	s8 =	sadd.s32 $0xFFFFE003, lr  }
0x1b: {  	s9 =	sadd.s32 $0xFFFFFEF7, lr;
	s5 =	simm.s32 $0xFFFFFFFF;
	p2 =	slt.u32 s8, $0xFFFFF086  }
0x1c: {  	p1 =	slt.u32 s9, $0xF7A;
	s5 =	simm.s32 @!p2 $0x0  }
0x1d: {  	s5 =	simm.s32 @p1 $0x1;
	p0 =	seq.s32 s7, s2  }
0x1e: {  	s7 =	smul.u32 @!p0 $0xF7A, s2;
	p2 =	seq.s32 @!p0 s5, $0x0  }
0x1f: {  	s9 =	smul.u32 $0xF7A, s1;
	s8 =	simm.s32 @!p0 $0x1BF5;
	p2 =	por !p2, p0  }
0x20: {  	[sflag:s8] =	ssyncset.s32 @!p0 $0xFFFFF086;
	s6 =	sadd.s32 @!p0 s3, s7;
	s7 =	simm.s32 @!p0 $0x108  }
0x21: {  	s3 =	sadd.s32 s3, s9;
	s6 =	sadd.s32 @!p0 $0x88, s6;
	s7 =	simm.s32 @p2 $0x1082  }
0x22: {  	[simem:s7], [sflag:s8] =	dma.local @!p0 [hbm:s6], $0xF7A  }
0x23: {  	s9 =	sor.u32 $0xD0000000, s2;
	s6 =	simm.s32 $0x108;
	_ =	swait.ge @!p0 [sflag:s8], $0x0  }
0x24: {  	s3 =	sadd.s32 $0x88, s3;
	s6 =	simm.s32 @!p1 $0x1082;
	[sflag:s4] =	ssyncset.s32 $0xFFFFF086  }
0x25: {  	[simem:s6], [sflag:s4] =	dma.local [hbm:s3], $0xF7A  }
0x26: {  	[smem:$0x3F9F] =	sst s1;
	(tag) =	ssettag s2;
	_ =	strace s9  }
0x27: {  	s1 =	sld [smem:$0x3FAF]  }
0x28: {  	s2 =	sld [smem:$0x3FB0]  }
0x29: {  	s4 =	sld [smem:$0x3FB2]  }
0x2a: {  	p0 =	seq.s32 s5, $0x0;
	s5 =	sld [smem:$0x3FB3]  }
0x2b: {  	s6 =	sld [smem:$0x3FB4]  }
0x2c: {  	s7 =	sld [smem:$0x3FB5]  }
0x2d: {  	s3 =	simm.s32 $0x108;
	s8 =	sld [smem:$0x3FB6]  }
0x2e: {  	s3 =	simm.s32 @!p0 $0x1082;
	s9 =	sld [smem:$0x3FB7]  }
0x2f: {  	lr =	sadd.s32 s0, s3;
	s0 =	sld [smem:$0x3FAE]  }
0x30: {  	s3 =	sld [smem:$0x3FB1]  }
0x31: {  	[smem:$0x3FBA] =	sst s10  }
0x32: {  	s10 =	sld [smem:$0x3FB8];
	_ =	sdelay $0x3  }
0x33: {  	p0 =	seq.s32 s10, $0x1;
	s10 =	sld [smem:$0x3FBA];
	_ =	sdelay $0x3  }
0x34: {  	[smem:$0x3FBA] =	sst s10  }
0x35: {  	s10 =	sld [smem:$0x3FB9];
	_ =	sdelay $0x3  }
0x36: {  	p1 =	seq.s32 s10, $0x1;
	s10 =	sld [smem:$0x3FBA];
	_ =	sdelay $0x3  }
0x37: {  	[smem:$0x3FBA] =	sst s10  }
0x38: {  	s10 =	sld [smem:$0x3FBB]  }
0x39: {  	_ = 	snop;
	(pc) =	sbr.ind lr, $3  }
0x3a: {  	_ = 	snop  }
0x3b: {  	_ = 	snop  }
0x3c: {  	p2 =	seq.s32 s10, $0x1;
	s10 =	sld [smem:$0x3FBA]  }
0x3d: {  	_ =	shalt  }
0x3e: {  	_ =	shalt  }
0x3f: {  	_ =	shalt  }
0x40: {  	_ =	shalt  }
0x41: {  	_ =	shalt  }
0x42: {  	_ =	shalt  }
0x43: {  	_ =	shalt  }
0x44: {  	_ =	shalt  }
0x45: {  	_ =	shalt  }
0x46: {  	_ =	shalt  }
0x47: {  	_ =	shalt  }
0x48: {  	_ =	shalt  }
0x49: {  	_ =	shalt  }
0x4a: {  	_ =	shalt  }
0x4b: {  	_ =	shalt  }
0x4c: {  	_ =	shalt  }
0x4d: {  	_ =	shalt  }
0x4e: {  	_ =	shalt  }
0x4f: {  	_ =	shalt  }
0x50: {  	_ =	shalt  }
0x51: {  	_ =	shalt  }
0x52: {  	_ =	shalt  }
0x53: {  	_ =	shalt  }
0x54: {  	_ =	shalt  }
0x55: {  	_ =	shalt  }
0x56: {  	_ =	shalt  }
0x57: {  	_ =	shalt  }
0x58: {  	_ =	shalt  }
0x59: {  	_ =	shalt  }
0x5a: {  	_ =	shalt  }
0x5b: {  	_ =	shalt  }
0x5c: {  	_ =	shalt  }
0x5d: {  	_ =	shalt  }
0x5e: {  	_ =	shalt  }
0x5f: {  	_ =	shalt  }
0x60: {  	_ =	shalt  }
0x61: {  	_ =	shalt  }
0x62: {  	_ =	shalt  }
0x63: {  	_ =	shalt  }
0x64: {  	_ =	shalt  }
0x65: {  	_ =	shalt  }
0x66: {  	_ =	shalt  }
0x67: {  	_ =	shalt  }
0x68: {  	_ =	shalt  }
0x69: {  	_ =	shalt  }
0x6a: {  	_ =	shalt  }
0x6b: {  	_ =	shalt  }
0x6c: {  	_ =	shalt  }
0x6d: {  	_ =	shalt  }
0x6e: {  	_ =	shalt  }
0x6f: {  	_ =	shalt  }
0x70: {  	_ =	shalt  }
0x71: {  	_ =	shalt  }
0x72: {  	_ =	shalt  }
0x73: {  	_ =	shalt  }
0x74: {  	_ =	shalt  }
0x75: {  	_ =	shalt  }
0x76: {  	_ =	shalt  }
0x77: {  	_ =	shalt  }
0x78: {  	_ =	shalt  }
0x79: {  	_ =	shalt  }
0x7a: {  	_ =	shalt  }
0x7b: {  	_ =	shalt  }
0x7c: {  	_ =	shalt  }
0x7d: {  	_ =	shalt  }
0x7e: {  	_ =	shalt  }
0x7f: {  	_ =	shalt  }
0x80: {  	_ =	shalt  }
0x81: {  	_ =	shalt  }
0x82: {  	_ =	shalt  }
0x83: {  	_ =	shalt  }
0x84: {  	_ =	shalt  }
0x85: {  	_ =	shalt  }
0x86: {  	_ =	shalt  }
0x87: {  	_ =	shalt  }
.Lfunc_end0:
.L_simem_size_0:
called_computation_lowered:
.L_overlay_start_0:
0x88: {  	s2 =	sld [smem:$0x3FD9]  }
0x89: {  	s3 =	sld [smem:$0x3FFE];
	_ =	sdelay $0x1  }
0x8a: {  	s1 =	srdreg.scid  }
0x8b: {  	s0 =	sand.u32 $0x1, s1  }
0x8c: {  	s18 =	sshll.u32 s0, $0xA;
	s2 =	sadd.s32 s3, s2  }
0x8d: {  	s2 =	sadd.s32 s2, s18  }
0x8e: {  	[smem:$0x3FC6] =	sst s2  }
0x8f: {  	_ = 	snop  }
0x90: {  	s2 =	sld [smem:$0x3FC9]  }
0x91: {  	s19 =	sld [smem:$0x3FC8]  }
0x92: {  	s4 =	sld [smem:$0x3FD0];
	(tm) =	ssettm $0x1  }
0x93: {  	s5 =	sld [smem:$0x3FFB];
	_ =	sdelay $0x3  }
0x94: {  	_ =	strace s5  }
0x95: {  	s5 =	sld [smem:$0x3FFC];
	_ =	sdelay $0x3  }
0x96: {  	_ =	strace s5  }
0x97: {  	s5 =	sld [smem:$0x3FFD];
	_ =	sdelay $0x3  }
0x98: {  	_ =	strace s5  }
0x99: {  	_ =	strace $0x8FFFFFFF  }
0x9a: {  	s20 =	sld [smem:$0x3FDB];
	_ =	sdelay $0x1  }
0x9b: {  	s6 =	simm.s32 $_scs_section_size  }
0x9c: {  	s7 =	simm.s32 $_size__tile_overlayer_lowered;
	s8 =	simm.s32 $_tile_overlayer_lowered  }
0x9d: {  	s23 =	simm.s32 $0x1BFF;
	s22 =	sshll.u32 s8, $0x1;
	s5 =	sadd.s32 s6, s20  }
0x9e: {  	s9 =	simm.s32 $0x0;
	s21 =	sshll.u32 s7, $0x1;
	s7 =	sadd.s32 s22, s5  }
0x9f: {  	[timem:s9], [sflag:s23] =	dma.local [hbm:s7], s21  }
0xa0: {  	_ =	swait.ge [sflag:s23], s21  }
0xa1: {  	s6 =	ssub.s32 $0x0, s21;
	[sflag:s23] =	ssyncset.done $0x0  }
0xa2: {  	[sflag:s23] =	ssyncadd.s32 s6;
	_ =	sdelay $0x1  }
0xa3: {  	s24 =	simm.s32 $0x1B8B  }
0xa4: {  	_ =	swait.ge [sflag:s24], $0x1  }
0xa5: {  	[sflag:s24] =	ssyncset.done $0x0  }
0xa6: {  	s25 =	simm.s32 $0x1B8E;
	[sflag:s24] =	ssyncadd.s32 $0xFFFFFFFF  }
0xa7: {  	s26 =	simm.s32 $execute0_lowered;
	[smem:$0x3FD2] =	sst s25  }
0xa8: {  	s6 =	sshll.u32 s26, $0x1;
	_ =	strace $0x80000046;
	[dreg:$0x1] =	wrdreg $0xFFFFFFFF  }
0xa9: {  	s28 =	simm.s32 $_size_execute0_lowered;
	s5 =	sadd.s32 s5, s6;
	[dreg:$0x0] =	wrdreg $0x0  }
0xaa: {  	s6 =	sshll.u32 s28, $0x1;
	[dreg:$0x2] =	wrdreg s5  }
0xab: {  	[dreg:$0x3] =	wrdreg s6  }
0xac: {  	[dreg:$0x4] =	wrdreg $0xC0  }
0xad: {  	_ =	task [dreg:s9], $0x5FFFF  }
0xae: {  	[dreg:$0x1] =	wrdreg $0xFFFFFFFF  }
0xaf: {  	[dreg:$0x0] =	wrdreg $0x60  }
0xb0: {  	[dreg:$0x2] =	wrdreg s2  }
0xb1: {  	[dreg:$0x3] =	wrdreg s19  }
0xb2: {  	[dreg:$0x4] =	wrdreg s4  }
0xb3: {  	[dreg:$0x5] =	wrdreg $0x9  }
0xb4: {  	_ =	task.clear_ibuf [dreg:s9], $0x6FFFF;
	_ =	strace $0x90000046  }
0xb5: {  	s29 =	simm.s32 $0x9;
	_ =	strace $0x80000048  }
0xb6: {  	_ =	swait.ge [sflag:s29], $0x1  }
0xb7: {  	[sflag:s29] =	ssyncadd.s32 $0xFFFFFFFF  }
0xb8: {  	_ =	strace $0x90000048  }
0xb9: {  	_ =	sfence  }
0xba: {  	s30 =	sld [smem:$0x0];
	_ =	sdelay $0x2  }
0xbb: {  	s31 =	sshll.u32 s1, $0xD;
	s1 =	sshrl.u32 s1, $0x2  }
0xbc: {  	s3 =	sand.u32 $0x4000, s31;
	s1 =	sadd.s32 s1, s30  }
0xbd: {  	s0 =	sor.u32 s3, s0;
	s1 =	sshll.u32 s1, $0x11  }
0xbe: {  	s0 =	sor.u32 s1, s0  }
0xbf: {  	s0 =	sadd.s32 $0x8F2B, s0  }
0xc0: {  	[sflag:s0] =	ssyncadd.remote.s32 $0x1  }
0xc1: {  	_ =	sfence.sel $0xFFFF  }
0xc2: {  	[dreg:$0x0] =	wrdreg $0xFFFFFFFF;
	(pc) =	sbr.abs _section_cstart, $3  }
0xc3: {  	[dreg:$0x1] =	wrdreg $0xFFFFFFFF  }
0xc4: {  	_ =	task.clear_ibuf [dreg:s9], $0x2FFFF;
	_ =	strace $0x9FFFFFFF  }
0xc5: {  	(tm) =	ssettm $0x7FFFFFFF  }
tec
execute0_lowered:
.L_overlay_start_1:
0x0: {  	(tag) =	ssettag $0x1  }
0x1: {  	s0 =	srdreg.scid  }
0x2: {  	s2 =	stileid.u32;
	s0 =	sand.u32 $0x1, s0  }
0x3: {  	s1 =	rddreg [dreg:$0x0];
	s2 =	sshll.u32 s2, $0x3;
	s3 =	sshll.u32 s0, $0x2  }
0x4: {  	s4 =	rddreg [dreg:$0x2];
	s0 =	ssub.s32 $0x2, s0;
	s5 =	sor.u32 s3, s2  }
0x5: {  	s6 =	simm.s32 $0x0;
	s18 =	sshrl.u32 s0, $0x1;
	s2 =	sshll.u32 s5, $0x7  }
0x6: {  	[smem:$0x7FF] =	sst s6;
	s0 =	ssub.s32 s0, s18;
	s2 =	sadd.s32 s1, s2  }
0x7: {  	_ =	strace $0x80000047;
	s0 =	smax.u32 s0, $0x1;
	[dreg:$0x4] =	wrdreg s2  }
0x8: {  	s19 =	sadd.s32 $0x4000, s2;
	[dreg:$0xe] =	wrdreg s0  }
0x9: {  	s20 =	sadd.s32 $0x8000, s2;
	[dreg:$0x5] =	wrdreg s19  }
0xa: {  	s28 =	simm.s32 $0x2380;
	s21 =	sadd.s32 $0xC000, s2;
	[dreg:$0x6] =	wrdreg s20  }
0xb: {  	s29 =	simm.s32 $0x2780;
	s22 =	sadd.s32 $0x10000, s2;
	[dreg:$0x7] =	wrdreg s21  }
0xc: {  	s30 =	simm.s32 $0x1;
	s23 =	sadd.s32 $0x14000, s2;
	[dreg:$0x8] =	wrdreg s22  }
0xd: {  	s31 =	simm.s32 $0x100;
	s24 =	sadd.s32 $0x18000, s2;
	[dreg:$0x9] =	wrdreg s23  }
.Ltmp0:
0xe: {  	s25 =	sadd.s32 $0x1C000, s2;
	[dreg:$0xa] =	wrdreg s24;
	(pc) =	sbr.rel .LBB2_1-.Ltmp0, $4  }
0xf: {  	s9 =	simm.s32 $0x0;
	s26 =	sadd.s32 $0x20000, s2;
	[dreg:$0xb] =	wrdreg s25  }
0x10: {  	s3 =	simm.s32 $0x2B80;
	s2 =	sadd.s32 $0x24000, s2;
	[dreg:$0xc] =	wrdreg s26  }
0x11: {  	v0 =	vlaneseq.u32;
	s0 =	simm.s32 $0x10000;
	[dreg:$0xd] =	wrdreg s2;
	s26 =	simm.s32 $0x1F80  }
0x12: {  	v1 =	vor.u32 $0x10, v0;
	v2 =	vor.u32 $0x20, v0;
	v3 =	vor.u32 $0x30, v0;
	s2 =	simm.s32 $0x200;
	s19 =	simm.s32 $0x2;
	s20 =	simm.s32 $0x7B80  }
.LBB2_8:
0x13: {  	s7 =	simm.s32 $0x3  }
0x14: {  	_ =	swait.ge [sflag:s7], $0x5000  }
0x15: {  	[sflag:s7] =	ssyncset.done $0x0  }
0x16: {  	s8 =	simm.s32 $0x4;
	[sflag:s7] =	ssyncadd.s32 $0xFFFFB000  }
0x17: {  	_ =	swait.ge [sflag:s8], $0x5000  }
0x18: {  	s9 =	rddreg [dreg:$0xf]  }
0x19: {  	s25 =	rddreg [dreg:$0xe];
	s9 =	sadd.s32 $0x1, s9  }
0x1a: {  	p0 =	sne.s32 s9, s25  }
.Ltmp1:
0x1b: {  	_ = 	snop;
	(pc) =	sbr.rel @!p0 .LBB2_9-.Ltmp1, $3  }
0x1c: {  	_ =	sdelay $0x1  }
0x1d: {  	[sflag:s8] =	ssyncset.done $0x0  }
0x1e: {  	[sflag:s8] =	ssyncadd.s32 $0xFFFFB000  }
.LBB2_1:
0x1f: {  	[dreg:$0xf] =	wrdreg s9  }
0x20: {  	s7 =	rddreg [dreg:$0x1];
	s24 =	simm.s32 $0x5  }
0x21: {  	[tilespmem:s6], [sflag:$0x5] =	stream.linear.gather [hbm4b:s7+s6], $0x100, $0x38;
	[tilespmem:$0xCB80] =	vst v63  }
0x22: {  	_ =	swait.ge [sflag:s24], $0x100  }
0x23: {  	[sflag:s24] =	ssyncset.done $0x0  }
0x24: {  	[sflag:s24] =	ssyncadd.s32 $0xFFFFFF00  }
0x25: {  	v4 =	vld [tilespmem:$0xA0]  }
0x26: {  	v7 =	vld [tilespmem:$0x80];
	_ =	sdelay $0x2  }
0x27: {  	v8 =	vld [tilespmem:$0x0];
	_ =	sdelay $0x1  }
0x28: {  	v9 =	vld [tilespmem:$0x10];
	v10 =	vadd.f32 $0.0e+00, v4;
	v4 =	vbroadcast v7, $0x0;
	v6 =	vbroadcast v7, $0x1  }
0x29: {  	v28 =	vbroadcast v7, $0x2;
	v15 =	vbroadcast v7, $0x3  }
0x2a: {  	v11 =	vld [tilespmem:$0x20];
	v30 =	vbroadcast v7, $0x4;
	v16 =	vbroadcast v7, $0x5  }
0x2b: {  	v12 =	vld [tilespmem:$0x30];
	v5 =	vbroadcast v10, $0x0;
	v4 =	vmul.f32 v4, v8  }
0x2c: {  	v13 =	vld [tilespmem:$0x40];
	v17 =	vbroadcast v7, $0x6;
	v33 =	vbroadcast v7, $0x8  }
0x2d: {  	v19 =	vbroadcast v7, $0x9;
	v4 =	vadd.f32 v5, v4;
	v5 =	vmul.f32 v6, v9  }
0x2e: {  	v34 =	vbroadcast v7, $0x7;
	v37 =	vbroadcast v7, $0xA  }
0x2f: {  	v14 =	vmul.f32 v28, v11;
	v36 =	vmul.f32 v19, v9;
	v19 =	vld [tilespmem:$0x90];
	v5 =	vadd.f32 v4, v5  }
0x30: {  	v40 =	vbroadcast v7, $0xB;
	v42 =	vbroadcast v7, $0xC;
	v6 =	vld [tilespmem:$0x50]  }
0x31: {  	v29 =	vmul.f32 v15, v12;
	v15 =	vmul.f32 v30, v13;
	v5 =	vadd.f32 v5, v14  }
0x32: {  	v18 =	vbroadcast v10, $0x1;
	v39 =	vmul.f32 v37, v11;
	v4 =	vld [tilespmem:$0x60]  }
0x33: {  	v41 =	vmul.f32 v40, v12;
	v50 =	vbroadcast v10, $0x2;
	v14 =	vadd.f32 v5, v29  }
0x34: {  	v24 =	vbroadcast v19, $0x0;
	v25 =	vbroadcast v19, $0x1;
	v5 =	vld [tilespmem:$0x70]  }
0x35: {  	v53 =	vbroadcast v19, $0x2;
	v31 =	vmul.f32 v16, v6;
	v14 =	vadd.f32 v14, v15  }
0x36: {  	v56 =	vbroadcast v19, $0x3;
	v60 =	vbroadcast v19, $0x4  }
0x37: {  	v24 =	vmul.f32 v24, v8;
	v32 =	vmul.f32 v17, v4;
	v14 =	vadd.f32 v14, v31  }
0x38: {  	v62 =	vbroadcast v19, $0x5;
	v52 =	vmul.f32 v25, v9  }
0x39: {  	v16 =	vadd.f32 v50, v24;
	v15 =	vmul.f32 v34, v5;
	v14 =	vadd.f32 v14, v32  }
0x3a: {  	v55 =	vmul.f32 v53, v11;
	v17 =	vmul.f32 v33, v8  }
0x3b: {  	v59 =	vmul.f32 v56, v12;
	v16 =	vadd.f32 v16, v52;
	v14 =	vadd.f32 v14, v15  }
0x3c: {  	v28 =	vmul.f32 v60, v13;
	v35 =	vadd.f32 v18, v17;
	v32 =	vbroadcast v19, $0x6  }
0x3d: {  	v29 =	vmul.f32 v62, v6;
	v16 =	vadd.f32 v16, v55;
	v14 =	vadd.f32 $0.0e+00, v14  }
0x3e: {  	v38 =	vadd.f32 v35, v36;
	v36 =	vbroadcast v19, $0x7;
	v35 =	vmul.f32 v32, v4  }
0x3f: {  	v16 =	vadd.f32 v16, v59;
	v43 =	vbroadcast v14, $0x0;
	v20 =	vbroadcast v14, $0x1  }
0x40: {  	v21 =	vbroadcast v14, $0x2;
	v22 =	vbroadcast v14, $0x3  }
0x41: {  	v31 =	vadd.f32 v16, v28;
	v23 =	vbroadcast v14, $0x4;
	v49 =	vbroadcast v14, $0x5  }
0x42: {  	v15 =	vadd.f32 v38, v39;
	v26 =	vbroadcast v14, $0x6;
	v51 =	vbroadcast v14, $0x7  }
0x43: {  	v34 =	vadd.f32 v31, v29;
	v54 =	vbroadcast v14, $0x8;
	v14 =	vbroadcast v14, $0x9;
	[tilespmem:$0x100] =	vst v43  }
0x44: {  	v45 =	vbroadcast v7, $0xD;
	v44 =	vmul.f32 v42, v13;
	[tilespmem:$0x140] =	vst v20  }
0x45: {  	v16 =	vmul.f32 v36, v5;
	v15 =	vadd.f32 v15, v41;
	[tilespmem:$0x340] =	vst v14;
	v14 =	vadd.f32 v34, v35  }
0x46: {  	v47 =	vbroadcast v7, $0xE;
	v7 =	vbroadcast v7, $0xF;
	[tilespmem:$0x180] =	vst v21  }
0x47: {  	v46 =	vmul.f32 v45, v6;
	v15 =	vadd.f32 v15, v44;
	[tilespmem:$0x1C0] =	vst v22;
	v14 =	vadd.f32 v14, v16  }
0x48: {  	v10 =	vbroadcast v10, $0x3;
	v30 =	vbroadcast v19, $0x8;
	[tilespmem:$0x200] =	vst v23  }
0x49: {  	v48 =	vmul.f32 v47, v4;
	v15 =	vadd.f32 v15, v46;
	[tilespmem:$0x240] =	vst v49;
	v14 =	vadd.f32 $0.0e+00, v14  }
0x4a: {  	v8 =	vmul.f32 v30, v8;
	v33 =	vbroadcast v19, $0x9;
	[tilespmem:$0x280] =	vst v26  }
0x4b: {  	v7 =	vmul.f32 v7, v5;
	[tilespmem:$0x2C0] =	vst v51;
	v15 =	vadd.f32 v15, v48;
	v49 =	vbroadcast v14, $0x0  }
0x4c: {  	v8 =	vadd.f32 v10, v8;
	v9 =	vmul.f32 v33, v9;
	[tilespmem:$0x300] =	vst v54;
	v51 =	vbroadcast v14, $0x1  }
0x4d: {  	v37 =	vbroadcast v19, $0xA;
	v7 =	vadd.f32 v15, v7;
	v52 =	vbroadcast v14, $0x2;
	[tilespmem:$0x120] =	vst v49  }
0x4e: {  	v40 =	vbroadcast v19, $0xB;
	v8 =	vadd.f32 v8, v9;
	v54 =	vbroadcast v14, $0x3;
	[tilespmem:$0x160] =	vst v51  }
0x4f: {  	v39 =	vmul.f32 v37, v11;
	v7 =	vadd.f32 $0.0e+00, v7;
	v55 =	vbroadcast v14, $0x4;
	[tilespmem:$0x1A0] =	vst v52  }
0x50: {  	v44 =	vbroadcast v19, $0xC;
	v56 =	vbroadcast v14, $0x5;
	[tilespmem:$0x1E0] =	vst v54  }
0x51: {  	v8 =	vadd.f32 v8, v39;
	v43 =	vmul.f32 v40, v12;
	v57 =	vbroadcast v7, $0x0;
	[tilespmem:$0x220] =	vst v55  }
0x52: {  	v47 =	vmul.f32 v44, v13;
	v58 =	vbroadcast v7, $0x1;
	[tilespmem:$0x260] =	vst v56  }
0x53: {  	v8 =	vadd.f32 v8, v43;
	v48 =	vbroadcast v19, $0xD;
	v61 =	vbroadcast v7, $0x2;
	[tilespmem:$0x110] =	vst v57  }
0x54: {  	v50 =	vbroadcast v19, $0xE;
	v63 =	vbroadcast v7, $0x3;
	[tilespmem:$0x150] =	vst v58  }
0x55: {  	v8 =	vadd.f32 v8, v47;
	v6 =	vmul.f32 v48, v6;
	v38 =	vbroadcast v7, $0x4;
	[tilespmem:$0x190] =	vst v61  }
0x56: {  	v53 =	vbroadcast v19, $0xF;
	v41 =	vbroadcast v7, $0x5;
	[tilespmem:$0x1D0] =	vst v63  }
0x57: {  	v4 =	vmul.f32 v50, v4;
	v6 =	vadd.f32 v8, v6;
	v42 =	vbroadcast v7, $0x6;
	[tilespmem:$0x210] =	vst v38  }
0x58: {  	v45 =	vbroadcast v7, $0x7;
	[tilespmem:$0x250] =	vst v41  }
0x59: {  	v5 =	vmul.f32 v53, v5;
	v46 =	vbroadcast v7, $0x8;
	v4 =	vadd.f32 v6, v4;
	[tilespmem:$0x290] =	vst v42  }
0x5a: {  	v7 =	vbroadcast v7, $0x9;
	[tilespmem:$0x2D0] =	vst v45  }
0x5b: {  	[tilespmem:$0x310] =	vst v46;
	v57 =	vbroadcast v14, $0x6;
	v4 =	vadd.f32 v4, v5  }
0x5c: {  	[tilespmem:$0x350] =	vst v7;
	v5 =	vbroadcast v14, $0x7  }
0x5d: {  	v58 =	vbroadcast v14, $0x8;
	[tilespmem:$0x2A0] =	vst v57;
	v4 =	vadd.f32 $0.0e+00, v4  }
0x5e: {  	[tilespmem:$0x2E0] =	vst v5;
	v5 =	vbroadcast v14, $0x9  }
0x5f: {  	[tilespmem:$0x320] =	vst v58;
	v59 =	vbroadcast v4, $0x0  }
0x60: {  	[tilespmem:$0x360] =	vst v5;
	v5 =	vbroadcast v4, $0x1  }
0x61: {  	v60 =	vbroadcast v4, $0x2;
	[tilespmem:$0x130] =	vst v59  }
0x62: {  	v61 =	vbroadcast v4, $0x4;
	[tilespmem:$0x170] =	vst v5  }
0x63: {  	v5 =	vbroadcast v4, $0x3;
	[tilespmem:$0x1B0] =	vst v60  }
0x64: {  	v62 =	vbroadcast v4, $0x6;
	[tilespmem:$0x230] =	vst v61  }
0x65: {  	[tilespmem:$0x1F0] =	vst v5;
	v5 =	vbroadcast v4, $0x5  }
0x66: {  	v63 =	vbroadcast v4, $0x8;
	[tilespmem:$0x2B0] =	vst v62  }
0x67: {  	[tilespmem:$0x270] =	vst v5;
	v5 =	vbroadcast v4, $0x7  }
0x68: {  	[tilespmem:$0x330] =	vst v63;
	v4 =	vbroadcast v4, $0x9  }
0x69: {  	[tilespmem:$0x2F0] =	vst v5  }
0x6a: {  	s8 =	simm.s32 $0x380;
	s25 =	rddreg [dreg:$0x4];
	[tilespmem:$0x370] =	vst v4  }
0x6b: {  	[tilespmem:s8], [sflag:$0x1] =	stream.linear.gather [hbm4b:s25+s6], $0x400, $0x38;
	[tilespmem:$0xCB80] =	vst v63  }
0x6c: {  	s10 =	simm.s32 $0x780;
	s9 =	rddreg [dreg:$0x5]  }
0x6d: {  	[tilespmem:s10], [sflag:$0x1] =	stream.linear.gather [hbm4b:s9+s6], $0x400, $0x38;
	[tilespmem:$0xCB80] =	vst v63  }
0x6e: {  	s12 =	simm.s32 $0xB80;
	s11 =	rddreg [dreg:$0x6]  }
0x6f: {  	[tilespmem:s12], [sflag:$0x1] =	stream.linear.gather [hbm4b:s11+s6], $0x400, $0x38;
	[tilespmem:$0xCB80] =	vst v63  }
0x70: {  	s14 =	simm.s32 $0xF80;
	s13 =	rddreg [dreg:$0x7]  }
0x71: {  	[tilespmem:s14], [sflag:$0x1] =	stream.linear.gather [hbm4b:s13+s6], $0x400, $0x38;
	[tilespmem:$0xCB80] =	vst v63  }
0x72: {  	s16 =	simm.s32 $0x1380;
	s15 =	rddreg [dreg:$0x8]  }
0x73: {  	[tilespmem:s16], [sflag:$0x1] =	stream.linear.gather [hbm4b:s15+s6], $0x400, $0x38;
	[tilespmem:$0xCB80] =	vst v63  }
0x74: {  	s18 =	simm.s32 $0x1780;
	s17 =	rddreg [dreg:$0x9]  }
0x75: {  	[tilespmem:s18], [sflag:$0x2] =	stream.linear.gather [hbm4b:s17+s6], $0x400, $0x38;
	[tilespmem:$0xCB80] =	vst v63  }
0x76: {  	s22 =	simm.s32 $0x1B80;
	s21 =	rddreg [dreg:$0xa]  }
0x77: {  	[tilespmem:s22], [sflag:$0x2] =	stream.linear.gather [hbm4b:s21+s6], $0x400, $0x38;
	[tilespmem:$0xCB80] =	vst v63  }
0x78: {  	s23 =	rddreg [dreg:$0xb]  }
0x79: {  	[tilespmem:s26], [sflag:$0x2] =	stream.linear.gather [hbm4b:s23+s6], $0x400, $0x38;
	[tilespmem:$0xCB80] =	vst v63  }
0x7a: {  	s24 =	rddreg [dreg:$0xc]  }
0x7b: {  	[tilespmem:s28], [sflag:$0x2] =	stream.linear.gather [hbm4b:s24+s6], $0x400, $0x38;
	[tilespmem:$0xCB80] =	vst v63  }
0x7c: {  	s25 =	rddreg [dreg:$0xd];
	s8 =	simm.s32 $0x0  }
0x7d: {  	[tilespmem:s29], [sflag:$0x2] =	stream.linear.gather [hbm4b:s25+s6], $0x400, $0x38;
	[tilespmem:$0xCB80] =	vst v63  }
.LBB2_2:
0x7e: {  	_ =	swait.ge [sflag:s30], $0x400  }
0x7f: {  	[sflag:s30] =	ssyncset.done $0x0  }
0x80: {  	[sflag:s30] =	ssyncadd.s32 $0xFFFFFC00  }
0x81: {  	_ =	swait.ge [sflag:s30], $0x400  }
0x82: {  	[sflag:s30] =	ssyncset.done $0x0  }
0x83: {  	[sflag:s30] =	ssyncadd.s32 $0xFFFFFC00  }
0x84: {  	_ =	swait.ge [sflag:s30], $0x400  }
0x85: {  	[sflag:s30] =	ssyncset.done $0x0  }
0x86: {  	[sflag:s30] =	ssyncadd.s32 $0xFFFFFC00  }
0x87: {  	_ =	swait.ge [sflag:s30], $0x400  }
0x88: {  	[sflag:s30] =	ssyncset.done $0x0  }
0x89: {  	[sflag:s30] =	ssyncadd.s32 $0xFFFFFC00  }
0x8a: {  	_ =	swait.ge [sflag:s30], $0x400  }
0x8b: {  	p1 =	seq.s32 s8, $0x0;
	[sflag:s30] =	ssyncset.done $0x0  }
0x8c: {  	s7 =	simm.s32 @!p1 $0x3;
	[sflag:s30] =	ssyncadd.s32 $0xFFFFFC00  }
0x8d: {  	_ =	swait.ge @!p1 [sflag:s7], $0x5000  }
0x8e: {  	[sflag:s7] =	ssyncset.done @!p1 $0x0  }
0x8f: {  	s24 =	simm.s32 $0x400;
	[sflag:s7] =	ssyncadd.s32 @!p1 $0xFFFFB000  }
0x90: {  	v4 =	vld [tilespmem:s24+$0x0];
	_ =	sdelay $0x4  }
0x91: {  	v4 =	vshll.u32 v4, $0x6  }
0x92: {  	v5 =	vor.u32 v0, v4;
	_ =	sdelay $0x1  }
0x93: {  	v6 =	vld [tilespmem:s24+$0xFFFFFF80];
	_ =	sdelay $0x2  }
0x94: {  	v5 =	vld.idx.msk [tilespmem:v5+s31+$0x0], $0xffff  }
0x95: {  	v7 =	vor.u32 v1, v4  }
0x96: {  	v6 =	vshll.u32 v6, $0x6  }
0x97: {  	v8 =	vor.u32 v0, v6  }
0x98: {  	s10 =	simm.s32 $0x2D80  }
0x99: {  	[tilespmem:s10+$0x0] =	vst v5  }
0x9a: {  	v5 =	vld.idx.msk [tilespmem:v7+s31+$0x0], $0xffff  }
0x9b: {  	v7 =	vor.u32 v2, v4  }
0x9c: {  	v8 =	vld.idx.msk [tilespmem:v8+s31+$0x0], $0xffff  }
0x9d: {  	v9 =	vor.u32 v1, v6;
	_ =	sdelay $0x1  }
0x9e: {  	[tilespmem:s10+$0x80] =	vst v5  }
0x9f: {  	v5 =	vld.idx.msk [tilespmem:v7+s31+$0x0], $0xffff  }
0xa0: {  	[tilespmem:s10+$0xFFFFFE00] =	vst v8;
	v4 =	vor.u32 v3, v4  }
0xa1: {  	v7 =	vld.idx.msk [tilespmem:v9+s31+$0x0], $0xffff  }
0xa2: {  	v8 =	vor.u32 v2, v6;
	_ =	sdelay $0x1  }
0xa3: {  	[tilespmem:s10+$0x100] =	vst v5  }
0xa4: {  	v4 =	vld.idx.msk [tilespmem:v4+s31+$0x0], $0xffff  }
0xa5: {  	[tilespmem:s10+$0xFFFFFE80] =	vst v7  }
0xa6: {  	v5 =	vld.idx.msk [tilespmem:v8+s31+$0x0], $0xffff  }
0xa7: {  	v6 =	vor.u32 v3, v6;
	_ =	sdelay $0x1  }
0xa8: {  	[tilespmem:s10+$0x180] =	vst v4  }
0xa9: {  	v4 =	vld [tilespmem:s24+$0x10]  }
0xaa: {  	[tilespmem:s10+$0xFFFFFF00] =	vst v5  }
0xab: {  	v5 =	vld.idx.msk [tilespmem:v6+s31+$0x0], $0xffff;
	_ =	sdelay $0x2  }
0xac: {  	v4 =	vshll.u32 v4, $0x6  }
0xad: {  	v6 =	vor.u32 v0, v4  }
0xae: {  	[tilespmem:s10+$0xFFFFFF80] =	vst v5  }
0xaf: {  	v5 =	vld [tilespmem:s24+$0xFFFFFF90];
	_ =	sdelay $0x2  }
0xb0: {  	v6 =	vld.idx.msk [tilespmem:v6+s31+$0x0], $0xffff  }
0xb1: {  	v7 =	vor.u32 v1, v4  }
0xb2: {  	v5 =	vshll.u32 v5, $0x6  }
0xb3: {  	v8 =	vor.u32 v0, v5;
	_ =	sdelay $0x1  }
0xb4: {  	[tilespmem:s10+$0x10] =	vst v6  }
0xb5: {  	v6 =	vld.idx.msk [tilespmem:v7+s31+$0x0], $0xffff  }
0xb6: {  	v7 =	vor.u32 v2, v4  }
0xb7: {  	v8 =	vld.idx.msk [tilespmem:v8+s31+$0x0], $0xffff  }
0xb8: {  	v9 =	vor.u32 v1, v5;
	_ =	sdelay $0x1  }
0xb9: {  	[tilespmem:s10+$0x90] =	vst v6  }
0xba: {  	v6 =	vld.idx.msk [tilespmem:v7+s31+$0x0], $0xffff  }
0xbb: {  	v4 =	vor.u32 v3, v4;
	[tilespmem:s10+$0xFFFFFE10] =	vst v8  }
0xbc: {  	v7 =	vld.idx.msk [tilespmem:v9+s31+$0x0], $0xffff  }
0xbd: {  	v8 =	vor.u32 v2, v5;
	_ =	sdelay $0x1  }
0xbe: {  	[tilespmem:s10+$0x110] =	vst v6  }
0xbf: {  	v4 =	vld.idx.msk [tilespmem:v4+s31+$0x0], $0xffff  }
0xc0: {  	[tilespmem:s10+$0xFFFFFE90] =	vst v7  }
0xc1: {  	v6 =	vld.idx.msk [tilespmem:v8+s31+$0x0], $0xffff  }
0xc2: {  	v5 =	vor.u32 v3, v5;
	_ =	sdelay $0x1  }
0xc3: {  	[tilespmem:s10+$0x190] =	vst v4  }
0xc4: {  	s9 =	simm.s32 $0x500;
	v4 =	vld [tilespmem:s24+$0x20]  }
0xc5: {  	[tilespmem:s10+$0xFFFFFF10] =	vst v6;
	v6 =	vld [tilespmem:s9+$0x0]  }
0xc6: {  	v5 =	vld.idx.msk [tilespmem:v5+s31+$0x0], $0xffff;
	_ =	sdelay $0x2  }
0xc7: {  	v4 =	vshll.u32 v4, $0x6  }
0xc8: {  	v7 =	vor.u32 v0, v4  }
0xc9: {  	v8 =	vld [tilespmem:s9+$0xFFFFFF80];
	v6 =	vshll.u32 v6, $0x6;
	[tilespmem:s10+$0xFFFFFF90] =	vst v5  }
0xca: {  	v5 =	vor.u32 v0, v6;
	v9 =	vld [tilespmem:s24+$0xFFFFFFA0];
	_ =	sdelay $0x2  }
0xcb: {  	v7 =	vld.idx.msk [tilespmem:v7+s31+$0x0], $0xffff  }
0xcc: {  	v8 =	vshll.u32 v8, $0x6;
	v10 =	vor.u32 v1, v4  }
0xcd: {  	v11 =	vor.u32 v0, v8;
	v5 =	vld.idx.msk [tilespmem:v5+s31+$0x0], $0xffff;
	v9 =	vshll.u32 v9, $0x6  }
0xce: {  	v13 =	vor.u32 v0, v9  }
0xcf: {  	v12 =	vor.u32 v1, v6  }
0xd0: {  	[tilespmem:s10+$0x20] =	vst v7  }
0xd1: {  	s11 =	simm.s32 $0x3180;
	v7 =	vld.idx.msk [tilespmem:v10+s31+$0x0], $0xffff  }
0xd2: {  	[tilespmem:s11+$0x0] =	vst v5;
	v5 =	vor.u32 v2, v4;
	v10 =	vld.idx.msk [tilespmem:v11+s31+$0x0], $0xffff  }
0xd3: {  	v11 =	vor.u32 v1, v8;
	v13 =	vld.idx.msk [tilespmem:v13+s31+$0x0], $0xffff  }
0xd4: {  	v15 =	vor.u32 v1, v9;
	v12 =	vld.idx.msk [tilespmem:v12+s31+$0x0], $0xffff  }
0xd5: {  	v14 =	vor.u32 v2, v6  }
0xd6: {  	[tilespmem:s10+$0xA0] =	vst v7  }
0xd7: {  	[tilespmem:s11+$0xFFFFFE00] =	vst v10;
	v5 =	vld.idx.msk [tilespmem:v5+s31+$0x0], $0xffff  }
0xd8: {  	v4 =	vor.u32 v3, v4;
	[tilespmem:s10+$0xFFFFFE20] =	vst v13;
	v7 =	vld.idx.msk [tilespmem:v11+s31+$0x0], $0xffff  }
0xd9: {  	[tilespmem:s11+$0x80] =	vst v12;
	v10 =	vor.u32 v2, v8;
	v12 =	vld.idx.msk [tilespmem:v15+s31+$0x0], $0xffff  }
0xda: {  	v13 =	vor.u32 v2, v9;
	v11 =	vld.idx.msk [tilespmem:v14+s31+$0x0], $0xffff  }
0xdb: {  	v6 =	vor.u32 v3, v6  }
0xdc: {  	[tilespmem:s10+$0x120] =	vst v5  }
0xdd: {  	[tilespmem:s11+$0xFFFFFE80] =	vst v7;
	v4 =	vld.idx.msk [tilespmem:v4+s31+$0x0], $0xffff  }
0xde: {  	[tilespmem:s10+$0xFFFFFEA0] =	vst v12;
	v5 =	vld.idx.msk [tilespmem:v10+s31+$0x0], $0xffff  }
0xdf: {  	[tilespmem:s11+$0x100] =	vst v11;
	v7 =	vor.u32 v3, v8;
	v8 =	vld.idx.msk [tilespmem:v13+s31+$0x0], $0xffff  }
0xe0: {  	v9 =	vor.u32 v3, v9;
	v6 =	vld.idx.msk [tilespmem:v6+s31+$0x0], $0xffff;
	_ =	sdelay $0x1  }
0xe1: {  	[tilespmem:s10+$0x1A0] =	vst v4  }
0xe2: {  	[tilespmem:s11+$0xFFFFFF00] =	vst v5;
	v4 =	vld [tilespmem:s24+$0x30]  }
0xe3: {  	[tilespmem:s10+$0xFFFFFF20] =	vst v8;
	v5 =	vld.idx.msk [tilespmem:v7+s31+$0x0], $0xffff  }
0xe4: {  	[tilespmem:s11+$0x180] =	vst v6;
	v7 =	vld.idx.msk [tilespmem:v9+s31+$0x0], $0xffff  }
0xe5: {  	v6 =	vld [tilespmem:s9+$0x10];
	_ =	sdelay $0x1  }
0xe6: {  	v4 =	vshll.u32 v4, $0x6  }
0xe7: {  	[tilespmem:s11+$0xFFFFFF80] =	vst v5;
	v5 =	vor.u32 v0, v4  }
0xe8: {  	[tilespmem:s10+$0xFFFFFFA0] =	vst v7;
	v8 =	vld [tilespmem:s9+$0xFFFFFF90]  }
0xe9: {  	v6 =	vshll.u32 v6, $0x6;
	v9 =	vld [tilespmem:s24+$0xFFFFFFB0]  }
0xea: {  	v7 =	vor.u32 v0, v6;
	_ =	sdelay $0x1  }
0xeb: {  	v5 =	vld.idx.msk [tilespmem:v5+s31+$0x0], $0xffff  }
0xec: {  	v10 =	vor.u32 v1, v4;
	v8 =	vshll.u32 v8, $0x6  }
0xed: {  	v9 =	vshll.u32 v9, $0x6;
	v11 =	vor.u32 v0, v8  }
0xee: {  	v7 =	vld.idx.msk [tilespmem:v7+s31+$0x0], $0xffff;
	v13 =	vor.u32 v0, v9  }
0xef: {  	v12 =	vor.u32 v1, v6  }
0xf0: {  	[tilespmem:s10+$0x30] =	vst v5  }
0xf1: {  	v5 =	vld.idx.msk [tilespmem:v10+s31+$0x0], $0xffff  }
0xf2: {  	v10 =	vld.idx.msk [tilespmem:v11+s31+$0x0], $0xffff  }
0xf3: {  	[tilespmem:s11+$0x10] =	vst v7;
	v7 =	vor.u32 v2, v4;
	v13 =	vld.idx.msk [tilespmem:v13+s31+$0x0], $0xffff  }
0xf4: {  	v15 =	vor.u32 v1, v9;
	v12 =	vld.idx.msk [tilespmem:v12+s31+$0x0], $0xffff  }
0xf5: {  	v11 =	vor.u32 v1, v8  }
0xf6: {  	v14 =	vor.u32 v2, v6;
	[tilespmem:s10+$0xB0] =	vst v5  }
0xf7: {  	[tilespmem:s11+$0xFFFFFE10] =	vst v10  }
0xf8: {  	[tilespmem:s10+$0xFFFFFE30] =	vst v13;
	v5 =	vld.idx.msk [tilespmem:v7+s31+$0x0], $0xffff  }
0xf9: {  	v4 =	vor.u32 v3, v4;
	[tilespmem:s11+$0x90] =	vst v12;
	v12 =	vld.idx.msk [tilespmem:v15+s31+$0x0], $0xffff  }
0xfa: {  	v13 =	vor.u32 v2, v9;
	v7 =	vld.idx.msk [tilespmem:v11+s31+$0x0], $0xffff  }
0xfb: {  	v10 =	vor.u32 v2, v8;
	v11 =	vld.idx.msk [tilespmem:v14+s31+$0x0], $0xffff  }
0xfc: {  	v6 =	vor.u32 v3, v6  }
0xfd: {  	[tilespmem:s10+$0x130] =	vst v5  }
0xfe: {  	[tilespmem:s10+$0xFFFFFEB0] =	vst v12;
	v4 =	vld.idx.msk [tilespmem:v4+s31+$0x0], $0xffff  }
0xff: {  	[tilespmem:s11+$0xFFFFFE90] =	vst v7;
	v7 =	vor.u32 v3, v8;
	v8 =	vld.idx.msk [tilespmem:v13+s31+$0x0], $0xffff  }
0x100: {  	[tilespmem:s11+$0x110] =	vst v11;
	v5 =	vld.idx.msk [tilespmem:v10+s31+$0x0], $0xffff  }
0x101: {  	v6 =	vld.idx.msk [tilespmem:v6+s31+$0x0], $0xffff;
	_ =	sdelay $0x1  }
0x102: {  	s13 =	simm.s32 $0x600;
	v9 =	vor.u32 v3, v9;
	[tilespmem:s10+$0x1B0] =	vst v4  }
0x103: {  	[tilespmem:s10+$0xFFFFFF30] =	vst v8;
	v8 =	vld [tilespmem:s13+$0x0]  }
0x104: {  	[tilespmem:s11+$0xFFFFFF10] =	vst v5;
	v4 =	vld [tilespmem:s24+$0x40]  }
0x105: {  	[tilespmem:s11+$0x190] =	vst v6;
	v5 =	vld.idx.msk [tilespmem:v7+s31+$0x0], $0xffff  }
0x106: {  	v6 =	vld [tilespmem:s9+$0x20]  }
0x107: {  	v7 =	vld.idx.msk [tilespmem:v9+s31+$0x0], $0xffff;
	_ =	sdelay $0x1  }
0x108: {  	v9 =	vld [tilespmem:s13+$0xFFFFFF80];
	v4 =	vshll.u32 v4, $0x6  }
0x109: {  	[tilespmem:s11+$0xFFFFFF90] =	vst v5;
	v5 =	vor.u32 v0, v4  }
0x10a: {  	v6 =	vshll.u32 v6, $0x6;
	v10 =	vld [tilespmem:s9+$0xFFFFFFA0]  }
0x10b: {  	v8 =	vshll.u32 v8, $0x6;
	[tilespmem:s10+$0xFFFFFFB0] =	vst v7;
	v7 =	vor.u32 v0, v6  }
0x10c: {  	v12 =	vor.u32 v0, v8  }
0x10d: {  	v9 =	vshll.u32 v9, $0x6;
	v11 =	vld [tilespmem:s24+$0xFFFFFFC0]  }
0x10e: {  	v13 =	vor.u32 v0, v9;
	v5 =	vld.idx.msk [tilespmem:v5+s31+$0x0], $0xffff  }
0x10f: {  	v14 =	vor.u32 v1, v4;
	v10 =	vshll.u32 v10, $0x6  }
0x110: {  	v7 =	vld.idx.msk [tilespmem:v7+s31+$0x0], $0xffff;
	v15 =	vor.u32 v0, v10  }
0x111: {  	v16 =	vor.u32 v1, v6;
	v12 =	vld.idx.msk [tilespmem:v12+s31+$0x0], $0xffff  }
0x112: {  	v18 =	vor.u32 v1, v8;
	v11 =	vshll.u32 v11, $0x6  }
0x113: {  	v13 =	vld.idx.msk [tilespmem:v13+s31+$0x0], $0xffff;
	v17 =	vor.u32 v0, v11;
	[tilespmem:s10+$0x40] =	vst v5  }
0x114: {  	v5 =	vor.u32 v1, v9;
	v14 =	vld.idx.msk [tilespmem:v14+s31+$0x0], $0xffff  }
0x115: {  	s12 =	simm.s32 $0x3580;
	[tilespmem:s11+$0x20] =	vst v7;
	v7 =	vor.u32 v2, v4;
	v15 =	vld.idx.msk [tilespmem:v15+s31+$0x0], $0xffff  }
0x116: {  	v19 =	vor.u32 v1, v10;
	[tilespmem:s12+$0x0] =	vst v12;
	v16 =	vld.idx.msk [tilespmem:v16+s31+$0x0], $0xffff  }
0x117: {  	v49 =	vor.u32 v2, v6;
	v18 =	vld.idx.msk [tilespmem:v18+s31+$0x0], $0xffff  }
0x118: {  	[tilespmem:s12+$0xFFFFFE00] =	vst v13;
	v12 =	vld.idx.msk [tilespmem:v17+s31+$0x0], $0xffff  }
0x119: {  	v13 =	vor.u32 v1, v11;
	v5 =	vld.idx.msk [tilespmem:v5+s31+$0x0], $0xffff;
	[tilespmem:s10+$0xC0] =	vst v14  }
0x11a: {  	v14 =	vor.u32 v2, v8;
	[tilespmem:s11+$0xFFFFFE20] =	vst v15;
	v7 =	vld.idx.msk [tilespmem:v7+s31+$0x0], $0xffff  }
0x11b: {  	v15 =	vor.u32 v2, v9;
	[tilespmem:s11+$0xA0] =	vst v16;
	v19 =	vld.idx.msk [tilespmem:v19+s31+$0x0], $0xffff  }
0x11c: {  	v4 =	vor.u32 v3, v4;
	v16 =	vld.idx.msk [tilespmem:v49+s31+$0x0], $0xffff  }
0x11d: {  	v6 =	vor.u32 v3, v6;
	[tilespmem:s10+$0xFFFFFE40] =	vst v12  }
0x11e: {  	v50 =	vor.u32 v2, v10;
	[tilespmem:s12+$0x80] =	vst v18;
	v12 =	vld.idx.msk [tilespmem:v13+s31+$0x0], $0xffff  }
0x11f: {  	v13 =	vor.u32 v2, v11;
	[tilespmem:s12+$0xFFFFFE80] =	vst v5;
	v14 =	vld.idx.msk [tilespmem:v14+s31+$0x0], $0xffff  }
0x120: {  	v8 =	vor.u32 v3, v8;
	v5 =	vld.idx.msk [tilespmem:v15+s31+$0x0], $0xffff;
	[tilespmem:s10+$0x140] =	vst v7  }
0x121: {  	v7 =	vor.u32 v3, v9;
	[tilespmem:s11+$0x120] =	vst v16;
	v4 =	vld.idx.msk [tilespmem:v4+s31+$0x0], $0xffff  }
0x122: {  	[tilespmem:s11+$0xFFFFFEA0] =	vst v19;
	v6 =	vld.idx.msk [tilespmem:v6+s31+$0x0], $0xffff  }
0x123: {  	v9 =	vld.idx.msk [tilespmem:v50+s31+$0x0], $0xffff;
	[tilespmem:s10+$0xFFFFFEC0] =	vst v12  }
0x124: {  	v10 =	vor.u32 v3, v10;
	v12 =	vld.idx.msk [tilespmem:v13+s31+$0x0], $0xffff;
	[tilespmem:s12+$0x100] =	vst v14  }
0x125: {  	v11 =	vor.u32 v3, v11;
	[tilespmem:s12+$0xFFFFFF00] =	vst v5;
	v8 =	vld.idx.msk [tilespmem:v8+s31+$0x0], $0xffff  }
0x126: {  	v5 =	vld.idx.msk [tilespmem:v7+s31+$0x0], $0xffff;
	[tilespmem:s10+$0x1C0] =	vst v4  }
0x127: {  	[tilespmem:s11+$0x1A0] =	vst v6;
	v4 =	vld [tilespmem:s24+$0x50]  }
0x128: {  	[tilespmem:s11+$0xFFFFFF20] =	vst v9;
	v6 =	vld [tilespmem:s9+$0x30]  }
0x129: {  	v7 =	vld.idx.msk [tilespmem:v10+s31+$0x0], $0xffff;
	[tilespmem:s10+$0xFFFFFF40] =	vst v12  }
0x12a: {  	[tilespmem:s12+$0x180] =	vst v8;
	v8 =	vld.idx.msk [tilespmem:v11+s31+$0x0], $0xffff  }
0x12b: {  	[tilespmem:s12+$0xFFFFFF80] =	vst v5;
	v9 =	vld [tilespmem:s13+$0x10]  }
0x12c: {  	v10 =	vld [tilespmem:s13+$0xFFFFFF90];
	v4 =	vshll.u32 v4, $0x6  }
0x12d: {  	v6 =	vshll.u32 v6, $0x6;
	v5 =	vor.u32 v0, v4  }
0x12e: {  	[tilespmem:s11+$0xFFFFFFA0] =	vst v7;
	v7 =	vor.u32 v0, v6  }
0x12f: {  	v11 =	vld [tilespmem:s9+$0xFFFFFFB0]  }
0x130: {  	[tilespmem:s10+$0xFFFFFFC0] =	vst v8;
	v9 =	vshll.u32 v9, $0x6  }
0x131: {  	v12 =	vld [tilespmem:s24+$0xFFFFFFD0];
	v10 =	vshll.u32 v10, $0x6;
	v8 =	vor.u32 v0, v9  }
0x132: {  	v14 =	vor.u32 v0, v10;
	v5 =	vld.idx.msk [tilespmem:v5+s31+$0x0], $0xffff  }
0x133: {  	v13 =	vor.u32 v1, v4;
	v7 =	vld.idx.msk [tilespmem:v7+s31+$0x0], $0xffff  }
0x134: {  	v15 =	vor.u32 v1, v6;
	v11 =	vshll.u32 v11, $0x6  }
0x135: {  	v51 =	vor.u32 v0, v11  }
0x136: {  	v8 =	vld.idx.msk [tilespmem:v8+s31+$0x0], $0xffff  }
0x137: {  	v52 =	vor.u32 v1, v9;
	v12 =	vshll.u32 v12, $0x6;
	v14 =	vld.idx.msk [tilespmem:v14+s31+$0x0], $0xffff;
	[tilespmem:s10+$0x50] =	vst v5  }
0x138: {  	v5 =	vor.u32 v0, v12;
	[tilespmem:s11+$0x30] =	vst v7;
	v13 =	vld.idx.msk [tilespmem:v13+s31+$0x0], $0xffff  }
0x139: {  	v53 =	vor.u32 v1, v10;
	v15 =	vld.idx.msk [tilespmem:v15+s31+$0x0], $0xffff  }
0x13a: {  	v7 =	vor.u32 v2, v4;
	v16 =	vld.idx.msk [tilespmem:v51+s31+$0x0], $0xffff  }
0x13b: {  	v54 =	vor.u32 v1, v11;
	[tilespmem:s12+$0x10] =	vst v8  }
0x13c: {  	v8 =	vor.u32 v2, v6;
	[tilespmem:s12+$0xFFFFFE10] =	vst v14;
	v17 =	vld.idx.msk [tilespmem:v52+s31+$0x0], $0xffff  }
0x13d: {  	v20 =	vor.u32 v2, v9;
	v5 =	vld.idx.msk [tilespmem:v5+s31+$0x0], $0xffff;
	[tilespmem:s10+$0xD0] =	vst v13  }
0x13e: {  	v14 =	vld.idx.msk [tilespmem:v53+s31+$0x0], $0xffff;
	v13 =	vor.u32 v1, v12;
	[tilespmem:s11+$0xB0] =	vst v15  }
0x13f: {  	v15 =	vor.u32 v2, v10;
	[tilespmem:s11+$0xFFFFFE30] =	vst v16;
	v7 =	vld.idx.msk [tilespmem:v7+s31+$0x0], $0xffff  }
0x140: {  	v4 =	vor.u32 v3, v4;
	v16 =	vld.idx.msk [tilespmem:v54+s31+$0x0], $0xffff  }
0x141: {  	v55 =	vor.u32 v2, v11;
	v8 =	vld.idx.msk [tilespmem:v8+s31+$0x0], $0xffff;
	[tilespmem:s12+$0x90] =	vst v17  }
0x142: {  	v6 =	vor.u32 v3, v6;
	[tilespmem:s10+$0xFFFFFE50] =	vst v5;
	v5 =	vld.idx.msk [tilespmem:v20+s31+$0x0], $0xffff  }
0x143: {  	[tilespmem:s12+$0xFFFFFE90] =	vst v14;
	v13 =	vld.idx.msk [tilespmem:v13+s31+$0x0], $0xffff  }
0x144: {  	v9 =	vor.u32 v3, v9;
	v14 =	vld.idx.msk [tilespmem:v15+s31+$0x0], $0xffff;
	[tilespmem:s10+$0x150] =	vst v7  }
0x145: {  	v7 =	vor.u32 v2, v12;
	[tilespmem:s11+$0xFFFFFEB0] =	vst v16;
	v4 =	vld.idx.msk [tilespmem:v4+s31+$0x0], $0xffff  }
0x146: {  	[tilespmem:s11+$0x130] =	vst v8;
	v8 =	vor.u32 v3, v10;
	v10 =	vld.idx.msk [tilespmem:v55+s31+$0x0], $0xffff  }
0x147: {  	s15 =	simm.s32 $0x700;
	v6 =	vld.idx.msk [tilespmem:v6+s31+$0x0], $0xffff  }
0x148: {  	[tilespmem:s12+$0x110] =	vst v5;
	v5 =	vor.u32 v3, v11;
	v11 =	vld [tilespmem:s15+$0x0]  }
0x149: {  	[tilespmem:s10+$0xFFFFFED0] =	vst v13;
	v9 =	vld.idx.msk [tilespmem:v9+s31+$0x0], $0xffff  }
0x14a: {  	v7 =	vld.idx.msk [tilespmem:v7+s31+$0x0], $0xffff;
	[tilespmem:s10+$0x1D0] =	vst v4  }
0x14b: {  	[tilespmem:s12+$0xFFFFFF10] =	vst v14;
	v4 =	vld [tilespmem:s24+$0x60]  }
0x14c: {  	v8 =	vld.idx.msk [tilespmem:v8+s31+$0x0], $0xffff;
	[tilespmem:s11+$0x1B0] =	vst v6  }
0x14d: {  	[tilespmem:s11+$0xFFFFFF30] =	vst v10;
	v10 =	vor.u32 v3, v12;
	v6 =	vld [tilespmem:s9+$0x40]  }
0x14e: {  	v5 =	vld.idx.msk [tilespmem:v5+s31+$0x0], $0xffff;
	v11 =	vshll.u32 v11, $0x6  }
0x14f: {  	[tilespmem:s12+$0x190] =	vst v9;
	v15 =	vor.u32 v0, v11  }
0x150: {  	v9 =	vld [tilespmem:s13+$0x20]  }
0x151: {  	[tilespmem:s10+$0xFFFFFF50] =	vst v7;
	v7 =	vld [tilespmem:s15+$0xFFFFFF80];
	v4 =	vshll.u32 v4, $0x6  }
0x152: {  	v10 =	vld.idx.msk [tilespmem:v10+s31+$0x0], $0xffff;
	[tilespmem:s12+$0xFFFFFF90] =	vst v8;
	v12 =	vor.u32 v0, v4  }
0x153: {  	v6 =	vshll.u32 v6, $0x6;
	[tilespmem:s11+$0xFFFFFFB0] =	vst v5;
	v5 =	vld [tilespmem:s13+$0xFFFFFFA0]  }
0x154: {  	v8 =	vor.u32 v0, v6;
	v15 =	vld.idx.msk [tilespmem:v15+s31+$0x0], $0xffff  }
0x155: {  	v21 =	vor.u32 v1, v11;
	v9 =	vshll.u32 v9, $0x6  }
0x156: {  	v13 =	vld [tilespmem:s9+$0xFFFFFFC0];
	v7 =	vshll.u32 v7, $0x6;
	v14 =	vor.u32 v0, v9  }
0x157: {  	[tilespmem:s10+$0xFFFFFFD0] =	vst v10;
	v10 =	vor.u32 v0, v7;
	v12 =	vld.idx.msk [tilespmem:v12+s31+$0x0], $0xffff  }
0x158: {  	s14 =	simm.s32 $0x3980;
	v56 =	vor.u32 v1, v4;
	v57 =	vld [tilespmem:s24+$0xFFFFFFE0];
	v5 =	vshll.u32 v5, $0x6  }
0x159: {  	v8 =	vld.idx.msk [tilespmem:v8+s31+$0x0], $0xffff;
	v59 =	vor.u32 v0, v5;
	[tilespmem:s14+$0x0] =	vst v15  }
0x15a: {  	v58 =	vor.u32 v1, v6;
	v15 =	vld.idx.msk [tilespmem:v21+s31+$0x0], $0xffff  }
0x15b: {  	v26 =	vor.u32 v2, v11;
	v14 =	vld.idx.msk [tilespmem:v14+s31+$0x0], $0xffff  }
0x15c: {  	v60 =	vor.u32 v1, v9;
	v13 =	vshll.u32 v13, $0x6;
	v10 =	vld.idx.msk [tilespmem:v10+s31+$0x0], $0xffff;
	[tilespmem:s10+$0x60] =	vst v12  }
0x15d: {  	v12 =	vor.u32 v0, v13;
	v16 =	vld.idx.msk [tilespmem:v56+s31+$0x0], $0xffff  }
0x15e: {  	v22 =	vor.u32 v1, v7;
	[tilespmem:s11+$0x40] =	vst v8;
	v19 =	vld.idx.msk [tilespmem:v59+s31+$0x0], $0xffff  }
0x15f: {  	v61 =	vor.u32 v2, v4;
	v8 =	vld.idx.msk [tilespmem:v58+s31+$0x0], $0xffff;
	[tilespmem:s14+$0x80] =	vst v15  }
0x160: {  	v23 =	vor.u32 v1, v5;
	[tilespmem:s12+$0x20] =	vst v14;
	v29 =	vld.idx.msk [tilespmem:v26+s31+$0x0], $0xffff  }
0x161: {  	v62 =	vor.u32 v2, v6;
	v14 =	vld.idx.msk [tilespmem:v60+s31+$0x0], $0xffff  }
0x162: {  	v11 =	vor.u32 v3, v11;
	[tilespmem:s14+$0xFFFFFE00] =	vst v10;
	v12 =	vld.idx.msk [tilespmem:v12+s31+$0x0], $0xffff  }
0x163: {  	v63 =	vor.u32 v2, v9;
	v25 =	vld.idx.msk [tilespmem:v22+s31+$0x0], $0xffff;
	[tilespmem:s10+$0xE0] =	vst v16  }
0x164: {  	v24 =	vor.u32 v1, v13;
	v10 =	vld.idx.msk [tilespmem:v61+s31+$0x0], $0xffff;
	[tilespmem:s12+$0xFFFFFE20] =	vst v19  }
0x165: {  	v27 =	vor.u32 v2, v7;
	[tilespmem:s11+$0xC0] =	vst v8;
	v28 =	vld.idx.msk [tilespmem:v23+s31+$0x0], $0xffff  }
0x166: {  	v4 =	vor.u32 v3, v4;
	v8 =	vld.idx.msk [tilespmem:v62+s31+$0x0], $0xffff;
	[tilespmem:s14+$0x100] =	vst v29  }
0x167: {  	v6 =	vor.u32 v3, v6;
	[tilespmem:s12+$0xA0] =	vst v14;
	v11 =	vld.idx.msk [tilespmem:v11+s31+$0x0], $0xffff  }
0x168: {  	[tilespmem:s11+$0xFFFFFE40] =	vst v12;
	v12 =	vor.u32 v2, v5;
	v14 =	vld.idx.msk [tilespmem:v63+s31+$0x0], $0xffff  }
0x169: {  	v9 =	vor.u32 v3, v9;
	[tilespmem:s14+$0xFFFFFE80] =	vst v25;
	v15 =	vld.idx.msk [tilespmem:v24+s31+$0x0], $0xffff  }
0x16a: {  	v18 =	vld.idx.msk [tilespmem:v27+s31+$0x0], $0xffff;
	[tilespmem:s10+$0x160] =	vst v10;
	v10 =	vor.u32 v2, v13  }
0x16b: {  	v7 =	vor.u32 v3, v7;
	v4 =	vld.idx.msk [tilespmem:v4+s31+$0x0], $0xffff;
	[tilespmem:s11+$0x140] =	vst v8  }
0x16c: {  	[tilespmem:s12+$0xFFFFFEA0] =	vst v28;
	v6 =	vld.idx.msk [tilespmem:v6+s31+$0x0], $0xffff  }
0x16d: {  	v8 =	vld.idx.msk [tilespmem:v12+s31+$0x0], $0xffff;
	[tilespmem:s12+$0x120] =	vst v14  }
0x16e: {  	v5 =	vor.u32 v3, v5;
	[tilespmem:s11+$0xFFFFFEC0] =	vst v15;
	v9 =	vld.idx.msk [tilespmem:v9+s31+$0x0], $0xffff  }
0x16f: {  	[tilespmem:s14+$0xFFFFFF00] =	vst v18;
	v10 =	vld.idx.msk [tilespmem:v10+s31+$0x0], $0xffff  }
0x170: {  	v7 =	vld.idx.msk [tilespmem:v7+s31+$0x0], $0xffff;
	[tilespmem:s10+$0x1E0] =	vst v4;
	v4 =	vor.u32 v3, v13  }
0x171: {  	v12 =	vld [tilespmem:s24+$0x70];
	[tilespmem:s11+$0x1C0] =	vst v6  }
0x172: {  	[tilespmem:s12+$0xFFFFFF20] =	vst v8;
	v6 =	vld [tilespmem:s9+$0x50]  }
0x173: {  	v8 =	vshll.u32 v57, $0x6;
	v5 =	vld.idx.msk [tilespmem:v5+s31+$0x0], $0xffff;
	[tilespmem:s12+$0x1A0] =	vst v9  }
0x174: {  	v9 =	vor.u32 v0, v8;
	[tilespmem:s11+$0xFFFFFF40] =	vst v10;
	v13 =	vld [tilespmem:s13+$0x30]  }
0x175: {  	[tilespmem:s14+$0x180] =	vst v11;
	v4 =	vld.idx.msk [tilespmem:v4+s31+$0x0], $0xffff  }
0x176: {  	v11 =	vld [tilespmem:s15+$0x10];
	v10 =	vshll.u32 v12, $0x6  }
0x177: {  	[tilespmem:s14+$0xFFFFFF80] =	vst v7;
	v12 =	vor.u32 v0, v10  }
0x178: {  	v7 =	vld [tilespmem:s15+$0xFFFFFF90];
	v6 =	vshll.u32 v6, $0x6  }
0x179: {  	[tilespmem:s12+$0xFFFFFFA0] =	vst v5;
	v9 =	vld.idx.msk [tilespmem:v9+s31+$0x0], $0xffff;
	v14 =	vor.u32 v0, v6  }
0x17a: {  	v5 =	vor.u32 v1, v8;
	v15 =	vld [tilespmem:s13+$0xFFFFFFB0];
	v13 =	vshll.u32 v13, $0x6;
	[tilespmem:s11+$0xFFFFFFC0] =	vst v4  }
0x17b: {  	v11 =	vshll.u32 v11, $0x6;
	v30 =	vor.u32 v0, v13;
	v31 =	vld [tilespmem:s9+$0xFFFFFFD0]  }
0x17c: {  	v4 =	vld.idx.msk [tilespmem:v12+s31+$0x0], $0xffff;
	v12 =	vor.u32 v0, v11  }
0x17d: {  	v32 =	vor.u32 v1, v10;
	v7 =	vshll.u32 v7, $0x6  }
0x17e: {  	v14 =	vld.idx.msk [tilespmem:v14+s31+$0x0], $0xffff;
	[tilespmem:s10+$0xFFFFFE60] =	vst v9;
	v9 =	vor.u32 v0, v7  }
0x17f: {  	v33 =	vor.u32 v1, v6;
	v15 =	vshll.u32 v15, $0x6;
	v5 =	vld.idx.msk [tilespmem:v5+s31+$0x0], $0xffff  }
0x180: {  	v34 =	vor.u32 v0, v15;
	v16 =	vld.idx.msk [tilespmem:v30+s31+$0x0], $0xffff  }
0x181: {  	v35 =	vor.u32 v1, v13;
	v17 =	vshll.u32 v31, $0x6;
	v12 =	vld.idx.msk [tilespmem:v12+s31+$0x0], $0xffff;
	[tilespmem:s10+$0x70] =	vst v4  }
0x182: {  	v4 =	vor.u32 v0, v17;
	v18 =	vld.idx.msk [tilespmem:v32+s31+$0x0], $0xffff  }
0x183: {  	v36 =	vor.u32 v1, v11;
	v9 =	vld.idx.msk [tilespmem:v9+s31+$0x0], $0xffff;
	[tilespmem:s11+$0x50] =	vst v14  }
0x184: {  	v37 =	vor.u32 v2, v10;
	v14 =	vld.idx.msk [tilespmem:v33+s31+$0x0], $0xffff  }
0x185: {  	v38 =	vor.u32 v1, v7;
	v20 =	vld.idx.msk [tilespmem:v34+s31+$0x0], $0xffff;
	[tilespmem:s12+$0x30] =	vst v16  }
0x186: {  	v39 =	vor.u32 v2, v6;
	v16 =	vld.idx.msk [tilespmem:v35+s31+$0x0], $0xffff  }
0x187: {  	v24 =	vor.u32 v1, v15;
	[tilespmem:s14+$0x10] =	vst v12;
	v4 =	vld.idx.msk [tilespmem:v4+s31+$0x0], $0xffff  }
0x188: {  	v40 =	vor.u32 v2, v13;
	v12 =	vld.idx.msk [tilespmem:v36+s31+$0x0], $0xffff;
	[tilespmem:s10+$0xF0] =	vst v18  }
0x189: {  	v41 =	vor.u32 v1, v17;
	[tilespmem:s14+$0xFFFFFE10] =	vst v9;
	v9 =	vld.idx.msk [tilespmem:v37+s31+$0x0], $0xffff  }
0x18a: {  	v43 =	vor.u32 v2, v11;
	v42 =	vld.idx.msk [tilespmem:v38+s31+$0x0], $0xffff;
	[tilespmem:s11+$0xD0] =	vst v14  }
0x18b: {  	v10 =	vor.u32 v3, v10;
	[tilespmem:s12+$0xFFFFFE30] =	vst v20;
	v14 =	vld.idx.msk [tilespmem:v39+s31+$0x0], $0xffff  }
0x18c: {  	v44 =	vor.u32 v2, v7;
	v45 =	vld.idx.msk [tilespmem:v24+s31+$0x0], $0xffff;
	[tilespmem:s12+$0xB0] =	vst v16  }
0x18d: {  	v6 =	vor.u32 v3, v6;
	[tilespmem:s11+$0xFFFFFE50] =	vst v4;
	v16 =	vld.idx.msk [tilespmem:v40+s31+$0x0], $0xffff  }
0x18e: {  	v46 =	vor.u32 v2, v15;
	[tilespmem:s14+$0x90] =	vst v12;
	v12 =	vld.idx.msk [tilespmem:v41+s31+$0x0], $0xffff  }
0x18f: {  	v13 =	vor.u32 v3, v13;
	v47 =	vld.idx.msk [tilespmem:v43+s31+$0x0], $0xffff;
	[tilespmem:s10+$0x170] =	vst v9  }
0x190: {  	v9 =	vor.u32 v2, v17;
	[tilespmem:s14+$0xFFFFFE90] =	vst v42;
	v4 =	vld.idx.msk [tilespmem:v10+s31+$0x0], $0xffff  }
0x191: {  	v11 =	vor.u32 v3, v11;
	v10 =	vld.idx.msk [tilespmem:v44+s31+$0x0], $0xffff;
	[tilespmem:s11+$0x150] =	vst v14  }
0x192: {  	v14 =	vor.u32 v2, v8;
	[tilespmem:s12+$0xFFFFFEB0] =	vst v45;
	v6 =	vld.idx.msk [tilespmem:v6+s31+$0x0], $0xffff  }
0x193: {  	v7 =	vor.u32 v3, v7;
	v48 =	vld.idx.msk [tilespmem:v46+s31+$0x0], $0xffff;
	[tilespmem:s12+$0x130] =	vst v16  }
0x194: {  	[tilespmem:s11+$0xFFFFFED0] =	vst v12;
	v13 =	vld.idx.msk [tilespmem:v13+s31+$0x0], $0xffff  }
0x195: {  	v12 =	vor.u32 v3, v15;
	[tilespmem:s14+$0x110] =	vst v47;
	v9 =	vld.idx.msk [tilespmem:v9+s31+$0x0], $0xffff  }
0x196: {  	[tilespmem:s10+$0xFFFFFEE0] =	vst v5;
	v5 =	vld.idx.msk [tilespmem:v11+s31+$0x0], $0xffff  }
0x197: {  	v11 =	vld.idx.msk [tilespmem:v14+s31+$0x0], $0xffff;
	[tilespmem:s14+$0xFFFFFF10] =	vst v10  }
0x198: {  	[tilespmem:s11+$0x1D0] =	vst v6;
	v7 =	vld.idx.msk [tilespmem:v7+s31+$0x0], $0xffff  }
0x199: {  	v10 =	vor.u32 v3, v17;
	[tilespmem:s12+$0xFFFFFF30] =	vst v48;
	v6 =	vld [tilespmem:s9+$0x60]  }
0x19a: {  	s17 =	simm.s32 $0x800;
	v12 =	vld.idx.msk [tilespmem:v12+s31+$0x0], $0xffff;
	[tilespmem:s12+$0x1B0] =	vst v13  }
0x19b: {  	v8 =	vor.u32 v3, v8;
	[tilespmem:s11+$0xFFFFFF50] =	vst v9;
	v9 =	vld [tilespmem:s17+$0x0]  }
0x19c: {  	v13 =	vld [tilespmem:s13+$0x40];
	[tilespmem:s14+$0x190] =	vst v5  }
0x19d: {  	v5 =	vld [tilespmem:s15+$0x20]  }
0x19e: {  	v10 =	vld.idx.msk [tilespmem:v10+s31+$0x0], $0xffff  }
0x19f: {  	[tilespmem:s10+$0xFFFFFF60] =	vst v11;
	v11 =	vld [tilespmem:s17+$0xFFFFFF80]  }
0x1a0: {  	[tilespmem:s14+$0xFFFFFF90] =	vst v7;
	v7 =	vld.idx.msk [tilespmem:v8+s31+$0x0], $0xffff;
	v6 =	vshll.u32 v6, $0x6  }
0x1a1: {  	[tilespmem:s12+$0xFFFFFFB0] =	vst v12;
	v12 =	vld [tilespmem:s15+$0xFFFFFFA0];
	v14 =	vor.u32 v0, v6  }
0x1a2: {  	v13 =	vshll.u32 v13, $0x6  }
0x1a3: {  	v8 =	vor.u32 v0, v13;
	v5 =	vshll.u32 v5, $0x6  }
0x1a4: {  	v15 =	vld [tilespmem:s13+$0xFFFFFFC0];
	[tilespmem:s11+$0xFFFFFFD0] =	vst v10;
	v11 =	vshll.u32 v11, $0x6;
	v49 =	vor.u32 v0, v5  }
0x1a5: {  	v9 =	vshll.u32 v9, $0x6;
	v50 =	vld [tilespmem:s9+$0xFFFFFFE0];
	[tilespmem:s10+$0xFFFFFFE0] =	vst v7;
	v7 =	vor.u32 v0, v11  }
0x1a6: {  	v12 =	vshll.u32 v12, $0x6;
	v10 =	vld.idx.msk [tilespmem:v14+s31+$0x0], $0xffff;
	v14 =	vor.u32 v0, v9  }
0x1a7: {  	v52 =	vld [tilespmem:s24+$0xFFFFFFF0];
	v54 =	vor.u32 v0, v12  }
0x1a8: {  	v51 =	vor.u32 v1, v6;
	v8 =	vld.idx.msk [tilespmem:v8+s31+$0x0], $0xffff  }
0x1a9: {  	v53 =	vor.u32 v1, v13;
	v16 =	vld.idx.msk [tilespmem:v49+s31+$0x0], $0xffff  }
0x1aa: {  	v55 =	vor.u32 v1, v5;
	v7 =	vld.idx.msk [tilespmem:v7+s31+$0x0], $0xffff  }
0x1ab: {  	v58 =	vor.u32 v1, v11;
	v15 =	vshll.u32 v15, $0x6;
	v14 =	vld.idx.msk [tilespmem:v14+s31+$0x0], $0xffff  }
0x1ac: {  	[tilespmem:s11+$0x60] =	vst v10;
	v10 =	vor.u32 v0, v15;
	v21 =	vld.idx.msk [tilespmem:v54+s31+$0x0], $0xffff  }
0x1ad: {  	v56 =	vor.u32 v1, v9;
	v18 =	vld.idx.msk [tilespmem:v51+s31+$0x0], $0xffff;
	[tilespmem:s12+$0x40] =	vst v8  }
0x1ae: {  	s16 =	simm.s32 $0x3D80;
	v25 =	vor.u32 v1, v12;
	v8 =	vld.idx.msk [tilespmem:v53+s31+$0x0], $0xffff;
	[tilespmem:s14+$0x20] =	vst v16  }
0x1af: {  	v57 =	vor.u32 v2, v6;
	[tilespmem:s16+$0xFFFFFE00] =	vst v7;
	v16 =	vld.idx.msk [tilespmem:v55+s31+$0x0], $0xffff  }
0x1b0: {  	v59 =	vor.u32 v2, v13;
	v62 =	vld.idx.msk [tilespmem:v58+s31+$0x0], $0xffff;
	[tilespmem:s16+$0x0] =	vst v14  }
0x1b1: {  	v60 =	vor.u32 v2, v5;
	v10 =	vld.idx.msk [tilespmem:v10+s31+$0x0], $0xffff;
	[tilespmem:s14+$0xFFFFFE20] =	vst v21  }
0x1b2: {  	v26 =	vor.u32 v2, v11;
	v14 =	vld.idx.msk [tilespmem:v56+s31+$0x0], $0xffff;
	[tilespmem:s11+$0xE0] =	vst v18  }
0x1b3: {  	v61 =	vor.u32 v1, v15;
	v27 =	vld.idx.msk [tilespmem:v25+s31+$0x0], $0xffff;
	[tilespmem:s12+$0xC0] =	vst v8  }
0x1b4: {  	v63 =	vor.u32 v2, v9;
	v7 =	vld.idx.msk [tilespmem:v57+s31+$0x0], $0xffff;
	[tilespmem:s14+$0xA0] =	vst v16  }
0x1b5: {  	v6 =	vor.u32 v3, v6;
	v8 =	vld.idx.msk [tilespmem:v59+s31+$0x0], $0xffff;
	[tilespmem:s16+$0xFFFFFE80] =	vst v62  }
0x1b6: {  	v16 =	vld.idx.msk [tilespmem:v60+s31+$0x0], $0xffff;
	[tilespmem:s12+$0xFFFFFE40] =	vst v10;
	v10 =	vor.u32 v3, v13  }
0x1b7: {  	v13 =	vor.u32 v2, v12;
	v20 =	vld.idx.msk [tilespmem:v26+s31+$0x0], $0xffff  }
0x1b8: {  	v5 =	vor.u32 v3, v5;
	[tilespmem:s16+$0x80] =	vst v14;
	v14 =	vld.idx.msk [tilespmem:v61+s31+$0x0], $0xffff  }
0x1b9: {  	v28 =	vld.idx.msk [tilespmem:v63+s31+$0x0], $0xffff;
	[tilespmem:s11+$0x160] =	vst v7;
	v7 =	vor.u32 v2, v15  }
0x1ba: {  	v9 =	vor.u32 v3, v9;
	v6 =	vld.idx.msk [tilespmem:v6+s31+$0x0], $0xffff;
	[tilespmem:s12+$0x140] =	vst v8  }
0x1bb: {  	[tilespmem:s14+$0xFFFFFEA0] =	vst v27;
	v8 =	vld.idx.msk [tilespmem:v10+s31+$0x0], $0xffff  }
0x1bc: {  	v10 =	vor.u32 v3, v11;
	v11 =	vld.idx.msk [tilespmem:v13+s31+$0x0], $0xffff;
	[tilespmem:s14+$0x120] =	vst v16  }
0x1bd: {  	v13 =	vld.idx.msk [tilespmem:v5+s31+$0x0], $0xffff;
	[tilespmem:s12+$0xFFFFFEC0] =	vst v14  }
0x1be: {  	v12 =	vor.u32 v3, v12;
	[tilespmem:s16+$0x100] =	vst v28;
	v7 =	vld.idx.msk [tilespmem:v7+s31+$0x0], $0xffff  }
0x1bf: {  	v9 =	vld.idx.msk [tilespmem:v9+s31+$0x0], $0xffff;
	[tilespmem:s11+$0x1E0] =	vst v6  }
0x1c0: {  	[tilespmem:s16+$0xFFFFFF00] =	vst v20;
	v6 =	vor.u32 v3, v15;
	v14 =	vld [tilespmem:s9+$0x70]  }
0x1c1: {  	v15 =	vshll.u32 v50, $0x6;
	v10 =	vld.idx.msk [tilespmem:v10+s31+$0x0], $0xffff;
	[tilespmem:s12+$0x1C0] =	vst v8  }
0x1c2: {  	v8 =	vor.u32 v0, v15;
	[tilespmem:s14+$0xFFFFFF20] =	vst v11;
	v11 =	vld [tilespmem:s13+$0x50]  }
0x1c3: {  	v5 =	vshll.u32 v52, $0x6;
	v12 =	vld.idx.msk [tilespmem:v12+s31+$0x0], $0xffff;
	[tilespmem:s14+$0x1A0] =	vst v13  }
0x1c4: {  	v13 =	vor.u32 v0, v5;
	v16 =	vld [tilespmem:s15+$0x30];
	[tilespmem:s12+$0xFFFFFF40] =	vst v7  }
0x1c5: {  	[tilespmem:s16+$0x180] =	vst v9;
	v6 =	vld.idx.msk [tilespmem:v6+s31+$0x0], $0xffff  }
0x1c6: {  	v7 =	vshll.u32 v14, $0x6;
	v9 =	vld [tilespmem:s17+$0x10]  }
0x1c7: {  	v14 =	vor.u32 v0, v7;
	[tilespmem:s16+$0xFFFFFF80] =	vst v10;
	v8 =	vld.idx.msk [tilespmem:v8+s31+$0x0], $0xffff  }
0x1c8: {  	v30 =	vor.u32 v1, v15;
	v10 =	vshll.u32 v11, $0x6;
	v11 =	vld [tilespmem:s17+$0xFFFFFF90]  }
0x1c9: {  	[tilespmem:s14+$0xFFFFFFA0] =	vst v12;
	v13 =	vld.idx.msk [tilespmem:v13+s31+$0x0], $0xffff;
	v29 =	vor.u32 v0, v10  }
0x1ca: {  	v33 =	vor.u32 v1, v5;
	v12 =	vshll.u32 v16, $0x6;
	v31 =	vld [tilespmem:s15+$0xFFFFFFB0];
	[tilespmem:s12+$0xFFFFFFC0] =	vst v6  }
0x1cb: {  	v32 =	vor.u32 v0, v12;
	v9 =	vshll.u32 v9, $0x6;
	v34 =	vld [tilespmem:s13+$0xFFFFFFD0]  }
0x1cc: {  	v6 =	vld.idx.msk [tilespmem:v14+s31+$0x0], $0xffff;
	v14 =	vor.u32 v0, v9;
	[tilespmem:s11+$0xFFFFFE60] =	vst v8  }
0x1cd: {  	v8 =	vor.u32 v1, v7;
	v11 =	vshll.u32 v11, $0x6;
	v18 =	vld.idx.msk [tilespmem:v30+s31+$0x0], $0xffff  }
0x1ce: {  	[tilespmem:s10+$0xFFFFFE70] =	vst v13;
	v17 =	vld.idx.msk [tilespmem:v29+s31+$0x0], $0xffff;
	v35 =	vor.u32 v0, v11  }
0x1cf: {  	v36 =	vor.u32 v1, v10;
	v16 =	vshll.u32 v31, $0x6;
	v20 =	vld.idx.msk [tilespmem:v33+s31+$0x0], $0xffff  }
0x1d0: {  	v19 =	vld.idx.msk [tilespmem:v32+s31+$0x0], $0xffff;
	v13 =	vor.u32 v0, v16  }
0x1d1: {  	v37 =	vor.u32 v1, v12;
	v21 =	vshll.u32 v34, $0x6;
	v14 =	vld.idx.msk [tilespmem:v14+s31+$0x0], $0xffff;
	[tilespmem:s11+$0x70] =	vst v6  }
0x1d2: {  	v6 =	vor.u32 v0, v21;
	v8 =	vld.idx.msk [tilespmem:v8+s31+$0x0], $0xffff  }
0x1d3: {  	v38 =	vor.u32 v1, v9;
	v22 =	vld.idx.msk [tilespmem:v35+s31+$0x0], $0xffff;
	[tilespmem:s12+$0x50] =	vst v17  }
0x1d4: {  	v39 =	vor.u32 v2, v7;
	v17 =	vld.idx.msk [tilespmem:v36+s31+$0x0], $0xffff  }
0x1d5: {  	v26 =	vor.u32 v1, v11;
	v13 =	vld.idx.msk [tilespmem:v13+s31+$0x0], $0xffff;
	[tilespmem:s14+$0x30] =	vst v19  }
0x1d6: {  	v40 =	vor.u32 v2, v10;
	v19 =	vld.idx.msk [tilespmem:v37+s31+$0x0], $0xffff  }
0x1d7: {  	v27 =	vor.u32 v1, v16;
	[tilespmem:s16+$0x10] =	vst v14;
	v6 =	vld.idx.msk [tilespmem:v6+s31+$0x0], $0xffff  }
0x1d8: {  	v41 =	vor.u32 v2, v12;
	v14 =	vld.idx.msk [tilespmem:v38+s31+$0x0], $0xffff;
	[tilespmem:s11+$0xF0] =	vst v8  }
0x1d9: {  	v8 =	vor.u32 v1, v21;
	[tilespmem:s16+$0xFFFFFE10] =	vst v22;
	v42 =	vld.idx.msk [tilespmem:v39+s31+$0x0], $0xffff  }
0x1da: {  	v44 =	vor.u32 v2, v9;
	v43 =	vld.idx.msk [tilespmem:v26+s31+$0x0], $0xffff;
	[tilespmem:s12+$0xD0] =	vst v17  }
0x1db: {  	v7 =	vor.u32 v3, v7;
	[tilespmem:s14+$0xFFFFFE30] =	vst v13;
	v13 =	vld.idx.msk [tilespmem:v40+s31+$0x0], $0xffff  }
0x1dc: {  	v45 =	vor.u32 v2, v11;
	v46 =	vld.idx.msk [tilespmem:v27+s31+$0x0], $0xffff;
	[tilespmem:s14+$0xB0] =	vst v19  }
0x1dd: {  	v10 =	vor.u32 v3, v10;
	v19 =	vld.idx.msk [tilespmem:v41+s31+$0x0], $0xffff;
	[tilespmem:s12+$0xFFFFFE50] =	vst v6  }
0x1de: {  	v47 =	vor.u32 v2, v16;
	[tilespmem:s16+$0x90] =	vst v14;
	v8 =	vld.idx.msk [tilespmem:v8+s31+$0x0], $0xffff  }
0x1df: {  	v12 =	vor.u32 v3, v12;
	v14 =	vld.idx.msk [tilespmem:v44+s31+$0x0], $0xffff;
	[tilespmem:s11+$0x170] =	vst v42  }
0x1e0: {  	v48 =	vor.u32 v2, v21;
	[tilespmem:s16+$0xFFFFFE90] =	vst v43;
	v6 =	vld.idx.msk [tilespmem:v7+s31+$0x0], $0xffff  }
0x1e1: {  	v9 =	vor.u32 v3, v9;
	v7 =	vld.idx.msk [tilespmem:v45+s31+$0x0], $0xffff;
	[tilespmem:s12+$0x150] =	vst v13  }
0x1e2: {  	v13 =	vor.u32 v2, v15;
	[tilespmem:s14+$0xFFFFFEB0] =	vst v46;
	v10 =	vld.idx.msk [tilespmem:v10+s31+$0x0], $0xffff  }
0x1e3: {  	v11 =	vor.u32 v3, v11;
	v49 =	vld.idx.msk [tilespmem:v47+s31+$0x0], $0xffff;
	[tilespmem:s14+$0x130] =	vst v19  }
0x1e4: {  	v12 =	vld.idx.msk [tilespmem:v12+s31+$0x0], $0xffff;
	[tilespmem:s12+$0xFFFFFED0] =	vst v8  }
0x1e5: {  	v8 =	vor.u32 v3, v16;
	[tilespmem:s16+$0x110] =	vst v14;
	v14 =	vld.idx.msk [tilespmem:v48+s31+$0x0], $0xffff  }
0x1e6: {  	[tilespmem:s11+$0xFFFFFEE0] =	vst v18;
	v9 =	vld.idx.msk [tilespmem:v9+s31+$0x0], $0xffff  }
0x1e7: {  	v50 =	vor.u32 v3, v21;
	[tilespmem:s16+$0xFFFFFF10] =	vst v7;
	v7 =	vld.idx.msk [tilespmem:v13+s31+$0x0], $0xffff  }
0x1e8: {  	v11 =	vld.idx.msk [tilespmem:v11+s31+$0x0], $0xffff;
	[tilespmem:s12+$0x1D0] =	vst v10  }
0x1e9: {  	v13 =	vor.u32 v3, v15;
	[tilespmem:s14+$0xFFFFFF30] =	vst v49;
	v10 =	vld [tilespmem:s13+$0x60]  }
0x1ea: {  	v8 =	vld.idx.msk [tilespmem:v8+s31+$0x0], $0xffff;
	[tilespmem:s14+$0x1B0] =	vst v12  }
0x1eb: {  	v12 =	vld [tilespmem:s15+$0x40];
	[tilespmem:s12+$0xFFFFFF50] =	vst v14  }
0x1ec: {  	[tilespmem:s16+$0x190] =	vst v9;
	v9 =	vld.idx.msk [tilespmem:v50+s31+$0x0], $0xffff  }
0x1ed: {  	v14 =	vld [tilespmem:s17+$0x20];
	[tilespmem:s11+$0xFFFFFF60] =	vst v7  }
0x1ee: {  	s7 =	simm.s32 $0x900;
	v52 =	vor.u32 v2, v5;
	v13 =	vld.idx.msk [tilespmem:v13+s31+$0x0], $0xffff  }
0x1ef: {  	[tilespmem:s16+$0xFFFFFF90] =	vst v11;
	v11 =	vld [tilespmem:s7+$0xFFFFFF80]  }
0x1f0: {  	v7 =	vshll.u32 v10, $0x6;
	v10 =	vld [tilespmem:s7+$0x0]  }
0x1f1: {  	[tilespmem:s14+$0xFFFFFFB0] =	vst v8;
	v8 =	vld [tilespmem:s17+$0xFFFFFFA0];
	v15 =	vor.u32 v0, v7  }
0x1f2: {  	[tilespmem:s10+$0xFFFFFEF0] =	vst v20;
	v12 =	vshll.u32 v12, $0x6  }
0x1f3: {  	v17 =	vld.idx.msk [tilespmem:v52+s31+$0x0], $0xffff;
	v51 =	vor.u32 v0, v12;
	v14 =	vshll.u32 v14, $0x6  }
0x1f4: {  	v53 =	vld [tilespmem:s15+$0xFFFFFFC0];
	[tilespmem:s12+$0xFFFFFFD0] =	vst v9;
	v9 =	vor.u32 v0, v14;
	v11 =	vshll.u32 v11, $0x6  }
0x1f5: {  	v54 =	vld [tilespmem:s13+$0xFFFFFFE0];
	v10 =	vshll.u32 v10, $0x6;
	v57 =	vor.u32 v0, v11  }
0x1f6: {  	[tilespmem:s11+$0xFFFFFFE0] =	vst v13;
	v8 =	vshll.u32 v8, $0x6;
	v15 =	vld.idx.msk [tilespmem:v15+s31+$0x0], $0xffff;
	v13 =	vor.u32 v0, v10  }
0x1f7: {  	v55 =	vld [tilespmem:s9+$0xFFFFFFF0];
	v59 =	vor.u32 v0, v8  }
0x1f8: {  	v56 =	vor.u32 v1, v7;
	v16 =	vld.idx.msk [tilespmem:v51+s31+$0x0], $0xffff  }
0x1f9: {  	v58 =	vor.u32 v1, v12;
	v9 =	vld.idx.msk [tilespmem:v9+s31+$0x0], $0xffff  }
0x1fa: {  	v60 =	vor.u32 v1, v14;
	v18 =	vshll.u32 v53, $0x6;
	v20 =	vld.idx.msk [tilespmem:v57+s31+$0x0], $0xffff  }
0x1fb: {  	v13 =	vld.idx.msk [tilespmem:v13+s31+$0x0], $0xffff;
	[tilespmem:s12+$0x60] =	vst v15;
	v15 =	vor.u32 v0, v18  }
0x1fc: {  	v63 =	vor.u32 v1, v11;
	v24 =	vld.idx.msk [tilespmem:v59+s31+$0x0], $0xffff  }
0x1fd: {  	v61 =	vor.u32 v1, v10;
	v22 =	vld.idx.msk [tilespmem:v56+s31+$0x0], $0xffff;
	[tilespmem:s14+$0x40] =	vst v16  }
0x1fe: {  	s23 =	simm.s32 $0x4180;
	v28 =	vor.u32 v1, v8;
	v16 =	vld.idx.msk [tilespmem:v58+s31+$0x0], $0xffff;
	[tilespmem:s16+$0x20] =	vst v9  }
0x1ff: {  	v62 =	vor.u32 v2, v7;
	v9 =	vld.idx.msk [tilespmem:v60+s31+$0x0], $0xffff;
	[tilespmem:s23+$0xFFFFFE00] =	vst v20  }
0x200: {  	v32 =	vor.u32 v2, v12;
	[tilespmem:s23+$0x0] =	vst v13;
	v13 =	vld.idx.msk [tilespmem:v15+s31+$0x0], $0xffff  }
0x201: {  	v33 =	vor.u32 v2, v14;
	v36 =	vld.idx.msk [tilespmem:v63+s31+$0x0], $0xffff;
	[tilespmem:s16+$0xFFFFFE20] =	vst v24  }
0x202: {  	v34 =	vor.u32 v1, v18;
	v15 =	vld.idx.msk [tilespmem:v61+s31+$0x0], $0xffff;
	[tilespmem:s12+$0xE0] =	vst v22  }
0x203: {  	v38 =	vor.u32 v2, v11;
	v39 =	vld.idx.msk [tilespmem:v28+s31+$0x0], $0xffff;
	[tilespmem:s14+$0xC0] =	vst v16  }
0x204: {  	v37 =	vor.u32 v2, v10;
	v35 =	vld.idx.msk [tilespmem:v62+s31+$0x0], $0xffff;
	[tilespmem:s16+$0xA0] =	vst v9  }
0x205: {  	v7 =	vor.u32 v3, v7;
	v16 =	vld.idx.msk [tilespmem:v32+s31+$0x0], $0xffff;
	[tilespmem:s14+$0xFFFFFE40] =	vst v13  }
0x206: {  	v12 =	vor.u32 v3, v12;
	v9 =	vld.idx.msk [tilespmem:v33+s31+$0x0], $0xffff;
	[tilespmem:s23+$0xFFFFFE80] =	vst v36  }
0x207: {  	v13 =	vor.u32 v2, v8;
	[tilespmem:s23+$0x80] =	vst v15;
	v15 =	vld.idx.msk [tilespmem:v34+s31+$0x0], $0xffff  }
0x208: {  	v14 =	vor.u32 v3, v14;
	v23 =	vld.idx.msk [tilespmem:v38+s31+$0x0], $0xffff  }
0x209: {  	v41 =	vor.u32 v2, v18;
	v40 =	vld.idx.msk [tilespmem:v37+s31+$0x0], $0xffff;
	[tilespmem:s12+$0x160] =	vst v35  }
0x20a: {  	v11 =	vor.u32 v3, v11;
	v7 =	vld.idx.msk [tilespmem:v7+s31+$0x0], $0xffff;
	[tilespmem:s14+$0x140] =	vst v16  }
0x20b: {  	v10 =	vor.u32 v3, v10;
	[tilespmem:s16+$0xFFFFFEA0] =	vst v39;
	v12 =	vld.idx.msk [tilespmem:v12+s31+$0x0], $0xffff  }
0x20c: {  	v13 =	vld.idx.msk [tilespmem:v13+s31+$0x0], $0xffff;
	[tilespmem:s16+$0x120] =	vst v9  }
0x20d: {  	v9 =	vld.idx.msk [tilespmem:v14+s31+$0x0], $0xffff;
	[tilespmem:s14+$0xFFFFFEC0] =	vst v15  }
0x20e: {  	v8 =	vor.u32 v3, v8;
	[tilespmem:s23+$0xFFFFFF00] =	vst v23;
	v14 =	vld.idx.msk [tilespmem:v41+s31+$0x0], $0xffff  }
0x20f: {  	[tilespmem:s23+$0x100] =	vst v40;
	v11 =	vld.idx.msk [tilespmem:v11+s31+$0x0], $0xffff  }
0x210: {  	v15 =	vor.u32 v3, v18;
	v10 =	vld.idx.msk [tilespmem:v10+s31+$0x0], $0xffff;
	[tilespmem:s12+$0x1E0] =	vst v7  }
0x211: {  	v43 =	vshll.u32 v54, $0x6;
	v42 =	vld [tilespmem:s13+$0x70];
	[tilespmem:s14+$0x1C0] =	vst v12  }
0x212: {  	v12 =	vor.u32 v0, v43;
	[tilespmem:s16+$0xFFFFFF20] =	vst v13;
	v13 =	vld [tilespmem:s15+$0x50]  }
0x213: {  	v7 =	vshll.u32 v55, $0x6;
	v8 =	vld.idx.msk [tilespmem:v8+s31+$0x0], $0xffff;
	[tilespmem:s16+$0x1A0] =	vst v9  }
0x214: {  	v9 =	vor.u32 v0, v7;
	v44 =	vld [tilespmem:s17+$0x30];
	[tilespmem:s14+$0xFFFFFF40] =	vst v14  }
0x215: {  	[tilespmem:s23+$0x180] =	vst v10;
	v10 =	vld.idx.msk [tilespmem:v15+s31+$0x0], $0xffff  }
0x216: {  	v14 =	vshll.u32 v42, $0x6;
	v15 =	vld [tilespmem:s7+$0x10]  }
0x217: {  	[tilespmem:s23+$0xFFFFFF80] =	vst v11;
	v12 =	vld.idx.msk [tilespmem:v12+s31+$0x0], $0xffff;
	v16 =	vor.u32 v0, v14  }
0x218: {  	v46 =	vor.u32 v1, v43;
	v11 =	vshll.u32 v13, $0x6;
	v13 =	vld [tilespmem:s7+$0xFFFFFF90]  }
0x219: {  	v45 =	vor.u32 v0, v11;
	[tilespmem:s16+$0xFFFFFFA0] =	vst v8;
	v9 =	vld.idx.msk [tilespmem:v9+s31+$0x0], $0xffff  }
0x21a: {  	v49 =	vor.u32 v1, v7;
	v8 =	vshll.u32 v44, $0x6;
	v47 =	vld [tilespmem:s17+$0xFFFFFFB0];
	[tilespmem:s14+$0xFFFFFFC0] =	vst v10  }
0x21b: {  	v48 =	vor.u32 v0, v8;
	v15 =	vshll.u32 v15, $0x6;
	v51 =	vld [tilespmem:s15+$0xFFFFFFD0]  }
0x21c: {  	[tilespmem:s12+$0xFFFFFE60] =	vst v12;
	v10 =	vld.idx.msk [tilespmem:v16+s31+$0x0], $0xffff;
	v50 =	vor.u32 v0, v15  }
0x21d: {  	[tilespmem:s10+$0x1F0] =	vst v4;
	v12 =	vor.u32 v1, v14;
	v13 =	vshll.u32 v13, $0x6;
	v21 =	vld.idx.msk [tilespmem:v46+s31+$0x0], $0xffff  }
0x21e: {  	v20 =	vld.idx.msk [tilespmem:v45+s31+$0x0], $0xffff;
	v4 =	vor.u32 v0, v13;
	[tilespmem:s11+$0xFFFFFE70] =	vst v9  }
0x21f: {  	v52 =	vor.u32 v1, v11;
	v19 =	vshll.u32 v47, $0x6;
	v9 =	vld.idx.msk [tilespmem:v49+s31+$0x0], $0xffff  }
0x220: {  	[tilespmem:s11+$0x1F0] =	vst v6;
	v22 =	vld.idx.msk [tilespmem:v48+s31+$0x0], $0xffff;
	v6 =	vor.u32 v0, v19  }
0x221: {  	v53 =	vor.u32 v1, v8;
	v24 =	vshll.u32 v51, $0x6;
	v16 =	vld.idx.msk [tilespmem:v50+s31+$0x0], $0xffff;
	[tilespmem:s12+$0x70] =	vst v10  }
0x222: {  	[tilespmem:s10+$0xFFFFFF70] =	vst v17;
	v10 =	vor.u32 v0, v24;
	v12 =	vld.idx.msk [tilespmem:v12+s31+$0x0], $0xffff  }
0x223: {  	v54 =	vor.u32 v1, v15;
	v4 =	vld.idx.msk [tilespmem:v4+s31+$0x0], $0xffff;
	[tilespmem:s14+$0x50] =	vst v20  }
0x224: {  	v55 =	vor.u32 v2, v14;
	[tilespmem:s12+$0xFFFFFEE0] =	vst v21;
	v20 =	vld.idx.msk [tilespmem:v52+s31+$0x0], $0xffff  }
0x225: {  	v56 =	vor.u32 v1, v13;
	v6 =	vld.idx.msk [tilespmem:v6+s31+$0x0], $0xffff;
	[tilespmem:s16+$0x30] =	vst v22  }
0x226: {  	v57 =	vor.u32 v2, v11;
	[tilespmem:s11+$0xFFFFFEF0] =	vst v9;
	v22 =	vld.idx.msk [tilespmem:v53+s31+$0x0], $0xffff  }
0x227: {  	v9 =	vor.u32 v1, v19;
	[tilespmem:s23+$0x10] =	vst v16;
	v10 =	vld.idx.msk [tilespmem:v10+s31+$0x0], $0xffff  }
0x228: {  	v58 =	vor.u32 v2, v8;
	v16 =	vld.idx.msk [tilespmem:v54+s31+$0x0], $0xffff;
	[tilespmem:s12+$0xF0] =	vst v12  }
0x229: {  	v12 =	vor.u32 v1, v24;
	[tilespmem:s23+$0xFFFFFE10] =	vst v4;
	v4 =	vld.idx.msk [tilespmem:v55+s31+$0x0], $0xffff  }
0x22a: {  	v60 =	vor.u32 v2, v15;
	v59 =	vld.idx.msk [tilespmem:v56+s31+$0x0], $0xffff;
	[tilespmem:s14+$0xD0] =	vst v20  }
0x22b: {  	v14 =	vor.u32 v3, v14;
	[tilespmem:s16+$0xFFFFFE30] =	vst v6;
	v6 =	vld.idx.msk [tilespmem:v57+s31+$0x0], $0xffff  }
0x22c: {  	v61 =	vor.u32 v2, v13;
	v9 =	vld.idx.msk [tilespmem:v9+s31+$0x0], $0xffff;
	[tilespmem:s16+$0xB0] =	vst v22  }
0x22d: {  	v17 =	vld.idx.msk [tilespmem:v58+s31+$0x0], $0xffff;
	[tilespmem:s14+$0xFFFFFE50] =	vst v10;
	v10 =	vor.u32 v3, v11  }
0x22e: {  	v11 =	vor.u32 v2, v19;
	[tilespmem:s23+$0x90] =	vst v16;
	v12 =	vld.idx.msk [tilespmem:v12+s31+$0x0], $0xffff  }
0x22f: {  	v8 =	vor.u32 v3, v8;
	v16 =	vld.idx.msk [tilespmem:v60+s31+$0x0], $0xffff;
	[tilespmem:s12+$0x170] =	vst v4  }
0x230: {  	v4 =	vor.u32 v2, v24;
	[tilespmem:s23+$0xFFFFFE90] =	vst v59;
	v14 =	vld.idx.msk [tilespmem:v14+s31+$0x0], $0xffff  }
0x231: {  	v15 =	vor.u32 v3, v15;
	v20 =	vld.idx.msk [tilespmem:v61+s31+$0x0], $0xffff;
	[tilespmem:s14+$0x150] =	vst v6  }
0x232: {  	v6 =	vor.u32 v2, v43;
	[tilespmem:s16+$0xFFFFFEB0] =	vst v9;
	v9 =	vld.idx.msk [tilespmem:v10+s31+$0x0], $0xffff  }
0x233: {  	v10 =	vor.u32 v3, v13;
	v11 =	vld.idx.msk [tilespmem:v11+s31+$0x0], $0xffff;
	[tilespmem:s16+$0x130] =	vst v17  }
0x234: {  	v8 =	vld.idx.msk [tilespmem:v8+s31+$0x0], $0xffff;
	[tilespmem:s14+$0xFFFFFED0] =	vst v12  }
0x235: {  	v12 =	vor.u32 v3, v19;
	[tilespmem:s23+$0x110] =	vst v16;
	v4 =	vld.idx.msk [tilespmem:v4+s31+$0x0], $0xffff  }
0x236: {  	v13 =	vld.idx.msk [tilespmem:v15+s31+$0x0], $0xffff;
	[tilespmem:s12+$0x1F0] =	vst v14  }
0x237: {  	s25 =	smul.u32 $0x19A, s8;
	v14 =	vor.u32 v3, v24;
	[tilespmem:s23+$0xFFFFFF10] =	vst v20;
	v6 =	vld.idx.msk [tilespmem:v6+s31+$0x0], $0xffff  }
0x238: {  	v15 =	vld.idx.msk [tilespmem:v10+s31+$0x0], $0xffff;
	[tilespmem:s14+$0x1D0] =	vst v9  }
0x239: {  	s9 =	sshrl.u32 s25, $0xA;
	v62 =	vor.u32 v3, v43;
	[tilespmem:s16+$0xFFFFFF30] =	vst v11;
	v63 =	vld [tilespmem:s15+$0x60]  }
0x23a: {  	s18 =	sand.u32 $0x3F, s9;
	v10 =	vld.idx.msk [tilespmem:v12+s31+$0x0], $0xffff;
	[tilespmem:s16+$0x1B0] =	vst v8  }
0x23b: {  	s21 =	smul.u32 $0x5, s18;
	v11 =	vld [tilespmem:s17+$0x40];
	[tilespmem:s14+$0xFFFFFF50] =	vst v4  }
0x23c: {  	s9 =	sshll.u32 s8, $0x1;
	[tilespmem:s23+$0x190] =	vst v13;
	v9 =	vld.idx.msk [tilespmem:v14+s31+$0x0], $0xffff  }
0x23d: {  	s22 =	simm.s32 $0x4180;
	s24 =	simm.s32 $0xA;
	v5 =	vor.u32 v3, v5;
	s21 =	ssub.s32 s9, s21;
	[tilespmem:s12+$0xFFFFFF60] =	vst v6;
	v12 =	vld [tilespmem:s7+$0x20]  }
0x23e: {  	s25 =	simm.s32 $0xA00;
	s18 =	sadd.s32 s18, s5;
	s21 =	sand.u32 $0xFF, s21;
	v4 =	vor.u32 v3, v7;
	v6 =	vor.u32 v2, v7;
	v8 =	vld.idx.msk [tilespmem:v62+s31+$0x0], $0xffff;
	[tilespmem:s23+$0xFFFFFF90] =	vst v15;
	v7 =	vshll.u32 v63, $0x6  }
.LBB2_3:
0x23f: {  	v13 =	vld [tilespmem:s25+$0x0];
	s24 =	sadd.s32 $0x2, s24;
	v14 =	vor.u32 v0, v7  }
0x240: {  	v15 =	vld [tilespmem:s25+$0xFFFFFF80];
	p0 =	slt.u32 s24, $0x26;
	[tilespmem:s16+$0xFFFFFFB0] =	vst v10;
	v11 =	vshll.u32 v11, $0x6  }
0x241: {  	v10 =	vld [tilespmem:s7+$0xFFFFFFA0];
	v16 =	vor.u32 v0, v11  }
0x242: {  	v12 =	vshll.u32 v12, $0x6;
	v17 =	vld [tilespmem:s17+$0xFFFFFFC0];
	[tilespmem:s14+$0xFFFFFFD0] =	vst v9  }
0x243: {  	v9 =	vor.u32 v0, v12;
	v18 =	vld [tilespmem:s15+$0xFFFFFFE0]  }
0x244: {  	v13 =	vshll.u32 v13, $0x6;
	v14 =	vld.idx.msk [tilespmem:v14+s31+$0x0], $0xffff;
	[tilespmem:s12+$0xFFFFFFE0] =	vst v8  }
0x245: {  	v8 =	vshll.u32 v15, $0x6;
	v15 =	vor.u32 v0, v13;
	v19 =	vld [tilespmem:s13+$0xFFFFFFF0];
	s13 =	smov.u32 s15;
	s15 =	smov.u32 s17;
	s17 =	smov.u32 s7  }
0x246: {  	v22 =	vor.u32 v1, v7;
	s7 =	smov.u32 s25;
	v20 =	vor.u32 v0, v8;
	v21 =	vor.u32 v1, v8;
	v16 =	vld.idx.msk [tilespmem:v16+s31+$0x0], $0xffff  }
0x247: {  	v23 =	vor.u32 v2, v8;
	v24 =	vor.u32 v3, v8;
	v8 =	vshll.u32 v10, $0x6;
	v25 =	vld.idx.msk [tilespmem:v6+s31+$0x0], $0xffff  }
0x248: {  	v6 =	vor.u32 v0, v8;
	v26 =	vor.u32 v1, v8;
	v27 =	vld.idx.msk [tilespmem:v9+s31+$0x0], $0xffff;
	v9 =	vor.u32 v1, v11  }
0x249: {  	v28 =	vor.u32 v2, v8;
	v29 =	vor.u32 v3, v8;
	v8 =	vshll.u32 v17, $0x6;
	v17 =	vld.idx.msk [tilespmem:v5+s31+$0x0], $0xffff;
	v5 =	vmovc v4  }
0x24a: {  	v30 =	vor.u32 v0, v8;
	v18 =	vshll.u32 v18, $0x6;
	v4 =	vld.idx.msk [tilespmem:v15+s31+$0x0], $0xffff;
	v15 =	vor.u32 v1, v12;
	[tilespmem:s14+$0x60] =	vst v14  }
0x24b: {  	v31 =	vor.u32 v2, v8;
	v32 =	vor.u32 v3, v8;
	v14 =	vor.u32 v1, v8;
	v22 =	vld.idx.msk [tilespmem:v22+s31+$0x0], $0xffff  }
0x24c: {  	v33 =	vor.u32 v1, v13;
	v19 =	vshll.u32 v19, $0x6;
	v20 =	vld.idx.msk [tilespmem:v20+s31+$0x0], $0xffff;
	[tilespmem:s16+$0x40] =	vst v16;
	v16 =	vor.u32 v0, v18  }
0x24d: {  	v35 =	vor.u32 v2, v7;
	v10 =	vor.u32 v1, v18;
	v34 =	vld.idx.msk [tilespmem:v9+s31+$0x0], $0xffff;
	v9 =	vor.u32 v2, v18  }
0x24e: {  	v8 =	vor.u32 v3, v18;
	v18 =	vor.u32 v0, v19;
	v36 =	vld.idx.msk [tilespmem:v6+s31+$0x0], $0xffff;
	[tilespmem:s23+$0x20] =	vst v27  }
0x24f: {  	v37 =	vor.u32 v1, v19;
	s23 =	sadd.s32 $0x400, s23;
	v27 =	vor.u32 v2, v11;
	v6 =	vor.u32 v2, v19;
	v15 =	vld.idx.msk [tilespmem:v15+s31+$0x0], $0xffff  }
0x250: {  	[tilespmem:s23+$0x0] =	vst v4;
	v30 =	vld.idx.msk [tilespmem:v30+s31+$0x0], $0xffff;
	v4 =	vor.u32 v3, v19  }
0x251: {  	v19 =	vld.idx.msk [tilespmem:v33+s31+$0x0], $0xffff;
	v33 =	vor.u32 v2, v12;
	[tilespmem:s14+$0xE0] =	vst v22  }
0x252: {  	[tilespmem:s23+$0xFFFFFE00] =	vst v20;
	v20 =	vld.idx.msk [tilespmem:v35+s31+$0x0], $0xffff  }
0x253: {  	v22 =	vor.u32 v2, v13;
	v21 =	vld.idx.msk [tilespmem:v21+s31+$0x0], $0xffff;
	[tilespmem:s16+$0xC0] =	vst v34  }
0x254: {  	v7 =	vor.u32 v3, v7;
	[tilespmem:s22+$0xFFFFFE20] =	vst v36;
	v27 =	vld.idx.msk [tilespmem:v27+s31+$0x0], $0xffff  }
0x255: {  	v26 =	vld.idx.msk [tilespmem:v26+s31+$0x0], $0xffff;
	[tilespmem:s22+$0xA0] =	vst v15  }
0x256: {  	v11 =	vor.u32 v3, v11;
	v15 =	vld.idx.msk [tilespmem:v33+s31+$0x0], $0xffff;
	[tilespmem:s16+$0xFFFFFE40] =	vst v30  }
0x257: {  	[tilespmem:s23+$0x80] =	vst v19;
	v14 =	vld.idx.msk [tilespmem:v14+s31+$0x0], $0xffff  }
0x258: {  	v12 =	vor.u32 v3, v12;
	v19 =	vld.idx.msk [tilespmem:v22+s31+$0x0], $0xffff;
	[tilespmem:s14+$0x160] =	vst v20  }
0x259: {  	[tilespmem:s23+$0xFFFFFE80] =	vst v21;
	v7 =	vld.idx.msk [tilespmem:v7+s31+$0x0], $0xffff  }
0x25a: {  	v13 =	vor.u32 v3, v13;
	v20 =	vld.idx.msk [tilespmem:v23+s31+$0x0], $0xffff;
	[tilespmem:s16+$0x140] =	vst v27  }
0x25b: {  	[tilespmem:s22+$0xFFFFFEA0] =	vst v26;
	v11 =	vld.idx.msk [tilespmem:v11+s31+$0x0], $0xffff  }
0x25c: {  	v21 =	vld.idx.msk [tilespmem:v28+s31+$0x0], $0xffff;
	[tilespmem:s22+$0x120] =	vst v15  }
0x25d: {  	v12 =	vld.idx.msk [tilespmem:v12+s31+$0x0], $0xffff;
	[tilespmem:s16+$0xFFFFFEC0] =	vst v14  }
0x25e: {  	[tilespmem:s23+$0x100] =	vst v19;
	v14 =	vld.idx.msk [tilespmem:v31+s31+$0x0], $0xffff  }
0x25f: {  	v13 =	vld.idx.msk [tilespmem:v13+s31+$0x0], $0xffff;
	[tilespmem:s14+$0x1E0] =	vst v7  }
0x260: {  	[tilespmem:s23+$0xFFFFFF00] =	vst v20;
	v7 =	vld [tilespmem:s13+$0x70]  }
0x261: {  	v15 =	vld.idx.msk [tilespmem:v24+s31+$0x0], $0xffff;
	[tilespmem:s16+$0x1C0] =	vst v11  }
0x262: {  	[tilespmem:s22+$0xFFFFFF20] =	vst v21;
	v11 =	vld [tilespmem:s15+$0x50]  }
0x263: {  	v19 =	vld.idx.msk [tilespmem:v29+s31+$0x0], $0xffff;
	[tilespmem:s22+$0x1A0] =	vst v12  }
0x264: {  	v12 =	vld [tilespmem:s17+$0x30];
	[tilespmem:s16+$0xFFFFFF40] =	vst v14  }
0x265: {  	[tilespmem:s23+$0x180] =	vst v13;
	v13 =	vld.idx.msk [tilespmem:v32+s31+$0x0], $0xffff;
	v7 =	vshll.u32 v7, $0x6  }
0x266: {  	v14 =	vld [tilespmem:s25+$0x10];
	v20 =	vor.u32 v0, v7;
	[tilespmem:s11+$0xFFFFFF70] =	vst v25  }
0x267: {  	[tilespmem:s23+$0xFFFFFF80] =	vst v15;
	v11 =	vshll.u32 v11, $0x6;
	v15 =	vld.idx.msk [tilespmem:v16+s31+$0x0], $0xffff  }
0x268: {  	v16 =	vld [tilespmem:s25+$0xFFFFFF90];
	v21 =	vor.u32 v0, v11;
	[tilespmem:s10+$0xFFFFFFF0] =	vst v17;
	s10 =	smov.u32 s11;
	s11 =	smov.u32 s12;
	s12 =	smov.u32 s14  }
0x269: {  	s14 =	smov.u32 s16;
	s16 =	smov.u32 s22;
	[tilespmem:s22+$0xFFFFFFA0] =	vst v19;
	v12 =	vshll.u32 v12, $0x6;
	v17 =	vld.idx.msk [tilespmem:v18+s31+$0x0], $0xffff;
	s22 =	smov.u32 s23  }
0x26a: {  	v18 =	vld [tilespmem:s17+$0xFFFFFFB0];
	v19 =	vor.u32 v0, v12  }
0x26b: {  	v14 =	vshll.u32 v14, $0x6;
	[tilespmem:s14+$0xFFFFFFC0] =	vst v13;
	v13 =	vld.idx.msk [tilespmem:v20+s31+$0x0], $0xffff  }
0x26c: {  	v20 =	vor.u32 v0, v14;
	v22 =	vld [tilespmem:s15+$0xFFFFFFD0]  }
0x26d: {  	v16 =	vshll.u32 v16, $0x6;
	v21 =	vld.idx.msk [tilespmem:v21+s31+$0x0], $0xffff;
	[tilespmem:s12+$0xFFFFFE60] =	vst v15;
	v15 =	vor.u32 v1, v7  }
0x26e: {  	v23 =	vor.u32 v0, v16;
	v24 =	vor.u32 v1, v16;
	v25 =	vor.u32 v2, v16;
	v10 =	vld.idx.msk [tilespmem:v10+s31+$0x0], $0xffff  }
0x26f: {  	v26 =	vor.u32 v1, v11;
	v16 =	vor.u32 v3, v16;
	v18 =	vshll.u32 v18, $0x6;
	v19 =	vld.idx.msk [tilespmem:v19+s31+$0x0], $0xffff;
	[tilespmem:s11+$0xFFFFFE70] =	vst v17  }
0x270: {  	v17 =	vor.u32 v0, v18;
	v27 =	vor.u32 v1, v18;
	v28 =	vor.u32 v2, v18;
	v29 =	vld.idx.msk [tilespmem:v37+s31+$0x0], $0xffff  }
0x271: {  	v30 =	vor.u32 v1, v12;
	v18 =	vor.u32 v3, v18;
	v20 =	vld.idx.msk [tilespmem:v20+s31+$0x0], $0xffff;
	v22 =	vshll.u32 v22, $0x6;
	[tilespmem:s12+$0x70] =	vst v13  }
0x272: {  	v13 =	vor.u32 v0, v22;
	v31 =	vor.u32 v1, v22;
	v32 =	vor.u32 v2, v22;
	v15 =	vld.idx.msk [tilespmem:v15+s31+$0x0], $0xffff  }
0x273: {  	v33 =	vor.u32 v1, v14;
	v22 =	vor.u32 v3, v22;
	v23 =	vld.idx.msk [tilespmem:v23+s31+$0x0], $0xffff;
	[tilespmem:s14+$0x50] =	vst v21  }
0x274: {  	v21 =	vld.idx.msk [tilespmem:v26+s31+$0x0], $0xffff;
	[tilespmem:s12+$0xFFFFFEE0] =	vst v10;
	v10 =	vor.u32 v2, v7  }
0x275: {  	v17 =	vld.idx.msk [tilespmem:v17+s31+$0x0], $0xffff;
	[tilespmem:s16+$0x30] =	vst v19  }
0x276: {  	v26 =	vor.u32 v2, v11;
	v19 =	vld.idx.msk [tilespmem:v30+s31+$0x0], $0xffff;
	[tilespmem:s11+$0xFFFFFEF0] =	vst v29  }
0x277: {  	[tilespmem:s23+$0x10] =	vst v20;
	v13 =	vld.idx.msk [tilespmem:v13+s31+$0x0], $0xffff  }
0x278: {  	v29 =	vor.u32 v2, v12;
	v20 =	vld.idx.msk [tilespmem:v33+s31+$0x0], $0xffff;
	[tilespmem:s12+$0xF0] =	vst v15  }
0x279: {  	[tilespmem:s23+$0xFFFFFE10] =	vst v23;
	v10 =	vld.idx.msk [tilespmem:v10+s31+$0x0], $0xffff  }
0x27a: {  	v23 =	vor.u32 v2, v14;
	v15 =	vld.idx.msk [tilespmem:v24+s31+$0x0], $0xffff;
	[tilespmem:s14+$0xD0] =	vst v21  }
0x27b: {  	v7 =	vor.u32 v3, v7;
	[tilespmem:s16+$0xFFFFFE30] =	vst v17;
	v17 =	vld.idx.msk [tilespmem:v26+s31+$0x0], $0xffff  }
0x27c: {  	v21 =	vld.idx.msk [tilespmem:v27+s31+$0x0], $0xffff;
	[tilespmem:s16+$0xB0] =	vst v19  }
0x27d: {  	v11 =	vor.u32 v3, v11;
	v19 =	vld.idx.msk [tilespmem:v29+s31+$0x0], $0xffff;
	[tilespmem:s14+$0xFFFFFE50] =	vst v13  }
0x27e: {  	[tilespmem:s23+$0x90] =	vst v20;
	v13 =	vld.idx.msk [tilespmem:v31+s31+$0x0], $0xffff  }
0x27f: {  	v12 =	vor.u32 v3, v12;
	v20 =	vld.idx.msk [tilespmem:v23+s31+$0x0], $0xffff;
	[tilespmem:s12+$0x170] =	vst v10  }
0x280: {  	[tilespmem:s23+$0xFFFFFE90] =	vst v15;
	v7 =	vld.idx.msk [tilespmem:v7+s31+$0x0], $0xffff  }
0x281: {  	v14 =	vor.u32 v3, v14;
	v10 =	vld.idx.msk [tilespmem:v25+s31+$0x0], $0xffff;
	[tilespmem:s14+$0x150] =	vst v17  }
0x282: {  	[tilespmem:s16+$0xFFFFFEB0] =	vst v21;
	v11 =	vld.idx.msk [tilespmem:v11+s31+$0x0], $0xffff  }
0x283: {  	v15 =	vld.idx.msk [tilespmem:v28+s31+$0x0], $0xffff;
	[tilespmem:s16+$0x130] =	vst v19  }
0x284: {  	v12 =	vld.idx.msk [tilespmem:v12+s31+$0x0], $0xffff;
	[tilespmem:s14+$0xFFFFFED0] =	vst v13  }
0x285: {  	[tilespmem:s23+$0x110] =	vst v20;
	v13 =	vld.idx.msk [tilespmem:v32+s31+$0x0], $0xffff  }
0x286: {  	v14 =	vld.idx.msk [tilespmem:v14+s31+$0x0], $0xffff;
	[tilespmem:s12+$0x1F0] =	vst v7  }
0x287: {  	[tilespmem:s23+$0xFFFFFF10] =	vst v10;
	v7 =	vld.idx.msk [tilespmem:v9+s31+$0x0], $0xffff  }
0x288: {  	v16 =	vld.idx.msk [tilespmem:v16+s31+$0x0], $0xffff;
	[tilespmem:s14+$0x1D0] =	vst v11  }
0x289: {  	[tilespmem:s16+$0xFFFFFF30] =	vst v15;
	v15 =	vld [tilespmem:s15+$0x60]  }
.Ltmp2:
0x28a: {  	v10 =	vld.idx.msk [tilespmem:v18+s31+$0x0], $0xffff;
	[tilespmem:s16+$0x1B0] =	vst v12;
	(pc) =	sbr.rel @p0 .LBB2_3-.Ltmp2, $4  }
0x28b: {  	v11 =	vld [tilespmem:s17+$0x40];
	[tilespmem:s14+$0xFFFFFF50] =	vst v13  }
0x28c: {  	[tilespmem:s23+$0x190] =	vst v14;
	v9 =	vld.idx.msk [tilespmem:v22+s31+$0x0], $0xffff  }
0x28d: {  	v12 =	vld [tilespmem:s25+$0x20];
	[tilespmem:s12+$0xFFFFFF60] =	vst v7  }
0x28e: {  	s25 =	sadd.s32 $0x100, s25;
	[tilespmem:s23+$0xFFFFFF90] =	vst v16;
	v7 =	vshll.u32 v15, $0x6;
	v8 =	vld.idx.msk [tilespmem:v8+s31+$0x0], $0xffff  }
0x28f: {  	_ = 	snop  }
0x290: {  	v13 =	vld [tilespmem:s7+$0xFFFFFFA0];
	_ =	sdelay $0x1  }
0x291: {  	v12 =	vshll.u32 v12, $0x6  }
0x292: {  	v14 =	vor.u32 v0, v12;
	_ =	sdelay $0x1  }
0x293: {  	v13 =	vshll.u32 v13, $0x6  }
0x294: {  	v15 =	vor.u32 v0, v13;
	_ =	sdelay $0x1  }
0x295: {  	v14 =	vld.idx.msk [tilespmem:v14+s31+$0x0], $0xffff  }
0x296: {  	v16 =	vor.u32 v1, v12;
	_ =	sdelay $0x1  }
0x297: {  	v15 =	vld.idx.msk [tilespmem:v15+s31+$0x0], $0xffff  }
0x298: {  	v17 =	vor.u32 v1, v13  }
0x299: {  	[tilespmem:s23+$0x20] =	vst v14  }
0x29a: {  	v14 =	vld.idx.msk [tilespmem:v16+s31+$0x0], $0xffff  }
0x29b: {  	v61 =	vor.u32 v2, v12  }
0x29c: {  	[tilespmem:s22+$0xFFFFFE20] =	vst v15  }
0x29d: {  	v15 =	vld.idx.msk [tilespmem:v17+s31+$0x0], $0xffff  }
0x29e: {  	v62 =	vor.u32 v2, v13  }
0x29f: {  	[tilespmem:s22+$0xA0] =	vst v14  }
0x2a0: {  	v14 =	vld.idx.msk [tilespmem:v61+s31+$0x0], $0xffff  }
0x2a1: {  	v12 =	vor.u32 v3, v12  }
0x2a2: {  	[tilespmem:s22+$0xFFFFFEA0] =	vst v15  }
0x2a3: {  	v15 =	vld.idx.msk [tilespmem:v62+s31+$0x0], $0xffff  }
0x2a4: {  	v13 =	vor.u32 v3, v13  }
0x2a5: {  	[tilespmem:s22+$0x120] =	vst v14  }
0x2a6: {  	v12 =	vld.idx.msk [tilespmem:v12+s31+$0x0], $0xffff;
	_ =	sdelay $0x1  }
0x2a7: {  	[tilespmem:s22+$0xFFFFFF20] =	vst v15  }
0x2a8: {  	v13 =	vld.idx.msk [tilespmem:v13+s31+$0x0], $0xffff;
	_ =	sdelay $0x1  }
0x2a9: {  	[tilespmem:s22+$0x1A0] =	vst v12  }
0x2aa: {  	v12 =	vld [tilespmem:s7+$0x30];
	_ =	sdelay $0x1  }
0x2ab: {  	[tilespmem:s22+$0xFFFFFFA0] =	vst v13  }
0x2ac: {  	v13 =	vld [tilespmem:s7+$0xFFFFFFB0];
	_ =	sdelay $0x1  }
0x2ad: {  	v12 =	vshll.u32 v12, $0x6  }
0x2ae: {  	v14 =	vor.u32 v0, v12;
	_ =	sdelay $0x1  }
0x2af: {  	v13 =	vshll.u32 v13, $0x6  }
0x2b0: {  	v15 =	vor.u32 v0, v13;
	_ =	sdelay $0x1  }
0x2b1: {  	v14 =	vld.idx.msk [tilespmem:v14+s31+$0x0], $0xffff  }
0x2b2: {  	v63 =	vor.u32 v1, v12;
	_ =	sdelay $0x1  }
0x2b3: {  	v15 =	vld.idx.msk [tilespmem:v15+s31+$0x0], $0xffff  }
0x2b4: {  	v20 =	vor.u32 v1, v13  }
0x2b5: {  	[tilespmem:s22+$0x30] =	vst v14  }
0x2b6: {  	v14 =	vld.idx.msk [tilespmem:v63+s31+$0x0], $0xffff  }
0x2b7: {  	v21 =	vor.u32 v2, v12  }
0x2b8: {  	[tilespmem:s22+$0xFFFFFE30] =	vst v15  }
0x2b9: {  	v15 =	vld.idx.msk [tilespmem:v20+s31+$0x0], $0xffff  }
0x2ba: {  	v22 =	vor.u32 v2, v13  }
0x2bb: {  	[tilespmem:s22+$0xB0] =	vst v14  }
0x2bc: {  	v14 =	vld.idx.msk [tilespmem:v21+s31+$0x0], $0xffff  }
0x2bd: {  	v12 =	vor.u32 v3, v12  }
0x2be: {  	[tilespmem:s22+$0xFFFFFEB0] =	vst v15  }
0x2bf: {  	v15 =	vld.idx.msk [tilespmem:v22+s31+$0x0], $0xffff  }
0x2c0: {  	v13 =	vor.u32 v3, v13  }
0x2c1: {  	[tilespmem:s22+$0x130] =	vst v14  }
0x2c2: {  	v12 =	vld.idx.msk [tilespmem:v12+s31+$0x0], $0xffff;
	_ =	sdelay $0x1  }
0x2c3: {  	[tilespmem:s22+$0xFFFFFF30] =	vst v15  }
0x2c4: {  	v13 =	vld.idx.msk [tilespmem:v13+s31+$0x0], $0xffff;
	_ =	sdelay $0x1  }
0x2c5: {  	[tilespmem:s22+$0x1B0] =	vst v12  }
0x2c6: {  	v12 =	vld [tilespmem:s7+$0x40]  }
0x2c7: {  	[tilespmem:s16+$0xFFFFFFB0] =	vst v10  }
0x2c8: {  	v10 =	vld [tilespmem:s17+$0xFFFFFFC0];
	[tilespmem:s22+$0xFFFFFFB0] =	vst v13  }
0x2c9: {  	v11 =	vshll.u32 v11, $0x6;
	v13 =	vld [tilespmem:s7+$0xFFFFFFC0]  }
0x2ca: {  	v14 =	vor.u32 v0, v11  }
0x2cb: {  	v12 =	vshll.u32 v12, $0x6  }
0x2cc: {  	v15 =	vor.u32 v0, v12  }
0x2cd: {  	v10 =	vshll.u32 v10, $0x6  }
0x2ce: {  	v23 =	vor.u32 v0, v10;
	v13 =	vshll.u32 v13, $0x6  }
0x2cf: {  	v14 =	vld.idx.msk [tilespmem:v14+s31+$0x0], $0xffff;
	v24 =	vor.u32 v0, v13  }
0x2d0: {  	v18 =	vor.u32 v1, v11  }
0x2d1: {  	v15 =	vld.idx.msk [tilespmem:v15+s31+$0x0], $0xffff  }
0x2d2: {  	v19 =	vor.u32 v1, v12  }
0x2d3: {  	v16 =	vld.idx.msk [tilespmem:v23+s31+$0x0], $0xffff  }
0x2d4: {  	v20 =	vor.u32 v1, v10;
	[tilespmem:s16+$0x40] =	vst v14;
	v14 =	vld.idx.msk [tilespmem:v24+s31+$0x0], $0xffff  }
0x2d5: {  	v25 =	vld.idx.msk [tilespmem:v18+s31+$0x0], $0xffff;
	v26 =	vor.u32 v1, v13  }
0x2d6: {  	v21 =	vor.u32 v2, v11;
	[tilespmem:s22+$0x40] =	vst v15  }
0x2d7: {  	v15 =	vld.idx.msk [tilespmem:v19+s31+$0x0], $0xffff  }
0x2d8: {  	[tilespmem:s16+$0xFFFFFE40] =	vst v16;
	v27 =	vor.u32 v2, v12  }
0x2d9: {  	v28 =	vld.idx.msk [tilespmem:v20+s31+$0x0], $0xffff;
	[tilespmem:s22+$0xFFFFFE40] =	vst v14  }
0x2da: {  	[tilespmem:s16+$0xC0] =	vst v25;
	v14 =	vor.u32 v2, v10;
	v29 =	vld.idx.msk [tilespmem:v26+s31+$0x0], $0xffff  }
0x2db: {  	v31 =	vor.u32 v2, v13;
	v30 =	vld.idx.msk [tilespmem:v21+s31+$0x0], $0xffff  }
0x2dc: {  	v11 =	vor.u32 v3, v11;
	[tilespmem:s22+$0xC0] =	vst v15  }
0x2dd: {  	v15 =	vld.idx.msk [tilespmem:v27+s31+$0x0], $0xffff  }
0x2de: {  	[tilespmem:s16+$0xFFFFFEC0] =	vst v28;
	v12 =	vor.u32 v3, v12  }
0x2df: {  	v14 =	vld.idx.msk [tilespmem:v14+s31+$0x0], $0xffff;
	[tilespmem:s22+$0xFFFFFEC0] =	vst v29  }
0x2e0: {  	[tilespmem:s16+$0x140] =	vst v30;
	v10 =	vor.u32 v3, v10;
	v32 =	vld.idx.msk [tilespmem:v31+s31+$0x0], $0xffff  }
0x2e1: {  	v13 =	vor.u32 v3, v13;
	v11 =	vld.idx.msk [tilespmem:v11+s31+$0x0], $0xffff  }
0x2e2: {  	[tilespmem:s22+$0x140] =	vst v15  }
0x2e3: {  	v12 =	vld.idx.msk [tilespmem:v12+s31+$0x0], $0xffff  }
0x2e4: {  	[tilespmem:s16+$0xFFFFFF40] =	vst v14  }
0x2e5: {  	v10 =	vld.idx.msk [tilespmem:v10+s31+$0x0], $0xffff;
	[tilespmem:s22+$0xFFFFFF40] =	vst v32  }
0x2e6: {  	[tilespmem:s16+$0x1C0] =	vst v11;
	v11 =	vld.idx.msk [tilespmem:v13+s31+$0x0], $0xffff  }
0x2e7: {  	v13 =	vld [tilespmem:s17+$0x50]  }
0x2e8: {  	[tilespmem:s22+$0x1C0] =	vst v12  }
0x2e9: {  	v12 =	vld [tilespmem:s7+$0x50]  }
0x2ea: {  	[tilespmem:s16+$0xFFFFFFC0] =	vst v10  }
0x2eb: {  	v10 =	vld [tilespmem:s17+$0xFFFFFFD0];
	[tilespmem:s22+$0xFFFFFFC0] =	vst v11  }
0x2ec: {  	v11 =	vshll.u32 v13, $0x6;
	v13 =	vld [tilespmem:s7+$0xFFFFFFD0]  }
0x2ed: {  	v14 =	vor.u32 v0, v11  }
0x2ee: {  	v12 =	vshll.u32 v12, $0x6  }
0x2ef: {  	v15 =	vor.u32 v0, v12  }
0x2f0: {  	v10 =	vshll.u32 v10, $0x6  }
0x2f1: {  	v33 =	vor.u32 v0, v10;
	v13 =	vshll.u32 v13, $0x6  }
0x2f2: {  	v14 =	vld.idx.msk [tilespmem:v14+s31+$0x0], $0xffff;
	v34 =	vor.u32 v0, v13  }
0x2f3: {  	v35 =	vor.u32 v1, v11  }
0x2f4: {  	v15 =	vld.idx.msk [tilespmem:v15+s31+$0x0], $0xffff  }
0x2f5: {  	v36 =	vor.u32 v1, v12  }
0x2f6: {  	v37 =	vor.u32 v0, v7;
	v16 =	vld.idx.msk [tilespmem:v33+s31+$0x0], $0xffff  }
0x2f7: {  	v38 =	vor.u32 v1, v10;
	[tilespmem:s16+$0x50] =	vst v14;
	v14 =	vld.idx.msk [tilespmem:v34+s31+$0x0], $0xffff  }
0x2f8: {  	v40 =	vor.u32 v1, v13;
	v39 =	vld.idx.msk [tilespmem:v35+s31+$0x0], $0xffff  }
0x2f9: {  	v22 =	vor.u32 v2, v11;
	[tilespmem:s22+$0x50] =	vst v15  }
0x2fa: {  	v15 =	vld.idx.msk [tilespmem:v36+s31+$0x0], $0xffff  }
0x2fb: {  	v41 =	vld.idx.msk [tilespmem:v37+s31+$0x0], $0xffff;
	v42 =	vor.u32 v2, v12;
	[tilespmem:s16+$0xFFFFFE50] =	vst v16  }
0x2fc: {  	v43 =	vor.u32 v1, v7;
	v21 =	vld.idx.msk [tilespmem:v38+s31+$0x0], $0xffff;
	[tilespmem:s22+$0xFFFFFE50] =	vst v14  }
0x2fd: {  	v14 =	vor.u32 v2, v10;
	[tilespmem:s16+$0xD0] =	vst v39;
	v44 =	vld.idx.msk [tilespmem:v40+s31+$0x0], $0xffff  }
0x2fe: {  	v46 =	vor.u32 v2, v13;
	v45 =	vld.idx.msk [tilespmem:v22+s31+$0x0], $0xffff  }
0x2ff: {  	v11 =	vor.u32 v3, v11;
	[tilespmem:s22+$0xD0] =	vst v15  }
0x300: {  	[tilespmem:s14+$0x60] =	vst v41;
	v15 =	vld.idx.msk [tilespmem:v42+s31+$0x0], $0xffff  }
0x301: {  	v47 =	vld.idx.msk [tilespmem:v43+s31+$0x0], $0xffff;
	v12 =	vor.u32 v3, v12;
	[tilespmem:s16+$0xFFFFFED0] =	vst v21  }
0x302: {  	v48 =	vor.u32 v2, v7;
	v14 =	vld.idx.msk [tilespmem:v14+s31+$0x0], $0xffff;
	[tilespmem:s22+$0xFFFFFED0] =	vst v44  }
0x303: {  	v10 =	vor.u32 v3, v10;
	[tilespmem:s16+$0x150] =	vst v45;
	v17 =	vld.idx.msk [tilespmem:v46+s31+$0x0], $0xffff  }
0x304: {  	v13 =	vor.u32 v3, v13;
	v11 =	vld.idx.msk [tilespmem:v11+s31+$0x0], $0xffff  }
0x305: {  	[tilespmem:s22+$0x150] =	vst v15  }
0x306: {  	[tilespmem:s14+$0xE0] =	vst v47;
	v12 =	vld.idx.msk [tilespmem:v12+s31+$0x0], $0xffff  }
0x307: {  	v15 =	vld.idx.msk [tilespmem:v48+s31+$0x0], $0xffff;
	[tilespmem:s16+$0xFFFFFF50] =	vst v14  }
0x308: {  	v10 =	vld.idx.msk [tilespmem:v10+s31+$0x0], $0xffff;
	[tilespmem:s22+$0xFFFFFF50] =	vst v17  }
0x309: {  	[tilespmem:s16+$0x1D0] =	vst v11;
	v11 =	vld.idx.msk [tilespmem:v13+s31+$0x0], $0xffff  }
0x30a: {  	v13 =	vld [tilespmem:s17+$0x60]  }
0x30b: {  	v7 =	vor.u32 v3, v7;
	[tilespmem:s22+$0x1D0] =	vst v12  }
0x30c: {  	[tilespmem:s14+$0xFFFFFFD0] =	vst v9;
	v9 =	vld [tilespmem:s7+$0x60]  }
0x30d: {  	v12 =	vld [tilespmem:s15+$0xFFFFFFE0];
	[tilespmem:s16+$0xFFFFFFD0] =	vst v10  }
0x30e: {  	v10 =	vld [tilespmem:s17+$0xFFFFFFE0];
	[tilespmem:s22+$0xFFFFFFD0] =	vst v11  }
0x30f: {  	[tilespmem:s14+$0x160] =	vst v15;
	v11 =	vshll.u32 v13, $0x6;
	v13 =	vld [tilespmem:s7+$0xFFFFFFE0]  }
0x310: {  	v7 =	vld.idx.msk [tilespmem:v7+s31+$0x0], $0xffff;
	v14 =	vor.u32 v0, v11  }
0x311: {  	v9 =	vshll.u32 v9, $0x6  }
0x312: {  	v12 =	vshll.u32 v12, $0x6;
	v15 =	vor.u32 v0, v9  }
0x313: {  	v49 =	vor.u32 v0, v12;
	v10 =	vshll.u32 v10, $0x6  }
0x314: {  	v6 =	vld.idx.msk [tilespmem:v6+s31+$0x0], $0xffff;
	v50 =	vor.u32 v0, v10;
	v13 =	vshll.u32 v13, $0x6  }
0x315: {  	[tilespmem:s14+$0x1E0] =	vst v7;
	v7 =	vld.idx.msk [tilespmem:v14+s31+$0x0], $0xffff;
	v14 =	vor.u32 v0, v13  }
0x316: {  	v52 =	vor.u32 v1, v11;
	v51 =	vld [tilespmem:s15+$0x70]  }
0x317: {  	v15 =	vld.idx.msk [tilespmem:v15+s31+$0x0], $0xffff  }
0x318: {  	v53 =	vor.u32 v1, v9;
	v16 =	vld.idx.msk [tilespmem:v49+s31+$0x0], $0xffff  }
0x319: {  	v54 =	vor.u32 v1, v12;
	v17 =	vld.idx.msk [tilespmem:v50+s31+$0x0], $0xffff  }
0x31a: {  	[tilespmem:s16+$0x60] =	vst v7;
	v7 =	vor.u32 v1, v10;
	v14 =	vld.idx.msk [tilespmem:v14+s31+$0x0], $0xffff  }
0x31b: {  	[tilespmem:s12+$0xFFFFFFE0] =	vst v8;
	v55 =	vor.u32 v1, v13;
	v8 =	vld.idx.msk [tilespmem:v52+s31+$0x0], $0xffff  }
0x31c: {  	v56 =	vld [tilespmem:s13+$0xFFFFFFF0];
	v23 =	vor.u32 v2, v11;
	v18 =	vshll.u32 v51, $0x6;
	[tilespmem:s22+$0x60] =	vst v15  }
0x31d: {  	[tilespmem:s14+$0xFFFFFE60] =	vst v16;
	v15 =	vor.u32 v0, v18;
	v57 =	vld.idx.msk [tilespmem:v53+s31+$0x0], $0xffff  }
0x31e: {  	v59 =	vor.u32 v2, v9;
	v58 =	vld.idx.msk [tilespmem:v54+s31+$0x0], $0xffff;
	[tilespmem:s16+$0xFFFFFE60] =	vst v17  }
0x31f: {  	v60 =	vor.u32 v2, v12;
	v7 =	vld.idx.msk [tilespmem:v7+s31+$0x0], $0xffff;
	[tilespmem:s22+$0xFFFFFE60] =	vst v14  }
0x320: {  	v14 =	vor.u32 v2, v10;
	[tilespmem:s16+$0xE0] =	vst v8;
	v8 =	vld.idx.msk [tilespmem:v55+s31+$0x0], $0xffff  }
0x321: {  	v62 =	vor.u32 v2, v13;
	v61 =	vld.idx.msk [tilespmem:v23+s31+$0x0], $0xffff  }
0x322: {  	v11 =	vor.u32 v3, v11;
	v15 =	vld.idx.msk [tilespmem:v15+s31+$0x0], $0xffff;
	[tilespmem:s22+$0xE0] =	vst v57  }
0x323: {  	v63 =	vor.u32 v1, v18;
	[tilespmem:s14+$0xFFFFFEE0] =	vst v58;
	v17 =	vld.idx.msk [tilespmem:v59+s31+$0x0], $0xffff  }
0x324: {  	v20 =	vld.idx.msk [tilespmem:v60+s31+$0x0], $0xffff;
	[tilespmem:s16+$0xFFFFFEE0] =	vst v7;
	v7 =	vor.u32 v3, v9  }
0x325: {  	v9 =	vor.u32 v3, v12;
	v12 =	vld.idx.msk [tilespmem:v14+s31+$0x0], $0xffff;
	[tilespmem:s22+$0xFFFFFEE0] =	vst v8  }
0x326: {  	v8 =	vor.u32 v3, v10;
	[tilespmem:s16+$0x160] =	vst v61;
	v10 =	vld.idx.msk [tilespmem:v62+s31+$0x0], $0xffff  }
0x327: {  	v13 =	vor.u32 v3, v13;
	v11 =	vld.idx.msk [tilespmem:v11+s31+$0x0], $0xffff;
	[tilespmem:s14+$0x70] =	vst v15  }
0x328: {  	v14 =	vshll.u32 v56, $0x6;
	v15 =	vld.idx.msk [tilespmem:v63+s31+$0x0], $0xffff;
	[tilespmem:s22+$0x160] =	vst v17  }
0x329: {  	v24 =	vor.u32 v0, v14;
	[tilespmem:s14+$0xFFFFFF60] =	vst v20;
	v7 =	vld.idx.msk [tilespmem:v7+s31+$0x0], $0xffff  }
0x32a: {  	v9 =	vld.idx.msk [tilespmem:v9+s31+$0x0], $0xffff;
	[tilespmem:s16+$0xFFFFFF60] =	vst v12  }
0x32b: {  	v8 =	vld.idx.msk [tilespmem:v8+s31+$0x0], $0xffff;
	[tilespmem:s22+$0xFFFFFF60] =	vst v10  }
0x32c: {  	[tilespmem:s16+$0x1E0] =	vst v11;
	v10 =	vld.idx.msk [tilespmem:v13+s31+$0x0], $0xffff  }
0x32d: {  	v11 =	vld [tilespmem:s17+$0x70]  }
0x32e: {  	v12 =	vld.idx.msk [tilespmem:v24+s31+$0x0], $0xffff;
	v13 =	vor.u32 v2, v18;
	[tilespmem:s22+$0x1E0] =	vst v7  }
0x32f: {  	[tilespmem:s14+$0xFFFFFFE0] =	vst v9;
	v7 =	vld [tilespmem:s7+$0x70]  }
0x330: {  	v9 =	vld [tilespmem:s15+$0xFFFFFFF0];
	[tilespmem:s16+$0xFFFFFFE0] =	vst v8  }
0x331: {  	v8 =	vld [tilespmem:s17+$0xFFFFFFF0];
	[tilespmem:s22+$0xFFFFFFE0] =	vst v10  }
0x332: {  	[tilespmem:s14+$0xF0] =	vst v15;
	v10 =	vor.u32 v1, v14;
	v11 =	vshll.u32 v11, $0x6;
	v15 =	vld [tilespmem:s7+$0xFFFFFFF0]  }
0x333: {  	v13 =	vld.idx.msk [tilespmem:v13+s31+$0x0], $0xffff;
	v25 =	vor.u32 v0, v11  }
0x334: {  	v7 =	vshll.u32 v7, $0x6  }
0x335: {  	v9 =	vshll.u32 v9, $0x6;
	v27 =	vor.u32 v0, v7  }
0x336: {  	v5 =	vld.idx.msk [tilespmem:v5+s31+$0x0], $0xffff;
	[tilespmem:s12+$0xFFFFFE70] =	vst v12;
	v12 =	vor.u32 v0, v9;
	v8 =	vshll.u32 v8, $0x6  }
0x337: {  	[tilespmem:s11+$0xFFFFFF70] =	vst v6;
	v10 =	vld.idx.msk [tilespmem:v10+s31+$0x0], $0xffff;
	v28 =	vor.u32 v0, v8;
	v15 =	vshll.u32 v15, $0x6  }
0x338: {  	[tilespmem:s14+$0x170] =	vst v13;
	v13 =	vld.idx.msk [tilespmem:v25+s31+$0x0], $0xffff;
	v29 =	vor.u32 v0, v15  }
0x339: {  	v4 =	vld.idx.msk [tilespmem:v4+s31+$0x0], $0xffff;
	v30 =	vor.u32 v1, v11  }
0x33a: {  	v26 =	vor.u32 v3, v18;
	v6 =	vld.idx.msk [tilespmem:v27+s31+$0x0], $0xffff  }
0x33b: {  	[tilespmem:s10+$0xFFFFFFF0] =	vst v5;
	v5 =	vld.idx.msk [tilespmem:v12+s31+$0x0], $0xffff;
	v12 =	vor.u32 v1, v7  }
0x33c: {  	[tilespmem:s12+$0xFFFFFEF0] =	vst v10;
	v10 =	vor.u32 v1, v9;
	v32 =	vld.idx.msk [tilespmem:v28+s31+$0x0], $0xffff  }
0x33d: {  	[tilespmem:s16+$0x70] =	vst v13;
	v13 =	vor.u32 v1, v8;
	v16 =	vld.idx.msk [tilespmem:v29+s31+$0x0], $0xffff  }
0x33e: {  	[tilespmem:s11+$0xFFFFFFF0] =	vst v4;
	v34 =	vor.u32 v1, v15;
	v33 =	vld.idx.msk [tilespmem:v30+s31+$0x0], $0xffff  }
0x33f: {  	v36 =	vor.u32 v2, v11;
	v17 =	vld.idx.msk [tilespmem:v26+s31+$0x0], $0xffff;
	[tilespmem:s22+$0x70] =	vst v6  }
0x340: {  	v31 =	vor.u32 v2, v14;
	[tilespmem:s14+$0xFFFFFE70] =	vst v5;
	v5 =	vld.idx.msk [tilespmem:v12+s31+$0x0], $0xffff  }
0x341: {  	v6 =	vld.idx.msk [tilespmem:v10+s31+$0x0], $0xffff;
	[tilespmem:s16+$0xFFFFFE70] =	vst v32;
	v10 =	vor.u32 v2, v7  }
0x342: {  	v12 =	vor.u32 v2, v9;
	v13 =	vld.idx.msk [tilespmem:v13+s31+$0x0], $0xffff;
	[tilespmem:s22+$0xFFFFFE70] =	vst v16  }
0x343: {  	v37 =	vor.u32 v2, v8;
	[tilespmem:s16+$0xF0] =	vst v33;
	v38 =	vld.idx.msk [tilespmem:v34+s31+$0x0], $0xffff  }
0x344: {  	v40 =	vor.u32 v2, v15;
	[tilespmem:s14+$0x1F0] =	vst v17;
	v39 =	vld.idx.msk [tilespmem:v36+s31+$0x0], $0xffff  }
0x345: {  	v11 =	vor.u32 v3, v11;
	v35 =	vld.idx.msk [tilespmem:v31+s31+$0x0], $0xffff;
	[tilespmem:s22+$0xF0] =	vst v5  }
0x346: {  	[tilespmem:s14+$0xFFFFFEF0] =	vst v6;
	v5 =	vor.u32 v3, v14;
	v6 =	vld.idx.msk [tilespmem:v10+s31+$0x0], $0xffff  }
0x347: {  	v7 =	vor.u32 v3, v7;
	[tilespmem:s16+$0xFFFFFEF0] =	vst v13;
	v10 =	vld.idx.msk [tilespmem:v12+s31+$0x0], $0xffff  }
0x348: {  	v9 =	vor.u32 v3, v9;
	v12 =	vld.idx.msk [tilespmem:v37+s31+$0x0], $0xffff;
	[tilespmem:s22+$0xFFFFFEF0] =	vst v38  }
0x349: {  	v8 =	vor.u32 v3, v8;
	[tilespmem:s16+$0x170] =	vst v39;
	v13 =	vld.idx.msk [tilespmem:v40+s31+$0x0], $0xffff  }
0x34a: {  	[tilespmem:s12+$0xFFFFFF70] =	vst v35;
	v4 =	vld.idx.msk [tilespmem:v11+s31+$0x0], $0xffff;
	v11 =	vor.u32 v3, v15  }
0x34b: {  	v5 =	vld.idx.msk [tilespmem:v5+s31+$0x0], $0xffff;
	[tilespmem:s22+$0x170] =	vst v6  }
0x34c: {  	[tilespmem:s14+$0xFFFFFF70] =	vst v10;
	v6 =	vld.idx.msk [tilespmem:v7+s31+$0x0], $0xffff  }
0x34d: {  	[tilespmem:s16+$0xFFFFFF70] =	vst v12;
	v7 =	vld.idx.msk [tilespmem:v9+s31+$0x0], $0xffff  }
0x34e: {  	v8 =	vld.idx.msk [tilespmem:v8+s31+$0x0], $0xffff;
	[tilespmem:s22+$0xFFFFFF70] =	vst v13  }
0x34f: {  	p0 =	seq.s32 s8, $0x9;
	[tilespmem:s16+$0x1F0] =	vst v4;
	v4 =	vld.idx.msk [tilespmem:v11+s31+$0x0], $0xffff  }
0x350: {  	s10 =	sadd.s32 @!p0 $0x2, s9;
	s15 =	smul.u32 $0x280000, s21;
	[tilespmem:s12+$0xFFFFFFF0] =	vst v5  }
0x351: {  	s17 =	sshll.u32 s18, $0x9;
	s12 =	smulhi.u32 @!p0 $0x66666667, s10;
	[tilespmem:s22+$0x1F0] =	vst v6  }
0x352: {  	s7 =	sor.u32 s15, s17;
	[tilespmem:s14+$0xFFFFFFF0] =	vst v7  }
0x353: {  	s7 =	sshrl.u32 s7, $0x3;
	[tilespmem:s16+$0xFFFFFFF0] =	vst v8;
	s11 =	sshrl.u32 @!p0 s12, $0x1  }
0x354: {  	s7 =	sadd.s32 s4, s7;
	s12 =	smul.u32 @!p0 $0x5, s11;
	[tilespmem:s22+$0xFFFFFFF0] =	vst v4  }
0x355: {  	[hbm4b:s7+s2] =	stream.strided.scatter [tilespmem:s3], [sflag:$0x3], $0x5000, s0, s2, $0x38;
	[tilespmem:$0xCB80] =	vst v63  }
0x356: {  	s7 =	ssub.s32 @!p0 s10, s12  }
0x357: {  	s10 =	sadd.s32 @!p0 s5, s11;
	s7 =	smul.u32 @!p0 $0xA0000, s7  }
0x358: {  	s10 =	sshll.u32 @!p0 s10, $0xA  }
0x359: {  	s7 =	sadd.s32 @!p0 s7, s10  }
0x35a: {  	s7 =	sshrl.u32 @!p0 s7, $0x3  }
0x35b: {  	s11 =	simm.s32 @!p0 $0x380;
	s10 =	simm.s32 @!p0 $0x0;
	s7 =	sadd.s32 @!p0 s1, s7  }
0x35c: {  	[tilespmem:s11], [sflag:$0x1] =	stream.linear.gather @!p0 [hbm4b:s7+s10], $0x400, $0x38;
	[tilespmem:$0xCB80] =	vst v63  }
0x35d: {  	s12 =	simm.s32 @!p0 $0x780;
	s11 =	sadd.s32 @!p0 $0x4000, s7  }
0x35e: {  	[tilespmem:s12], [sflag:$0x1] =	stream.linear.gather @!p0 [hbm4b:s11+s10], $0x400, $0x38;
	[tilespmem:$0xCB80] =	vst v63  }
0x35f: {  	s11 =	sadd.s32 @!p0 $0x8000, s7;
	s12 =	simm.s32 @!p0 $0xB80  }
0x360: {  	[tilespmem:s12], [sflag:$0x1] =	stream.linear.gather @!p0 [hbm4b:s11+s10], $0x400, $0x38;
	[tilespmem:$0xCB80] =	vst v63  }
0x361: {  	s11 =	sadd.s32 @!p0 $0xC000, s7;
	s12 =	simm.s32 @!p0 $0xF80  }
0x362: {  	[tilespmem:s12], [sflag:$0x1] =	stream.linear.gather @!p0 [hbm4b:s11+s10], $0x400, $0x38;
	[tilespmem:$0xCB80] =	vst v63  }
0x363: {  	s7 =	sadd.s32 @!p0 $0x10000, s7;
	s11 =	simm.s32 @!p0 $0x1380  }
0x364: {  	[tilespmem:s11], [sflag:$0x1] =	stream.linear.gather @!p0 [hbm4b:s7+s10], $0x400, $0x38;
	[tilespmem:$0xCB80] =	vst v63  }
0x365: {  	_ =	swait.ge [sflag:s19], $0x400  }
0x366: {  	[sflag:s19] =	ssyncset.done $0x0  }
0x367: {  	[sflag:s19] =	ssyncadd.s32 $0xFFFFFC00  }
0x368: {  	_ =	swait.ge [sflag:s19], $0x400  }
0x369: {  	[sflag:s19] =	ssyncset.done $0x0  }
0x36a: {  	[sflag:s19] =	ssyncadd.s32 $0xFFFFFC00  }
0x36b: {  	_ =	swait.ge [sflag:s19], $0x400  }
0x36c: {  	[sflag:s19] =	ssyncset.done $0x0  }
0x36d: {  	[sflag:s19] =	ssyncadd.s32 $0xFFFFFC00  }
0x36e: {  	_ =	swait.ge [sflag:s19], $0x400  }
0x36f: {  	[sflag:s19] =	ssyncset.done $0x0  }
0x370: {  	[sflag:s19] =	ssyncadd.s32 $0xFFFFFC00  }
0x371: {  	_ =	swait.ge [sflag:s19], $0x400  }
0x372: {  	[sflag:s19] =	ssyncset.done $0x0  }
0x373: {  	s7 =	simm.s32 @!p1 $0x4;
	[sflag:s19] =	ssyncadd.s32 $0xFFFFFC00  }
0x374: {  	_ =	swait.ge @!p1 [sflag:s7], $0x5000  }
0x375: {  	[sflag:s7] =	ssyncset.done @!p1 $0x0  }
0x376: {  	s18 =	simm.s32 $0x1800;
	[sflag:s7] =	ssyncadd.s32 @!p1 $0xFFFFB000  }
0x377: {  	v4 =	vld [tilespmem:s18+$0x0];
	_ =	sdelay $0x4  }
0x378: {  	v4 =	vshll.u32 v4, $0x6  }
0x379: {  	v5 =	vor.u32 v0, v4;
	_ =	sdelay $0x1  }
0x37a: {  	v6 =	vld [tilespmem:s18+$0xFFFFFF80];
	_ =	sdelay $0x2  }
0x37b: {  	v5 =	vld.idx.msk [tilespmem:v5+s31+$0x0], $0xffff  }
0x37c: {  	v7 =	vor.u32 v1, v4  }
0x37d: {  	v6 =	vshll.u32 v6, $0x6  }
0x37e: {  	v8 =	vor.u32 v0, v6  }
0x37f: {  	s10 =	simm.s32 $0x7D80  }
0x380: {  	[tilespmem:s10+$0x0] =	vst v5  }
0x381: {  	v5 =	vld.idx.msk [tilespmem:v7+s31+$0x0], $0xffff  }
0x382: {  	v7 =	vor.u32 v2, v4  }
0x383: {  	v8 =	vld.idx.msk [tilespmem:v8+s31+$0x0], $0xffff  }
0x384: {  	v9 =	vor.u32 v1, v6;
	_ =	sdelay $0x1  }
0x385: {  	[tilespmem:s10+$0x80] =	vst v5  }
0x386: {  	v5 =	vld.idx.msk [tilespmem:v7+s31+$0x0], $0xffff  }
0x387: {  	[tilespmem:s10+$0xFFFFFE00] =	vst v8;
	v4 =	vor.u32 v3, v4  }
0x388: {  	v7 =	vld.idx.msk [tilespmem:v9+s31+$0x0], $0xffff  }
0x389: {  	v8 =	vor.u32 v2, v6;
	_ =	sdelay $0x1  }
0x38a: {  	[tilespmem:s10+$0x100] =	vst v5  }
0x38b: {  	v4 =	vld.idx.msk [tilespmem:v4+s31+$0x0], $0xffff  }
0x38c: {  	[tilespmem:s10+$0xFFFFFE80] =	vst v7  }
0x38d: {  	v5 =	vld.idx.msk [tilespmem:v8+s31+$0x0], $0xffff  }
0x38e: {  	v6 =	vor.u32 v3, v6;
	_ =	sdelay $0x1  }
0x38f: {  	[tilespmem:s10+$0x180] =	vst v4  }
0x390: {  	v4 =	vld [tilespmem:s18+$0x10]  }
0x391: {  	[tilespmem:s10+$0xFFFFFF00] =	vst v5  }
0x392: {  	v5 =	vld.idx.msk [tilespmem:v6+s31+$0x0], $0xffff;
	_ =	sdelay $0x2  }
0x393: {  	v4 =	vshll.u32 v4, $0x6  }
0x394: {  	v6 =	vor.u32 v0, v4  }
0x395: {  	[tilespmem:s10+$0xFFFFFF80] =	vst v5  }
0x396: {  	v5 =	vld [tilespmem:s18+$0xFFFFFF90];
	_ =	sdelay $0x2  }
0x397: {  	v6 =	vld.idx.msk [tilespmem:v6+s31+$0x0], $0xffff  }
0x398: {  	v7 =	vor.u32 v1, v4  }
0x399: {  	v5 =	vshll.u32 v5, $0x6  }
0x39a: {  	v8 =	vor.u32 v0, v5;
	_ =	sdelay $0x1  }
0x39b: {  	[tilespmem:s10+$0x10] =	vst v6  }
0x39c: {  	v6 =	vld.idx.msk [tilespmem:v7+s31+$0x0], $0xffff  }
0x39d: {  	v7 =	vor.u32 v2, v4  }
0x39e: {  	v8 =	vld.idx.msk [tilespmem:v8+s31+$0x0], $0xffff  }
0x39f: {  	v9 =	vor.u32 v1, v5;
	_ =	sdelay $0x1  }
0x3a0: {  	[tilespmem:s10+$0x90] =	vst v6  }
0x3a1: {  	v6 =	vld.idx.msk [tilespmem:v7+s31+$0x0], $0xffff  }
0x3a2: {  	v4 =	vor.u32 v3, v4;
	[tilespmem:s10+$0xFFFFFE10] =	vst v8  }
0x3a3: {  	v7 =	vld.idx.msk [tilespmem:v9+s31+$0x0], $0xffff  }
0x3a4: {  	v8 =	vor.u32 v2, v5;
	_ =	sdelay $0x1  }
0x3a5: {  	[tilespmem:s10+$0x110] =	vst v6  }
0x3a6: {  	v4 =	vld.idx.msk [tilespmem:v4+s31+$0x0], $0xffff  }
0x3a7: {  	[tilespmem:s10+$0xFFFFFE90] =	vst v7  }
0x3a8: {  	v6 =	vld.idx.msk [tilespmem:v8+s31+$0x0], $0xffff  }
0x3a9: {  	v5 =	vor.u32 v3, v5;
	_ =	sdelay $0x1  }
0x3aa: {  	[tilespmem:s10+$0x190] =	vst v4  }
0x3ab: {  	s21 =	simm.s32 $0x1900;
	v4 =	vld [tilespmem:s18+$0x20]  }
0x3ac: {  	[tilespmem:s10+$0xFFFFFF10] =	vst v6;
	v6 =	vld [tilespmem:s21+$0x0]  }
0x3ad: {  	v5 =	vld.idx.msk [tilespmem:v5+s31+$0x0], $0xffff;
	_ =	sdelay $0x2  }
0x3ae: {  	v4 =	vshll.u32 v4, $0x6  }
0x3af: {  	v7 =	vor.u32 v0, v4  }
0x3b0: {  	v8 =	vld [tilespmem:s21+$0xFFFFFF80];
	v6 =	vshll.u32 v6, $0x6;
	[tilespmem:s10+$0xFFFFFF90] =	vst v5  }
0x3b1: {  	v5 =	vor.u32 v0, v6;
	v9 =	vld [tilespmem:s18+$0xFFFFFFA0];
	_ =	sdelay $0x2  }
0x3b2: {  	v7 =	vld.idx.msk [tilespmem:v7+s31+$0x0], $0xffff  }
0x3b3: {  	v8 =	vshll.u32 v8, $0x6;
	v10 =	vor.u32 v1, v4  }
0x3b4: {  	v11 =	vor.u32 v0, v8;
	v5 =	vld.idx.msk [tilespmem:v5+s31+$0x0], $0xffff;
	v9 =	vshll.u32 v9, $0x6  }
0x3b5: {  	v13 =	vor.u32 v0, v9  }
0x3b6: {  	v12 =	vor.u32 v1, v6  }
0x3b7: {  	[tilespmem:s10+$0x20] =	vst v7  }
0x3b8: {  	s11 =	simm.s32 $0x8180;
	v7 =	vld.idx.msk [tilespmem:v10+s31+$0x0], $0xffff  }
0x3b9: {  	[tilespmem:s11+$0x0] =	vst v5;
	v5 =	vor.u32 v2, v4;
	v10 =	vld.idx.msk [tilespmem:v11+s31+$0x0], $0xffff  }
0x3ba: {  	v11 =	vor.u32 v1, v8;
	v13 =	vld.idx.msk [tilespmem:v13+s31+$0x0], $0xffff  }
0x3bb: {  	v15 =	vor.u32 v1, v9;
	v12 =	vld.idx.msk [tilespmem:v12+s31+$0x0], $0xffff  }
0x3bc: {  	v14 =	vor.u32 v2, v6  }
0x3bd: {  	[tilespmem:s10+$0xA0] =	vst v7  }
0x3be: {  	[tilespmem:s11+$0xFFFFFE00] =	vst v10;
	v5 =	vld.idx.msk [tilespmem:v5+s31+$0x0], $0xffff  }
0x3bf: {  	v4 =	vor.u32 v3, v4;
	[tilespmem:s10+$0xFFFFFE20] =	vst v13;
	v7 =	vld.idx.msk [tilespmem:v11+s31+$0x0], $0xffff  }
0x3c0: {  	[tilespmem:s11+$0x80] =	vst v12;
	v10 =	vor.u32 v2, v8;
	v12 =	vld.idx.msk [tilespmem:v15+s31+$0x0], $0xffff  }
0x3c1: {  	v13 =	vor.u32 v2, v9;
	v11 =	vld.idx.msk [tilespmem:v14+s31+$0x0], $0xffff  }
0x3c2: {  	v6 =	vor.u32 v3, v6  }
0x3c3: {  	[tilespmem:s10+$0x120] =	vst v5  }
0x3c4: {  	[tilespmem:s11+$0xFFFFFE80] =	vst v7;
	v4 =	vld.idx.msk [tilespmem:v4+s31+$0x0], $0xffff  }
0x3c5: {  	[tilespmem:s10+$0xFFFFFEA0] =	vst v12;
	v5 =	vld.idx.msk [tilespmem:v10+s31+$0x0], $0xffff  }
0x3c6: {  	[tilespmem:s11+$0x100] =	vst v11;
	v7 =	vor.u32 v3, v8;
	v8 =	vld.idx.msk [tilespmem:v13+s31+$0x0], $0xffff  }
0x3c7: {  	v9 =	vor.u32 v3, v9;
	v6 =	vld.idx.msk [tilespmem:v6+s31+$0x0], $0xffff;
	_ =	sdelay $0x1  }
0x3c8: {  	[tilespmem:s10+$0x1A0] =	vst v4  }
0x3c9: {  	[tilespmem:s11+$0xFFFFFF00] =	vst v5;
	v4 =	vld [tilespmem:s18+$0x30]  }
0x3ca: {  	[tilespmem:s10+$0xFFFFFF20] =	vst v8;
	v5 =	vld.idx.msk [tilespmem:v7+s31+$0x0], $0xffff  }
0x3cb: {  	[tilespmem:s11+$0x180] =	vst v6;
	v7 =	vld.idx.msk [tilespmem:v9+s31+$0x0], $0xffff  }
0x3cc: {  	v6 =	vld [tilespmem:s21+$0x10];
	_ =	sdelay $0x1  }
0x3cd: {  	v4 =	vshll.u32 v4, $0x6  }
0x3ce: {  	[tilespmem:s11+$0xFFFFFF80] =	vst v5;
	v5 =	vor.u32 v0, v4  }
0x3cf: {  	[tilespmem:s10+$0xFFFFFFA0] =	vst v7;
	v8 =	vld [tilespmem:s21+$0xFFFFFF90]  }
0x3d0: {  	v6 =	vshll.u32 v6, $0x6;
	v9 =	vld [tilespmem:s18+$0xFFFFFFB0]  }
0x3d1: {  	v7 =	vor.u32 v0, v6;
	_ =	sdelay $0x1  }
0x3d2: {  	v5 =	vld.idx.msk [tilespmem:v5+s31+$0x0], $0xffff  }
0x3d3: {  	v10 =	vor.u32 v1, v4;
	v8 =	vshll.u32 v8, $0x6  }
0x3d4: {  	v9 =	vshll.u32 v9, $0x6;
	v11 =	vor.u32 v0, v8  }
0x3d5: {  	v7 =	vld.idx.msk [tilespmem:v7+s31+$0x0], $0xffff;
	v13 =	vor.u32 v0, v9  }
0x3d6: {  	v12 =	vor.u32 v1, v6  }
0x3d7: {  	[tilespmem:s10+$0x30] =	vst v5  }
0x3d8: {  	v5 =	vld.idx.msk [tilespmem:v10+s31+$0x0], $0xffff  }
0x3d9: {  	v10 =	vld.idx.msk [tilespmem:v11+s31+$0x0], $0xffff  }
0x3da: {  	[tilespmem:s11+$0x10] =	vst v7;
	v7 =	vor.u32 v2, v4;
	v13 =	vld.idx.msk [tilespmem:v13+s31+$0x0], $0xffff  }
0x3db: {  	v15 =	vor.u32 v1, v9;
	v12 =	vld.idx.msk [tilespmem:v12+s31+$0x0], $0xffff  }
0x3dc: {  	v11 =	vor.u32 v1, v8  }
0x3dd: {  	v14 =	vor.u32 v2, v6;
	[tilespmem:s10+$0xB0] =	vst v5  }
0x3de: {  	[tilespmem:s11+$0xFFFFFE10] =	vst v10  }
0x3df: {  	[tilespmem:s10+$0xFFFFFE30] =	vst v13;
	v5 =	vld.idx.msk [tilespmem:v7+s31+$0x0], $0xffff  }
0x3e0: {  	v4 =	vor.u32 v3, v4;
	[tilespmem:s11+$0x90] =	vst v12;
	v12 =	vld.idx.msk [tilespmem:v15+s31+$0x0], $0xffff  }
0x3e1: {  	v13 =	vor.u32 v2, v9;
	v7 =	vld.idx.msk [tilespmem:v11+s31+$0x0], $0xffff  }
0x3e2: {  	v10 =	vor.u32 v2, v8;
	v11 =	vld.idx.msk [tilespmem:v14+s31+$0x0], $0xffff  }
0x3e3: {  	v6 =	vor.u32 v3, v6  }
0x3e4: {  	[tilespmem:s10+$0x130] =	vst v5  }
0x3e5: {  	[tilespmem:s10+$0xFFFFFEB0] =	vst v12;
	v4 =	vld.idx.msk [tilespmem:v4+s31+$0x0], $0xffff  }
0x3e6: {  	[tilespmem:s11+$0xFFFFFE90] =	vst v7;
	v7 =	vor.u32 v3, v8;
	v8 =	vld.idx.msk [tilespmem:v13+s31+$0x0], $0xffff  }
0x3e7: {  	[tilespmem:s11+$0x110] =	vst v11;
	v5 =	vld.idx.msk [tilespmem:v10+s31+$0x0], $0xffff  }
0x3e8: {  	v6 =	vld.idx.msk [tilespmem:v6+s31+$0x0], $0xffff;
	_ =	sdelay $0x1  }
0x3e9: {  	s13 =	simm.s32 $0x1A00;
	v9 =	vor.u32 v3, v9;
	[tilespmem:s10+$0x1B0] =	vst v4  }
0x3ea: {  	[tilespmem:s10+$0xFFFFFF30] =	vst v8;
	v8 =	vld [tilespmem:s13+$0x0]  }
0x3eb: {  	[tilespmem:s11+$0xFFFFFF10] =	vst v5;
	v4 =	vld [tilespmem:s18+$0x40]  }
0x3ec: {  	[tilespmem:s11+$0x190] =	vst v6;
	v5 =	vld.idx.msk [tilespmem:v7+s31+$0x0], $0xffff  }
0x3ed: {  	v6 =	vld [tilespmem:s21+$0x20]  }
0x3ee: {  	v7 =	vld.idx.msk [tilespmem:v9+s31+$0x0], $0xffff;
	_ =	sdelay $0x1  }
0x3ef: {  	v9 =	vld [tilespmem:s13+$0xFFFFFF80];
	v4 =	vshll.u32 v4, $0x6  }
0x3f0: {  	[tilespmem:s11+$0xFFFFFF90] =	vst v5;
	v5 =	vor.u32 v0, v4  }
0x3f1: {  	v6 =	vshll.u32 v6, $0x6;
	v10 =	vld [tilespmem:s21+$0xFFFFFFA0]  }
0x3f2: {  	v8 =	vshll.u32 v8, $0x6;
	[tilespmem:s10+$0xFFFFFFB0] =	vst v7;
	v7 =	vor.u32 v0, v6  }
0x3f3: {  	v12 =	vor.u32 v0, v8  }
0x3f4: {  	v9 =	vshll.u32 v9, $0x6;
	v11 =	vld [tilespmem:s18+$0xFFFFFFC0]  }
0x3f5: {  	v13 =	vor.u32 v0, v9;
	v5 =	vld.idx.msk [tilespmem:v5+s31+$0x0], $0xffff  }
0x3f6: {  	v14 =	vor.u32 v1, v4;
	v10 =	vshll.u32 v10, $0x6  }
0x3f7: {  	v7 =	vld.idx.msk [tilespmem:v7+s31+$0x0], $0xffff;
	v15 =	vor.u32 v0, v10  }
0x3f8: {  	v41 =	vor.u32 v1, v6;
	v12 =	vld.idx.msk [tilespmem:v12+s31+$0x0], $0xffff  }
0x3f9: {  	v43 =	vor.u32 v1, v8;
	v11 =	vshll.u32 v11, $0x6  }
0x3fa: {  	v13 =	vld.idx.msk [tilespmem:v13+s31+$0x0], $0xffff;
	v42 =	vor.u32 v0, v11;
	[tilespmem:s10+$0x40] =	vst v5  }
0x3fb: {  	v5 =	vor.u32 v1, v9;
	v14 =	vld.idx.msk [tilespmem:v14+s31+$0x0], $0xffff  }
0x3fc: {  	s12 =	simm.s32 $0x8580;
	[tilespmem:s11+$0x20] =	vst v7;
	v7 =	vor.u32 v2, v4;
	v15 =	vld.idx.msk [tilespmem:v15+s31+$0x0], $0xffff  }
0x3fd: {  	v44 =	vor.u32 v1, v10;
	[tilespmem:s12+$0x0] =	vst v12;
	v16 =	vld.idx.msk [tilespmem:v41+s31+$0x0], $0xffff  }
0x3fe: {  	v45 =	vor.u32 v2, v6;
	v18 =	vld.idx.msk [tilespmem:v43+s31+$0x0], $0xffff  }
0x3ff: {  	[tilespmem:s12+$0xFFFFFE00] =	vst v13;
	v12 =	vld.idx.msk [tilespmem:v42+s31+$0x0], $0xffff  }
0x400: {  	v13 =	vor.u32 v1, v11;
	v5 =	vld.idx.msk [tilespmem:v5+s31+$0x0], $0xffff;
	[tilespmem:s10+$0xC0] =	vst v14  }
0x401: {  	v14 =	vor.u32 v2, v8;
	[tilespmem:s11+$0xFFFFFE20] =	vst v15;
	v7 =	vld.idx.msk [tilespmem:v7+s31+$0x0], $0xffff  }
0x402: {  	v15 =	vor.u32 v2, v9;
	[tilespmem:s11+$0xA0] =	vst v16;
	v19 =	vld.idx.msk [tilespmem:v44+s31+$0x0], $0xffff  }
0x403: {  	v4 =	vor.u32 v3, v4;
	v16 =	vld.idx.msk [tilespmem:v45+s31+$0x0], $0xffff  }
0x404: {  	v6 =	vor.u32 v3, v6;
	[tilespmem:s10+$0xFFFFFE40] =	vst v12  }
0x405: {  	v46 =	vor.u32 v2, v10;
	[tilespmem:s12+$0x80] =	vst v18;
	v12 =	vld.idx.msk [tilespmem:v13+s31+$0x0], $0xffff  }
0x406: {  	v13 =	vor.u32 v2, v11;
	[tilespmem:s12+$0xFFFFFE80] =	vst v5;
	v14 =	vld.idx.msk [tilespmem:v14+s31+$0x0], $0xffff  }
0x407: {  	v8 =	vor.u32 v3, v8;
	v5 =	vld.idx.msk [tilespmem:v15+s31+$0x0], $0xffff;
	[tilespmem:s10+$0x140] =	vst v7  }
0x408: {  	v7 =	vor.u32 v3, v9;
	[tilespmem:s11+$0x120] =	vst v16;
	v4 =	vld.idx.msk [tilespmem:v4+s31+$0x0], $0xffff  }
0x409: {  	[tilespmem:s11+$0xFFFFFEA0] =	vst v19;
	v6 =	vld.idx.msk [tilespmem:v6+s31+$0x0], $0xffff  }
0x40a: {  	v9 =	vld.idx.msk [tilespmem:v46+s31+$0x0], $0xffff;
	[tilespmem:s10+$0xFFFFFEC0] =	vst v12  }
0x40b: {  	v10 =	vor.u32 v3, v10;
	v12 =	vld.idx.msk [tilespmem:v13+s31+$0x0], $0xffff;
	[tilespmem:s12+$0x100] =	vst v14  }
0x40c: {  	v11 =	vor.u32 v3, v11;
	[tilespmem:s12+$0xFFFFFF00] =	vst v5;
	v8 =	vld.idx.msk [tilespmem:v8+s31+$0x0], $0xffff  }
0x40d: {  	v5 =	vld.idx.msk [tilespmem:v7+s31+$0x0], $0xffff;
	[tilespmem:s10+$0x1C0] =	vst v4  }
0x40e: {  	[tilespmem:s11+$0x1A0] =	vst v6;
	v4 =	vld [tilespmem:s18+$0x50]  }
0x40f: {  	[tilespmem:s11+$0xFFFFFF20] =	vst v9;
	v6 =	vld [tilespmem:s21+$0x30]  }
0x410: {  	v7 =	vld.idx.msk [tilespmem:v10+s31+$0x0], $0xffff;
	[tilespmem:s10+$0xFFFFFF40] =	vst v12  }
0x411: {  	[tilespmem:s12+$0x180] =	vst v8;
	v8 =	vld.idx.msk [tilespmem:v11+s31+$0x0], $0xffff  }
0x412: {  	[tilespmem:s12+$0xFFFFFF80] =	vst v5;
	v9 =	vld [tilespmem:s13+$0x10]  }
0x413: {  	v10 =	vld [tilespmem:s13+$0xFFFFFF90];
	v4 =	vshll.u32 v4, $0x6  }
0x414: {  	v6 =	vshll.u32 v6, $0x6;
	v5 =	vor.u32 v0, v4  }
0x415: {  	[tilespmem:s11+$0xFFFFFFA0] =	vst v7;
	v7 =	vor.u32 v0, v6  }
0x416: {  	v11 =	vld [tilespmem:s21+$0xFFFFFFB0]  }
0x417: {  	[tilespmem:s10+$0xFFFFFFC0] =	vst v8;
	v9 =	vshll.u32 v9, $0x6  }
0x418: {  	v12 =	vld [tilespmem:s18+$0xFFFFFFD0];
	v10 =	vshll.u32 v10, $0x6;
	v8 =	vor.u32 v0, v9  }
0x419: {  	v14 =	vor.u32 v0, v10;
	v5 =	vld.idx.msk [tilespmem:v5+s31+$0x0], $0xffff  }
0x41a: {  	v13 =	vor.u32 v1, v4;
	v7 =	vld.idx.msk [tilespmem:v7+s31+$0x0], $0xffff  }
0x41b: {  	v15 =	vor.u32 v1, v6;
	v11 =	vshll.u32 v11, $0x6  }
0x41c: {  	v47 =	vor.u32 v0, v11  }
0x41d: {  	v8 =	vld.idx.msk [tilespmem:v8+s31+$0x0], $0xffff  }
0x41e: {  	v48 =	vor.u32 v1, v9;
	v12 =	vshll.u32 v12, $0x6;
	v14 =	vld.idx.msk [tilespmem:v14+s31+$0x0], $0xffff;
	[tilespmem:s10+$0x50] =	vst v5  }
0x41f: {  	v5 =	vor.u32 v0, v12;
	[tilespmem:s11+$0x30] =	vst v7;
	v13 =	vld.idx.msk [tilespmem:v13+s31+$0x0], $0xffff  }
0x420: {  	v49 =	vor.u32 v1, v10;
	v15 =	vld.idx.msk [tilespmem:v15+s31+$0x0], $0xffff  }
0x421: {  	v7 =	vor.u32 v2, v4;
	v16 =	vld.idx.msk [tilespmem:v47+s31+$0x0], $0xffff  }
0x422: {  	v50 =	vor.u32 v1, v11;
	[tilespmem:s12+$0x10] =	vst v8  }
0x423: {  	v8 =	vor.u32 v2, v6;
	[tilespmem:s12+$0xFFFFFE10] =	vst v14;
	v17 =	vld.idx.msk [tilespmem:v48+s31+$0x0], $0xffff  }
0x424: {  	v51 =	vor.u32 v2, v9;
	v5 =	vld.idx.msk [tilespmem:v5+s31+$0x0], $0xffff;
	[tilespmem:s10+$0xD0] =	vst v13  }
0x425: {  	v14 =	vld.idx.msk [tilespmem:v49+s31+$0x0], $0xffff;
	v13 =	vor.u32 v1, v12;
	[tilespmem:s11+$0xB0] =	vst v15  }
0x426: {  	v15 =	vor.u32 v2, v10;
	[tilespmem:s11+$0xFFFFFE30] =	vst v16;
	v7 =	vld.idx.msk [tilespmem:v7+s31+$0x0], $0xffff  }
0x427: {  	v4 =	vor.u32 v3, v4;
	v16 =	vld.idx.msk [tilespmem:v50+s31+$0x0], $0xffff  }
0x428: {  	v52 =	vor.u32 v2, v11;
	v8 =	vld.idx.msk [tilespmem:v8+s31+$0x0], $0xffff;
	[tilespmem:s12+$0x90] =	vst v17  }
0x429: {  	v6 =	vor.u32 v3, v6;
	[tilespmem:s10+$0xFFFFFE50] =	vst v5;
	v5 =	vld.idx.msk [tilespmem:v51+s31+$0x0], $0xffff  }
0x42a: {  	[tilespmem:s12+$0xFFFFFE90] =	vst v14;
	v13 =	vld.idx.msk [tilespmem:v13+s31+$0x0], $0xffff  }
0x42b: {  	v9 =	vor.u32 v3, v9;
	v14 =	vld.idx.msk [tilespmem:v15+s31+$0x0], $0xffff;
	[tilespmem:s10+$0x150] =	vst v7  }
0x42c: {  	v7 =	vor.u32 v2, v12;
	[tilespmem:s11+$0xFFFFFEB0] =	vst v16;
	v4 =	vld.idx.msk [tilespmem:v4+s31+$0x0], $0xffff  }
0x42d: {  	[tilespmem:s11+$0x130] =	vst v8;
	v8 =	vor.u32 v3, v10;
	v10 =	vld.idx.msk [tilespmem:v52+s31+$0x0], $0xffff  }
0x42e: {  	s15 =	simm.s32 $0x1B00;
	v6 =	vld.idx.msk [tilespmem:v6+s31+$0x0], $0xffff  }
0x42f: {  	[tilespmem:s12+$0x110] =	vst v5;
	v5 =	vor.u32 v3, v11;
	v11 =	vld [tilespmem:s15+$0x0]  }
0x430: {  	[tilespmem:s10+$0xFFFFFED0] =	vst v13;
	v9 =	vld.idx.msk [tilespmem:v9+s31+$0x0], $0xffff  }
0x431: {  	v7 =	vld.idx.msk [tilespmem:v7+s31+$0x0], $0xffff;
	[tilespmem:s10+$0x1D0] =	vst v4  }
0x432: {  	[tilespmem:s12+$0xFFFFFF10] =	vst v14;
	v4 =	vld [tilespmem:s18+$0x60]  }
0x433: {  	v8 =	vld.idx.msk [tilespmem:v8+s31+$0x0], $0xffff;
	[tilespmem:s11+$0x1B0] =	vst v6  }
0x434: {  	[tilespmem:s11+$0xFFFFFF30] =	vst v10;
	v10 =	vor.u32 v3, v12;
	v6 =	vld [tilespmem:s21+$0x40]  }
0x435: {  	v5 =	vld.idx.msk [tilespmem:v5+s31+$0x0], $0xffff;
	v11 =	vshll.u32 v11, $0x6  }
0x436: {  	[tilespmem:s12+$0x190] =	vst v9;
	v15 =	vor.u32 v0, v11  }
0x437: {  	v9 =	vld [tilespmem:s13+$0x20]  }
0x438: {  	[tilespmem:s10+$0xFFFFFF50] =	vst v7;
	v7 =	vld [tilespmem:s15+$0xFFFFFF80];
	v4 =	vshll.u32 v4, $0x6  }
0x439: {  	v10 =	vld.idx.msk [tilespmem:v10+s31+$0x0], $0xffff;
	[tilespmem:s12+$0xFFFFFF90] =	vst v8;
	v12 =	vor.u32 v0, v4  }
0x43a: {  	v6 =	vshll.u32 v6, $0x6;
	[tilespmem:s11+$0xFFFFFFB0] =	vst v5;
	v5 =	vld [tilespmem:s13+$0xFFFFFFA0]  }
0x43b: {  	v8 =	vor.u32 v0, v6;
	v15 =	vld.idx.msk [tilespmem:v15+s31+$0x0], $0xffff  }
0x43c: {  	v58 =	vor.u32 v1, v11;
	v9 =	vshll.u32 v9, $0x6  }
0x43d: {  	v13 =	vld [tilespmem:s21+$0xFFFFFFC0];
	v7 =	vshll.u32 v7, $0x6;
	v14 =	vor.u32 v0, v9  }
0x43e: {  	[tilespmem:s10+$0xFFFFFFD0] =	vst v10;
	v10 =	vor.u32 v0, v7;
	v12 =	vld.idx.msk [tilespmem:v12+s31+$0x0], $0xffff  }
0x43f: {  	s14 =	simm.s32 $0x8980;
	v53 =	vor.u32 v1, v4;
	v54 =	vld [tilespmem:s18+$0xFFFFFFE0];
	v5 =	vshll.u32 v5, $0x6  }
0x440: {  	v8 =	vld.idx.msk [tilespmem:v8+s31+$0x0], $0xffff;
	v56 =	vor.u32 v0, v5;
	[tilespmem:s14+$0x0] =	vst v15  }
0x441: {  	v55 =	vor.u32 v1, v6;
	v15 =	vld.idx.msk [tilespmem:v58+s31+$0x0], $0xffff  }
0x442: {  	v26 =	vor.u32 v2, v11;
	v14 =	vld.idx.msk [tilespmem:v14+s31+$0x0], $0xffff  }
0x443: {  	v57 =	vor.u32 v1, v9;
	v13 =	vshll.u32 v13, $0x6;
	v10 =	vld.idx.msk [tilespmem:v10+s31+$0x0], $0xffff;
	[tilespmem:s10+$0x60] =	vst v12  }
0x444: {  	v12 =	vor.u32 v0, v13;
	v16 =	vld.idx.msk [tilespmem:v53+s31+$0x0], $0xffff  }
0x445: {  	v60 =	vor.u32 v1, v7;
	[tilespmem:s11+$0x40] =	vst v8;
	v19 =	vld.idx.msk [tilespmem:v56+s31+$0x0], $0xffff  }
0x446: {  	v59 =	vor.u32 v2, v4;
	v8 =	vld.idx.msk [tilespmem:v55+s31+$0x0], $0xffff;
	[tilespmem:s14+$0x80] =	vst v15  }
0x447: {  	v62 =	vor.u32 v1, v5;
	[tilespmem:s12+$0x20] =	vst v14;
	v29 =	vld.idx.msk [tilespmem:v26+s31+$0x0], $0xffff  }
0x448: {  	v61 =	vor.u32 v2, v6;
	v14 =	vld.idx.msk [tilespmem:v57+s31+$0x0], $0xffff  }
0x449: {  	v11 =	vor.u32 v3, v11;
	[tilespmem:s14+$0xFFFFFE00] =	vst v10;
	v12 =	vld.idx.msk [tilespmem:v12+s31+$0x0], $0xffff  }
0x44a: {  	v63 =	vor.u32 v2, v9;
	v25 =	vld.idx.msk [tilespmem:v60+s31+$0x0], $0xffff;
	[tilespmem:s10+$0xE0] =	vst v16  }
0x44b: {  	v24 =	vor.u32 v1, v13;
	v10 =	vld.idx.msk [tilespmem:v59+s31+$0x0], $0xffff;
	[tilespmem:s12+$0xFFFFFE20] =	vst v19  }
0x44c: {  	v27 =	vor.u32 v2, v7;
	[tilespmem:s11+$0xC0] =	vst v8;
	v28 =	vld.idx.msk [tilespmem:v62+s31+$0x0], $0xffff  }
0x44d: {  	v4 =	vor.u32 v3, v4;
	v8 =	vld.idx.msk [tilespmem:v61+s31+$0x0], $0xffff;
	[tilespmem:s14+$0x100] =	vst v29  }
0x44e: {  	v6 =	vor.u32 v3, v6;
	[tilespmem:s12+$0xA0] =	vst v14;
	v11 =	vld.idx.msk [tilespmem:v11+s31+$0x0], $0xffff  }
0x44f: {  	[tilespmem:s11+$0xFFFFFE40] =	vst v12;
	v12 =	vor.u32 v2, v5;
	v14 =	vld.idx.msk [tilespmem:v63+s31+$0x0], $0xffff  }
0x450: {  	v9 =	vor.u32 v3, v9;
	[tilespmem:s14+$0xFFFFFE80] =	vst v25;
	v15 =	vld.idx.msk [tilespmem:v24+s31+$0x0], $0xffff  }
0x451: {  	v18 =	vld.idx.msk [tilespmem:v27+s31+$0x0], $0xffff;
	[tilespmem:s10+$0x160] =	vst v10;
	v10 =	vor.u32 v2, v13  }
0x452: {  	v7 =	vor.u32 v3, v7;
	v4 =	vld.idx.msk [tilespmem:v4+s31+$0x0], $0xffff;
	[tilespmem:s11+$0x140] =	vst v8  }
0x453: {  	[tilespmem:s12+$0xFFFFFEA0] =	vst v28;
	v6 =	vld.idx.msk [tilespmem:v6+s31+$0x0], $0xffff  }
0x454: {  	v8 =	vld.idx.msk [tilespmem:v12+s31+$0x0], $0xffff;
	[tilespmem:s12+$0x120] =	vst v14  }
0x455: {  	v5 =	vor.u32 v3, v5;
	[tilespmem:s11+$0xFFFFFEC0] =	vst v15;
	v9 =	vld.idx.msk [tilespmem:v9+s31+$0x0], $0xffff  }
0x456: {  	[tilespmem:s14+$0xFFFFFF00] =	vst v18;
	v10 =	vld.idx.msk [tilespmem:v10+s31+$0x0], $0xffff  }
0x457: {  	v7 =	vld.idx.msk [tilespmem:v7+s31+$0x0], $0xffff;
	[tilespmem:s10+$0x1E0] =	vst v4;
	v4 =	vor.u32 v3, v13  }
0x458: {  	v12 =	vld [tilespmem:s18+$0x70];
	[tilespmem:s11+$0x1C0] =	vst v6  }
0x459: {  	[tilespmem:s12+$0xFFFFFF20] =	vst v8;
	v6 =	vld [tilespmem:s21+$0x50]  }
0x45a: {  	v8 =	vshll.u32 v54, $0x6;
	v5 =	vld.idx.msk [tilespmem:v5+s31+$0x0], $0xffff;
	[tilespmem:s12+$0x1A0] =	vst v9  }
0x45b: {  	v9 =	vor.u32 v0, v8;
	[tilespmem:s11+$0xFFFFFF40] =	vst v10;
	v13 =	vld [tilespmem:s13+$0x30]  }
0x45c: {  	[tilespmem:s14+$0x180] =	vst v11;
	v4 =	vld.idx.msk [tilespmem:v4+s31+$0x0], $0xffff  }
0x45d: {  	v11 =	vld [tilespmem:s15+$0x10];
	v10 =	vshll.u32 v12, $0x6  }
0x45e: {  	[tilespmem:s14+$0xFFFFFF80] =	vst v7;
	v12 =	vor.u32 v0, v10  }
0x45f: {  	v7 =	vld [tilespmem:s15+$0xFFFFFF90];
	v6 =	vshll.u32 v6, $0x6  }
0x460: {  	[tilespmem:s12+$0xFFFFFFA0] =	vst v5;
	v9 =	vld.idx.msk [tilespmem:v9+s31+$0x0], $0xffff;
	v14 =	vor.u32 v0, v6  }
0x461: {  	v5 =	vor.u32 v1, v8;
	v15 =	vld [tilespmem:s13+$0xFFFFFFB0];
	v13 =	vshll.u32 v13, $0x6;
	[tilespmem:s11+$0xFFFFFFC0] =	vst v4  }
0x462: {  	v11 =	vshll.u32 v11, $0x6;
	v30 =	vor.u32 v0, v13;
	v31 =	vld [tilespmem:s21+$0xFFFFFFD0]  }
0x463: {  	v4 =	vld.idx.msk [tilespmem:v12+s31+$0x0], $0xffff;
	v12 =	vor.u32 v0, v11  }
0x464: {  	v32 =	vor.u32 v1, v10;
	v7 =	vshll.u32 v7, $0x6  }
0x465: {  	v14 =	vld.idx.msk [tilespmem:v14+s31+$0x0], $0xffff;
	[tilespmem:s10+$0xFFFFFE60] =	vst v9;
	v9 =	vor.u32 v0, v7  }
0x466: {  	v33 =	vor.u32 v1, v6;
	v15 =	vshll.u32 v15, $0x6;
	v5 =	vld.idx.msk [tilespmem:v5+s31+$0x0], $0xffff  }
0x467: {  	v34 =	vor.u32 v0, v15;
	v16 =	vld.idx.msk [tilespmem:v30+s31+$0x0], $0xffff  }
0x468: {  	v35 =	vor.u32 v1, v13;
	v17 =	vshll.u32 v31, $0x6;
	v12 =	vld.idx.msk [tilespmem:v12+s31+$0x0], $0xffff;
	[tilespmem:s10+$0x70] =	vst v4  }
0x469: {  	v4 =	vor.u32 v0, v17;
	v18 =	vld.idx.msk [tilespmem:v32+s31+$0x0], $0xffff  }
0x46a: {  	v36 =	vor.u32 v1, v11;
	v9 =	vld.idx.msk [tilespmem:v9+s31+$0x0], $0xffff;
	[tilespmem:s11+$0x50] =	vst v14  }
0x46b: {  	v37 =	vor.u32 v2, v10;
	v14 =	vld.idx.msk [tilespmem:v33+s31+$0x0], $0xffff  }
0x46c: {  	v38 =	vor.u32 v1, v7;
	v20 =	vld.idx.msk [tilespmem:v34+s31+$0x0], $0xffff;
	[tilespmem:s12+$0x30] =	vst v16  }
0x46d: {  	v39 =	vor.u32 v2, v6;
	v16 =	vld.idx.msk [tilespmem:v35+s31+$0x0], $0xffff  }
0x46e: {  	v24 =	vor.u32 v1, v15;
	[tilespmem:s14+$0x10] =	vst v12;
	v4 =	vld.idx.msk [tilespmem:v4+s31+$0x0], $0xffff  }
0x46f: {  	v40 =	vor.u32 v2, v13;
	v12 =	vld.idx.msk [tilespmem:v36+s31+$0x0], $0xffff;
	[tilespmem:s10+$0xF0] =	vst v18  }
0x470: {  	v41 =	vor.u32 v1, v17;
	[tilespmem:s14+$0xFFFFFE10] =	vst v9;
	v9 =	vld.idx.msk [tilespmem:v37+s31+$0x0], $0xffff  }
0x471: {  	v43 =	vor.u32 v2, v11;
	v42 =	vld.idx.msk [tilespmem:v38+s31+$0x0], $0xffff;
	[tilespmem:s11+$0xD0] =	vst v14  }
0x472: {  	v10 =	vor.u32 v3, v10;
	[tilespmem:s12+$0xFFFFFE30] =	vst v20;
	v14 =	vld.idx.msk [tilespmem:v39+s31+$0x0], $0xffff  }
0x473: {  	v44 =	vor.u32 v2, v7;
	v45 =	vld.idx.msk [tilespmem:v24+s31+$0x0], $0xffff;
	[tilespmem:s12+$0xB0] =	vst v16  }
0x474: {  	v6 =	vor.u32 v3, v6;
	[tilespmem:s11+$0xFFFFFE50] =	vst v4;
	v16 =	vld.idx.msk [tilespmem:v40+s31+$0x0], $0xffff  }
0x475: {  	v46 =	vor.u32 v2, v15;
	[tilespmem:s14+$0x90] =	vst v12;
	v12 =	vld.idx.msk [tilespmem:v41+s31+$0x0], $0xffff  }
0x476: {  	v13 =	vor.u32 v3, v13;
	v47 =	vld.idx.msk [tilespmem:v43+s31+$0x0], $0xffff;
	[tilespmem:s10+$0x170] =	vst v9  }
0x477: {  	v9 =	vor.u32 v2, v17;
	[tilespmem:s14+$0xFFFFFE90] =	vst v42;
	v4 =	vld.idx.msk [tilespmem:v10+s31+$0x0], $0xffff  }
0x478: {  	v11 =	vor.u32 v3, v11;
	v10 =	vld.idx.msk [tilespmem:v44+s31+$0x0], $0xffff;
	[tilespmem:s11+$0x150] =	vst v14  }
0x479: {  	v14 =	vor.u32 v2, v8;
	[tilespmem:s12+$0xFFFFFEB0] =	vst v45;
	v6 =	vld.idx.msk [tilespmem:v6+s31+$0x0], $0xffff  }
0x47a: {  	v7 =	vor.u32 v3, v7;
	v48 =	vld.idx.msk [tilespmem:v46+s31+$0x0], $0xffff;
	[tilespmem:s12+$0x130] =	vst v16  }
0x47b: {  	[tilespmem:s11+$0xFFFFFED0] =	vst v12;
	v13 =	vld.idx.msk [tilespmem:v13+s31+$0x0], $0xffff  }
0x47c: {  	v12 =	vor.u32 v3, v15;
	[tilespmem:s14+$0x110] =	vst v47;
	v9 =	vld.idx.msk [tilespmem:v9+s31+$0x0], $0xffff  }
0x47d: {  	[tilespmem:s10+$0xFFFFFEE0] =	vst v5;
	v5 =	vld.idx.msk [tilespmem:v11+s31+$0x0], $0xffff  }
0x47e: {  	v11 =	vld.idx.msk [tilespmem:v14+s31+$0x0], $0xffff;
	[tilespmem:s14+$0xFFFFFF10] =	vst v10  }
0x47f: {  	[tilespmem:s11+$0x1D0] =	vst v6;
	v7 =	vld.idx.msk [tilespmem:v7+s31+$0x0], $0xffff  }
0x480: {  	v10 =	vor.u32 v3, v17;
	[tilespmem:s12+$0xFFFFFF30] =	vst v48;
	v6 =	vld [tilespmem:s21+$0x60]  }
0x481: {  	s17 =	simm.s32 $0x1C00;
	v12 =	vld.idx.msk [tilespmem:v12+s31+$0x0], $0xffff;
	[tilespmem:s12+$0x1B0] =	vst v13  }
0x482: {  	v8 =	vor.u32 v3, v8;
	[tilespmem:s11+$0xFFFFFF50] =	vst v9;
	v9 =	vld [tilespmem:s17+$0x0]  }
0x483: {  	v13 =	vld [tilespmem:s13+$0x40];
	[tilespmem:s14+$0x190] =	vst v5  }
0x484: {  	v5 =	vld [tilespmem:s15+$0x20]  }
0x485: {  	v10 =	vld.idx.msk [tilespmem:v10+s31+$0x0], $0xffff  }
0x486: {  	[tilespmem:s10+$0xFFFFFF60] =	vst v11;
	v11 =	vld [tilespmem:s17+$0xFFFFFF80]  }
0x487: {  	[tilespmem:s14+$0xFFFFFF90] =	vst v7;
	v7 =	vld.idx.msk [tilespmem:v8+s31+$0x0], $0xffff;
	v6 =	vshll.u32 v6, $0x6  }
0x488: {  	[tilespmem:s12+$0xFFFFFFB0] =	vst v12;
	v12 =	vld [tilespmem:s15+$0xFFFFFFA0];
	v14 =	vor.u32 v0, v6  }
0x489: {  	v13 =	vshll.u32 v13, $0x6  }
0x48a: {  	v8 =	vor.u32 v0, v13;
	v5 =	vshll.u32 v5, $0x6  }
0x48b: {  	v15 =	vld [tilespmem:s13+$0xFFFFFFC0];
	[tilespmem:s11+$0xFFFFFFD0] =	vst v10;
	v11 =	vshll.u32 v11, $0x6;
	v49 =	vor.u32 v0, v5  }
0x48c: {  	v9 =	vshll.u32 v9, $0x6;
	v50 =	vld [tilespmem:s21+$0xFFFFFFE0];
	[tilespmem:s10+$0xFFFFFFE0] =	vst v7;
	v7 =	vor.u32 v0, v11  }
0x48d: {  	v12 =	vshll.u32 v12, $0x6;
	v10 =	vld.idx.msk [tilespmem:v14+s31+$0x0], $0xffff;
	v14 =	vor.u32 v0, v9  }
0x48e: {  	v52 =	vld [tilespmem:s18+$0xFFFFFFF0];
	v54 =	vor.u32 v0, v12  }
0x48f: {  	v51 =	vor.u32 v1, v6;
	v8 =	vld.idx.msk [tilespmem:v8+s31+$0x0], $0xffff  }
0x490: {  	v53 =	vor.u32 v1, v13;
	v16 =	vld.idx.msk [tilespmem:v49+s31+$0x0], $0xffff  }
0x491: {  	v55 =	vor.u32 v1, v5;
	v7 =	vld.idx.msk [tilespmem:v7+s31+$0x0], $0xffff  }
0x492: {  	v58 =	vor.u32 v1, v11;
	v15 =	vshll.u32 v15, $0x6;
	v14 =	vld.idx.msk [tilespmem:v14+s31+$0x0], $0xffff  }
0x493: {  	[tilespmem:s11+$0x60] =	vst v10;
	v10 =	vor.u32 v0, v15;
	v21 =	vld.idx.msk [tilespmem:v54+s31+$0x0], $0xffff  }
0x494: {  	v56 =	vor.u32 v1, v9;
	v18 =	vld.idx.msk [tilespmem:v51+s31+$0x0], $0xffff;
	[tilespmem:s12+$0x40] =	vst v8  }
0x495: {  	s16 =	simm.s32 $0x8D80;
	v25 =	vor.u32 v1, v12;
	v8 =	vld.idx.msk [tilespmem:v53+s31+$0x0], $0xffff;
	[tilespmem:s14+$0x20] =	vst v16  }
0x496: {  	v57 =	vor.u32 v2, v6;
	[tilespmem:s16+$0xFFFFFE00] =	vst v7;
	v16 =	vld.idx.msk [tilespmem:v55+s31+$0x0], $0xffff  }
0x497: {  	v59 =	vor.u32 v2, v13;
	v62 =	vld.idx.msk [tilespmem:v58+s31+$0x0], $0xffff;
	[tilespmem:s16+$0x0] =	vst v14  }
0x498: {  	v60 =	vor.u32 v2, v5;
	v10 =	vld.idx.msk [tilespmem:v10+s31+$0x0], $0xffff;
	[tilespmem:s14+$0xFFFFFE20] =	vst v21  }
0x499: {  	v26 =	vor.u32 v2, v11;
	v14 =	vld.idx.msk [tilespmem:v56+s31+$0x0], $0xffff;
	[tilespmem:s11+$0xE0] =	vst v18  }
0x49a: {  	v61 =	vor.u32 v1, v15;
	v27 =	vld.idx.msk [tilespmem:v25+s31+$0x0], $0xffff;
	[tilespmem:s12+$0xC0] =	vst v8  }
0x49b: {  	v63 =	vor.u32 v2, v9;
	v7 =	vld.idx.msk [tilespmem:v57+s31+$0x0], $0xffff;
	[tilespmem:s14+$0xA0] =	vst v16  }
0x49c: {  	v6 =	vor.u32 v3, v6;
	v8 =	vld.idx.msk [tilespmem:v59+s31+$0x0], $0xffff;
	[tilespmem:s16+$0xFFFFFE80] =	vst v62  }
0x49d: {  	v16 =	vld.idx.msk [tilespmem:v60+s31+$0x0], $0xffff;
	[tilespmem:s12+$0xFFFFFE40] =	vst v10;
	v10 =	vor.u32 v3, v13  }
0x49e: {  	v13 =	vor.u32 v2, v12;
	v20 =	vld.idx.msk [tilespmem:v26+s31+$0x0], $0xffff  }
0x49f: {  	v5 =	vor.u32 v3, v5;
	[tilespmem:s16+$0x80] =	vst v14;
	v14 =	vld.idx.msk [tilespmem:v61+s31+$0x0], $0xffff  }
0x4a0: {  	v28 =	vld.idx.msk [tilespmem:v63+s31+$0x0], $0xffff;
	[tilespmem:s11+$0x160] =	vst v7;
	v7 =	vor.u32 v2, v15  }
0x4a1: {  	v9 =	vor.u32 v3, v9;
	v6 =	vld.idx.msk [tilespmem:v6+s31+$0x0], $0xffff;
	[tilespmem:s12+$0x140] =	vst v8  }
0x4a2: {  	[tilespmem:s14+$0xFFFFFEA0] =	vst v27;
	v8 =	vld.idx.msk [tilespmem:v10+s31+$0x0], $0xffff  }
0x4a3: {  	v10 =	vor.u32 v3, v11;
	v11 =	vld.idx.msk [tilespmem:v13+s31+$0x0], $0xffff;
	[tilespmem:s14+$0x120] =	vst v16  }
0x4a4: {  	v13 =	vld.idx.msk [tilespmem:v5+s31+$0x0], $0xffff;
	[tilespmem:s12+$0xFFFFFEC0] =	vst v14  }
0x4a5: {  	v12 =	vor.u32 v3, v12;
	[tilespmem:s16+$0x100] =	vst v28;
	v7 =	vld.idx.msk [tilespmem:v7+s31+$0x0], $0xffff  }
0x4a6: {  	v9 =	vld.idx.msk [tilespmem:v9+s31+$0x0], $0xffff;
	[tilespmem:s11+$0x1E0] =	vst v6  }
0x4a7: {  	[tilespmem:s16+$0xFFFFFF00] =	vst v20;
	v6 =	vor.u32 v3, v15;
	v14 =	vld [tilespmem:s21+$0x70]  }
0x4a8: {  	v15 =	vshll.u32 v50, $0x6;
	v10 =	vld.idx.msk [tilespmem:v10+s31+$0x0], $0xffff;
	[tilespmem:s12+$0x1C0] =	vst v8  }
0x4a9: {  	v8 =	vor.u32 v0, v15;
	[tilespmem:s14+$0xFFFFFF20] =	vst v11;
	v11 =	vld [tilespmem:s13+$0x50]  }
0x4aa: {  	v5 =	vshll.u32 v52, $0x6;
	v12 =	vld.idx.msk [tilespmem:v12+s31+$0x0], $0xffff;
	[tilespmem:s14+$0x1A0] =	vst v13  }
0x4ab: {  	v13 =	vor.u32 v0, v5;
	v16 =	vld [tilespmem:s15+$0x30];
	[tilespmem:s12+$0xFFFFFF40] =	vst v7  }
0x4ac: {  	[tilespmem:s16+$0x180] =	vst v9;
	v6 =	vld.idx.msk [tilespmem:v6+s31+$0x0], $0xffff  }
0x4ad: {  	v7 =	vshll.u32 v14, $0x6;
	v9 =	vld [tilespmem:s17+$0x10]  }
0x4ae: {  	v14 =	vor.u32 v0, v7;
	[tilespmem:s16+$0xFFFFFF80] =	vst v10;
	v8 =	vld.idx.msk [tilespmem:v8+s31+$0x0], $0xffff  }
0x4af: {  	v30 =	vor.u32 v1, v15;
	v10 =	vshll.u32 v11, $0x6;
	v11 =	vld [tilespmem:s17+$0xFFFFFF90]  }
0x4b0: {  	[tilespmem:s14+$0xFFFFFFA0] =	vst v12;
	v13 =	vld.idx.msk [tilespmem:v13+s31+$0x0], $0xffff;
	v29 =	vor.u32 v0, v10  }
0x4b1: {  	v33 =	vor.u32 v1, v5;
	v12 =	vshll.u32 v16, $0x6;
	v31 =	vld [tilespmem:s15+$0xFFFFFFB0];
	[tilespmem:s12+$0xFFFFFFC0] =	vst v6  }
0x4b2: {  	v32 =	vor.u32 v0, v12;
	v9 =	vshll.u32 v9, $0x6;
	v34 =	vld [tilespmem:s13+$0xFFFFFFD0]  }
0x4b3: {  	v6 =	vld.idx.msk [tilespmem:v14+s31+$0x0], $0xffff;
	v14 =	vor.u32 v0, v9;
	[tilespmem:s11+$0xFFFFFE60] =	vst v8  }
0x4b4: {  	v8 =	vor.u32 v1, v7;
	v11 =	vshll.u32 v11, $0x6;
	v18 =	vld.idx.msk [tilespmem:v30+s31+$0x0], $0xffff  }
0x4b5: {  	[tilespmem:s10+$0xFFFFFE70] =	vst v13;
	v17 =	vld.idx.msk [tilespmem:v29+s31+$0x0], $0xffff;
	v35 =	vor.u32 v0, v11  }
0x4b6: {  	v36 =	vor.u32 v1, v10;
	v16 =	vshll.u32 v31, $0x6;
	v20 =	vld.idx.msk [tilespmem:v33+s31+$0x0], $0xffff  }
0x4b7: {  	v19 =	vld.idx.msk [tilespmem:v32+s31+$0x0], $0xffff;
	v13 =	vor.u32 v0, v16  }
0x4b8: {  	v37 =	vor.u32 v1, v12;
	v21 =	vshll.u32 v34, $0x6;
	v14 =	vld.idx.msk [tilespmem:v14+s31+$0x0], $0xffff;
	[tilespmem:s11+$0x70] =	vst v6  }
0x4b9: {  	v6 =	vor.u32 v0, v21;
	v8 =	vld.idx.msk [tilespmem:v8+s31+$0x0], $0xffff  }
0x4ba: {  	v38 =	vor.u32 v1, v9;
	v22 =	vld.idx.msk [tilespmem:v35+s31+$0x0], $0xffff;
	[tilespmem:s12+$0x50] =	vst v17  }
0x4bb: {  	v39 =	vor.u32 v2, v7;
	v17 =	vld.idx.msk [tilespmem:v36+s31+$0x0], $0xffff  }
0x4bc: {  	v26 =	vor.u32 v1, v11;
	v13 =	vld.idx.msk [tilespmem:v13+s31+$0x0], $0xffff;
	[tilespmem:s14+$0x30] =	vst v19  }
0x4bd: {  	v40 =	vor.u32 v2, v10;
	v19 =	vld.idx.msk [tilespmem:v37+s31+$0x0], $0xffff  }
0x4be: {  	v27 =	vor.u32 v1, v16;
	[tilespmem:s16+$0x10] =	vst v14;
	v6 =	vld.idx.msk [tilespmem:v6+s31+$0x0], $0xffff  }
0x4bf: {  	v41 =	vor.u32 v2, v12;
	v14 =	vld.idx.msk [tilespmem:v38+s31+$0x0], $0xffff;
	[tilespmem:s11+$0xF0] =	vst v8  }
0x4c0: {  	v8 =	vor.u32 v1, v21;
	[tilespmem:s16+$0xFFFFFE10] =	vst v22;
	v42 =	vld.idx.msk [tilespmem:v39+s31+$0x0], $0xffff  }
0x4c1: {  	v44 =	vor.u32 v2, v9;
	v43 =	vld.idx.msk [tilespmem:v26+s31+$0x0], $0xffff;
	[tilespmem:s12+$0xD0] =	vst v17  }
0x4c2: {  	v7 =	vor.u32 v3, v7;
	[tilespmem:s14+$0xFFFFFE30] =	vst v13;
	v13 =	vld.idx.msk [tilespmem:v40+s31+$0x0], $0xffff  }
0x4c3: {  	v45 =	vor.u32 v2, v11;
	v46 =	vld.idx.msk [tilespmem:v27+s31+$0x0], $0xffff;
	[tilespmem:s14+$0xB0] =	vst v19  }
0x4c4: {  	v10 =	vor.u32 v3, v10;
	v19 =	vld.idx.msk [tilespmem:v41+s31+$0x0], $0xffff;
	[tilespmem:s12+$0xFFFFFE50] =	vst v6  }
0x4c5: {  	v47 =	vor.u32 v2, v16;
	[tilespmem:s16+$0x90] =	vst v14;
	v8 =	vld.idx.msk [tilespmem:v8+s31+$0x0], $0xffff  }
0x4c6: {  	v12 =	vor.u32 v3, v12;
	v14 =	vld.idx.msk [tilespmem:v44+s31+$0x0], $0xffff;
	[tilespmem:s11+$0x170] =	vst v42  }
0x4c7: {  	v48 =	vor.u32 v2, v21;
	[tilespmem:s16+$0xFFFFFE90] =	vst v43;
	v6 =	vld.idx.msk [tilespmem:v7+s31+$0x0], $0xffff  }
0x4c8: {  	v9 =	vor.u32 v3, v9;
	v7 =	vld.idx.msk [tilespmem:v45+s31+$0x0], $0xffff;
	[tilespmem:s12+$0x150] =	vst v13  }
0x4c9: {  	v13 =	vor.u32 v2, v15;
	[tilespmem:s14+$0xFFFFFEB0] =	vst v46;
	v10 =	vld.idx.msk [tilespmem:v10+s31+$0x0], $0xffff  }
0x4ca: {  	v11 =	vor.u32 v3, v11;
	v49 =	vld.idx.msk [tilespmem:v47+s31+$0x0], $0xffff;
	[tilespmem:s14+$0x130] =	vst v19  }
0x4cb: {  	v12 =	vld.idx.msk [tilespmem:v12+s31+$0x0], $0xffff;
	[tilespmem:s12+$0xFFFFFED0] =	vst v8  }
0x4cc: {  	v8 =	vor.u32 v3, v16;
	[tilespmem:s16+$0x110] =	vst v14;
	v14 =	vld.idx.msk [tilespmem:v48+s31+$0x0], $0xffff  }
0x4cd: {  	[tilespmem:s11+$0xFFFFFEE0] =	vst v18;
	v9 =	vld.idx.msk [tilespmem:v9+s31+$0x0], $0xffff  }
0x4ce: {  	v50 =	vor.u32 v3, v21;
	[tilespmem:s16+$0xFFFFFF10] =	vst v7;
	v7 =	vld.idx.msk [tilespmem:v13+s31+$0x0], $0xffff  }
0x4cf: {  	v11 =	vld.idx.msk [tilespmem:v11+s31+$0x0], $0xffff;
	[tilespmem:s12+$0x1D0] =	vst v10  }
0x4d0: {  	v13 =	vor.u32 v3, v15;
	[tilespmem:s14+$0xFFFFFF30] =	vst v49;
	v10 =	vld [tilespmem:s13+$0x60]  }
0x4d1: {  	v8 =	vld.idx.msk [tilespmem:v8+s31+$0x0], $0xffff;
	[tilespmem:s14+$0x1B0] =	vst v12  }
0x4d2: {  	v12 =	vld [tilespmem:s15+$0x40];
	[tilespmem:s12+$0xFFFFFF50] =	vst v14  }
0x4d3: {  	[tilespmem:s16+$0x190] =	vst v9;
	v9 =	vld.idx.msk [tilespmem:v50+s31+$0x0], $0xffff  }
0x4d4: {  	v14 =	vld [tilespmem:s17+$0x20];
	[tilespmem:s11+$0xFFFFFF60] =	vst v7  }
0x4d5: {  	s7 =	simm.s32 $0x1D00;
	v52 =	vor.u32 v2, v5;
	v13 =	vld.idx.msk [tilespmem:v13+s31+$0x0], $0xffff  }
0x4d6: {  	[tilespmem:s16+$0xFFFFFF90] =	vst v11;
	v11 =	vld [tilespmem:s7+$0xFFFFFF80]  }
0x4d7: {  	v7 =	vshll.u32 v10, $0x6;
	v10 =	vld [tilespmem:s7+$0x0]  }
0x4d8: {  	[tilespmem:s14+$0xFFFFFFB0] =	vst v8;
	v8 =	vld [tilespmem:s17+$0xFFFFFFA0];
	v15 =	vor.u32 v0, v7  }
0x4d9: {  	[tilespmem:s10+$0xFFFFFEF0] =	vst v20;
	v12 =	vshll.u32 v12, $0x6  }
0x4da: {  	v17 =	vld.idx.msk [tilespmem:v52+s31+$0x0], $0xffff;
	v51 =	vor.u32 v0, v12;
	v14 =	vshll.u32 v14, $0x6  }
0x4db: {  	v53 =	vld [tilespmem:s15+$0xFFFFFFC0];
	[tilespmem:s12+$0xFFFFFFD0] =	vst v9;
	v9 =	vor.u32 v0, v14;
	v11 =	vshll.u32 v11, $0x6  }
0x4dc: {  	v54 =	vld [tilespmem:s13+$0xFFFFFFE0];
	v10 =	vshll.u32 v10, $0x6;
	v57 =	vor.u32 v0, v11  }
0x4dd: {  	[tilespmem:s11+$0xFFFFFFE0] =	vst v13;
	v8 =	vshll.u32 v8, $0x6;
	v15 =	vld.idx.msk [tilespmem:v15+s31+$0x0], $0xffff;
	v13 =	vor.u32 v0, v10  }
0x4de: {  	v55 =	vld [tilespmem:s21+$0xFFFFFFF0];
	v59 =	vor.u32 v0, v8  }
0x4df: {  	v56 =	vor.u32 v1, v7;
	v16 =	vld.idx.msk [tilespmem:v51+s31+$0x0], $0xffff  }
0x4e0: {  	v58 =	vor.u32 v1, v12;
	v9 =	vld.idx.msk [tilespmem:v9+s31+$0x0], $0xffff  }
0x4e1: {  	v60 =	vor.u32 v1, v14;
	v18 =	vshll.u32 v53, $0x6;
	v20 =	vld.idx.msk [tilespmem:v57+s31+$0x0], $0xffff  }
0x4e2: {  	v13 =	vld.idx.msk [tilespmem:v13+s31+$0x0], $0xffff;
	[tilespmem:s12+$0x60] =	vst v15;
	v15 =	vor.u32 v0, v18  }
0x4e3: {  	v63 =	vor.u32 v1, v11;
	v24 =	vld.idx.msk [tilespmem:v59+s31+$0x0], $0xffff  }
0x4e4: {  	v61 =	vor.u32 v1, v10;
	v22 =	vld.idx.msk [tilespmem:v56+s31+$0x0], $0xffff;
	[tilespmem:s14+$0x40] =	vst v16  }
0x4e5: {  	s23 =	simm.s32 $0x9180;
	v28 =	vor.u32 v1, v8;
	v16 =	vld.idx.msk [tilespmem:v58+s31+$0x0], $0xffff;
	[tilespmem:s16+$0x20] =	vst v9  }
0x4e6: {  	v62 =	vor.u32 v2, v7;
	v9 =	vld.idx.msk [tilespmem:v60+s31+$0x0], $0xffff;
	[tilespmem:s23+$0xFFFFFE00] =	vst v20  }
0x4e7: {  	v32 =	vor.u32 v2, v12;
	[tilespmem:s23+$0x0] =	vst v13;
	v13 =	vld.idx.msk [tilespmem:v15+s31+$0x0], $0xffff  }
0x4e8: {  	v33 =	vor.u32 v2, v14;
	v36 =	vld.idx.msk [tilespmem:v63+s31+$0x0], $0xffff;
	[tilespmem:s16+$0xFFFFFE20] =	vst v24  }
0x4e9: {  	v34 =	vor.u32 v1, v18;
	v15 =	vld.idx.msk [tilespmem:v61+s31+$0x0], $0xffff;
	[tilespmem:s12+$0xE0] =	vst v22  }
0x4ea: {  	v38 =	vor.u32 v2, v11;
	v39 =	vld.idx.msk [tilespmem:v28+s31+$0x0], $0xffff;
	[tilespmem:s14+$0xC0] =	vst v16  }
0x4eb: {  	v37 =	vor.u32 v2, v10;
	v35 =	vld.idx.msk [tilespmem:v62+s31+$0x0], $0xffff;
	[tilespmem:s16+$0xA0] =	vst v9  }
0x4ec: {  	v7 =	vor.u32 v3, v7;
	v16 =	vld.idx.msk [tilespmem:v32+s31+$0x0], $0xffff;
	[tilespmem:s14+$0xFFFFFE40] =	vst v13  }
0x4ed: {  	v12 =	vor.u32 v3, v12;
	v9 =	vld.idx.msk [tilespmem:v33+s31+$0x0], $0xffff;
	[tilespmem:s23+$0xFFFFFE80] =	vst v36  }
0x4ee: {  	v13 =	vor.u32 v2, v8;
	[tilespmem:s23+$0x80] =	vst v15;
	v15 =	vld.idx.msk [tilespmem:v34+s31+$0x0], $0xffff  }
0x4ef: {  	v14 =	vor.u32 v3, v14;
	v23 =	vld.idx.msk [tilespmem:v38+s31+$0x0], $0xffff  }
0x4f0: {  	v41 =	vor.u32 v2, v18;
	v40 =	vld.idx.msk [tilespmem:v37+s31+$0x0], $0xffff;
	[tilespmem:s12+$0x160] =	vst v35  }
0x4f1: {  	v11 =	vor.u32 v3, v11;
	v7 =	vld.idx.msk [tilespmem:v7+s31+$0x0], $0xffff;
	[tilespmem:s14+$0x140] =	vst v16  }
0x4f2: {  	v10 =	vor.u32 v3, v10;
	[tilespmem:s16+$0xFFFFFEA0] =	vst v39;
	v12 =	vld.idx.msk [tilespmem:v12+s31+$0x0], $0xffff  }
0x4f3: {  	v13 =	vld.idx.msk [tilespmem:v13+s31+$0x0], $0xffff;
	[tilespmem:s16+$0x120] =	vst v9  }
0x4f4: {  	v9 =	vld.idx.msk [tilespmem:v14+s31+$0x0], $0xffff;
	[tilespmem:s14+$0xFFFFFEC0] =	vst v15  }
0x4f5: {  	v8 =	vor.u32 v3, v8;
	[tilespmem:s23+$0xFFFFFF00] =	vst v23;
	v14 =	vld.idx.msk [tilespmem:v41+s31+$0x0], $0xffff  }
0x4f6: {  	[tilespmem:s23+$0x100] =	vst v40;
	v11 =	vld.idx.msk [tilespmem:v11+s31+$0x0], $0xffff  }
0x4f7: {  	v15 =	vor.u32 v3, v18;
	v10 =	vld.idx.msk [tilespmem:v10+s31+$0x0], $0xffff;
	[tilespmem:s12+$0x1E0] =	vst v7  }
0x4f8: {  	v43 =	vshll.u32 v54, $0x6;
	v42 =	vld [tilespmem:s13+$0x70];
	[tilespmem:s14+$0x1C0] =	vst v12  }
0x4f9: {  	v12 =	vor.u32 v0, v43;
	[tilespmem:s16+$0xFFFFFF20] =	vst v13;
	v13 =	vld [tilespmem:s15+$0x50]  }
0x4fa: {  	v7 =	vshll.u32 v55, $0x6;
	v8 =	vld.idx.msk [tilespmem:v8+s31+$0x0], $0xffff;
	[tilespmem:s16+$0x1A0] =	vst v9  }
0x4fb: {  	v9 =	vor.u32 v0, v7;
	v44 =	vld [tilespmem:s17+$0x30];
	[tilespmem:s14+$0xFFFFFF40] =	vst v14  }
0x4fc: {  	[tilespmem:s23+$0x180] =	vst v10;
	v10 =	vld.idx.msk [tilespmem:v15+s31+$0x0], $0xffff  }
0x4fd: {  	v14 =	vshll.u32 v42, $0x6;
	v15 =	vld [tilespmem:s7+$0x10]  }
0x4fe: {  	[tilespmem:s23+$0xFFFFFF80] =	vst v11;
	v12 =	vld.idx.msk [tilespmem:v12+s31+$0x0], $0xffff;
	v16 =	vor.u32 v0, v14  }
0x4ff: {  	v46 =	vor.u32 v1, v43;
	v11 =	vshll.u32 v13, $0x6;
	v13 =	vld [tilespmem:s7+$0xFFFFFF90]  }
0x500: {  	v45 =	vor.u32 v0, v11;
	[tilespmem:s16+$0xFFFFFFA0] =	vst v8;
	v9 =	vld.idx.msk [tilespmem:v9+s31+$0x0], $0xffff  }
0x501: {  	v49 =	vor.u32 v1, v7;
	v8 =	vshll.u32 v44, $0x6;
	v47 =	vld [tilespmem:s17+$0xFFFFFFB0];
	[tilespmem:s14+$0xFFFFFFC0] =	vst v10  }
0x502: {  	v48 =	vor.u32 v0, v8;
	v15 =	vshll.u32 v15, $0x6;
	v51 =	vld [tilespmem:s15+$0xFFFFFFD0]  }
0x503: {  	[tilespmem:s12+$0xFFFFFE60] =	vst v12;
	v10 =	vld.idx.msk [tilespmem:v16+s31+$0x0], $0xffff;
	v50 =	vor.u32 v0, v15  }
0x504: {  	[tilespmem:s10+$0x1F0] =	vst v4;
	v12 =	vor.u32 v1, v14;
	v13 =	vshll.u32 v13, $0x6;
	v21 =	vld.idx.msk [tilespmem:v46+s31+$0x0], $0xffff  }
0x505: {  	v20 =	vld.idx.msk [tilespmem:v45+s31+$0x0], $0xffff;
	v4 =	vor.u32 v0, v13;
	[tilespmem:s11+$0xFFFFFE70] =	vst v9  }
0x506: {  	v52 =	vor.u32 v1, v11;
	v19 =	vshll.u32 v47, $0x6;
	v9 =	vld.idx.msk [tilespmem:v49+s31+$0x0], $0xffff  }
0x507: {  	[tilespmem:s11+$0x1F0] =	vst v6;
	v22 =	vld.idx.msk [tilespmem:v48+s31+$0x0], $0xffff;
	v6 =	vor.u32 v0, v19  }
0x508: {  	v53 =	vor.u32 v1, v8;
	v24 =	vshll.u32 v51, $0x6;
	v16 =	vld.idx.msk [tilespmem:v50+s31+$0x0], $0xffff;
	[tilespmem:s12+$0x70] =	vst v10  }
0x509: {  	[tilespmem:s10+$0xFFFFFF70] =	vst v17;
	v10 =	vor.u32 v0, v24;
	v12 =	vld.idx.msk [tilespmem:v12+s31+$0x0], $0xffff  }
0x50a: {  	v54 =	vor.u32 v1, v15;
	v4 =	vld.idx.msk [tilespmem:v4+s31+$0x0], $0xffff;
	[tilespmem:s14+$0x50] =	vst v20  }
0x50b: {  	v55 =	vor.u32 v2, v14;
	[tilespmem:s12+$0xFFFFFEE0] =	vst v21;
	v20 =	vld.idx.msk [tilespmem:v52+s31+$0x0], $0xffff  }
0x50c: {  	v56 =	vor.u32 v1, v13;
	v6 =	vld.idx.msk [tilespmem:v6+s31+$0x0], $0xffff;
	[tilespmem:s16+$0x30] =	vst v22  }
0x50d: {  	v57 =	vor.u32 v2, v11;
	[tilespmem:s11+$0xFFFFFEF0] =	vst v9;
	v22 =	vld.idx.msk [tilespmem:v53+s31+$0x0], $0xffff  }
0x50e: {  	v9 =	vor.u32 v1, v19;
	[tilespmem:s23+$0x10] =	vst v16;
	v10 =	vld.idx.msk [tilespmem:v10+s31+$0x0], $0xffff  }
0x50f: {  	v58 =	vor.u32 v2, v8;
	v16 =	vld.idx.msk [tilespmem:v54+s31+$0x0], $0xffff;
	[tilespmem:s12+$0xF0] =	vst v12  }
0x510: {  	v12 =	vor.u32 v1, v24;
	[tilespmem:s23+$0xFFFFFE10] =	vst v4;
	v4 =	vld.idx.msk [tilespmem:v55+s31+$0x0], $0xffff  }
0x511: {  	v60 =	vor.u32 v2, v15;
	v59 =	vld.idx.msk [tilespmem:v56+s31+$0x0], $0xffff;
	[tilespmem:s14+$0xD0] =	vst v20  }
0x512: {  	v14 =	vor.u32 v3, v14;
	[tilespmem:s16+$0xFFFFFE30] =	vst v6;
	v6 =	vld.idx.msk [tilespmem:v57+s31+$0x0], $0xffff  }
0x513: {  	v61 =	vor.u32 v2, v13;
	v9 =	vld.idx.msk [tilespmem:v9+s31+$0x0], $0xffff;
	[tilespmem:s16+$0xB0] =	vst v22  }
0x514: {  	v17 =	vld.idx.msk [tilespmem:v58+s31+$0x0], $0xffff;
	[tilespmem:s14+$0xFFFFFE50] =	vst v10;
	v10 =	vor.u32 v3, v11  }
0x515: {  	v11 =	vor.u32 v2, v19;
	[tilespmem:s23+$0x90] =	vst v16;
	v12 =	vld.idx.msk [tilespmem:v12+s31+$0x0], $0xffff  }
0x516: {  	v8 =	vor.u32 v3, v8;
	v16 =	vld.idx.msk [tilespmem:v60+s31+$0x0], $0xffff;
	[tilespmem:s12+$0x170] =	vst v4  }
0x517: {  	v4 =	vor.u32 v2, v24;
	[tilespmem:s23+$0xFFFFFE90] =	vst v59;
	v14 =	vld.idx.msk [tilespmem:v14+s31+$0x0], $0xffff  }
0x518: {  	v15 =	vor.u32 v3, v15;
	v20 =	vld.idx.msk [tilespmem:v61+s31+$0x0], $0xffff;
	[tilespmem:s14+$0x150] =	vst v6  }
0x519: {  	v6 =	vor.u32 v2, v43;
	[tilespmem:s16+$0xFFFFFEB0] =	vst v9;
	v9 =	vld.idx.msk [tilespmem:v10+s31+$0x0], $0xffff  }
0x51a: {  	v10 =	vor.u32 v3, v13;
	v11 =	vld.idx.msk [tilespmem:v11+s31+$0x0], $0xffff;
	[tilespmem:s16+$0x130] =	vst v17  }
0x51b: {  	v8 =	vld.idx.msk [tilespmem:v8+s31+$0x0], $0xffff;
	[tilespmem:s14+$0xFFFFFED0] =	vst v12  }
0x51c: {  	v12 =	vor.u32 v3, v19;
	[tilespmem:s23+$0x110] =	vst v16;
	v4 =	vld.idx.msk [tilespmem:v4+s31+$0x0], $0xffff  }
0x51d: {  	v13 =	vld.idx.msk [tilespmem:v15+s31+$0x0], $0xffff;
	[tilespmem:s12+$0x1F0] =	vst v14  }
0x51e: {  	v14 =	vor.u32 v3, v24;
	[tilespmem:s23+$0xFFFFFF10] =	vst v20;
	v6 =	vld.idx.msk [tilespmem:v6+s31+$0x0], $0xffff  }
0x51f: {  	s22 =	sor.u32 $0x1, s9;
	v15 =	vld.idx.msk [tilespmem:v10+s31+$0x0], $0xffff;
	[tilespmem:s14+$0x1D0] =	vst v9  }
0x520: {  	s24 =	smulhi.u32 $0x66666667, s22;
	v62 =	vor.u32 v3, v43;
	[tilespmem:s16+$0xFFFFFF30] =	vst v11;
	v63 =	vld [tilespmem:s15+$0x60]  }
0x521: {  	v10 =	vld.idx.msk [tilespmem:v12+s31+$0x0], $0xffff;
	[tilespmem:s16+$0x1B0] =	vst v8  }
0x522: {  	s25 =	sshrl.u32 s24, $0x1;
	v11 =	vld [tilespmem:s17+$0x40];
	[tilespmem:s14+$0xFFFFFF50] =	vst v4  }
0x523: {  	s21 =	smul.u32 $0x5, s25;
	[tilespmem:s23+$0x190] =	vst v13;
	v9 =	vld.idx.msk [tilespmem:v14+s31+$0x0], $0xffff  }
0x524: {  	s24 =	simm.s32 $0xA;
	s18 =	sadd.s32 s5, s25;
	v5 =	vor.u32 v3, v5;
	[tilespmem:s12+$0xFFFFFF60] =	vst v6;
	v12 =	vld [tilespmem:s7+$0x20]  }
0x525: {  	s25 =	simm.s32 $0x1E00;
	s21 =	ssub.s32 s22, s21;
	s22 =	simm.s32 $0x9180;
	v4 =	vor.u32 v3, v7;
	v6 =	vor.u32 v2, v7;
	v8 =	vld.idx.msk [tilespmem:v62+s31+$0x0], $0xffff;
	[tilespmem:s23+$0xFFFFFF90] =	vst v15;
	v7 =	vshll.u32 v63, $0x6  }
.LBB2_5:
0x526: {  	v13 =	vld [tilespmem:s25+$0x0];
	s24 =	sadd.s32 $0x2, s24;
	v14 =	vor.u32 v0, v7  }
0x527: {  	v15 =	vld [tilespmem:s25+$0xFFFFFF80];
	p1 =	slt.u32 s24, $0x26;
	[tilespmem:s16+$0xFFFFFFB0] =	vst v10;
	v11 =	vshll.u32 v11, $0x6  }
0x528: {  	v10 =	vld [tilespmem:s7+$0xFFFFFFA0];
	v16 =	vor.u32 v0, v11  }
0x529: {  	v12 =	vshll.u32 v12, $0x6;
	v17 =	vld [tilespmem:s17+$0xFFFFFFC0];
	[tilespmem:s14+$0xFFFFFFD0] =	vst v9  }
0x52a: {  	v9 =	vor.u32 v0, v12;
	v18 =	vld [tilespmem:s15+$0xFFFFFFE0]  }
0x52b: {  	v13 =	vshll.u32 v13, $0x6;
	v14 =	vld.idx.msk [tilespmem:v14+s31+$0x0], $0xffff;
	[tilespmem:s12+$0xFFFFFFE0] =	vst v8  }
0x52c: {  	v8 =	vshll.u32 v15, $0x6;
	v15 =	vor.u32 v0, v13;
	v19 =	vld [tilespmem:s13+$0xFFFFFFF0];
	s13 =	smov.u32 s15;
	s15 =	smov.u32 s17;
	s17 =	smov.u32 s7  }
0x52d: {  	v22 =	vor.u32 v1, v7;
	s7 =	smov.u32 s25;
	v20 =	vor.u32 v0, v8;
	v21 =	vor.u32 v1, v8;
	v16 =	vld.idx.msk [tilespmem:v16+s31+$0x0], $0xffff  }
0x52e: {  	v23 =	vor.u32 v2, v8;
	v24 =	vor.u32 v3, v8;
	v8 =	vshll.u32 v10, $0x6;
	v25 =	vld.idx.msk [tilespmem:v6+s31+$0x0], $0xffff  }
0x52f: {  	v6 =	vor.u32 v0, v8;
	v26 =	vor.u32 v1, v8;
	v27 =	vld.idx.msk [tilespmem:v9+s31+$0x0], $0xffff;
	v9 =	vor.u32 v1, v11  }
0x530: {  	v28 =	vor.u32 v2, v8;
	v29 =	vor.u32 v3, v8;
	v8 =	vshll.u32 v17, $0x6;
	v17 =	vld.idx.msk [tilespmem:v5+s31+$0x0], $0xffff;
	v5 =	vmovc v4  }
0x531: {  	v30 =	vor.u32 v0, v8;
	v18 =	vshll.u32 v18, $0x6;
	v4 =	vld.idx.msk [tilespmem:v15+s31+$0x0], $0xffff;
	v15 =	vor.u32 v1, v12;
	[tilespmem:s14+$0x60] =	vst v14  }
0x532: {  	v31 =	vor.u32 v2, v8;
	v32 =	vor.u32 v3, v8;
	v14 =	vor.u32 v1, v8;
	v22 =	vld.idx.msk [tilespmem:v22+s31+$0x0], $0xffff  }
0x533: {  	v33 =	vor.u32 v1, v13;
	v19 =	vshll.u32 v19, $0x6;
	v20 =	vld.idx.msk [tilespmem:v20+s31+$0x0], $0xffff;
	[tilespmem:s16+$0x40] =	vst v16;
	v16 =	vor.u32 v0, v18  }
0x534: {  	v35 =	vor.u32 v2, v7;
	v10 =	vor.u32 v1, v18;
	v34 =	vld.idx.msk [tilespmem:v9+s31+$0x0], $0xffff;
	v9 =	vor.u32 v2, v18  }
0x535: {  	v8 =	vor.u32 v3, v18;
	v18 =	vor.u32 v0, v19;
	v36 =	vld.idx.msk [tilespmem:v6+s31+$0x0], $0xffff;
	[tilespmem:s23+$0x20] =	vst v27  }
0x536: {  	v37 =	vor.u32 v1, v19;
	s23 =	sadd.s32 $0x400, s23;
	v27 =	vor.u32 v2, v11;
	v6 =	vor.u32 v2, v19;
	v15 =	vld.idx.msk [tilespmem:v15+s31+$0x0], $0xffff  }
0x537: {  	[tilespmem:s23+$0x0] =	vst v4;
	v30 =	vld.idx.msk [tilespmem:v30+s31+$0x0], $0xffff;
	v4 =	vor.u32 v3, v19  }
0x538: {  	v19 =	vld.idx.msk [tilespmem:v33+s31+$0x0], $0xffff;
	v33 =	vor.u32 v2, v12;
	[tilespmem:s14+$0xE0] =	vst v22  }
0x539: {  	[tilespmem:s23+$0xFFFFFE00] =	vst v20;
	v20 =	vld.idx.msk [tilespmem:v35+s31+$0x0], $0xffff  }
0x53a: {  	v22 =	vor.u32 v2, v13;
	v21 =	vld.idx.msk [tilespmem:v21+s31+$0x0], $0xffff;
	[tilespmem:s16+$0xC0] =	vst v34  }
0x53b: {  	v7 =	vor.u32 v3, v7;
	[tilespmem:s22+$0xFFFFFE20] =	vst v36;
	v27 =	vld.idx.msk [tilespmem:v27+s31+$0x0], $0xffff  }
0x53c: {  	v26 =	vld.idx.msk [tilespmem:v26+s31+$0x0], $0xffff;
	[tilespmem:s22+$0xA0] =	vst v15  }
0x53d: {  	v11 =	vor.u32 v3, v11;
	v15 =	vld.idx.msk [tilespmem:v33+s31+$0x0], $0xffff;
	[tilespmem:s16+$0xFFFFFE40] =	vst v30  }
0x53e: {  	[tilespmem:s23+$0x80] =	vst v19;
	v14 =	vld.idx.msk [tilespmem:v14+s31+$0x0], $0xffff  }
0x53f: {  	v12 =	vor.u32 v3, v12;
	v19 =	vld.idx.msk [tilespmem:v22+s31+$0x0], $0xffff;
	[tilespmem:s14+$0x160] =	vst v20  }
0x540: {  	[tilespmem:s23+$0xFFFFFE80] =	vst v21;
	v7 =	vld.idx.msk [tilespmem:v7+s31+$0x0], $0xffff  }
0x541: {  	v13 =	vor.u32 v3, v13;
	v20 =	vld.idx.msk [tilespmem:v23+s31+$0x0], $0xffff;
	[tilespmem:s16+$0x140] =	vst v27  }
0x542: {  	[tilespmem:s22+$0xFFFFFEA0] =	vst v26;
	v11 =	vld.idx.msk [tilespmem:v11+s31+$0x0], $0xffff  }
0x543: {  	v21 =	vld.idx.msk [tilespmem:v28+s31+$0x0], $0xffff;
	[tilespmem:s22+$0x120] =	vst v15  }
0x544: {  	v12 =	vld.idx.msk [tilespmem:v12+s31+$0x0], $0xffff;
	[tilespmem:s16+$0xFFFFFEC0] =	vst v14  }
0x545: {  	[tilespmem:s23+$0x100] =	vst v19;
	v14 =	vld.idx.msk [tilespmem:v31+s31+$0x0], $0xffff  }
0x546: {  	v13 =	vld.idx.msk [tilespmem:v13+s31+$0x0], $0xffff;
	[tilespmem:s14+$0x1E0] =	vst v7  }
0x547: {  	[tilespmem:s23+$0xFFFFFF00] =	vst v20;
	v7 =	vld [tilespmem:s13+$0x70]  }
0x548: {  	v15 =	vld.idx.msk [tilespmem:v24+s31+$0x0], $0xffff;
	[tilespmem:s16+$0x1C0] =	vst v11  }
0x549: {  	[tilespmem:s22+$0xFFFFFF20] =	vst v21;
	v11 =	vld [tilespmem:s15+$0x50]  }
0x54a: {  	v19 =	vld.idx.msk [tilespmem:v29+s31+$0x0], $0xffff;
	[tilespmem:s22+$0x1A0] =	vst v12  }
0x54b: {  	v12 =	vld [tilespmem:s17+$0x30];
	[tilespmem:s16+$0xFFFFFF40] =	vst v14  }
0x54c: {  	[tilespmem:s23+$0x180] =	vst v13;
	v13 =	vld.idx.msk [tilespmem:v32+s31+$0x0], $0xffff;
	v7 =	vshll.u32 v7, $0x6  }
0x54d: {  	v14 =	vld [tilespmem:s25+$0x10];
	v20 =	vor.u32 v0, v7;
	[tilespmem:s11+$0xFFFFFF70] =	vst v25  }
0x54e: {  	[tilespmem:s23+$0xFFFFFF80] =	vst v15;
	v11 =	vshll.u32 v11, $0x6;
	v15 =	vld.idx.msk [tilespmem:v16+s31+$0x0], $0xffff  }
0x54f: {  	v16 =	vld [tilespmem:s25+$0xFFFFFF90];
	v21 =	vor.u32 v0, v11;
	[tilespmem:s10+$0xFFFFFFF0] =	vst v17;
	s10 =	smov.u32 s11;
	s11 =	smov.u32 s12;
	s12 =	smov.u32 s14  }
0x550: {  	s14 =	smov.u32 s16;
	s16 =	smov.u32 s22;
	[tilespmem:s22+$0xFFFFFFA0] =	vst v19;
	v12 =	vshll.u32 v12, $0x6;
	v17 =	vld.idx.msk [tilespmem:v18+s31+$0x0], $0xffff;
	s22 =	smov.u32 s23  }
0x551: {  	v18 =	vld [tilespmem:s17+$0xFFFFFFB0];
	v19 =	vor.u32 v0, v12  }
0x552: {  	v14 =	vshll.u32 v14, $0x6;
	[tilespmem:s14+$0xFFFFFFC0] =	vst v13;
	v13 =	vld.idx.msk [tilespmem:v20+s31+$0x0], $0xffff  }
0x553: {  	v20 =	vor.u32 v0, v14;
	v22 =	vld [tilespmem:s15+$0xFFFFFFD0]  }
0x554: {  	v16 =	vshll.u32 v16, $0x6;
	v21 =	vld.idx.msk [tilespmem:v21+s31+$0x0], $0xffff;
	[tilespmem:s12+$0xFFFFFE60] =	vst v15;
	v15 =	vor.u32 v1, v7  }
0x555: {  	v23 =	vor.u32 v0, v16;
	v24 =	vor.u32 v1, v16;
	v25 =	vor.u32 v2, v16;
	v10 =	vld.idx.msk [tilespmem:v10+s31+$0x0], $0xffff  }
0x556: {  	v26 =	vor.u32 v1, v11;
	v16 =	vor.u32 v3, v16;
	v18 =	vshll.u32 v18, $0x6;
	v19 =	vld.idx.msk [tilespmem:v19+s31+$0x0], $0xffff;
	[tilespmem:s11+$0xFFFFFE70] =	vst v17  }
0x557: {  	v17 =	vor.u32 v0, v18;
	v27 =	vor.u32 v1, v18;
	v28 =	vor.u32 v2, v18;
	v29 =	vld.idx.msk [tilespmem:v37+s31+$0x0], $0xffff  }
0x558: {  	v30 =	vor.u32 v1, v12;
	v18 =	vor.u32 v3, v18;
	v20 =	vld.idx.msk [tilespmem:v20+s31+$0x0], $0xffff;
	v22 =	vshll.u32 v22, $0x6;
	[tilespmem:s12+$0x70] =	vst v13  }
0x559: {  	v13 =	vor.u32 v0, v22;
	v31 =	vor.u32 v1, v22;
	v32 =	vor.u32 v2, v22;
	v15 =	vld.idx.msk [tilespmem:v15+s31+$0x0], $0xffff  }
0x55a: {  	v33 =	vor.u32 v1, v14;
	v22 =	vor.u32 v3, v22;
	v23 =	vld.idx.msk [tilespmem:v23+s31+$0x0], $0xffff;
	[tilespmem:s14+$0x50] =	vst v21  }
0x55b: {  	v21 =	vld.idx.msk [tilespmem:v26+s31+$0x0], $0xffff;
	[tilespmem:s12+$0xFFFFFEE0] =	vst v10;
	v10 =	vor.u32 v2, v7  }
0x55c: {  	v17 =	vld.idx.msk [tilespmem:v17+s31+$0x0], $0xffff;
	[tilespmem:s16+$0x30] =	vst v19  }
0x55d: {  	v26 =	vor.u32 v2, v11;
	v19 =	vld.idx.msk [tilespmem:v30+s31+$0x0], $0xffff;
	[tilespmem:s11+$0xFFFFFEF0] =	vst v29  }
0x55e: {  	[tilespmem:s23+$0x10] =	vst v20;
	v13 =	vld.idx.msk [tilespmem:v13+s31+$0x0], $0xffff  }
0x55f: {  	v29 =	vor.u32 v2, v12;
	v20 =	vld.idx.msk [tilespmem:v33+s31+$0x0], $0xffff;
	[tilespmem:s12+$0xF0] =	vst v15  }
0x560: {  	[tilespmem:s23+$0xFFFFFE10] =	vst v23;
	v10 =	vld.idx.msk [tilespmem:v10+s31+$0x0], $0xffff  }
0x561: {  	v23 =	vor.u32 v2, v14;
	v15 =	vld.idx.msk [tilespmem:v24+s31+$0x0], $0xffff;
	[tilespmem:s14+$0xD0] =	vst v21  }
0x562: {  	v7 =	vor.u32 v3, v7;
	[tilespmem:s16+$0xFFFFFE30] =	vst v17;
	v17 =	vld.idx.msk [tilespmem:v26+s31+$0x0], $0xffff  }
0x563: {  	v21 =	vld.idx.msk [tilespmem:v27+s31+$0x0], $0xffff;
	[tilespmem:s16+$0xB0] =	vst v19  }
0x564: {  	v11 =	vor.u32 v3, v11;
	v19 =	vld.idx.msk [tilespmem:v29+s31+$0x0], $0xffff;
	[tilespmem:s14+$0xFFFFFE50] =	vst v13  }
0x565: {  	[tilespmem:s23+$0x90] =	vst v20;
	v13 =	vld.idx.msk [tilespmem:v31+s31+$0x0], $0xffff  }
0x566: {  	v12 =	vor.u32 v3, v12;
	v20 =	vld.idx.msk [tilespmem:v23+s31+$0x0], $0xffff;
	[tilespmem:s12+$0x170] =	vst v10  }
0x567: {  	[tilespmem:s23+$0xFFFFFE90] =	vst v15;
	v7 =	vld.idx.msk [tilespmem:v7+s31+$0x0], $0xffff  }
0x568: {  	v14 =	vor.u32 v3, v14;
	v10 =	vld.idx.msk [tilespmem:v25+s31+$0x0], $0xffff;
	[tilespmem:s14+$0x150] =	vst v17  }
0x569: {  	[tilespmem:s16+$0xFFFFFEB0] =	vst v21;
	v11 =	vld.idx.msk [tilespmem:v11+s31+$0x0], $0xffff  }
0x56a: {  	v15 =	vld.idx.msk [tilespmem:v28+s31+$0x0], $0xffff;
	[tilespmem:s16+$0x130] =	vst v19  }
0x56b: {  	v12 =	vld.idx.msk [tilespmem:v12+s31+$0x0], $0xffff;
	[tilespmem:s14+$0xFFFFFED0] =	vst v13  }
0x56c: {  	[tilespmem:s23+$0x110] =	vst v20;
	v13 =	vld.idx.msk [tilespmem:v32+s31+$0x0], $0xffff  }
0x56d: {  	v14 =	vld.idx.msk [tilespmem:v14+s31+$0x0], $0xffff;
	[tilespmem:s12+$0x1F0] =	vst v7  }
0x56e: {  	[tilespmem:s23+$0xFFFFFF10] =	vst v10;
	v7 =	vld.idx.msk [tilespmem:v9+s31+$0x0], $0xffff  }
0x56f: {  	v16 =	vld.idx.msk [tilespmem:v16+s31+$0x0], $0xffff;
	[tilespmem:s14+$0x1D0] =	vst v11  }
0x570: {  	[tilespmem:s16+$0xFFFFFF30] =	vst v15;
	v15 =	vld [tilespmem:s15+$0x60]  }
.Ltmp3:
0x571: {  	v10 =	vld.idx.msk [tilespmem:v18+s31+$0x0], $0xffff;
	[tilespmem:s16+$0x1B0] =	vst v12;
	(pc) =	sbr.rel @p1 .LBB2_5-.Ltmp3, $4  }
0x572: {  	v11 =	vld [tilespmem:s17+$0x40];
	[tilespmem:s14+$0xFFFFFF50] =	vst v13  }
0x573: {  	[tilespmem:s23+$0x190] =	vst v14;
	v9 =	vld.idx.msk [tilespmem:v22+s31+$0x0], $0xffff  }
0x574: {  	v12 =	vld [tilespmem:s25+$0x20];
	[tilespmem:s12+$0xFFFFFF60] =	vst v7  }
0x575: {  	s25 =	sadd.s32 $0x100, s25;
	[tilespmem:s23+$0xFFFFFF90] =	vst v16;
	v7 =	vshll.u32 v15, $0x6;
	v8 =	vld.idx.msk [tilespmem:v8+s31+$0x0], $0xffff  }
0x576: {  	v13 =	vld [tilespmem:s7+$0xFFFFFFA0];
	_ =	sdelay $0x3  }
0x577: {  	v12 =	vshll.u32 v12, $0x6  }
0x578: {  	v14 =	vor.u32 v0, v12;
	v13 =	vshll.u32 v13, $0x6  }
0x579: {  	v15 =	vor.u32 v0, v13;
	_ =	sdelay $0x3  }
0x57a: {  	v14 =	vld.idx.msk [tilespmem:v14+s31+$0x0], $0xffff  }
0x57b: {  	v16 =	vor.u32 v1, v12;
	v15 =	vld.idx.msk [tilespmem:v15+s31+$0x0], $0xffff  }
0x57c: {  	v17 =	vor.u32 v1, v13;
	_ =	sdelay $0x2  }
0x57d: {  	[tilespmem:s23+$0x20] =	vst v14  }
0x57e: {  	v14 =	vld.idx.msk [tilespmem:v16+s31+$0x0], $0xffff;
	[tilespmem:s22+$0xFFFFFE20] =	vst v15  }
0x57f: {  	v25 =	vor.u32 v2, v12;
	v15 =	vld.idx.msk [tilespmem:v17+s31+$0x0], $0xffff  }
0x580: {  	v26 =	vor.u32 v2, v13;
	_ =	sdelay $0x2  }
0x581: {  	[tilespmem:s22+$0xA0] =	vst v14  }
0x582: {  	v14 =	vld.idx.msk [tilespmem:v25+s31+$0x0], $0xffff;
	[tilespmem:s22+$0xFFFFFEA0] =	vst v15  }
0x583: {  	v12 =	vor.u32 v3, v12;
	v15 =	vld.idx.msk [tilespmem:v26+s31+$0x0], $0xffff  }
0x584: {  	v13 =	vor.u32 v3, v13;
	_ =	sdelay $0x2  }
0x585: {  	[tilespmem:s22+$0x120] =	vst v14  }
0x586: {  	v12 =	vld.idx.msk [tilespmem:v12+s31+$0x0], $0xffff;
	[tilespmem:s22+$0xFFFFFF20] =	vst v15  }
0x587: {  	v13 =	vld.idx.msk [tilespmem:v13+s31+$0x0], $0xffff;
	_ =	sdelay $0x3  }
0x588: {  	[tilespmem:s22+$0x1A0] =	vst v12  }
0x589: {  	v12 =	vld [tilespmem:s7+$0x30];
	[tilespmem:s22+$0xFFFFFFA0] =	vst v13  }
0x58a: {  	v13 =	vld [tilespmem:s7+$0xFFFFFFB0];
	_ =	sdelay $0x3  }
0x58b: {  	v12 =	vshll.u32 v12, $0x6  }
0x58c: {  	v27 =	vor.u32 v0, v12;
	v13 =	vshll.u32 v13, $0x6  }
0x58d: {  	v28 =	vor.u32 v0, v13;
	_ =	sdelay $0x3  }
0x58e: {  	v14 =	vld.idx.msk [tilespmem:v27+s31+$0x0], $0xffff  }
0x58f: {  	v29 =	vor.u32 v1, v12;
	v15 =	vld.idx.msk [tilespmem:v28+s31+$0x0], $0xffff  }
0x590: {  	v30 =	vor.u32 v1, v13;
	_ =	sdelay $0x2  }
0x591: {  	[tilespmem:s22+$0x30] =	vst v14  }
0x592: {  	v14 =	vld.idx.msk [tilespmem:v29+s31+$0x0], $0xffff;
	[tilespmem:s22+$0xFFFFFE30] =	vst v15  }
0x593: {  	v31 =	vor.u32 v2, v12;
	v15 =	vld.idx.msk [tilespmem:v30+s31+$0x0], $0xffff  }
0x594: {  	v32 =	vor.u32 v2, v13;
	_ =	sdelay $0x2  }
0x595: {  	[tilespmem:s22+$0xB0] =	vst v14  }
0x596: {  	v14 =	vld.idx.msk [tilespmem:v31+s31+$0x0], $0xffff;
	[tilespmem:s22+$0xFFFFFEB0] =	vst v15  }
0x597: {  	v12 =	vor.u32 v3, v12;
	v15 =	vld.idx.msk [tilespmem:v32+s31+$0x0], $0xffff  }
0x598: {  	v13 =	vor.u32 v3, v13;
	_ =	sdelay $0x2  }
0x599: {  	[tilespmem:s22+$0x130] =	vst v14  }
0x59a: {  	v12 =	vld.idx.msk [tilespmem:v12+s31+$0x0], $0xffff;
	[tilespmem:s22+$0xFFFFFF30] =	vst v15  }
0x59b: {  	[tilespmem:s16+$0xFFFFFFB0] =	vst v10;
	v13 =	vld.idx.msk [tilespmem:v13+s31+$0x0], $0xffff  }
0x59c: {  	v10 =	vld [tilespmem:s17+$0xFFFFFFC0];
	_ =	sdelay $0x1  }
0x59d: {  	v11 =	vshll.u32 v11, $0x6  }
0x59e: {  	v33 =	vor.u32 v0, v11;
	[tilespmem:s22+$0x1B0] =	vst v12  }
0x59f: {  	v12 =	vld [tilespmem:s7+$0x40];
	[tilespmem:s22+$0xFFFFFFB0] =	vst v13  }
0x5a0: {  	v10 =	vshll.u32 v10, $0x6;
	v13 =	vld [tilespmem:s7+$0xFFFFFFC0]  }
0x5a1: {  	v35 =	vor.u32 v0, v10;
	_ =	sdelay $0x1  }
0x5a2: {  	v14 =	vld.idx.msk [tilespmem:v33+s31+$0x0], $0xffff  }
0x5a3: {  	v18 =	vor.u32 v1, v11;
	v12 =	vshll.u32 v12, $0x6  }
0x5a4: {  	v34 =	vor.u32 v0, v12;
	v13 =	vshll.u32 v13, $0x6  }
0x5a5: {  	v16 =	vld.idx.msk [tilespmem:v35+s31+$0x0], $0xffff;
	v36 =	vor.u32 v0, v13  }
0x5a6: {  	v20 =	vor.u32 v1, v10  }
0x5a7: {  	[tilespmem:s16+$0x40] =	vst v14  }
0x5a8: {  	v38 =	vld.idx.msk [tilespmem:v18+s31+$0x0], $0xffff  }
0x5a9: {  	v21 =	vor.u32 v2, v11;
	v15 =	vld.idx.msk [tilespmem:v34+s31+$0x0], $0xffff  }
0x5aa: {  	[tilespmem:s16+$0xFFFFFE40] =	vst v16;
	v19 =	vor.u32 v1, v12;
	v37 =	vld.idx.msk [tilespmem:v36+s31+$0x0], $0xffff  }
0x5ab: {  	v41 =	vld.idx.msk [tilespmem:v20+s31+$0x0], $0xffff;
	v39 =	vor.u32 v1, v13  }
0x5ac: {  	v42 =	vor.u32 v2, v10  }
0x5ad: {  	[tilespmem:s16+$0xC0] =	vst v38  }
0x5ae: {  	v44 =	vld.idx.msk [tilespmem:v21+s31+$0x0], $0xffff;
	[tilespmem:s22+$0x40] =	vst v15  }
0x5af: {  	v11 =	vor.u32 v3, v11;
	v15 =	vld.idx.msk [tilespmem:v19+s31+$0x0], $0xffff;
	[tilespmem:s22+$0xFFFFFE40] =	vst v37  }
0x5b0: {  	[tilespmem:s16+$0xFFFFFEC0] =	vst v41;
	v40 =	vor.u32 v2, v12;
	v43 =	vld.idx.msk [tilespmem:v39+s31+$0x0], $0xffff  }
0x5b1: {  	v14 =	vld.idx.msk [tilespmem:v42+s31+$0x0], $0xffff;
	v45 =	vor.u32 v2, v13  }
0x5b2: {  	v10 =	vor.u32 v3, v10  }
0x5b3: {  	[tilespmem:s16+$0x140] =	vst v44  }
0x5b4: {  	v11 =	vld.idx.msk [tilespmem:v11+s31+$0x0], $0xffff;
	[tilespmem:s22+$0xC0] =	vst v15  }
0x5b5: {  	v15 =	vld.idx.msk [tilespmem:v40+s31+$0x0], $0xffff;
	[tilespmem:s22+$0xFFFFFEC0] =	vst v43  }
0x5b6: {  	[tilespmem:s16+$0xFFFFFF40] =	vst v14;
	v12 =	vor.u32 v3, v12;
	v46 =	vld.idx.msk [tilespmem:v45+s31+$0x0], $0xffff  }
0x5b7: {  	v10 =	vld.idx.msk [tilespmem:v10+s31+$0x0], $0xffff;
	v13 =	vor.u32 v3, v13;
	_ =	sdelay $0x1  }
0x5b8: {  	[tilespmem:s16+$0x1C0] =	vst v11  }
0x5b9: {  	v48 =	vld [tilespmem:s17+$0x50];
	[tilespmem:s22+$0x140] =	vst v15  }
0x5ba: {  	v12 =	vld.idx.msk [tilespmem:v12+s31+$0x0], $0xffff;
	[tilespmem:s22+$0xFFFFFF40] =	vst v46  }
0x5bb: {  	[tilespmem:s16+$0xFFFFFFC0] =	vst v10;
	v47 =	vld.idx.msk [tilespmem:v13+s31+$0x0], $0xffff  }
0x5bc: {  	v10 =	vld [tilespmem:s17+$0xFFFFFFD0];
	_ =	sdelay $0x1  }
0x5bd: {  	v49 =	vshll.u32 v48, $0x6  }
0x5be: {  	v51 =	vor.u32 v0, v49;
	[tilespmem:s22+$0x1C0] =	vst v12  }
0x5bf: {  	v12 =	vld [tilespmem:s7+$0x50];
	[tilespmem:s22+$0xFFFFFFC0] =	vst v47  }
0x5c0: {  	v10 =	vshll.u32 v10, $0x6;
	v50 =	vld [tilespmem:s7+$0xFFFFFFD0]  }
0x5c1: {  	v53 =	vor.u32 v0, v10;
	_ =	sdelay $0x1  }
0x5c2: {  	v14 =	vld.idx.msk [tilespmem:v51+s31+$0x0], $0xffff  }
0x5c3: {  	v55 =	vor.u32 v1, v49;
	v12 =	vshll.u32 v12, $0x6  }
0x5c4: {  	v52 =	vor.u32 v0, v12;
	v13 =	vshll.u32 v50, $0x6  }
0x5c5: {  	v16 =	vld.idx.msk [tilespmem:v53+s31+$0x0], $0xffff;
	v54 =	vor.u32 v0, v13  }
0x5c6: {  	v58 =	vor.u32 v1, v10  }
0x5c7: {  	[tilespmem:s16+$0x50] =	vst v14  }
0x5c8: {  	v60 =	vld.idx.msk [tilespmem:v55+s31+$0x0], $0xffff  }
0x5c9: {  	v22 =	vor.u32 v2, v49;
	v15 =	vld.idx.msk [tilespmem:v52+s31+$0x0], $0xffff  }
0x5ca: {  	[tilespmem:s16+$0xFFFFFE50] =	vst v16;
	v56 =	vor.u32 v1, v12;
	v59 =	vld.idx.msk [tilespmem:v54+s31+$0x0], $0xffff  }
0x5cb: {  	v21 =	vld.idx.msk [tilespmem:v58+s31+$0x0], $0xffff;
	v61 =	vor.u32 v1, v13  }
0x5cc: {  	v25 =	vor.u32 v2, v10  }
0x5cd: {  	[tilespmem:s16+$0xD0] =	vst v60  }
0x5ce: {  	v57 =	vor.u32 v0, v7;
	v27 =	vld.idx.msk [tilespmem:v22+s31+$0x0], $0xffff;
	[tilespmem:s22+$0x50] =	vst v15  }
0x5cf: {  	v11 =	vor.u32 v3, v49;
	v15 =	vld.idx.msk [tilespmem:v56+s31+$0x0], $0xffff;
	[tilespmem:s22+$0xFFFFFE50] =	vst v59  }
0x5d0: {  	[tilespmem:s16+$0xFFFFFED0] =	vst v21;
	v63 =	vor.u32 v2, v12;
	v26 =	vld.idx.msk [tilespmem:v61+s31+$0x0], $0xffff  }
0x5d1: {  	v14 =	vld.idx.msk [tilespmem:v25+s31+$0x0], $0xffff;
	v28 =	vor.u32 v2, v13  }
0x5d2: {  	v10 =	vor.u32 v3, v10  }
0x5d3: {  	v62 =	vld.idx.msk [tilespmem:v57+s31+$0x0], $0xffff;
	[tilespmem:s16+$0x150] =	vst v27  }
0x5d4: {  	v24 =	vor.u32 v1, v7;
	v11 =	vld.idx.msk [tilespmem:v11+s31+$0x0], $0xffff;
	[tilespmem:s22+$0xD0] =	vst v15  }
0x5d5: {  	v15 =	vld.idx.msk [tilespmem:v63+s31+$0x0], $0xffff;
	[tilespmem:s22+$0xFFFFFED0] =	vst v26  }
0x5d6: {  	[tilespmem:s16+$0xFFFFFF50] =	vst v14;
	v12 =	vor.u32 v3, v12;
	v17 =	vld.idx.msk [tilespmem:v28+s31+$0x0], $0xffff  }
0x5d7: {  	v10 =	vld.idx.msk [tilespmem:v10+s31+$0x0], $0xffff;
	v13 =	vor.u32 v3, v13  }
0x5d8: {  	[tilespmem:s14+$0x60] =	vst v62  }
0x5d9: {  	v29 =	vld.idx.msk [tilespmem:v24+s31+$0x0], $0xffff;
	[tilespmem:s16+$0x1D0] =	vst v11  }
0x5da: {  	v33 =	vld [tilespmem:s17+$0x60];
	[tilespmem:s22+$0x150] =	vst v15  }
0x5db: {  	v12 =	vld.idx.msk [tilespmem:v12+s31+$0x0], $0xffff;
	[tilespmem:s22+$0xFFFFFF50] =	vst v17  }
0x5dc: {  	[tilespmem:s16+$0xFFFFFFD0] =	vst v10;
	v32 =	vld.idx.msk [tilespmem:v13+s31+$0x0], $0xffff  }
0x5dd: {  	v10 =	vld [tilespmem:s17+$0xFFFFFFE0]  }
0x5de: {  	[tilespmem:s14+$0xFFFFFFD0] =	vst v9;
	v30 =	vor.u32 v2, v7  }
0x5df: {  	v36 =	vld [tilespmem:s15+$0xFFFFFFE0];
	v37 =	vshll.u32 v33, $0x6  }
0x5e0: {  	v39 =	vor.u32 v0, v37;
	[tilespmem:s22+$0x1D0] =	vst v12  }
0x5e1: {  	v35 =	vld [tilespmem:s7+$0x60];
	[tilespmem:s22+$0xFFFFFFD0] =	vst v32  }
0x5e2: {  	[tilespmem:s14+$0xE0] =	vst v29;
	v10 =	vshll.u32 v10, $0x6;
	v38 =	vld [tilespmem:s7+$0xFFFFFFE0]  }
0x5e3: {  	v31 =	vld.idx.msk [tilespmem:v30+s31+$0x0], $0xffff;
	v42 =	vor.u32 v0, v10  }
0x5e4: {  	v34 =	vor.u32 v3, v7;
	v12 =	vshll.u32 v36, $0x6  }
0x5e5: {  	v43 =	vld.idx.msk [tilespmem:v39+s31+$0x0], $0xffff;
	v41 =	vor.u32 v0, v12  }
0x5e6: {  	v46 =	vor.u32 v1, v37;
	v9 =	vshll.u32 v35, $0x6  }
0x5e7: {  	v40 =	vor.u32 v0, v9;
	v13 =	vshll.u32 v38, $0x6  }
0x5e8: {  	[tilespmem:s14+$0x160] =	vst v31;
	v17 =	vld.idx.msk [tilespmem:v42+s31+$0x0], $0xffff;
	v44 =	vor.u32 v0, v13  }
0x5e9: {  	v7 =	vld.idx.msk [tilespmem:v34+s31+$0x0], $0xffff;
	v49 =	vor.u32 v1, v10  }
0x5ea: {  	[tilespmem:s16+$0x60] =	vst v43;
	v16 =	vld.idx.msk [tilespmem:v41+s31+$0x0], $0xffff  }
0x5eb: {  	v50 =	vld.idx.msk [tilespmem:v46+s31+$0x0], $0xffff;
	v48 =	vor.u32 v1, v12  }
0x5ec: {  	v23 =	vor.u32 v2, v37;
	v15 =	vld.idx.msk [tilespmem:v40+s31+$0x0], $0xffff  }
0x5ed: {  	[tilespmem:s16+$0xFFFFFE60] =	vst v17;
	v47 =	vor.u32 v1, v9;
	v14 =	vld.idx.msk [tilespmem:v44+s31+$0x0], $0xffff  }
0x5ee: {  	[tilespmem:s14+$0x1E0] =	vst v7;
	v7 =	vld.idx.msk [tilespmem:v49+s31+$0x0], $0xffff;
	v51 =	vor.u32 v1, v13  }
0x5ef: {  	v45 =	vld [tilespmem:s15+$0x70];
	v58 =	vor.u32 v2, v10;
	[tilespmem:s14+$0xFFFFFE60] =	vst v16  }
0x5f0: {  	[tilespmem:s16+$0xE0] =	vst v50;
	v55 =	vld.idx.msk [tilespmem:v48+s31+$0x0], $0xffff  }
0x5f1: {  	v57 =	vor.u32 v2, v12;
	v60 =	vld.idx.msk [tilespmem:v23+s31+$0x0], $0xffff;
	[tilespmem:s22+$0x60] =	vst v15  }
0x5f2: {  	v11 =	vor.u32 v3, v37;
	v54 =	vld.idx.msk [tilespmem:v47+s31+$0x0], $0xffff;
	[tilespmem:s22+$0xFFFFFE60] =	vst v14  }
0x5f3: {  	v56 =	vor.u32 v2, v9;
	[tilespmem:s16+$0xFFFFFEE0] =	vst v7;
	v59 =	vld.idx.msk [tilespmem:v51+s31+$0x0], $0xffff  }
0x5f4: {  	[tilespmem:s12+$0xFFFFFFE0] =	vst v8;
	v24 =	vld.idx.msk [tilespmem:v58+s31+$0x0], $0xffff;
	v61 =	vor.u32 v2, v13  }
0x5f5: {  	v18 =	vshll.u32 v45, $0x6;
	v52 =	vld [tilespmem:s13+$0xFFFFFFF0];
	v25 =	vor.u32 v3, v10;
	[tilespmem:s14+$0xFFFFFEE0] =	vst v55  }
0x5f6: {  	v53 =	vor.u32 v0, v18;
	[tilespmem:s16+$0x160] =	vst v60;
	v20 =	vld.idx.msk [tilespmem:v57+s31+$0x0], $0xffff  }
0x5f7: {  	v21 =	vor.u32 v3, v12;
	v11 =	vld.idx.msk [tilespmem:v11+s31+$0x0], $0xffff;
	[tilespmem:s22+$0xE0] =	vst v54  }
0x5f8: {  	v17 =	vld.idx.msk [tilespmem:v56+s31+$0x0], $0xffff;
	[tilespmem:s22+$0xFFFFFEE0] =	vst v59  }
0x5f9: {  	v63 =	vor.u32 v3, v9;
	[tilespmem:s16+$0xFFFFFF60] =	vst v24;
	v26 =	vld.idx.msk [tilespmem:v61+s31+$0x0], $0xffff  }
0x5fa: {  	v13 =	vor.u32 v3, v13;
	v8 =	vld.idx.msk [tilespmem:v25+s31+$0x0], $0xffff  }
0x5fb: {  	v15 =	vld.idx.msk [tilespmem:v53+s31+$0x0], $0xffff;
	[tilespmem:s14+$0xFFFFFF60] =	vst v20  }
0x5fc: {  	[tilespmem:s16+$0x1E0] =	vst v11;
	v9 =	vld.idx.msk [tilespmem:v21+s31+$0x0], $0xffff  }
0x5fd: {  	v11 =	vld [tilespmem:s17+$0x70];
	[tilespmem:s22+$0x160] =	vst v17  }
0x5fe: {  	v62 =	vor.u32 v1, v18;
	v7 =	vld.idx.msk [tilespmem:v63+s31+$0x0], $0xffff;
	[tilespmem:s22+$0xFFFFFF60] =	vst v26  }
0x5ff: {  	[tilespmem:s16+$0xFFFFFFE0] =	vst v8;
	v10 =	vld.idx.msk [tilespmem:v13+s31+$0x0], $0xffff  }
0x600: {  	v8 =	vld [tilespmem:s17+$0xFFFFFFF0]  }
0x601: {  	v6 =	vld.idx.msk [tilespmem:v6+s31+$0x0], $0xffff;
	[tilespmem:s14+$0xFFFFFFE0] =	vst v9  }
0x602: {  	[tilespmem:s14+$0x70] =	vst v15;
	v11 =	vshll.u32 v11, $0x6;
	v9 =	vld [tilespmem:s15+$0xFFFFFFF0]  }
0x603: {  	v15 =	vld.idx.msk [tilespmem:v62+s31+$0x0], $0xffff;
	v33 =	vor.u32 v0, v11;
	[tilespmem:s22+$0x1E0] =	vst v7  }
0x604: {  	v27 =	vshll.u32 v52, $0x6;
	v7 =	vld [tilespmem:s7+$0x70];
	[tilespmem:s22+$0xFFFFFFE0] =	vst v10  }
0x605: {  	v28 =	vor.u32 v0, v27;
	v8 =	vshll.u32 v8, $0x6;
	v32 =	vld [tilespmem:s7+$0xFFFFFFF0]  }
0x606: {  	v37 =	vor.u32 v0, v8  }
0x607: {  	v5 =	vld.idx.msk [tilespmem:v5+s31+$0x0], $0xffff;
	v30 =	vor.u32 v2, v18;
	v9 =	vshll.u32 v9, $0x6  }
0x608: {  	[tilespmem:s11+$0xFFFFFF70] =	vst v6;
	v38 =	vld.idx.msk [tilespmem:v33+s31+$0x0], $0xffff;
	v36 =	vor.u32 v0, v9  }
0x609: {  	v4 =	vld.idx.msk [tilespmem:v4+s31+$0x0], $0xffff;
	v40 =	vor.u32 v1, v11;
	v7 =	vshll.u32 v7, $0x6  }
0x60a: {  	v29 =	vld.idx.msk [tilespmem:v28+s31+$0x0], $0xffff;
	[tilespmem:s14+$0xF0] =	vst v15;
	v35 =	vor.u32 v0, v7;
	v15 =	vshll.u32 v32, $0x6  }
0x60b: {  	v45 =	vld.idx.msk [tilespmem:v37+s31+$0x0], $0xffff;
	v39 =	vor.u32 v0, v15  }
0x60c: {  	[tilespmem:s10+$0xFFFFFFF0] =	vst v5;
	v31 =	vor.u32 v1, v27;
	v13 =	vld.idx.msk [tilespmem:v30+s31+$0x0], $0xffff  }
0x60d: {  	v46 =	vor.u32 v1, v8;
	[tilespmem:s16+$0x70] =	vst v38;
	v5 =	vld.idx.msk [tilespmem:v36+s31+$0x0], $0xffff  }
0x60e: {  	[tilespmem:s11+$0xFFFFFFF0] =	vst v4;
	v47 =	vld.idx.msk [tilespmem:v40+s31+$0x0], $0xffff;
	v44 =	vor.u32 v1, v9  }
0x60f: {  	v34 =	vor.u32 v3, v18;
	[tilespmem:s12+$0xFFFFFE70] =	vst v29;
	v42 =	vld.idx.msk [tilespmem:v35+s31+$0x0], $0xffff  }
0x610: {  	[tilespmem:s16+$0xFFFFFE70] =	vst v45;
	v43 =	vor.u32 v1, v7;
	v16 =	vld.idx.msk [tilespmem:v39+s31+$0x0], $0xffff  }
0x611: {  	v10 =	vld.idx.msk [tilespmem:v31+s31+$0x0], $0xffff;
	[tilespmem:s14+$0x170] =	vst v13;
	v48 =	vor.u32 v1, v15  }
0x612: {  	v50 =	vor.u32 v2, v11;
	v13 =	vld.idx.msk [tilespmem:v46+s31+$0x0], $0xffff;
	[tilespmem:s14+$0xFFFFFE70] =	vst v5  }
0x613: {  	v54 =	vor.u32 v2, v8;
	[tilespmem:s16+$0xF0] =	vst v47;
	v51 =	vld.idx.msk [tilespmem:v44+s31+$0x0], $0xffff  }
0x614: {  	v53 =	vor.u32 v2, v9;
	v17 =	vld.idx.msk [tilespmem:v34+s31+$0x0], $0xffff;
	[tilespmem:s22+$0x70] =	vst v42  }
0x615: {  	v41 =	vor.u32 v2, v27;
	v5 =	vld.idx.msk [tilespmem:v43+s31+$0x0], $0xffff;
	[tilespmem:s22+$0xFFFFFE70] =	vst v16  }
0x616: {  	[tilespmem:s12+$0xFFFFFEF0] =	vst v10;
	v52 =	vor.u32 v2, v7;
	v55 =	vld.idx.msk [tilespmem:v48+s31+$0x0], $0xffff  }
0x617: {  	v56 =	vld.idx.msk [tilespmem:v50+s31+$0x0], $0xffff;
	[tilespmem:s16+$0xFFFFFEF0] =	vst v13;
	v57 =	vor.u32 v2, v15  }
0x618: {  	v11 =	vor.u32 v3, v11;
	v60 =	vld.idx.msk [tilespmem:v54+s31+$0x0], $0xffff;
	[tilespmem:s14+$0xFFFFFEF0] =	vst v51  }
0x619: {  	v8 =	vor.u32 v3, v8;
	[tilespmem:s14+$0x1F0] =	vst v17;
	v59 =	vld.idx.msk [tilespmem:v53+s31+$0x0], $0xffff  }
0x61a: {  	v9 =	vor.u32 v3, v9;
	v49 =	vld.idx.msk [tilespmem:v41+s31+$0x0], $0xffff;
	[tilespmem:s22+$0xF0] =	vst v5  }
0x61b: {  	v5 =	vor.u32 v3, v27;
	v58 =	vld.idx.msk [tilespmem:v52+s31+$0x0], $0xffff;
	[tilespmem:s22+$0xFFFFFEF0] =	vst v55  }
0x61c: {  	v7 =	vor.u32 v3, v7;
	[tilespmem:s16+$0x170] =	vst v56;
	v61 =	vld.idx.msk [tilespmem:v57+s31+$0x0], $0xffff  }
0x61d: {  	v62 =	vor.u32 v3, v15;
	v4 =	vld.idx.msk [tilespmem:v11+s31+$0x0], $0xffff;
	[tilespmem:s16+$0xFFFFFF70] =	vst v60  }
0x61e: {  	v8 =	vld.idx.msk [tilespmem:v8+s31+$0x0], $0xffff;
	[tilespmem:s14+$0xFFFFFF70] =	vst v59  }
0x61f: {  	[tilespmem:s12+$0xFFFFFF70] =	vst v49;
	v63 =	vld.idx.msk [tilespmem:v9+s31+$0x0], $0xffff  }
0x620: {  	v5 =	vld.idx.msk [tilespmem:v5+s31+$0x0], $0xffff;
	[tilespmem:s22+$0x170] =	vst v58  }
0x621: {  	v6 =	vld.idx.msk [tilespmem:v7+s31+$0x0], $0xffff;
	[tilespmem:s22+$0xFFFFFF70] =	vst v61  }
0x622: {  	[tilespmem:s16+$0x1F0] =	vst v4;
	v4 =	vld.idx.msk [tilespmem:v62+s31+$0x0], $0xffff  }
0x623: {  	s24 =	smul.u32 $0x280000, s21;
	[tilespmem:s16+$0xFFFFFFF0] =	vst v8  }
.Ltmp4:
0x624: {  	s25 =	sshll.u32 s18, $0x9;
	[tilespmem:s14+$0xFFFFFFF0] =	vst v63;
	(pc) =	sbr.rel @p0 .LBB2_8-.Ltmp4, $4  }
0x625: {  	s7 =	sadd.s32 s24, s25;
	[tilespmem:s12+$0xFFFFFFF0] =	vst v5  }
0x626: {  	s7 =	sshrl.u32 s7, $0x3;
	[tilespmem:s22+$0x1F0] =	vst v6  }
0x627: {  	s7 =	sadd.s32 s4, s7;
	[tilespmem:s22+$0xFFFFFFF0] =	vst v4  }
0x628: {  	[hbm4b:s7+s2] =	stream.strided.scatter [tilespmem:s20], [sflag:$0x4], $0x5000, s0, s2, $0x38;
	[tilespmem:$0xCB80] =	vst v63  }
0x629: {  	s7 =	sadd.s32 $0x3, s9  }
0x62a: {  	s9 =	smulhi.u32 $0x66666667, s7;
	_ =	sdelay $0x1  }
0x62b: {  	s9 =	sshrl.u32 s9, $0x1  }
0x62c: {  	s10 =	smul.u32 $0x5, s9;
	_ =	sdelay $0x1  }
0x62d: {  	s7 =	ssub.s32 s7, s10  }
0x62e: {  	s9 =	sadd.s32 s5, s9;
	s7 =	smul.u32 $0xA0000, s7  }
0x62f: {  	s9 =	sshll.u32 s9, $0xA  }
0x630: {  	s7 =	sadd.s32 s7, s9  }
0x631: {  	s7 =	sshrl.u32 s7, $0x3  }
0x632: {  	s21 =	simm.s32 $0x1780;
	s7 =	sadd.s32 s1, s7  }
0x633: {  	[tilespmem:s21], [sflag:$0x2] =	stream.linear.gather [hbm4b:s7+s6], $0x400, $0x38;
	[tilespmem:$0xCB80] =	vst v63  }
0x634: {  	s23 =	simm.s32 $0x1B80;
	s22 =	sadd.s32 $0x4000, s7  }
0x635: {  	[tilespmem:s23], [sflag:$0x2] =	stream.linear.gather [hbm4b:s22+s6], $0x400, $0x38;
	[tilespmem:$0xCB80] =	vst v63  }
0x636: {  	s24 =	sadd.s32 $0x8000, s7  }
0x637: {  	[tilespmem:s26], [sflag:$0x2] =	stream.linear.gather [hbm4b:s24+s6], $0x400, $0x38;
	[tilespmem:$0xCB80] =	vst v63  }
.Ltmp5:
0x638: {  	_ = 	snop;
	(pc) =	sbr.rel .LBB2_2-.Ltmp5, $4  }
0x639: {  	s25 =	sadd.s32 $0xC000, s7  }
0x63a: {  	[tilespmem:s28], [sflag:$0x2] =	stream.linear.gather [hbm4b:s25+s6], $0x400, $0x38;
	[tilespmem:$0xCB80] =	vst v63  }
0x63b: {  	s8 =	sadd.s32 $0x1, s8;
	s7 =	sadd.s32 $0x10000, s7  }
0x63c: {  	[tilespmem:s29], [sflag:$0x2] =	stream.linear.gather [hbm4b:s7+s6], $0x400, $0x38;
	[tilespmem:$0xCB80] =	vst v63  }
.LBB2_9:
0x63d: {  	_ =	sfence.sel $0x180000  }
0x63e: {  	[bflag:$0x0] =	sbarrier.arrive $0xFFFF  }
0x63f: {  	_ =	strace $0x90000047  }
0x640: {  	s0 =	stileid.u32;
	[bflag:$0x2] =	sbarrier.arrive $0xFFFF  }
0x641: {  	p0 =	sne.s32 s0, $0x0;
	s0 =	rddreg [dreg:$0x3]  }
0x642: {  	s0 =	sadd.s32 @!p0 $0x100000, s0  }
0x643: {  	[sflag:s0] =	ssyncadd.tile.s32 @!p0 $0x1;
	_ =	shalt  }
.Lfunc_end2:
_tile_overlayer_lowered:
.L_overlay_start_2:
0x644: {  	(tag) =	ssettag $0x2  }
0x645: {  	s0 =	rddreg [dreg:$0x0];
	s2 =	stileid.u32  }
0x646: {  	s1 =	rddreg [dreg:$0x1];
	p0 =	sne.s32 s2, $0x0  }
0x647: {  	s3 =	rddreg [dreg:$0x2];
	[bflag:$0x3] =	sbarrier.arrive $0xFFFF;
	s2 =	simm.s32 @!p0 $0x1C05  }
0x648: {  	[timem:s3], [sflag:s2] =	dma.local @!p0 [hbm:s0], s1  }
0x649: {  	s0 =	simm.s32 @!p0 $0x5  }
0x64a: {  	_ =	swait.ge @!p0 [sflag:s0], s1  }
0x64b: {  	s1 =	ssub.s32 @!p0 $0x0, s1;
	[sflag:s0] =	ssyncset.done @!p0 $0x0  }
0x64c: {  	[sflag:s0] =	ssyncadd.s32 @!p0 s1  }
0x64d: {  	[bflag:$0x3] =	sbarrier.arrive $0xFFFF  }
0x64e: {  	_ =	shalt  }

</sc_bundles>
